<compile_context>
chip_gen: v7x
topology: tpu7x:2x2x1
jax: 0.10.2.dev20260603
libtpu: 0.0.44.dev20260713+nightly
codegen_flags: <defaults>
</compile_context>

<pallas_src>
import functools

import jax
import jax.numpy as jnp
from jax import lax
from jax.experimental import pallas as pl
from jax.experimental.pallas import tpu as pltpu
from jax.experimental.pallas import tpu_sc as plsc

_NC = 2
_NS = 16
_NW = _NC * _NS
_L = 16
_CH = 128
_ZR = 8


def _pad_rows(N):
    return ((N + 2047) // 2048) * 2048


def _epw(E):
    return ((E + _NW * _CH - 1) // (_NW * _CH)) * _CH


_FRAC0 = 0.84


@functools.lru_cache(maxsize=None)
def _sc_segment_sum(N, D, E, with_cnt=False):
    EPW = _epw(E)
    Ep = EPW * _NW
    GR = _NS * _CH
    E0 = int(round(Ep * _FRAC0 / GR)) * GR
    EPW0 = E0 // _NS
    EPW1 = (Ep - E0) // _NS
    NCH0 = EPW0 // _CH
    NCH1 = EPW1 // _CH
    NP = _pad_rows(N)
    RPT = NP // _NS
    assert RPT % _ZR == 0 and NCH0 >= 3 and (NCH1 >= 3 or NCH1 == 0)

    mesh = plsc.VectorSubcoreMesh(core_axis_name="c", subcore_axis_name="s")

    def body(table, ei, sum_out, *rest):
        if with_cnt:
            (cnt_out, exv, rows_v, zrow_v, acc_sh, isem, gsem, ssem) = rest
        else:
            (exv, rows_v, zrow_v, acc_sh, isem, gsem, ssem) = rest
        cid = lax.axis_index("c")
        sid = lax.axis_index("s")
        wid = sid * _NC + cid
        row0 = sid * RPT

        for r in range(_ZR):
            for c in range(D // _L):
                zrow_v[r, pl.ds(c * _L, _L)] = jnp.zeros((_L,), jnp.float32)

        @pl.loop(0, RPT // _ZR)
        def zloop(i):
            pltpu.sync_copy(zrow_v, acc_sh.at[pl.ds(row0 + i * _ZR, _ZR)])

        if with_cnt:
            one = jnp.ones((_L,), jnp.float32)

            @pl.loop(0, _CH)
            def oinit(r):
                for c in range(D // _L):
                    rows_v[1, r, pl.ds(c * _L, _L)] = one

            plsc.subcore_barrier()

            cbase = wid * EPW
            NCHC = EPW // _CH

            def idx_src_c(j):
                return ei.at[:, pl.ds(cbase + j * _CH, _CH)]

            def cscatter(j):
                return (rows_v.at[1], acc_sh.at[exv.at[lax.rem(j, 4), 1]])

            pltpu.async_copy(idx_src_c(0), exv.at[0], isem)
            pltpu.async_copy(idx_src_c(1), exv.at[1], isem)

            @pl.loop(0, NCHC)
            def cloop(j):
                @pl.when(j >= 2)
                def drain_cscatter():
                    d_src, d_dst = cscatter(j - 2)
                    pltpu.make_async_copy(d_src, d_dst, ssem).wait()

                @pl.when(j + 2 < NCHC)
                def prefetch_cidx():
                    pltpu.async_copy(idx_src_c(j + 2),
                                     exv.at[lax.rem(j + 2, 4)], isem)

                pltpu.make_async_copy(idx_src_c(j), exv.at[lax.rem(j, 4)],
                                      isem).wait()
                c_src, c_dst = cscatter(j)
                pltpu.async_copy(c_src, c_dst, ssem, add=True)

            for dj in (NCHC - 2, NCHC - 1):
                d_src, d_dst = cscatter(dj)
                pltpu.make_async_copy(d_src, d_dst, ssem).wait()

            plsc.subcore_barrier()

            pltpu.sync_copy(acc_sh.at[pl.ds(row0, RPT)],
                            cnt_out.at[cid, pl.ds(row0, RPT)])

            @pl.loop(0, RPT // _ZR)
            def rezero(i):
                pltpu.sync_copy(zrow_v, acc_sh.at[pl.ds(row0 + i * _ZR, _ZR)])

        plsc.subcore_barrier()

        def run_edges(ebase, NCH):
            def idx_src(j):
                return ei.at[:, pl.ds(ebase + j * _CH, _CH)]

            H = _CH // 2

            def gather_h(j, slot, h):
                return (table.at[exv.at[slot, 0, pl.ds(h * H, H)]],
                        rows_v.at[lax.rem(j, 2), pl.ds(h * H, H)])

            def issue_gather(j, slot):
                for h in range(2):
                    g_src, g_dst = gather_h(j, slot, h)
                    pltpu.async_copy(g_src, g_dst, gsem)

            def wait_gather(j, slot):
                for h in range(2):
                    g_src, g_dst = gather_h(j, slot, h)
                    pltpu.make_async_copy(g_src, g_dst, gsem).wait()

            def scatter(j, slot):
                return (rows_v.at[lax.rem(j, 2)],
                        acc_sh.at[exv.at[slot, 1]])

            pltpu.async_copy(idx_src(0), exv.at[0], isem)
            pltpu.async_copy(idx_src(1), exv.at[1], isem)
            pltpu.make_async_copy(idx_src(0), exv.at[0], isem).wait()
            issue_gather(0, 0)

            @pl.loop(0, NCH)
            def eloop(j):
                s0 = lax.rem(j, 4)
                s1 = lax.rem(j + 1, 4)
                s2 = lax.rem(j + 2, 4)

                @pl.when(j >= 1)
                def drain_scatter():
                    d_src, d_dst = scatter(j - 1, lax.rem(j + 3, 4))
                    pltpu.make_async_copy(d_src, d_dst, ssem).wait()

                @pl.when(j + 2 < NCH)
                def prefetch_idx():
                    pltpu.async_copy(idx_src(j + 2), exv.at[s2], isem)

                @pl.when(j + 1 < NCH)
                def next_gather():
                    pltpu.make_async_copy(idx_src(j + 1), exv.at[s1],
                                          isem).wait()
                    issue_gather(j + 1, s1)

                wait_gather(j, s0)
                sc_src, sc_dst = scatter(j, s0)
                pltpu.async_copy(sc_src, sc_dst, ssem, add=True)

            d_src, d_dst = scatter(NCH - 1, (NCH - 1) % 4)
            pltpu.make_async_copy(d_src, d_dst, ssem).wait()

        @pl.when(cid == 0)
        def core0_edges():
            run_edges(sid * EPW0, NCH0)

        if NCH1 > 0:
            @pl.when(cid == 1)
            def core1_edges():
                run_edges(E0 + sid * EPW1, NCH1)

        plsc.subcore_barrier()

        pltpu.sync_copy(acc_sh.at[pl.ds(row0, RPT)],
                        sum_out.at[cid, pl.ds(row0, RPT)])

    outs = [jax.ShapeDtypeStruct((_NC, NP, D), jnp.float32)]
    if with_cnt:
        outs.append(jax.ShapeDtypeStruct((_NC, NP, D), jnp.float32))
    return pl.kernel(
        body,
        mesh=mesh,
        out_type=outs,
        scratch_types=[
            pltpu.VMEM((4, 2, _CH), jnp.int32),
            pltpu.VMEM((2, _CH, D), jnp.float32),
            pltpu.VMEM((_ZR, D), jnp.float32),
            pltpu.VMEM_SHARED((NP, D), jnp.float32),
            pltpu.SemaphoreType.DMA,
            pltpu.SemaphoreType.DMA,
            pltpu.SemaphoreType.DMA,
        ],
    )


@functools.lru_cache(maxsize=None)
def _tc_conv(N, D, BLK=512):

    def body(x_ref, s_ref, c_ref, rw_ref, rb_ref, relw_ref, o_ref):
        s = s_ref[0] + s_ref[1]
        cnt = c_ref[0, :, 0:1] + c_ref[1, :, 0:1]
        mean = s / jnp.maximum(cnt, 1.0)
        h = jnp.dot(x_ref[...], rw_ref[...], preferred_element_type=jnp.float32)
        h = h + rb_ref[...]
        h = h + jnp.dot(mean, relw_ref[...], preferred_element_type=jnp.float32)
        o_ref[...] = jnp.maximum(h, 0.0)

    return pl.pallas_call(
        body,
        grid=(pl.cdiv(N, BLK),),
        in_specs=[
            pl.BlockSpec((BLK, D), lambda i: (i, 0)),
            pl.BlockSpec((2, BLK, D), lambda i: (0, i, 0)),
            pl.BlockSpec((2, BLK, D), lambda i: (0, i, 0)),
            pl.BlockSpec((D, D), lambda i: (0, 0)),
            pl.BlockSpec((1, D), lambda i: (0, 0)),
            pl.BlockSpec((D, D), lambda i: (0, 0)),
        ],
        out_specs=pl.BlockSpec((BLK, D), lambda i: (i, 0)),
        out_shape=jax.ShapeDtypeStruct((N, D), jnp.float32),
    )


@functools.lru_cache(maxsize=None)
def _tc_final(N, D, C, BLK=512):

    def body(h1_ref, s_ref, c_ref, rw_ref, rb_ref, relw_ref, aw_ref,
             ow_ref, ob_ref, out_ref, alpha_ref):
        h1 = h1_ref[...]
        s = s_ref[0] + s_ref[1]
        cnt = c_ref[0, :, 0:1] + c_ref[1, :, 0:1]
        mean = s / jnp.maximum(cnt, 1.0)
        h2 = jnp.dot(h1, rw_ref[...], preferred_element_type=jnp.float32)
        h2 = h2 + rb_ref[...]
        h2 = h2 + jnp.dot(mean, relw_ref[...], preferred_element_type=jnp.float32)
        h2 = jnp.maximum(h2, 0.0)
        aw = aw_ref[...]
        s1 = jnp.sum(h1 * aw, axis=1, keepdims=True)
        s2 = jnp.sum(h2 * aw, axis=1, keepdims=True)
        m = jnp.maximum(s1, s2)
        e1 = jnp.exp(s1 - m)
        e2 = jnp.exp(s2 - m)
        z = e1 + e2
        a1 = e1 / z
        a2 = e2 / z
        h = a1 * h1 + a2 * h2
        out_ref[...] = (jnp.dot(h, ow_ref[...], preferred_element_type=jnp.float32)
                        + ob_ref[...])
        alpha_ref[...] = jnp.concatenate([a1, a2], axis=1)

    return pl.pallas_call(
        body,
        grid=(pl.cdiv(N, BLK),),
        in_specs=[
            pl.BlockSpec((BLK, D), lambda i: (i, 0)),
            pl.BlockSpec((2, BLK, D), lambda i: (0, i, 0)),
            pl.BlockSpec((2, BLK, D), lambda i: (0, i, 0)),
            pl.BlockSpec((D, D), lambda i: (0, 0)),
            pl.BlockSpec((1, D), lambda i: (0, 0)),
            pl.BlockSpec((D, D), lambda i: (0, 0)),
            pl.BlockSpec((1, D), lambda i: (0, 0)),
            pl.BlockSpec((D, C), lambda i: (0, 0)),
            pl.BlockSpec((1, C), lambda i: (0, 0)),
        ],
        out_specs=[
            pl.BlockSpec((BLK, C), lambda i: (i, 0)),
            pl.BlockSpec((BLK, 2), lambda i: (i, 0)),
        ],
        out_shape=[
            jax.ShapeDtypeStruct((N, C), jnp.float32),
            jax.ShapeDtypeStruct((N, 2), jnp.float32),
        ],
    )


def kernel(x, edge_index, rel_W1, root_W1, root_b1, rel_W2, root_W2, root_b2,
           att_w, out_W, out_b):
    N, D = x.shape
    E = edge_index.shape[1]
    C = out_W.shape[1]
    NP = _pad_rows(N)
    Ep = _epw(E) * _NW

    src = edge_index[0].astype(jnp.int32)
    dst = edge_index[1].astype(jnp.int32)
    pad = Ep - E
    src_p = jnp.concatenate([src, jnp.zeros((pad,), jnp.int32)])
    dst_p = jnp.concatenate([dst, jnp.full((pad,), NP - 1, jnp.int32)])
    ei = jnp.stack([src_p, dst_p])

    sum1, cnt = _sc_segment_sum(N, D, E, True)(x, ei)
    h1 = _tc_conv(N, D)(x, sum1, cnt, root_W1, root_b1.reshape(1, D), rel_W1)
    sum2 = _sc_segment_sum(N, D, E, False)(h1, ei)
    if isinstance(sum2, (list, tuple)):
        sum2 = sum2[0]
    out, alpha = _tc_final(N, D, C)(
        h1, sum2, cnt, root_W2, root_b2.reshape(1, D), rel_W2,
        att_w.reshape(1, D), out_W, out_b.reshape(1, C))
    return out, alpha

# --- scband reference (transcript-rebuilt; emitter-appended) ---
"""Pipeline reference for scband-jkrgcn-34548716929227 (READ-ONLY COPY).

The authoritative reference and input builder live on the scoring server;
editing this copy changes nothing except your own understanding.
"""

import jax, jax.numpy as jnp
import numpy as np

N_NODES = 10000
N_EDGES = 320000
D_FEAT = 128
N_HID = 128
N_CLASS = 349
N_LAYER = 2


def setup_inputs(seed: int = 0) -> dict:
    key = jax.random.key(seed)
    ks = jax.random.split(key, 12)
    x = jax.random.normal(ks[0], (N_NODES, D_FEAT), dtype=jnp.float32)
    edge_index = jax.random.randint(ks[1], (2, N_EDGES), 0, N_NODES, dtype=jnp.int64)
    s1 = 1.0 / np.sqrt(D_FEAT)
    s2 = 1.0 / np.sqrt(N_HID)
    rel_W1 = jax.random.uniform(ks[2], (D_FEAT, N_HID), jnp.float32, -s1, s1)
    root_W1 = jax.random.uniform(ks[3], (D_FEAT, N_HID), jnp.float32, -s1, s1)
    root_b1 = jax.random.uniform(ks[4], (N_HID,), jnp.float32, -s1, s1)
    rel_W2 = jax.random.uniform(ks[5], (N_HID, N_HID), jnp.float32, -s2, s2)
    root_W2 = jax.random.uniform(ks[6], (N_HID, N_HID), jnp.float32, -s2, s2)
    root_b2 = jax.random.uniform(ks[7], (N_HID,), jnp.float32, -s2, s2)
    att_w = jax.random.normal(ks[8], (N_HID,), dtype=jnp.float32) * s2
    out_W = jax.random.uniform(ks[9], (N_HID, N_CLASS), jnp.float32, -s2, s2)
    out_b = jax.random.uniform(ks[10], (N_CLASS,), jnp.float32, -s2, s2)
    return {"x": x, "edge_index": edge_index, "rel_W1": rel_W1, "root_W1": root_W1,
            "root_b1": root_b1, "rel_W2": rel_W2, "root_W2": root_W2, "root_b2": root_b2,
            "att_w": att_w, "out_W": out_W, "out_b": out_b}


def _conv(h, src, dst, n_nodes, rel_W, root_W, root_b):
    # root transform (self loop)
    out = h @ root_W + root_b
    # adj_t.matmul(x, reduce='mean'): mean of source features over incoming edges per dst
    msgs = jnp.take(h, src, axis=0)
    summed = jax.ops.segment_sum(msgs, dst, num_segments=n_nodes)
    cnt = jax.ops.segment_sum(jnp.ones((src.shape[0],), h.dtype), dst, num_segments=n_nodes)
    mean = summed / jnp.maximum(cnt, 1.0)[:, None]
    out = out + mean @ rel_W
    return out


def reference(x, edge_index, rel_W1, root_W1, root_b1, rel_W2, root_W2, root_b2, att_w, out_W, out_b):
    src = edge_index[0]
    dst = edge_index[1]
    n = x.shape[0]
    # layer 1 (relu, dropout in eval mode = identity)
    h1 = jax.nn.relu(_conv(x, src, dst, n, rel_W1, root_W1, root_b1))
    # layer 2
    h2 = jax.nn.relu(_conv(h1, src, dst, n, rel_W2, root_W2, root_b2))
    # attention-based JumpingKnowledge over layer representations
    hs = jnp.stack([h1, h2], axis=1)          # [N, L, d]
    scores = hs @ att_w                        # [N, L]
    alpha = jax.nn.softmax(scores, axis=1)     # [N, L]
    h = jnp.sum(hs * alpha[..., None], axis=1) # [N, d]
    out = h @ out_W + out_b                    # [N, n_class]
    return (out, alpha)

if __name__ == "__main__":
    import jax
    _d = setup_inputs()
    print(jax.jit(kernel)(*tuple(_d.values())))

</pallas_src>

<mosaic_0001>
#map = affine_map<(d0, d1) -> (0, 0)>
#map1 = affine_map<(d0, d1) -> (0, 0, 0)>
module attributes {stable_mosaic.version = 14 : i64} {
  func.func @body(%arg0: i32, %arg1: i32, %arg2: memref<10000x128xf32, #tpu.memory_space<hbm>>, %arg3: memref<2x323584xi32, #tpu.memory_space<hbm>>, %arg4: memref<2x10240x128xf32, #tpu.memory_space<hbm>>, %arg5: memref<2x10240x128xf32, #tpu.memory_space<hbm>>, %arg6: memref<4x2x128xi32, #tpu.memory_space<vmem>>, %arg7: memref<2x128x128xf32, #tpu.memory_space<vmem>>, %arg8: memref<8x128xf32, #tpu.memory_space<vmem>>, %arg9: memref<10240x128xf32, #tpu.memory_space<vmem_shared>>, %arg10: memref<!tpu.dma_semaphore, #tpu.memory_space<semaphore_mem>>, %arg11: memref<!tpu.dma_semaphore, #tpu.memory_space<semaphore_mem>>, %arg12: memref<!tpu.dma_semaphore, #tpu.memory_space<semaphore_mem>>) attributes {dimension_semantics = [#tpu.dimension_semantics<core_parallel>, #tpu.dimension_semantics<subcore_parallel>], iteration_bounds = array<i64: 2, 16>, scalar_prefetch = 0 : i64, scratch_operands = 7 : i64, tpu.core_type = #tpu.core_type<sc_vector_subcore>, window_params = [{transform_indices = #map}, {transform_indices = #map}, {transform_indices = #map1}, {transform_indices = #map1}]} {
    %mul3A = arith.constant 2 : i32
    %mul3A_0 = arith.muli %arg1, %mul3A : i32
    %add3A = arith.addi %mul3A_0, %arg0 : i32
    %mul3A_1 = arith.constant 640 : i32
    %mul3A_2 = arith.muli %arg1, %mul3A_1 : i32
    %broadcast_in_dim3A = arith.constant 0.000000e+00 : f32
    %broadcast_in_dim3A_3 = vector.broadcast %broadcast_in_dim3A : f32 to vector<16xf32>
    %swap3A = arith.constant 0 : i32
    %swap3A_4 = arith.index_cast %swap3A : i32 to index
    %swap3A_5 = arith.constant 0 : index
    %swap3A_6 = tpu.vector_load %arg8[%swap3A_4, %swap3A_5] {strides = array<i32>} : memref<8x128xf32, #tpu.memory_space<vmem>>, vector<1x16xf32>,
    %swap3A_7 = vector.shape_cast %swap3A_6 : vector<1x16xf32> to vector<16xf32>
    %swap3A_8 = vector.shape_cast %broadcast_in_dim3A_3 : vector<16xf32> to vector<1x16xf32>
    tpu.vector_store %arg8[%swap3A_4, %swap3A_5], %swap3A_8 {strides = array<i32>} : memref<8x128xf32, #tpu.memory_space<vmem>>, vector<1x16xf32>,
    %broadcast_in_dim3A_9 = arith.constant 0.000000e+00 : f32
    %broadcast_in_dim3A_10 = vector.broadcast %broadcast_in_dim3A_9 : f32 to vector<16xf32>
    %swap3A_11 = arith.constant 0 : i32
    %swap3A_12 = arith.index_cast %swap3A_11 : i32 to index
    %swap3A_13 = arith.constant 16 : index
    %swap3A_14 = tpu.vector_load %arg8[%swap3A_12, %swap3A_13] {strides = array<i32>} : memref<8x128xf32, #tpu.memory_space<vmem>>, vector<1x16xf32>,
    %swap3A_15 = vector.shape_cast %swap3A_14 : vector<1x16xf32> to vector<16xf32>
    %swap3A_16 = vector.shape_cast %broadcast_in_dim3A_10 : vector<16xf32> to vector<1x16xf32>
    tpu.vector_store %arg8[%swap3A_12, %swap3A_13], %swap3A_16 {strides = array<i32>} : memref<8x128xf32, #tpu.memory_space<vmem>>, vector<1x16xf32>,
    %broadcast_in_dim3A_17 = arith.constant 0.000000e+00 : f32
    %broadcast_in_dim3A_18 = vector.broadcast %broadcast_in_dim3A_17 : f32 to vector<16xf32>
    %swap3A_19 = arith.constant 0 : i32
    %swap3A_20 = arith.index_cast %swap3A_19 : i32 to index
    %swap3A_21 = arith.constant 32 : index
    %swap3A_22 = tpu.vector_load %arg8[%swap3A_20, %swap3A_21] {strides = array<i32>} : memref<8x128xf32, #tpu.memory_space<vmem>>, vector<1x16xf32>,
    %swap3A_23 = vector.shape_cast %swap3A_22 : vector<1x16xf32> to vector<16xf32>
    %swap3A_24 = vector.shape_cast %broadcast_in_dim3A_18 : vector<16xf32> to vector<1x16xf32>
    tpu.vector_store %arg8[%swap3A_20, %swap3A_21], %swap3A_24 {strides = array<i32>} : memref<8x128xf32, #tpu.memory_space<vmem>>, vector<1x16xf32>,
    %broadcast_in_dim3A_25 = arith.constant 0.000000e+00 : f32
    %broadcast_in_dim3A_26 = vector.broadcast %broadcast_in_dim3A_25 : f32 to vector<16xf32>
    %swap3A_27 = arith.constant 0 : i32
    %swap3A_28 = arith.index_cast %swap3A_27 : i32 to index
    %swap3A_29 = arith.constant 48 : index
    %swap3A_30 = tpu.vector_load %arg8[%swap3A_28, %swap3A_29] {strides = array<i32>} : memref<8x128xf32, #tpu.memory_space<vmem>>, vector<1x16xf32>,
    %swap3A_31 = vector.shape_cast %swap3A_30 : vector<1x16xf32> to vector<16xf32>
    %swap3A_32 = vector.shape_cast %broadcast_in_dim3A_26 : vector<16xf32> to vector<1x16xf32>
    tpu.vector_store %arg8[%swap3A_28, %swap3A_29], %swap3A_32 {strides = array<i32>} : memref<8x128xf32, #tpu.memory_space<vmem>>, vector<1x16xf32>,
    %broadcast_in_dim3A_33 = arith.constant 0.000000e+00 : f32
    %broadcast_in_dim3A_34 = vector.broadcast %broadcast_in_dim3A_33 : f32 to vector<16xf32>
    %swap3A_35 = arith.constant 0 : i32
    %swap3A_36 = arith.index_cast %swap3A_35 : i32 to index
    %swap3A_37 = arith.constant 64 : index
    %swap3A_38 = tpu.vector_load %arg8[%swap3A_36, %swap3A_37] {strides = array<i32>} : memref<8x128xf32, #tpu.memory_space<vmem>>, vector<1x16xf32>,
    %swap3A_39 = vector.shape_cast %swap3A_38 : vector<1x16xf32> to vector<16xf32>
    %swap3A_40 = vector.shape_cast %broadcast_in_dim3A_34 : vector<16xf32> to vector<1x16xf32>
    tpu.vector_store %arg8[%swap3A_36, %swap3A_37], %swap3A_40 {strides = array<i32>} : memref<8x128xf32, #tpu.memory_space<vmem>>, vector<1x16xf32>,
    %broadcast_in_dim3A_41 = arith.constant 0.000000e+00 : f32
    %broadcast_in_dim3A_42 = vector.broadcast %broadcast_in_dim3A_41 : f32 to vector<16xf32>
    %swap3A_43 = arith.constant 0 : i32
    %swap3A_44 = arith.index_cast %swap3A_43 : i32 to index
    %swap3A_45 = arith.constant 80 : index
    %swap3A_46 = tpu.vector_load %arg8[%swap3A_44, %swap3A_45] {strides = array<i32>} : memref<8x128xf32, #tpu.memory_space<vmem>>, vector<1x16xf32>,
    %swap3A_47 = vector.shape_cast %swap3A_46 : vector<1x16xf32> to vector<16xf32>
    %swap3A_48 = vector.shape_cast %broadcast_in_dim3A_42 : vector<16xf32> to vector<1x16xf32>
    tpu.vector_store %arg8[%swap3A_44, %swap3A_45], %swap3A_48 {strides = array<i32>} : memref<8x128xf32, #tpu.memory_space<vmem>>, vector<1x16xf32>,
    %broadcast_in_dim3A_49 = arith.constant 0.000000e+00 : f32
    %broadcast_in_dim3A_50 = vector.broadcast %broadcast_in_dim3A_49 : f32 to vector<16xf32>
    %swap3A_51 = arith.constant 0 : i32
    %swap3A_52 = arith.index_cast %swap3A_51 : i32 to index
    %swap3A_53 = arith.constant 96 : index
    %swap3A_54 = tpu.vector_load %arg8[%swap3A_52, %swap3A_53] {strides = array<i32>} : memref<8x128xf32, #tpu.memory_space<vmem>>, vector<1x16xf32>,
    %swap3A_55 = vector.shape_cast %swap3A_54 : vector<1x16xf32> to vector<16xf32>
    %swap3A_56 = vector.shape_cast %broadcast_in_dim3A_50 : vector<16xf32> to vector<1x16xf32>
    tpu.vector_store %arg8[%swap3A_52, %swap3A_53], %swap3A_56 {strides = array<i32>} : memref<8x128xf32, #tpu.memory_space<vmem>>, vector<1x16xf32>,
    %broadcast_in_dim3A_57 = arith.constant 0.000000e+00 : f32
    %broadcast_in_dim3A_58 = vector.broadcast %broadcast_in_dim3A_57 : f32 to vector<16xf32>
    %swap3A_59 = arith.constant 0 : i32
    %swap3A_60 = arith.index_cast %swap3A_59 : i32 to index
    %swap3A_61 = arith.constant 112 : index
    %swap3A_62 = tpu.vector_load %arg8[%swap3A_60, %swap3A_61] {strides = array<i32>} : memref<8x128xf32, #tpu.memory_space<vmem>>, vector<1x16xf32>,
    %swap3A_63 = vector.shape_cast %swap3A_62 : vector<1x16xf32> to vector<16xf32>
    %swap3A_64 = vector.shape_cast %broadcast_in_dim3A_58 : vector<16xf32> to vector<1x16xf32>
    tpu.vector_store %arg8[%swap3A_60, %swap3A_61], %swap3A_64 {strides = array<i32>} : memref<8x128xf32, #tpu.memory_space<vmem>>, vector<1x16xf32>,
    %broadcast_in_dim3A_65 = arith.constant 0.000000e+00 : f32
    %broadcast_in_dim3A_66 = vector.broadcast %broadcast_in_dim3A_65 : f32 to vector<16xf32>
    %swap3A_67 = arith.constant 1 : i32
    %swap3A_68 = arith.index_cast %swap3A_67 : i32 to index
    %swap3A_69 = arith.constant 0 : index
    %swap3A_70 = tpu.vector_load %arg8[%swap3A_68, %swap3A_69] {strides = array<i32>} : memref<8x128xf32, #tpu.memory_space<vmem>>, vector<1x16xf32>,
    %swap3A_71 = vector.shape_cast %swap3A_70 : vector<1x16xf32> to vector<16xf32>
    %swap3A_72 = vector.shape_cast %broadcast_in_dim3A_66 : vector<16xf32> to vector<1x16xf32>
    tpu.vector_store %arg8[%swap3A_68, %swap3A_69], %swap3A_72 {strides = array<i32>} : memref<8x128xf32, #tpu.memory_space<vmem>>, vector<1x16xf32>,
    %broadcast_in_dim3A_73 = arith.constant 0.000000e+00 : f32
    %broadcast_in_dim3A_74 = vector.broadcast %broadcast_in_dim3A_73 : f32 to vector<16xf32>
    %swap3A_75 = arith.constant 1 : i32
    %swap3A_76 = arith.index_cast %swap3A_75 : i32 to index
    %swap3A_77 = arith.constant 16 : index
    %swap3A_78 = tpu.vector_load %arg8[%swap3A_76, %swap3A_77] {strides = array<i32>} : memref<8x128xf32, #tpu.memory_space<vmem>>, vector<1x16xf32>,
    %swap3A_79 = vector.shape_cast %swap3A_78 : vector<1x16xf32> to vector<16xf32>
    %swap3A_80 = vector.shape_cast %broadcast_in_dim3A_74 : vector<16xf32> to vector<1x16xf32>
    tpu.vector_store %arg8[%swap3A_76, %swap3A_77], %swap3A_80 {strides = array<i32>} : memref<8x128xf32, #tpu.memory_space<vmem>>, vector<1x16xf32>,
    %broadcast_in_dim3A_81 = arith.constant 0.000000e+00 : f32
    %broadcast_in_dim3A_82 = vector.broadcast %broadcast_in_dim3A_81 : f32 to vector<16xf32>
    %swap3A_83 = arith.constant 1 : i32
    %swap3A_84 = arith.index_cast %swap3A_83 : i32 to index
    %swap3A_85 = arith.constant 32 : index
    %swap3A_86 = tpu.vector_load %arg8[%swap3A_84, %swap3A_85] {strides = array<i32>} : memref<8x128xf32, #tpu.memory_space<vmem>>, vector<1x16xf32>,
    %swap3A_87 = vector.shape_cast %swap3A_86 : vector<1x16xf32> to vector<16xf32>
    %swap3A_88 = vector.shape_cast %broadcast_in_dim3A_82 : vector<16xf32> to vector<1x16xf32>
    tpu.vector_store %arg8[%swap3A_84, %swap3A_85], %swap3A_88 {strides = array<i32>} : memref<8x128xf32, #tpu.memory_space<vmem>>, vector<1x16xf32>,
    %broadcast_in_dim3A_89 = arith.constant 0.000000e+00 : f32
    %broadcast_in_dim3A_90 = vector.broadcast %broadcast_in_dim3A_89 : f32 to vector<16xf32>
    %swap3A_91 = arith.constant 1 : i32
    %swap3A_92 = arith.index_cast %swap3A_91 : i32 to index
    %swap3A_93 = arith.constant 48 : index
    %swap3A_94 = tpu.vector_load %arg8[%swap3A_92, %swap3A_93] {strides = array<i32>} : memref<8x128xf32, #tpu.memory_space<vmem>>, vector<1x16xf32>,
    %swap3A_95 = vector.shape_cast %swap3A_94 : vector<1x16xf32> to vector<16xf32>
    %swap3A_96 = vector.shape_cast %broadcast_in_dim3A_90 : vector<16xf32> to vector<1x16xf32>
    tpu.vector_store %arg8[%swap3A_92, %swap3A_93], %swap3A_96 {strides = array<i32>} : memref<8x128xf32, #tpu.memory_space<vmem>>, vector<1x16xf32>,
    %broadcast_in_dim3A_97 = arith.constant 0.000000e+00 : f32
    %broadcast_in_dim3A_98 = vector.broadcast %broadcast_in_dim3A_97 : f32 to vector<16xf32>
    %swap3A_99 = arith.constant 1 : i32
    %swap3A_100 = arith.index_cast %swap3A_99 : i32 to index
    %swap3A_101 = arith.constant 64 : index
    %swap3A_102 = tpu.vector_load %arg8[%swap3A_100, %swap3A_101] {strides = array<i32>} : memref<8x128xf32, #tpu.memory_space<vmem>>, vector<1x16xf32>,
    %swap3A_103 = vector.shape_cast %swap3A_102 : vector<1x16xf32> to vector<16xf32>
    %swap3A_104 = vector.shape_cast %broadcast_in_dim3A_98 : vector<16xf32> to vector<1x16xf32>
    tpu.vector_store %arg8[%swap3A_100, %swap3A_101], %swap3A_104 {strides = array<i32>} : memref<8x128xf32, #tpu.memory_space<vmem>>, vector<1x16xf32>,
    %broadcast_in_dim3A_105 = arith.constant 0.000000e+00 : f32
    %broadcast_in_dim3A_106 = vector.broadcast %broadcast_in_dim3A_105 : f32 to vector<16xf32>
    %swap3A_107 = arith.constant 1 : i32
    %swap3A_108 = arith.index_cast %swap3A_107 : i32 to index
    %swap3A_109 = arith.constant 80 : index
    %swap3A_110 = tpu.vector_load %arg8[%swap3A_108, %swap3A_109] {strides = array<i32>} : memref<8x128xf32, #tpu.memory_space<vmem>>, vector<1x16xf32>,
    %swap3A_111 = vector.shape_cast %swap3A_110 : vector<1x16xf32> to vector<16xf32>
    %swap3A_112 = vector.shape_cast %broadcast_in_dim3A_106 : vector<16xf32> to vector<1x16xf32>
    tpu.vector_store %arg8[%swap3A_108, %swap3A_109], %swap3A_112 {strides = array<i32>} : memref<8x128xf32, #tpu.memory_space<vmem>>, vector<1x16xf32>,
    %broadcast_in_dim3A_113 = arith.constant 0.000000e+00 : f32
    %broadcast_in_dim3A_114 = vector.broadcast %broadcast_in_dim3A_113 : f32 to vector<16xf32>
    %swap3A_115 = arith.constant 1 : i32
    %swap3A_116 = arith.index_cast %swap3A_115 : i32 to index
    %swap3A_117 = arith.constant 96 : index
    %swap3A_118 = tpu.vector_load %arg8[%swap3A_116, %swap3A_117] {strides = array<i32>} : memref<8x128xf32, #tpu.memory_space<vmem>>, vector<1x16xf32>,
    %swap3A_119 = vector.shape_cast %swap3A_118 : vector<1x16xf32> to vector<16xf32>
    %swap3A_120 = vector.shape_cast %broadcast_in_dim3A_114 : vector<16xf32> to vector<1x16xf32>
    tpu.vector_store %arg8[%swap3A_116, %swap3A_117], %swap3A_120 {strides = array<i32>} : memref<8x128xf32, #tpu.memory_space<vmem>>, vector<1x16xf32>,
    %broadcast_in_dim3A_121 = arith.constant 0.000000e+00 : f32
    %broadcast_in_dim3A_122 = vector.broadcast %broadcast_in_dim3A_121 : f32 to vector<16xf32>
    %swap3A_123 = arith.constant 1 : i32
    %swap3A_124 = arith.index_cast %swap3A_123 : i32 to index
    %swap3A_125 = arith.constant 112 : index
    %swap3A_126 = tpu.vector_load %arg8[%swap3A_124, %swap3A_125] {strides = array<i32>} : memref<8x128xf32, #tpu.memory_space<vmem>>, vector<1x16xf32>,
    %swap3A_127 = vector.shape_cast %swap3A_126 : vector<1x16xf32> to vector<16xf32>
    %swap3A_128 = vector.shape_cast %broadcast_in_dim3A_122 : vector<16xf32> to vector<1x16xf32>
    tpu.vector_store %arg8[%swap3A_124, %swap3A_125], %swap3A_128 {strides = array<i32>} : memref<8x128xf32, #tpu.memory_space<vmem>>, vector<1x16xf32>,
    %broadcast_in_dim3A_129 = arith.constant 0.000000e+00 : f32
    %broadcast_in_dim3A_130 = vector.broadcast %broadcast_in_dim3A_129 : f32 to vector<16xf32>
    %swap3A_131 = arith.constant 2 : i32
    %swap3A_132 = arith.index_cast %swap3A_131 : i32 to index
    %swap3A_133 = arith.constant 0 : index
    %swap3A_134 = tpu.vector_load %arg8[%swap3A_132, %swap3A_133] {strides = array<i32>} : memref<8x128xf32, #tpu.memory_space<vmem>>, vector<1x16xf32>,
    %swap3A_135 = vector.shape_cast %swap3A_134 : vector<1x16xf32> to vector<16xf32>
    %swap3A_136 = vector.shape_cast %broadcast_in_dim3A_130 : vector<16xf32> to vector<1x16xf32>
    tpu.vector_store %arg8[%swap3A_132, %swap3A_133], %swap3A_136 {strides = array<i32>} : memref<8x128xf32, #tpu.memory_space<vmem>>, vector<1x16xf32>,
    %broadcast_in_dim3A_137 = arith.constant 0.000000e+00 : f32
    %broadcast_in_dim3A_138 = vector.broadcast %broadcast_in_dim3A_137 : f32 to vector<16xf32>
    %swap3A_139 = arith.constant 2 : i32
    %swap3A_140 = arith.index_cast %swap3A_139 : i32 to index
    %swap3A_141 = arith.constant 16 : index
    %swap3A_142 = tpu.vector_load %arg8[%swap3A_140, %swap3A_141] {strides = array<i32>} : memref<8x128xf32, #tpu.memory_space<vmem>>, vector<1x16xf32>,
    %swap3A_143 = vector.shape_cast %swap3A_142 : vector<1x16xf32> to vector<16xf32>
    %swap3A_144 = vector.shape_cast %broadcast_in_dim3A_138 : vector<16xf32> to vector<1x16xf32>
    tpu.vector_store %arg8[%swap3A_140, %swap3A_141], %swap3A_144 {strides = array<i32>} : memref<8x128xf32, #tpu.memory_space<vmem>>, vector<1x16xf32>,
    %broadcast_in_dim3A_145 = arith.constant 0.000000e+00 : f32
    %broadcast_in_dim3A_146 = vector.broadcast %broadcast_in_dim3A_145 : f32 to vector<16xf32>
    %swap3A_147 = arith.constant 2 : i32
    %swap3A_148 = arith.index_cast %swap3A_147 : i32 to index
    %swap3A_149 = arith.constant 32 : index
    %swap3A_150 = tpu.vector_load %arg8[%swap3A_148, %swap3A_149] {strides = array<i32>} : memref<8x128xf32, #tpu.memory_space<vmem>>, vector<1x16xf32>,
    %swap3A_151 = vector.shape_cast %swap3A_150 : vector<1x16xf32> to vector<16xf32>
    %swap3A_152 = vector.shape_cast %broadcast_in_dim3A_146 : vector<16xf32> to vector<1x16xf32>
    tpu.vector_store %arg8[%swap3A_148, %swap3A_149], %swap3A_152 {strides = array<i32>} : memref<8x128xf32, #tpu.memory_space<vmem>>, vector<1x16xf32>,
    %broadcast_in_dim3A_153 = arith.constant 0.000000e+00 : f32
    %broadcast_in_dim3A_154 = vector.broadcast %broadcast_in_dim3A_153 : f32 to vector<16xf32>
    %swap3A_155 = arith.constant 2 : i32
    %swap3A_156 = arith.index_cast %swap3A_155 : i32 to index
    %swap3A_157 = arith.constant 48 : index
    %swap3A_158 = tpu.vector_load %arg8[%swap3A_156, %swap3A_157] {strides = array<i32>} : memref<8x128xf32, #tpu.memory_space<vmem>>, vector<1x16xf32>,
    %swap3A_159 = vector.shape_cast %swap3A_158 : vector<1x16xf32> to vector<16xf32>
    %swap3A_160 = vector.shape_cast %broadcast_in_dim3A_154 : vector<16xf32> to vector<1x16xf32>
    tpu.vector_store %arg8[%swap3A_156, %swap3A_157], %swap3A_160 {strides = array<i32>} : memref<8x128xf32, #tpu.memory_space<vmem>>, vector<1x16xf32>,
    %broadcast_in_dim3A_161 = arith.constant 0.000000e+00 : f32
    %broadcast_in_dim3A_162 = vector.broadcast %broadcast_in_dim3A_161 : f32 to vector<16xf32>
    %swap3A_163 = arith.constant 2 : i32
    %swap3A_164 = arith.index_cast %swap3A_163 : i32 to index
    %swap3A_165 = arith.constant 64 : index
    %swap3A_166 = tpu.vector_load %arg8[%swap3A_164, %swap3A_165] {strides = array<i32>} : memref<8x128xf32, #tpu.memory_space<vmem>>, vector<1x16xf32>,
    %swap3A_167 = vector.shape_cast %swap3A_166 : vector<1x16xf32> to vector<16xf32>
    %swap3A_168 = vector.shape_cast %broadcast_in_dim3A_162 : vector<16xf32> to vector<1x16xf32>
    tpu.vector_store %arg8[%swap3A_164, %swap3A_165], %swap3A_168 {strides = array<i32>} : memref<8x128xf32, #tpu.memory_space<vmem>>, vector<1x16xf32>,
    %broadcast_in_dim3A_169 = arith.constant 0.000000e+00 : f32
    %broadcast_in_dim3A_170 = vector.broadcast %broadcast_in_dim3A_169 : f32 to vector<16xf32>
    %swap3A_171 = arith.constant 2 : i32
    %swap3A_172 = arith.index_cast %swap3A_171 : i32 to index
    %swap3A_173 = arith.constant 80 : index
    %swap3A_174 = tpu.vector_load %arg8[%swap3A_172, %swap3A_173] {strides = array<i32>} : memref<8x128xf32, #tpu.memory_space<vmem>>, vector<1x16xf32>,
    %swap3A_175 = vector.shape_cast %swap3A_174 : vector<1x16xf32> to vector<16xf32>
    %swap3A_176 = vector.shape_cast %broadcast_in_dim3A_170 : vector<16xf32> to vector<1x16xf32>
    tpu.vector_store %arg8[%swap3A_172, %swap3A_173], %swap3A_176 {strides = array<i32>} : memref<8x128xf32, #tpu.memory_space<vmem>>, vector<1x16xf32>,
    %broadcast_in_dim3A_177 = arith.constant 0.000000e+00 : f32
    %broadcast_in_dim3A_178 = vector.broadcast %broadcast_in_dim3A_177 : f32 to vector<16xf32>
    %swap3A_179 = arith.constant 2 : i32
    %swap3A_180 = arith.index_cast %swap3A_179 : i32 to index
    %swap3A_181 = arith.constant 96 : index
    %swap3A_182 = tpu.vector_load %arg8[%swap3A_180, %swap3A_181] {strides = array<i32>} : memref<8x128xf32, #tpu.memory_space<vmem>>, vector<1x16xf32>,
    %swap3A_183 = vector.shape_cast %swap3A_182 : vector<1x16xf32> to vector<16xf32>
    %swap3A_184 = vector.shape_cast %broadcast_in_dim3A_178 : vector<16xf32> to vector<1x16xf32>
    tpu.vector_store %arg8[%swap3A_180, %swap3A_181], %swap3A_184 {strides = array<i32>} : memref<8x128xf32, #tpu.memory_space<vmem>>, vector<1x16xf32>,
    %broadcast_in_dim3A_185 = arith.constant 0.000000e+00 : f32
    %broadcast_in_dim3A_186 = vector.broadcast %broadcast_in_dim3A_185 : f32 to vector<16xf32>
    %swap3A_187 = arith.constant 2 : i32
    %swap3A_188 = arith.index_cast %swap3A_187 : i32 to index
    %swap3A_189 = arith.constant 112 : index
    %swap3A_190 = tpu.vector_load %arg8[%swap3A_188, %swap3A_189] {strides = array<i32>} : memref<8x128xf32, #tpu.memory_space<vmem>>, vector<1x16xf32>,
    %swap3A_191 = vector.shape_cast %swap3A_190 : vector<1x16xf32> to vector<16xf32>
    %swap3A_192 = vector.shape_cast %broadcast_in_dim3A_186 : vector<16xf32> to vector<1x16xf32>
    tpu.vector_store %arg8[%swap3A_188, %swap3A_189], %swap3A_192 {strides = array<i32>} : memref<8x128xf32, #tpu.memory_space<vmem>>, vector<1x16xf32>,
    %broadcast_in_dim3A_193 = arith.constant 0.000000e+00 : f32
    %broadcast_in_dim3A_194 = vector.broadcast %broadcast_in_dim3A_193 : f32 to vector<16xf32>
    %swap3A_195 = arith.constant 3 : i32
    %swap3A_196 = arith.index_cast %swap3A_195 : i32 to index
    %swap3A_197 = arith.constant 0 : index
    %swap3A_198 = tpu.vector_load %arg8[%swap3A_196, %swap3A_197] {strides = array<i32>} : memref<8x128xf32, #tpu.memory_space<vmem>>, vector<1x16xf32>,
    %swap3A_199 = vector.shape_cast %swap3A_198 : vector<1x16xf32> to vector<16xf32>
    %swap3A_200 = vector.shape_cast %broadcast_in_dim3A_194 : vector<16xf32> to vector<1x16xf32>
    tpu.vector_store %arg8[%swap3A_196, %swap3A_197], %swap3A_200 {strides = array<i32>} : memref<8x128xf32, #tpu.memory_space<vmem>>, vector<1x16xf32>,
    %broadcast_in_dim3A_201 = arith.constant 0.000000e+00 : f32
    %broadcast_in_dim3A_202 = vector.broadcast %broadcast_in_dim3A_201 : f32 to vector<16xf32>
    %swap3A_203 = arith.constant 3 : i32
    %swap3A_204 = arith.index_cast %swap3A_203 : i32 to index
    %swap3A_205 = arith.constant 16 : index
    %swap3A_206 = tpu.vector_load %arg8[%swap3A_204, %swap3A_205] {strides = array<i32>} : memref<8x128xf32, #tpu.memory_space<vmem>>, vector<1x16xf32>,
    %swap3A_207 = vector.shape_cast %swap3A_206 : vector<1x16xf32> to vector<16xf32>
    %swap3A_208 = vector.shape_cast %broadcast_in_dim3A_202 : vector<16xf32> to vector<1x16xf32>
    tpu.vector_store %arg8[%swap3A_204, %swap3A_205], %swap3A_208 {strides = array<i32>} : memref<8x128xf32, #tpu.memory_space<vmem>>, vector<1x16xf32>,
    %broadcast_in_dim3A_209 = arith.constant 0.000000e+00 : f32
    %broadcast_in_dim3A_210 = vector.broadcast %broadcast_in_dim3A_209 : f32 to vector<16xf32>
    %swap3A_211 = arith.constant 3 : i32
    %swap3A_212 = arith.index_cast %swap3A_211 : i32 to index
    %swap3A_213 = arith.constant 32 : index
    %swap3A_214 = tpu.vector_load %arg8[%swap3A_212, %swap3A_213] {strides = array<i32>} : memref<8x128xf32, #tpu.memory_space<vmem>>, vector<1x16xf32>,
    %swap3A_215 = vector.shape_cast %swap3A_214 : vector<1x16xf32> to vector<16xf32>
    %swap3A_216 = vector.shape_cast %broadcast_in_dim3A_210 : vector<16xf32> to vector<1x16xf32>
    tpu.vector_store %arg8[%swap3A_212, %swap3A_213], %swap3A_216 {strides = array<i32>} : memref<8x128xf32, #tpu.memory_space<vmem>>, vector<1x16xf32>,
    %broadcast_in_dim3A_217 = arith.constant 0.000000e+00 : f32
    %broadcast_in_dim3A_218 = vector.broadcast %broadcast_in_dim3A_217 : f32 to vector<16xf32>
    %swap3A_219 = arith.constant 3 : i32
    %swap3A_220 = arith.index_cast %swap3A_219 : i32 to index
    %swap3A_221 = arith.constant 48 : index
    %swap3A_222 = tpu.vector_load %arg8[%swap3A_220, %swap3A_221] {strides = array<i32>} : memref<8x128xf32, #tpu.memory_space<vmem>>, vector<1x16xf32>,
    %swap3A_223 = vector.shape_cast %swap3A_222 : vector<1x16xf32> to vector<16xf32>
    %swap3A_224 = vector.shape_cast %broadcast_in_dim3A_218 : vector<16xf32> to vector<1x16xf32>
    tpu.vector_store %arg8[%swap3A_220, %swap3A_221], %swap3A_224 {strides = array<i32>} : memref<8x128xf32, #tpu.memory_space<vmem>>, vector<1x16xf32>,
    %broadcast_in_dim3A_225 = arith.constant 0.000000e+00 : f32
    %broadcast_in_dim3A_226 = vector.broadcast %broadcast_in_dim3A_225 : f32 to vector<16xf32>
    %swap3A_227 = arith.constant 3 : i32
    %swap3A_228 = arith.index_cast %swap3A_227 : i32 to index
    %swap3A_229 = arith.constant 64 : index
    %swap3A_230 = tpu.vector_load %arg8[%swap3A_228, %swap3A_229] {strides = array<i32>} : memref<8x128xf32, #tpu.memory_space<vmem>>, vector<1x16xf32>,
    %swap3A_231 = vector.shape_cast %swap3A_230 : vector<1x16xf32> to vector<16xf32>
    %swap3A_232 = vector.shape_cast %broadcast_in_dim3A_226 : vector<16xf32> to vector<1x16xf32>
    tpu.vector_store %arg8[%swap3A_228, %swap3A_229], %swap3A_232 {strides = array<i32>} : memref<8x128xf32, #tpu.memory_space<vmem>>, vector<1x16xf32>,
    %broadcast_in_dim3A_233 = arith.constant 0.000000e+00 : f32
    %broadcast_in_dim3A_234 = vector.broadcast %broadcast_in_dim3A_233 : f32 to vector<16xf32>
    %swap3A_235 = arith.constant 3 : i32
    %swap3A_236 = arith.index_cast %swap3A_235 : i32 to index
    %swap3A_237 = arith.constant 80 : index
    %swap3A_238 = tpu.vector_load %arg8[%swap3A_236, %swap3A_237] {strides = array<i32>} : memref<8x128xf32, #tpu.memory_space<vmem>>, vector<1x16xf32>,
    %swap3A_239 = vector.shape_cast %swap3A_238 : vector<1x16xf32> to vector<16xf32>
    %swap3A_240 = vector.shape_cast %broadcast_in_dim3A_234 : vector<16xf32> to vector<1x16xf32>
    tpu.vector_store %arg8[%swap3A_236, %swap3A_237], %swap3A_240 {strides = array<i32>} : memref<8x128xf32, #tpu.memory_space<vmem>>, vector<1x16xf32>,
    %broadcast_in_dim3A_241 = arith.constant 0.000000e+00 : f32
    %broadcast_in_dim3A_242 = vector.broadcast %broadcast_in_dim3A_241 : f32 to vector<16xf32>
    %swap3A_243 = arith.constant 3 : i32
    %swap3A_244 = arith.index_cast %swap3A_243 : i32 to index
    %swap3A_245 = arith.constant 96 : index
    %swap3A_246 = tpu.vector_load %arg8[%swap3A_244, %swap3A_245] {strides = array<i32>} : memref<8x128xf32, #tpu.memory_space<vmem>>, vector<1x16xf32>,
    %swap3A_247 = vector.shape_cast %swap3A_246 : vector<1x16xf32> to vector<16xf32>
    %swap3A_248 = vector.shape_cast %broadcast_in_dim3A_242 : vector<16xf32> to vector<1x16xf32>
    tpu.vector_store %arg8[%swap3A_244, %swap3A_245], %swap3A_248 {strides = array<i32>} : memref<8x128xf32, #tpu.memory_space<vmem>>, vector<1x16xf32>,
    %broadcast_in_dim3A_249 = arith.constant 0.000000e+00 : f32
    %broadcast_in_dim3A_250 = vector.broadcast %broadcast_in_dim3A_249 : f32 to vector<16xf32>
    %swap3A_251 = arith.constant 3 : i32
    %swap3A_252 = arith.index_cast %swap3A_251 : i32 to index
    %swap3A_253 = arith.constant 112 : index
    %swap3A_254 = tpu.vector_load %arg8[%swap3A_252, %swap3A_253] {strides = array<i32>} : memref<8x128xf32, #tpu.memory_space<vmem>>, vector<1x16xf32>,
    %swap3A_255 = vector.shape_cast %swap3A_254 : vector<1x16xf32> to vector<16xf32>
    %swap3A_256 = vector.shape_cast %broadcast_in_dim3A_250 : vector<16xf32> to vector<1x16xf32>
    tpu.vector_store %arg8[%swap3A_252, %swap3A_253], %swap3A_256 {strides = array<i32>} : memref<8x128xf32, #tpu.memory_space<vmem>>, vector<1x16xf32>,
    %broadcast_in_dim3A_257 = arith.constant 0.000000e+00 : f32
    %broadcast_in_dim3A_258 = vector.broadcast %broadcast_in_dim3A_257 : f32 to vector<16xf32>
    %swap3A_259 = arith.constant 4 : i32
    %swap3A_260 = arith.index_cast %swap3A_259 : i32 to index
    %swap3A_261 = arith.constant 0 : index
    %swap3A_262 = tpu.vector_load %arg8[%swap3A_260, %swap3A_261] {strides = array<i32>} : memref<8x128xf32, #tpu.memory_space<vmem>>, vector<1x16xf32>,
    %swap3A_263 = vector.shape_cast %swap3A_262 : vector<1x16xf32> to vector<16xf32>
    %swap3A_264 = vector.shape_cast %broadcast_in_dim3A_258 : vector<16xf32> to vector<1x16xf32>
    tpu.vector_store %arg8[%swap3A_260, %swap3A_261], %swap3A_264 {strides = array<i32>} : memref<8x128xf32, #tpu.memory_space<vmem>>, vector<1x16xf32>,
    %broadcast_in_dim3A_265 = arith.constant 0.000000e+00 : f32
    %broadcast_in_dim3A_266 = vector.broadcast %broadcast_in_dim3A_265 : f32 to vector<16xf32>
    %swap3A_267 = arith.constant 4 : i32
    %swap3A_268 = arith.index_cast %swap3A_267 : i32 to index
    %swap3A_269 = arith.constant 16 : index
    %swap3A_270 = tpu.vector_load %arg8[%swap3A_268, %swap3A_269] {strides = array<i32>} : memref<8x128xf32, #tpu.memory_space<vmem>>, vector<1x16xf32>,
    %swap3A_271 = vector.shape_cast %swap3A_270 : vector<1x16xf32> to vector<16xf32>
    %swap3A_272 = vector.shape_cast %broadcast_in_dim3A_266 : vector<16xf32> to vector<1x16xf32>
    tpu.vector_store %arg8[%swap3A_268, %swap3A_269], %swap3A_272 {strides = array<i32>} : memref<8x128xf32, #tpu.memory_space<vmem>>, vector<1x16xf32>,
    %broadcast_in_dim3A_273 = arith.constant 0.000000e+00 : f32
    %broadcast_in_dim3A_274 = vector.broadcast %broadcast_in_dim3A_273 : f32 to vector<16xf32>
    %swap3A_275 = arith.constant 4 : i32
    %swap3A_276 = arith.index_cast %swap3A_275 : i32 to index
    %swap3A_277 = arith.constant 32 : index
    %swap3A_278 = tpu.vector_load %arg8[%swap3A_276, %swap3A_277] {strides = array<i32>} : memref<8x128xf32, #tpu.memory_space<vmem>>, vector<1x16xf32>,
    %swap3A_279 = vector.shape_cast %swap3A_278 : vector<1x16xf32> to vector<16xf32>
    %swap3A_280 = vector.shape_cast %broadcast_in_dim3A_274 : vector<16xf32> to vector<1x16xf32>
    tpu.vector_store %arg8[%swap3A_276, %swap3A_277], %swap3A_280 {strides = array<i32>} : memref<8x128xf32, #tpu.memory_space<vmem>>, vector<1x16xf32>,
    %broadcast_in_dim3A_281 = arith.constant 0.000000e+00 : f32
    %broadcast_in_dim3A_282 = vector.broadcast %broadcast_in_dim3A_281 : f32 to vector<16xf32>
    %swap3A_283 = arith.constant 4 : i32
    %swap3A_284 = arith.index_cast %swap3A_283 : i32 to index
    %swap3A_285 = arith.constant 48 : index
    %swap3A_286 = tpu.vector_load %arg8[%swap3A_284, %swap3A_285] {strides = array<i32>} : memref<8x128xf32, #tpu.memory_space<vmem>>, vector<1x16xf32>,
    %swap3A_287 = vector.shape_cast %swap3A_286 : vector<1x16xf32> to vector<16xf32>
    %swap3A_288 = vector.shape_cast %broadcast_in_dim3A_282 : vector<16xf32> to vector<1x16xf32>
    tpu.vector_store %arg8[%swap3A_284, %swap3A_285], %swap3A_288 {strides = array<i32>} : memref<8x128xf32, #tpu.memory_space<vmem>>, vector<1x16xf32>,
    %broadcast_in_dim3A_289 = arith.constant 0.000000e+00 : f32
    %broadcast_in_dim3A_290 = vector.broadcast %broadcast_in_dim3A_289 : f32 to vector<16xf32>
    %swap3A_291 = arith.constant 4 : i32
    %swap3A_292 = arith.index_cast %swap3A_291 : i32 to index
    %swap3A_293 = arith.constant 64 : index
    %swap3A_294 = tpu.vector_load %arg8[%swap3A_292, %swap3A_293] {strides = array<i32>} : memref<8x128xf32, #tpu.memory_space<vmem>>, vector<1x16xf32>,
    %swap3A_295 = vector.shape_cast %swap3A_294 : vector<1x16xf32> to vector<16xf32>
    %swap3A_296 = vector.shape_cast %broadcast_in_dim3A_290 : vector<16xf32> to vector<1x16xf32>
    tpu.vector_store %arg8[%swap3A_292, %swap3A_293], %swap3A_296 {strides = array<i32>} : memref<8x128xf32, #tpu.memory_space<vmem>>, vector<1x16xf32>,
    %broadcast_in_dim3A_297 = arith.constant 0.000000e+00 : f32
    %broadcast_in_dim3A_298 = vector.broadcast %broadcast_in_dim3A_297 : f32 to vector<16xf32>
    %swap3A_299 = arith.constant 4 : i32
    %swap3A_300 = arith.index_cast %swap3A_299 : i32 to index
    %swap3A_301 = arith.constant 80 : index
    %swap3A_302 = tpu.vector_load %arg8[%swap3A_300, %swap3A_301] {strides = array<i32>} : memref<8x128xf32, #tpu.memory_space<vmem>>, vector<1x16xf32>,
    %swap3A_303 = vector.shape_cast %swap3A_302 : vector<1x16xf32> to vector<16xf32>
    %swap3A_304 = vector.shape_cast %broadcast_in_dim3A_298 : vector<16xf32> to vector<1x16xf32>
    tpu.vector_store %arg8[%swap3A_300, %swap3A_301], %swap3A_304 {strides = array<i32>} : memref<8x128xf32, #tpu.memory_space<vmem>>, vector<1x16xf32>,
    %broadcast_in_dim3A_305 = arith.constant 0.000000e+00 : f32
    %broadcast_in_dim3A_306 = vector.broadcast %broadcast_in_dim3A_305 : f32 to vector<16xf32>
    %swap3A_307 = arith.constant 4 : i32
    %swap3A_308 = arith.index_cast %swap3A_307 : i32 to index
    %swap3A_309 = arith.constant 96 : index
    %swap3A_310 = tpu.vector_load %arg8[%swap3A_308, %swap3A_309] {strides = array<i32>} : memref<8x128xf32, #tpu.memory_space<vmem>>, vector<1x16xf32>,
    %swap3A_311 = vector.shape_cast %swap3A_310 : vector<1x16xf32> to vector<16xf32>
    %swap3A_312 = vector.shape_cast %broadcast_in_dim3A_306 : vector<16xf32> to vector<1x16xf32>
    tpu.vector_store %arg8[%swap3A_308, %swap3A_309], %swap3A_312 {strides = array<i32>} : memref<8x128xf32, #tpu.memory_space<vmem>>, vector<1x16xf32>,
    %broadcast_in_dim3A_313 = arith.constant 0.000000e+00 : f32
    %broadcast_in_dim3A_314 = vector.broadcast %broadcast_in_dim3A_313 : f32 to vector<16xf32>
    %swap3A_315 = arith.constant 4 : i32
    %swap3A_316 = arith.index_cast %swap3A_315 : i32 to index
    %swap3A_317 = arith.constant 112 : index
    %swap3A_318 = tpu.vector_load %arg8[%swap3A_316, %swap3A_317] {strides = array<i32>} : memref<8x128xf32, #tpu.memory_space<vmem>>, vector<1x16xf32>,
    %swap3A_319 = vector.shape_cast %swap3A_318 : vector<1x16xf32> to vector<16xf32>
    %swap3A_320 = vector.shape_cast %broadcast_in_dim3A_314 : vector<16xf32> to vector<1x16xf32>
    tpu.vector_store %arg8[%swap3A_316, %swap3A_317], %swap3A_320 {strides = array<i32>} : memref<8x128xf32, #tpu.memory_space<vmem>>, vector<1x16xf32>,
    %broadcast_in_dim3A_321 = arith.constant 0.000000e+00 : f32
    %broadcast_in_dim3A_322 = vector.broadcast %broadcast_in_dim3A_321 : f32 to vector<16xf32>
    %swap3A_323 = arith.constant 5 : i32
    %swap3A_324 = arith.index_cast %swap3A_323 : i32 to index
    %swap3A_325 = arith.constant 0 : index
    %swap3A_326 = tpu.vector_load %arg8[%swap3A_324, %swap3A_325] {strides = array<i32>} : memref<8x128xf32, #tpu.memory_space<vmem>>, vector<1x16xf32>,
    %swap3A_327 = vector.shape_cast %swap3A_326 : vector<1x16xf32> to vector<16xf32>
    %swap3A_328 = vector.shape_cast %broadcast_in_dim3A_322 : vector<16xf32> to vector<1x16xf32>
    tpu.vector_store %arg8[%swap3A_324, %swap3A_325], %swap3A_328 {strides = array<i32>} : memref<8x128xf32, #tpu.memory_space<vmem>>, vector<1x16xf32>,
    %broadcast_in_dim3A_329 = arith.constant 0.000000e+00 : f32
    %broadcast_in_dim3A_330 = vector.broadcast %broadcast_in_dim3A_329 : f32 to vector<16xf32>
    %swap3A_331 = arith.constant 5 : i32
    %swap3A_332 = arith.index_cast %swap3A_331 : i32 to index
    %swap3A_333 = arith.constant 16 : index
    %swap3A_334 = tpu.vector_load %arg8[%swap3A_332, %swap3A_333] {strides = array<i32>} : memref<8x128xf32, #tpu.memory_space<vmem>>, vector<1x16xf32>,
    %swap3A_335 = vector.shape_cast %swap3A_334 : vector<1x16xf32> to vector<16xf32>
    %swap3A_336 = vector.shape_cast %broadcast_in_dim3A_330 : vector<16xf32> to vector<1x16xf32>
    tpu.vector_store %arg8[%swap3A_332, %swap3A_333], %swap3A_336 {strides = array<i32>} : memref<8x128xf32, #tpu.memory_space<vmem>>, vector<1x16xf32>,
    %broadcast_in_dim3A_337 = arith.constant 0.000000e+00 : f32
    %broadcast_in_dim3A_338 = vector.broadcast %broadcast_in_dim3A_337 : f32 to vector<16xf32>
    %swap3A_339 = arith.constant 5 : i32
    %swap3A_340 = arith.index_cast %swap3A_339 : i32 to index
    %swap3A_341 = arith.constant 32 : index
    %swap3A_342 = tpu.vector_load %arg8[%swap3A_340, %swap3A_341] {strides = array<i32>} : memref<8x128xf32, #tpu.memory_space<vmem>>, vector<1x16xf32>,
    %swap3A_343 = vector.shape_cast %swap3A_342 : vector<1x16xf32> to vector<16xf32>
    %swap3A_344 = vector.shape_cast %broadcast_in_dim3A_338 : vector<16xf32> to vector<1x16xf32>
    tpu.vector_store %arg8[%swap3A_340, %swap3A_341], %swap3A_344 {strides = array<i32>} : memref<8x128xf32, #tpu.memory_space<vmem>>, vector<1x16xf32>,
    %broadcast_in_dim3A_345 = arith.constant 0.000000e+00 : f32
    %broadcast_in_dim3A_346 = vector.broadcast %broadcast_in_dim3A_345 : f32 to vector<16xf32>
    %swap3A_347 = arith.constant 5 : i32
    %swap3A_348 = arith.index_cast %swap3A_347 : i32 to index
    %swap3A_349 = arith.constant 48 : index
    %swap3A_350 = tpu.vector_load %arg8[%swap3A_348, %swap3A_349] {strides = array<i32>} : memref<8x128xf32, #tpu.memory_space<vmem>>, vector<1x16xf32>,
    %swap3A_351 = vector.shape_cast %swap3A_350 : vector<1x16xf32> to vector<16xf32>
    %swap3A_352 = vector.shape_cast %broadcast_in_dim3A_346 : vector<16xf32> to vector<1x16xf32>
    tpu.vector_store %arg8[%swap3A_348, %swap3A_349], %swap3A_352 {strides = array<i32>} : memref<8x128xf32, #tpu.memory_space<vmem>>, vector<1x16xf32>,
    %broadcast_in_dim3A_353 = arith.constant 0.000000e+00 : f32
    %broadcast_in_dim3A_354 = vector.broadcast %broadcast_in_dim3A_353 : f32 to vector<16xf32>
    %swap3A_355 = arith.constant 5 : i32
    %swap3A_356 = arith.index_cast %swap3A_355 : i32 to index
    %swap3A_357 = arith.constant 64 : index
    %swap3A_358 = tpu.vector_load %arg8[%swap3A_356, %swap3A_357] {strides = array<i32>} : memref<8x128xf32, #tpu.memory_space<vmem>>, vector<1x16xf32>,
    %swap3A_359 = vector.shape_cast %swap3A_358 : vector<1x16xf32> to vector<16xf32>
    %swap3A_360 = vector.shape_cast %broadcast_in_dim3A_354 : vector<16xf32> to vector<1x16xf32>
    tpu.vector_store %arg8[%swap3A_356, %swap3A_357], %swap3A_360 {strides = array<i32>} : memref<8x128xf32, #tpu.memory_space<vmem>>, vector<1x16xf32>,
    %broadcast_in_dim3A_361 = arith.constant 0.000000e+00 : f32
    %broadcast_in_dim3A_362 = vector.broadcast %broadcast_in_dim3A_361 : f32 to vector<16xf32>
    %swap3A_363 = arith.constant 5 : i32
    %swap3A_364 = arith.index_cast %swap3A_363 : i32 to index
    %swap3A_365 = arith.constant 80 : index
    %swap3A_366 = tpu.vector_load %arg8[%swap3A_364, %swap3A_365] {strides = array<i32>} : memref<8x128xf32, #tpu.memory_space<vmem>>, vector<1x16xf32>,
    %swap3A_367 = vector.shape_cast %swap3A_366 : vector<1x16xf32> to vector<16xf32>
    %swap3A_368 = vector.shape_cast %broadcast_in_dim3A_362 : vector<16xf32> to vector<1x16xf32>
    tpu.vector_store %arg8[%swap3A_364, %swap3A_365], %swap3A_368 {strides = array<i32>} : memref<8x128xf32, #tpu.memory_space<vmem>>, vector<1x16xf32>,
    %broadcast_in_dim3A_369 = arith.constant 0.000000e+00 : f32
    %broadcast_in_dim3A_370 = vector.broadcast %broadcast_in_dim3A_369 : f32 to vector<16xf32>
    %swap3A_371 = arith.constant 5 : i32
    %swap3A_372 = arith.index_cast %swap3A_371 : i32 to index
    %swap3A_373 = arith.constant 96 : index
    %swap3A_374 = tpu.vector_load %arg8[%swap3A_372, %swap3A_373] {strides = array<i32>} : memref<8x128xf32, #tpu.memory_space<vmem>>, vector<1x16xf32>,
    %swap3A_375 = vector.shape_cast %swap3A_374 : vector<1x16xf32> to vector<16xf32>
    %swap3A_376 = vector.shape_cast %broadcast_in_dim3A_370 : vector<16xf32> to vector<1x16xf32>
    tpu.vector_store %arg8[%swap3A_372, %swap3A_373], %swap3A_376 {strides = array<i32>} : memref<8x128xf32, #tpu.memory_space<vmem>>, vector<1x16xf32>,
    %broadcast_in_dim3A_377 = arith.constant 0.000000e+00 : f32
    %broadcast_in_dim3A_378 = vector.broadcast %broadcast_in_dim3A_377 : f32 to vector<16xf32>
    %swap3A_379 = arith.constant 5 : i32
    %swap3A_380 = arith.index_cast %swap3A_379 : i32 to index
    %swap3A_381 = arith.constant 112 : index
    %swap3A_382 = tpu.vector_load %arg8[%swap3A_380, %swap3A_381] {strides = array<i32>} : memref<8x128xf32, #tpu.memory_space<vmem>>, vector<1x16xf32>,
    %swap3A_383 = vector.shape_cast %swap3A_382 : vector<1x16xf32> to vector<16xf32>
    %swap3A_384 = vector.shape_cast %broadcast_in_dim3A_378 : vector<16xf32> to vector<1x16xf32>
    tpu.vector_store %arg8[%swap3A_380, %swap3A_381], %swap3A_384 {strides = array<i32>} : memref<8x128xf32, #tpu.memory_space<vmem>>, vector<1x16xf32>,
    %broadcast_in_dim3A_385 = arith.constant 0.000000e+00 : f32
    %broadcast_in_dim3A_386 = vector.broadcast %broadcast_in_dim3A_385 : f32 to vector<16xf32>
    %swap3A_387 = arith.constant 6 : i32
    %swap3A_388 = arith.index_cast %swap3A_387 : i32 to index
    %swap3A_389 = arith.constant 0 : index
    %swap3A_390 = tpu.vector_load %arg8[%swap3A_388, %swap3A_389] {strides = array<i32>} : memref<8x128xf32, #tpu.memory_space<vmem>>, vector<1x16xf32>,
    %swap3A_391 = vector.shape_cast %swap3A_390 : vector<1x16xf32> to vector<16xf32>
    %swap3A_392 = vector.shape_cast %broadcast_in_dim3A_386 : vector<16xf32> to vector<1x16xf32>
    tpu.vector_store %arg8[%swap3A_388, %swap3A_389], %swap3A_392 {strides = array<i32>} : memref<8x128xf32, #tpu.memory_space<vmem>>, vector<1x16xf32>,
    %broadcast_in_dim3A_393 = arith.constant 0.000000e+00 : f32
    %broadcast_in_dim3A_394 = vector.broadcast %broadcast_in_dim3A_393 : f32 to vector<16xf32>
    %swap3A_395 = arith.constant 6 : i32
    %swap3A_396 = arith.index_cast %swap3A_395 : i32 to index
    %swap3A_397 = arith.constant 16 : index
    %swap3A_398 = tpu.vector_load %arg8[%swap3A_396, %swap3A_397] {strides = array<i32>} : memref<8x128xf32, #tpu.memory_space<vmem>>, vector<1x16xf32>,
    %swap3A_399 = vector.shape_cast %swap3A_398 : vector<1x16xf32> to vector<16xf32>
    %swap3A_400 = vector.shape_cast %broadcast_in_dim3A_394 : vector<16xf32> to vector<1x16xf32>
    tpu.vector_store %arg8[%swap3A_396, %swap3A_397], %swap3A_400 {strides = array<i32>} : memref<8x128xf32, #tpu.memory_space<vmem>>, vector<1x16xf32>,
    %broadcast_in_dim3A_401 = arith.constant 0.000000e+00 : f32
    %broadcast_in_dim3A_402 = vector.broadcast %broadcast_in_dim3A_401 : f32 to vector<16xf32>
    %swap3A_403 = arith.constant 6 : i32
    %swap3A_404 = arith.index_cast %swap3A_403 : i32 to index
    %swap3A_405 = arith.constant 32 : index
    %swap3A_406 = tpu.vector_load %arg8[%swap3A_404, %swap3A_405] {strides = array<i32>} : memref<8x128xf32, #tpu.memory_space<vmem>>, vector<1x16xf32>,
    %swap3A_407 = vector.shape_cast %swap3A_406 : vector<1x16xf32> to vector<16xf32>
    %swap3A_408 = vector.shape_cast %broadcast_in_dim3A_402 : vector<16xf32> to vector<1x16xf32>
    tpu.vector_store %arg8[%swap3A_404, %swap3A_405], %swap3A_408 {strides = array<i32>} : memref<8x128xf32, #tpu.memory_space<vmem>>, vector<1x16xf32>,
    %broadcast_in_dim3A_409 = arith.constant 0.000000e+00 : f32
    %broadcast_in_dim3A_410 = vector.broadcast %broadcast_in_dim3A_409 : f32 to vector<16xf32>
    %swap3A_411 = arith.constant 6 : i32
    %swap3A_412 = arith.index_cast %swap3A_411 : i32 to index
    %swap3A_413 = arith.constant 48 : index
    %swap3A_414 = tpu.vector_load %arg8[%swap3A_412, %swap3A_413] {strides = array<i32>} : memref<8x128xf32, #tpu.memory_space<vmem>>, vector<1x16xf32>,
    %swap3A_415 = vector.shape_cast %swap3A_414 : vector<1x16xf32> to vector<16xf32>
    %swap3A_416 = vector.shape_cast %broadcast_in_dim3A_410 : vector<16xf32> to vector<1x16xf32>
    tpu.vector_store %arg8[%swap3A_412, %swap3A_413], %swap3A_416 {strides = array<i32>} : memref<8x128xf32, #tpu.memory_space<vmem>>, vector<1x16xf32>,
    %broadcast_in_dim3A_417 = arith.constant 0.000000e+00 : f32
    %broadcast_in_dim3A_418 = vector.broadcast %broadcast_in_dim3A_417 : f32 to vector<16xf32>
    %swap3A_419 = arith.constant 6 : i32
    %swap3A_420 = arith.index_cast %swap3A_419 : i32 to index
    %swap3A_421 = arith.constant 64 : index
    %swap3A_422 = tpu.vector_load %arg8[%swap3A_420, %swap3A_421] {strides = array<i32>} : memref<8x128xf32, #tpu.memory_space<vmem>>, vector<1x16xf32>,
    %swap3A_423 = vector.shape_cast %swap3A_422 : vector<1x16xf32> to vector<16xf32>
    %swap3A_424 = vector.shape_cast %broadcast_in_dim3A_418 : vector<16xf32> to vector<1x16xf32>
    tpu.vector_store %arg8[%swap3A_420, %swap3A_421], %swap3A_424 {strides = array<i32>} : memref<8x128xf32, #tpu.memory_space<vmem>>, vector<1x16xf32>,
    %broadcast_in_dim3A_425 = arith.constant 0.000000e+00 : f32
    %broadcast_in_dim3A_426 = vector.broadcast %broadcast_in_dim3A_425 : f32 to vector<16xf32>
    %swap3A_427 = arith.constant 6 : i32
    %swap3A_428 = arith.index_cast %swap3A_427 : i32 to index
    %swap3A_429 = arith.constant 80 : index
    %swap3A_430 = tpu.vector_load %arg8[%swap3A_428, %swap3A_429] {strides = array<i32>} : memref<8x128xf32, #tpu.memory_space<vmem>>, vector<1x16xf32>,
    %swap3A_431 = vector.shape_cast %swap3A_430 : vector<1x16xf32> to vector<16xf32>
    %swap3A_432 = vector.shape_cast %broadcast_in_dim3A_426 : vector<16xf32> to vector<1x16xf32>
    tpu.vector_store %arg8[%swap3A_428, %swap3A_429], %swap3A_432 {strides = array<i32>} : memref<8x128xf32, #tpu.memory_space<vmem>>, vector<1x16xf32>,
    %broadcast_in_dim3A_433 = arith.constant 0.000000e+00 : f32
    %broadcast_in_dim3A_434 = vector.broadcast %broadcast_in_dim3A_433 : f32 to vector<16xf32>
    %swap3A_435 = arith.constant 6 : i32
    %swap3A_436 = arith.index_cast %swap3A_435 : i32 to index
    %swap3A_437 = arith.constant 96 : index
    %swap3A_438 = tpu.vector_load %arg8[%swap3A_436, %swap3A_437] {strides = array<i32>} : memref<8x128xf32, #tpu.memory_space<vmem>>, vector<1x16xf32>,
    %swap3A_439 = vector.shape_cast %swap3A_438 : vector<1x16xf32> to vector<16xf32>
    %swap3A_440 = vector.shape_cast %broadcast_in_dim3A_434 : vector<16xf32> to vector<1x16xf32>
    tpu.vector_store %arg8[%swap3A_436, %swap3A_437], %swap3A_440 {strides = array<i32>} : memref<8x128xf32, #tpu.memory_space<vmem>>, vector<1x16xf32>,
    %broadcast_in_dim3A_441 = arith.constant 0.000000e+00 : f32
    %broadcast_in_dim3A_442 = vector.broadcast %broadcast_in_dim3A_441 : f32 to vector<16xf32>
    %swap3A_443 = arith.constant 6 : i32
    %swap3A_444 = arith.index_cast %swap3A_443 : i32 to index
    %swap3A_445 = arith.constant 112 : index
    %swap3A_446 = tpu.vector_load %arg8[%swap3A_444, %swap3A_445] {strides = array<i32>} : memref<8x128xf32, #tpu.memory_space<vmem>>, vector<1x16xf32>,
    %swap3A_447 = vector.shape_cast %swap3A_446 : vector<1x16xf32> to vector<16xf32>
    %swap3A_448 = vector.shape_cast %broadcast_in_dim3A_442 : vector<16xf32> to vector<1x16xf32>
    tpu.vector_store %arg8[%swap3A_444, %swap3A_445], %swap3A_448 {strides = array<i32>} : memref<8x128xf32, #tpu.memory_space<vmem>>, vector<1x16xf32>,
    %broadcast_in_dim3A_449 = arith.constant 0.000000e+00 : f32
    %broadcast_in_dim3A_450 = vector.broadcast %broadcast_in_dim3A_449 : f32 to vector<16xf32>
    %swap3A_451 = arith.constant 7 : i32
    %swap3A_452 = arith.index_cast %swap3A_451 : i32 to index
    %swap3A_453 = arith.constant 0 : index
    %swap3A_454 = tpu.vector_load %arg8[%swap3A_452, %swap3A_453] {strides = array<i32>} : memref<8x128xf32, #tpu.memory_space<vmem>>, vector<1x16xf32>,
    %swap3A_455 = vector.shape_cast %swap3A_454 : vector<1x16xf32> to vector<16xf32>
    %swap3A_456 = vector.shape_cast %broadcast_in_dim3A_450 : vector<16xf32> to vector<1x16xf32>
    tpu.vector_store %arg8[%swap3A_452, %swap3A_453], %swap3A_456 {strides = array<i32>} : memref<8x128xf32, #tpu.memory_space<vmem>>, vector<1x16xf32>,
    %broadcast_in_dim3A_457 = arith.constant 0.000000e+00 : f32
    %broadcast_in_dim3A_458 = vector.broadcast %broadcast_in_dim3A_457 : f32 to vector<16xf32>
    %swap3A_459 = arith.constant 7 : i32
    %swap3A_460 = arith.index_cast %swap3A_459 : i32 to index
    %swap3A_461 = arith.constant 16 : index
    %swap3A_462 = tpu.vector_load %arg8[%swap3A_460, %swap3A_461] {strides = array<i32>} : memref<8x128xf32, #tpu.memory_space<vmem>>, vector<1x16xf32>,
    %swap3A_463 = vector.shape_cast %swap3A_462 : vector<1x16xf32> to vector<16xf32>
    %swap3A_464 = vector.shape_cast %broadcast_in_dim3A_458 : vector<16xf32> to vector<1x16xf32>
    tpu.vector_store %arg8[%swap3A_460, %swap3A_461], %swap3A_464 {strides = array<i32>} : memref<8x128xf32, #tpu.memory_space<vmem>>, vector<1x16xf32>,
    %broadcast_in_dim3A_465 = arith.constant 0.000000e+00 : f32
    %broadcast_in_dim3A_466 = vector.broadcast %broadcast_in_dim3A_465 : f32 to vector<16xf32>
    %swap3A_467 = arith.constant 7 : i32
    %swap3A_468 = arith.index_cast %swap3A_467 : i32 to index
    %swap3A_469 = arith.constant 32 : index
    %swap3A_470 = tpu.vector_load %arg8[%swap3A_468, %swap3A_469] {strides = array<i32>} : memref<8x128xf32, #tpu.memory_space<vmem>>, vector<1x16xf32>,
    %swap3A_471 = vector.shape_cast %swap3A_470 : vector<1x16xf32> to vector<16xf32>
    %swap3A_472 = vector.shape_cast %broadcast_in_dim3A_466 : vector<16xf32> to vector<1x16xf32>
    tpu.vector_store %arg8[%swap3A_468, %swap3A_469], %swap3A_472 {strides = array<i32>} : memref<8x128xf32, #tpu.memory_space<vmem>>, vector<1x16xf32>,
    %broadcast_in_dim3A_473 = arith.constant 0.000000e+00 : f32
    %broadcast_in_dim3A_474 = vector.broadcast %broadcast_in_dim3A_473 : f32 to vector<16xf32>
    %swap3A_475 = arith.constant 7 : i32
    %swap3A_476 = arith.index_cast %swap3A_475 : i32 to index
    %swap3A_477 = arith.constant 48 : index
    %swap3A_478 = tpu.vector_load %arg8[%swap3A_476, %swap3A_477] {strides = array<i32>} : memref<8x128xf32, #tpu.memory_space<vmem>>, vector<1x16xf32>,
    %swap3A_479 = vector.shape_cast %swap3A_478 : vector<1x16xf32> to vector<16xf32>
    %swap3A_480 = vector.shape_cast %broadcast_in_dim3A_474 : vector<16xf32> to vector<1x16xf32>
    tpu.vector_store %arg8[%swap3A_476, %swap3A_477], %swap3A_480 {strides = array<i32>} : memref<8x128xf32, #tpu.memory_space<vmem>>, vector<1x16xf32>,
    %broadcast_in_dim3A_481 = arith.constant 0.000000e+00 : f32
    %broadcast_in_dim3A_482 = vector.broadcast %broadcast_in_dim3A_481 : f32 to vector<16xf32>
    %swap3A_483 = arith.constant 7 : i32
    %swap3A_484 = arith.index_cast %swap3A_483 : i32 to index
    %swap3A_485 = arith.constant 64 : index
    %swap3A_486 = tpu.vector_load %arg8[%swap3A_484, %swap3A_485] {strides = array<i32>} : memref<8x128xf32, #tpu.memory_space<vmem>>, vector<1x16xf32>,
    %swap3A_487 = vector.shape_cast %swap3A_486 : vector<1x16xf32> to vector<16xf32>
    %swap3A_488 = vector.shape_cast %broadcast_in_dim3A_482 : vector<16xf32> to vector<1x16xf32>
    tpu.vector_store %arg8[%swap3A_484, %swap3A_485], %swap3A_488 {strides = array<i32>} : memref<8x128xf32, #tpu.memory_space<vmem>>, vector<1x16xf32>,
    %broadcast_in_dim3A_489 = arith.constant 0.000000e+00 : f32
    %broadcast_in_dim3A_490 = vector.broadcast %broadcast_in_dim3A_489 : f32 to vector<16xf32>
    %swap3A_491 = arith.constant 7 : i32
    %swap3A_492 = arith.index_cast %swap3A_491 : i32 to index
    %swap3A_493 = arith.constant 80 : index
    %swap3A_494 = tpu.vector_load %arg8[%swap3A_492, %swap3A_493] {strides = array<i32>} : memref<8x128xf32, #tpu.memory_space<vmem>>, vector<1x16xf32>,
    %swap3A_495 = vector.shape_cast %swap3A_494 : vector<1x16xf32> to vector<16xf32>
    %swap3A_496 = vector.shape_cast %broadcast_in_dim3A_490 : vector<16xf32> to vector<1x16xf32>
    tpu.vector_store %arg8[%swap3A_492, %swap3A_493], %swap3A_496 {strides = array<i32>} : memref<8x128xf32, #tpu.memory_space<vmem>>, vector<1x16xf32>,
    %broadcast_in_dim3A_497 = arith.constant 0.000000e+00 : f32
    %broadcast_in_dim3A_498 = vector.broadcast %broadcast_in_dim3A_497 : f32 to vector<16xf32>
    %swap3A_499 = arith.constant 7 : i32
    %swap3A_500 = arith.index_cast %swap3A_499 : i32 to index
    %swap3A_501 = arith.constant 96 : index
    %swap3A_502 = tpu.vector_load %arg8[%swap3A_500, %swap3A_501] {strides = array<i32>} : memref<8x128xf32, #tpu.memory_space<vmem>>, vector<1x16xf32>,
    %swap3A_503 = vector.shape_cast %swap3A_502 : vector<1x16xf32> to vector<16xf32>
    %swap3A_504 = vector.shape_cast %broadcast_in_dim3A_498 : vector<16xf32> to vector<1x16xf32>
    tpu.vector_store %arg8[%swap3A_500, %swap3A_501], %swap3A_504 {strides = array<i32>} : memref<8x128xf32, #tpu.memory_space<vmem>>, vector<1x16xf32>,
    %broadcast_in_dim3A_505 = arith.constant 0.000000e+00 : f32
    %broadcast_in_dim3A_506 = vector.broadcast %broadcast_in_dim3A_505 : f32 to vector<16xf32>
    %swap3A_507 = arith.constant 7 : i32
    %swap3A_508 = arith.index_cast %swap3A_507 : i32 to index
    %swap3A_509 = arith.constant 112 : index
    %swap3A_510 = tpu.vector_load %arg8[%swap3A_508, %swap3A_509] {strides = array<i32>} : memref<8x128xf32, #tpu.memory_space<vmem>>, vector<1x16xf32>,
    %swap3A_511 = vector.shape_cast %swap3A_510 : vector<1x16xf32> to vector<16xf32>
    %swap3A_512 = vector.shape_cast %broadcast_in_dim3A_506 : vector<16xf32> to vector<1x16xf32>
    tpu.vector_store %arg8[%swap3A_508, %swap3A_509], %swap3A_512 {strides = array<i32>} : memref<8x128xf32, #tpu.memory_space<vmem>>, vector<1x16xf32>,
    %scan3A = arith.constant 0 : i32
    %scan3A_513 = arith.constant 80 : i32
    %scan3A_514 = arith.addi %scan3A, %scan3A_513 : i32
    %scan3A_515 = arith.constant 1 : i32
    scf.for %scan3A_603 = %scan3A to %scan3A_514 step %scan3A_515  : i32 {
      %mul3A_604 = arith.constant 1 : i32
      %mul3A_605 = arith.muli %scan3A_603, %mul3A_604 : i32
      %add3A_606 = arith.constant 0 : i32
      %add3A_607 = arith.addi %add3A_606, %mul3A_605 : i32
      %mul3A_608 = arith.constant 8 : i32
      %mul3A_609 = arith.muli %add3A_607, %mul3A_608 : i32
      %add3A_610 = arith.addi %mul3A_2, %mul3A_609 : i32
      "tpu.region"() ({
        %run_scoped3A = tpu.sem_alloc : memref<!tpu.dma_semaphore, #tpu.memory_space<semaphore_mem>>
        %dma_start3A_611 = arith.constant 0 : i32
        %dma_start3A_612 = tpu.memref_slice %arg9[%add3A_610, %dma_start3A_611] : memref<10240x128xf32, #tpu.memory_space<vmem_shared>> -> memref<8x128xf32, #tpu.memory_space<vmem_shared>>
        %dma_start3A_613 = arith.constant 0 : i32
        %dma_start3A_614 = tpu.memref_slice %arg9[%add3A_610, %dma_start3A_613] : memref<10240x128xf32, #tpu.memory_space<vmem_shared>> -> memref<8x128xf32, #tpu.memory_space<vmem_shared>>
        tpu.enqueue_dma source(%arg8 : memref<8x128xf32, #tpu.memory_space<vmem>>) target(%dma_start3A_614 : memref<8x128xf32, #tpu.memory_space<vmem_shared>>) target_semaphore(%run_scoped3A : memref<!tpu.dma_semaphore, #tpu.memory_space<semaphore_mem>>)
        %dma_wait3A_615 = arith.constant 0 : i32
        %dma_wait3A_616 = tpu.memref_slice %arg9[%add3A_610, %dma_wait3A_615] : memref<10240x128xf32, #tpu.memory_space<vmem_shared>> -> memref<8x128xf32, #tpu.memory_space<vmem_shared>>
        %dma_wait3A_617 = arith.constant 0 : i32
        %dma_wait3A_618 = tpu.memref_slice %arg9[%add3A_610, %dma_wait3A_617] : memref<10240x128xf32, #tpu.memory_space<vmem_shared>> -> memref<8x128xf32, #tpu.memory_space<vmem_shared>>
        tpu.wait_dma2 semaphore(%run_scoped3A : memref<!tpu.dma_semaphore, #tpu.memory_space<semaphore_mem>>) src(%arg8 : memref<8x128xf32, #tpu.memory_space<vmem>>) dst(%dma_wait3A_618 : memref<8x128xf32, #tpu.memory_space<vmem_shared>>)
        tpu.yield
      }) : () -> ()
    }
    %scan3A_516 = arith.constant 80 : i32
    %broadcast_in_dim3A_517 = arith.constant 1.000000e+00 : f32
    %broadcast_in_dim3A_518 = vector.broadcast %broadcast_in_dim3A_517 : f32 to vector<16xf32>
    %scan3A_519 = arith.constant 0 : i32
    %scan3A_520 = arith.constant 128 : i32
    %scan3A_521 = arith.addi %scan3A_519, %scan3A_520 : i32
    %scan3A_522 = arith.constant 1 : i32
    scf.for %scan3A_603 = %scan3A_519 to %scan3A_521 step %scan3A_522  : i32 {
      %mul3A_604 = arith.constant 1 : i32
      %mul3A_605 = arith.muli %scan3A_603, %mul3A_604 : i32
      %add3A_606 = arith.constant 0 : i32
      %add3A_607 = arith.addi %add3A_606, %mul3A_605 : i32
      %swap3A_608 = arith.constant 1 : i32
      %swap3A_609 = arith.index_cast %swap3A_608 : i32 to index
      %swap3A_610 = arith.index_cast %add3A_607 : i32 to index
      %swap3A_611 = arith.constant 0 : index
      %swap3A_612 = tpu.vector_load %arg7[%swap3A_609, %swap3A_610, %swap3A_611] {strides = array<i32>} : memref<2x128x128xf32, #tpu.memory_space<vmem>>, vector<1x1x16xf32>,
      %swap3A_613 = vector.shape_cast %swap3A_612 : vector<1x1x16xf32> to vector<16xf32>
      %swap3A_614 = vector.shape_cast %broadcast_in_dim3A_518 : vector<16xf32> to vector<1x1x16xf32>
      tpu.vector_store %arg7[%swap3A_609, %swap3A_610, %swap3A_611], %swap3A_614 {strides = array<i32>} : memref<2x128x128xf32, #tpu.memory_space<vmem>>, vector<1x1x16xf32>,
      %swap3A_615 = arith.constant 1 : i32
      %swap3A_616 = arith.index_cast %swap3A_615 : i32 to index
      %swap3A_617 = arith.index_cast %add3A_607 : i32 to index
      %swap3A_618 = arith.constant 16 : index
      %swap3A_619 = tpu.vector_load %arg7[%swap3A_616, %swap3A_617, %swap3A_618] {strides = array<i32>} : memref<2x128x128xf32, #tpu.memory_space<vmem>>, vector<1x1x16xf32>,
      %swap3A_620 = vector.shape_cast %swap3A_619 : vector<1x1x16xf32> to vector<16xf32>
      %swap3A_621 = vector.shape_cast %broadcast_in_dim3A_518 : vector<16xf32> to vector<1x1x16xf32>
      tpu.vector_store %arg7[%swap3A_616, %swap3A_617, %swap3A_618], %swap3A_621 {strides = array<i32>} : memref<2x128x128xf32, #tpu.memory_space<vmem>>, vector<1x1x16xf32>,
      %swap3A_622 = arith.constant 1 : i32
      %swap3A_623 = arith.index_cast %swap3A_622 : i32 to index
      %swap3A_624 = arith.index_cast %add3A_607 : i32 to index
      %swap3A_625 = arith.constant 32 : index
      %swap3A_626 = tpu.vector_load %arg7[%swap3A_623, %swap3A_624, %swap3A_625] {strides = array<i32>} : memref<2x128x128xf32, #tpu.memory_space<vmem>>, vector<1x1x16xf32>,
      %swap3A_627 = vector.shape_cast %swap3A_626 : vector<1x1x16xf32> to vector<16xf32>
      %swap3A_628 = vector.shape_cast %broadcast_in_dim3A_518 : vector<16xf32> to vector<1x1x16xf32>
      tpu.vector_store %arg7[%swap3A_623, %swap3A_624, %swap3A_625], %swap3A_628 {strides = array<i32>} : memref<2x128x128xf32, #tpu.memory_space<vmem>>, vector<1x1x16xf32>,
      %swap3A_629 = arith.constant 1 : i32
      %swap3A_630 = arith.index_cast %swap3A_629 : i32 to index
      %swap3A_631 = arith.index_cast %add3A_607 : i32 to index
      %swap3A_632 = arith.constant 48 : index
      %swap3A_633 = tpu.vector_load %arg7[%swap3A_630, %swap3A_631, %swap3A_632] {strides = array<i32>} : memref<2x128x128xf32, #tpu.memory_space<vmem>>, vector<1x1x16xf32>,
      %swap3A_634 = vector.shape_cast %swap3A_633 : vector<1x1x16xf32> to vector<16xf32>
      %swap3A_635 = vector.shape_cast %broadcast_in_dim3A_518 : vector<16xf32> to vector<1x1x16xf32>
      tpu.vector_store %arg7[%swap3A_630, %swap3A_631, %swap3A_632], %swap3A_635 {strides = array<i32>} : memref<2x128x128xf32, #tpu.memory_space<vmem>>, vector<1x1x16xf32>,
      %swap3A_636 = arith.constant 1 : i32
      %swap3A_637 = arith.index_cast %swap3A_636 : i32 to index
      %swap3A_638 = arith.index_cast %add3A_607 : i32 to index
      %swap3A_639 = arith.constant 64 : index
      %swap3A_640 = tpu.vector_load %arg7[%swap3A_637, %swap3A_638, %swap3A_639] {strides = array<i32>} : memref<2x128x128xf32, #tpu.memory_space<vmem>>, vector<1x1x16xf32>,
      %swap3A_641 = vector.shape_cast %swap3A_640 : vector<1x1x16xf32> to vector<16xf32>
      %swap3A_642 = vector.shape_cast %broadcast_in_dim3A_518 : vector<16xf32> to vector<1x1x16xf32>
      tpu.vector_store %arg7[%swap3A_637, %swap3A_638, %swap3A_639], %swap3A_642 {strides = array<i32>} : memref<2x128x128xf32, #tpu.memory_space<vmem>>, vector<1x1x16xf32>,
      %swap3A_643 = arith.constant 1 : i32
      %swap3A_644 = arith.index_cast %swap3A_643 : i32 to index
      %swap3A_645 = arith.index_cast %add3A_607 : i32 to index
      %swap3A_646 = arith.constant 80 : index
      %swap3A_647 = tpu.vector_load %arg7[%swap3A_644, %swap3A_645, %swap3A_646] {strides = array<i32>} : memref<2x128x128xf32, #tpu.memory_space<vmem>>, vector<1x1x16xf32>,
      %swap3A_648 = vector.shape_cast %swap3A_647 : vector<1x1x16xf32> to vector<16xf32>
      %swap3A_649 = vector.shape_cast %broadcast_in_dim3A_518 : vector<16xf32> to vector<1x1x16xf32>
      tpu.vector_store %arg7[%swap3A_644, %swap3A_645, %swap3A_646], %swap3A_649 {strides = array<i32>} : memref<2x128x128xf32, #tpu.memory_space<vmem>>, vector<1x1x16xf32>,
      %swap3A_650 = arith.constant 1 : i32
      %swap3A_651 = arith.index_cast %swap3A_650 : i32 to index
      %swap3A_652 = arith.index_cast %add3A_607 : i32 to index
      %swap3A_653 = arith.constant 96 : index
      %swap3A_654 = tpu.vector_load %arg7[%swap3A_651, %swap3A_652, %swap3A_653] {strides = array<i32>} : memref<2x128x128xf32, #tpu.memory_space<vmem>>, vector<1x1x16xf32>,
      %swap3A_655 = vector.shape_cast %swap3A_654 : vector<1x1x16xf32> to vector<16xf32>
      %swap3A_656 = vector.shape_cast %broadcast_in_dim3A_518 : vector<16xf32> to vector<1x1x16xf32>
      tpu.vector_store %arg7[%swap3A_651, %swap3A_652, %swap3A_653], %swap3A_656 {strides = array<i32>} : memref<2x128x128xf32, #tpu.memory_space<vmem>>, vector<1x1x16xf32>,
      %swap3A_657 = arith.constant 1 : i32
      %swap3A_658 = arith.index_cast %swap3A_657 : i32 to index
      %swap3A_659 = arith.index_cast %add3A_607 : i32 to index
      %swap3A_660 = arith.constant 112 : index
      %swap3A_661 = tpu.vector_load %arg7[%swap3A_658, %swap3A_659, %swap3A_660] {strides = array<i32>} : memref<2x128x128xf32, #tpu.memory_space<vmem>>, vector<1x1x16xf32>,
      %swap3A_662 = vector.shape_cast %swap3A_661 : vector<1x1x16xf32> to vector<16xf32>
      %swap3A_663 = vector.shape_cast %broadcast_in_dim3A_518 : vector<16xf32> to vector<1x1x16xf32>
      tpu.vector_store %arg7[%swap3A_658, %swap3A_659, %swap3A_660], %swap3A_663 {strides = array<i32>} : memref<2x128x128xf32, #tpu.memory_space<vmem>>, vector<1x1x16xf32>,
    }
    %scan3A_523 = arith.constant 128 : i32
    %barrier3A = arith.constant 0 : index
    tpu.barrier barrier_id(%barrier3A)
    %mul3A_524 = arith.constant 10112 : i32
    %mul3A_525 = arith.muli %add3A, %mul3A_524 : i32
    %add3A_526 = arith.constant 0 : i32
    %add3A_527 = arith.addi %mul3A_525, %add3A_526 : i32
    %dma_start3A = arith.constant 0 : i32
    %dma_start3A_528 = arith.constant 0 : i32
    %dma_start3A_529 = arith.constant 0 : i32
    %dma_start3A_530 = tpu.memref_slice %arg6[%dma_start3A, %dma_start3A_528, %dma_start3A_529] : memref<4x2x128xi32, #tpu.memory_space<vmem>> -> memref<1x2x128xi32, #tpu.memory_space<vmem>>
    %dma_start3A_531 = tpu.memref_squeeze %dma_start3A_530 : memref<1x2x128xi32, #tpu.memory_space<vmem>> -> memref<2x128xi32, #tpu.memory_space<vmem>>
    %dma_start3A_532 = arith.constant 0 : i32
    %dma_start3A_533 = tpu.memref_slice %arg3[%dma_start3A_532, %add3A_527] : memref<2x323584xi32, #tpu.memory_space<hbm>> -> memref<2x128xi32, #tpu.memory_space<hbm>>
    %dma_start3A_534 = arith.constant 0 : i32
    %dma_start3A_535 = arith.constant 0 : i32
    %dma_start3A_536 = tpu.memref_slice %arg6[%dma_start3A, %dma_start3A_534, %dma_start3A_535] : memref<4x2x128xi32, #tpu.memory_space<vmem>> -> memref<1x2x128xi32, #tpu.memory_space<vmem>>
    %dma_start3A_537 = tpu.memref_squeeze %dma_start3A_536 : memref<1x2x128xi32, #tpu.memory_space<vmem>> -> memref<2x128xi32, #tpu.memory_space<vmem>>
    %dma_start3A_538 = arith.constant 0 : i32
    %dma_start3A_539 = tpu.memref_slice %arg3[%dma_start3A_538, %add3A_527] : memref<2x323584xi32, #tpu.memory_space<hbm>> -> memref<2x128xi32, #tpu.memory_space<hbm>>
    tpu.enqueue_dma source(%dma_start3A_539 : memref<2x128xi32, #tpu.memory_space<hbm>>) target(%dma_start3A_537 : memref<2x128xi32, #tpu.memory_space<vmem>>) target_semaphore(%arg10 : memref<!tpu.dma_semaphore, #tpu.memory_space<semaphore_mem>>)
    %add3A_540 = arith.constant 128 : i32
    %add3A_541 = arith.addi %mul3A_525, %add3A_540 : i32
    %dma_start3A_542 = arith.constant 1 : i32
    %dma_start3A_543 = arith.constant 0 : i32
    %dma_start3A_544 = arith.constant 0 : i32
    %dma_start3A_545 = tpu.memref_slice %arg6[%dma_start3A_542, %dma_start3A_543, %dma_start3A_544] : memref<4x2x128xi32, #tpu.memory_space<vmem>> -> memref<1x2x128xi32, #tpu.memory_space<vmem>>
    %dma_start3A_546 = tpu.memref_squeeze %dma_start3A_545 : memref<1x2x128xi32, #tpu.memory_space<vmem>> -> memref<2x128xi32, #tpu.memory_space<vmem>>
    %dma_start3A_547 = arith.constant 0 : i32
    %dma_start3A_548 = tpu.memref_slice %arg3[%dma_start3A_547, %add3A_541] : memref<2x323584xi32, #tpu.memory_space<hbm>> -> memref<2x128xi32, #tpu.memory_space<hbm>>
    %dma_start3A_549 = arith.constant 0 : i32
    %dma_start3A_550 = arith.constant 0 : i32
    %dma_start3A_551 = tpu.memref_slice %arg6[%dma_start3A_542, %dma_start3A_549, %dma_start3A_550] : memref<4x2x128xi32, #tpu.memory_space<vmem>> -> memref<1x2x128xi32, #tpu.memory_space<vmem>>
    %dma_start3A_552 = tpu.memref_squeeze %dma_start3A_551 : memref<1x2x128xi32, #tpu.memory_space<vmem>> -> memref<2x128xi32, #tpu.memory_space<vmem>>
    %dma_start3A_553 = arith.constant 0 : i32
    %dma_start3A_554 = tpu.memref_slice %arg3[%dma_start3A_553, %add3A_541] : memref<2x323584xi32, #tpu.memory_space<hbm>> -> memref<2x128xi32, #tpu.memory_space<hbm>>
    tpu.enqueue_dma source(%dma_start3A_554 : memref<2x128xi32, #tpu.memory_space<hbm>>) target(%dma_start3A_552 : memref<2x128xi32, #tpu.memory_space<vmem>>) target_semaphore(%arg10 : memref<!tpu.dma_semaphore, #tpu.memory_space<semaphore_mem>>)
    %scan3A_555 = arith.constant 0 : i32
    %scan3A_556 = arith.constant 79 : i32
    %scan3A_557 = arith.addi %scan3A_555, %scan3A_556 : i32
    %scan3A_558 = arith.constant 1 : i32
    scf.for %scan3A_603 = %scan3A_555 to %scan3A_557 step %scan3A_558  : i32 {
      %mul3A_604 = arith.constant 1 : i32
      %mul3A_605 = arith.muli %scan3A_603, %mul3A_604 : i32
      %add3A_606 = arith.constant 0 : i32
      %add3A_607 = arith.addi %add3A_606, %mul3A_605 : i32
      %ge3A = arith.constant 2 : i32
      %ge3A_608 = arith.cmpi sge, %add3A_607, %ge3A : i32
      %convert_element_type3A_609 = arith.extui %ge3A_608 : i1 to i32
      %cond3A_610 = arith.constant 0 : i32
      %cond3A_611 = arith.cmpi ne, %convert_element_type3A_609, %cond3A_610 : i32
      scf.if %cond3A_611 {
        %sub3A = arith.constant 2 : i32
        %sub3A_649 = arith.subi %add3A_607, %sub3A : i32
        %rem3A_650 = arith.constant 4 : i32
        %rem3A_651 = arith.remsi %sub3A_649, %rem3A_650 : i32
        %dma_wait3A_652 = arith.constant 1 : i32
        %dma_wait3A_653 = arith.constant 1 : i32
        %dma_wait3A_654 = arith.constant 0 : i32
        %dma_wait3A_655 = arith.constant 0 : i32
        %dma_wait3A_656 = tpu.memref_slice %arg7[%dma_wait3A_652, %dma_wait3A_654, %dma_wait3A_655] : memref<2x128x128xf32, #tpu.memory_space<vmem>> -> memref<1x128x128xf32, #tpu.memory_space<vmem>>
        %dma_wait3A_657 = tpu.memref_squeeze %dma_wait3A_656 : memref<1x128x128xf32, #tpu.memory_space<vmem>> -> memref<128x128xf32, #tpu.memory_space<vmem>>
        %dma_wait3A_658 = arith.constant 0 : i32
        %dma_wait3A_659 = tpu.memref_slice %arg6[%rem3A_651, %dma_wait3A_653, %dma_wait3A_658] : memref<4x2x128xi32, #tpu.memory_space<vmem>> -> memref<1x1x128xi32, #tpu.memory_space<vmem>>
        %dma_wait3A_660 = tpu.memref_squeeze %dma_wait3A_659 : memref<1x1x128xi32, #tpu.memory_space<vmem>> -> memref<128xi32, #tpu.memory_space<vmem>>
        %dma_wait3A_661 = arith.constant 0 : i32
        %dma_wait3A_662 = arith.constant 0 : i32
        %dma_wait3A_663 = tpu.memref_slice %arg9[%dma_wait3A_661, %dma_wait3A_662] : memref<10240x128xf32, #tpu.memory_space<vmem_shared>> -> memref<10240x128xf32, #tpu.memory_space<vmem_shared>>
        tpu.wait_indirect_dma semaphore(%arg12 : memref<!tpu.dma_semaphore, #tpu.memory_space<semaphore_mem>>) src(%dma_wait3A_657 : memref<128x128xf32, #tpu.memory_space<vmem>>) dst(%dma_wait3A_663 : memref<10240x128xf32, #tpu.memory_space<vmem_shared>>)
      } else {
      }
      %add3A_612 = arith.constant 2 : i32
      %add3A_613 = arith.addi %add3A_607, %add3A_612 : i32
      %lt3A = arith.constant 79 : i32
      %lt3A_614 = arith.cmpi slt, %add3A_613, %lt3A : i32
      %convert_element_type3A_615 = arith.extui %lt3A_614 : i1 to i32
      %cond3A_616 = arith.constant 0 : i32
      %cond3A_617 = arith.cmpi ne, %convert_element_type3A_615, %cond3A_616 : i32
      scf.if %cond3A_617 {
        %add3A_649 = arith.constant 2 : i32
        %add3A_650 = arith.addi %add3A_607, %add3A_649 : i32
        %mul3A_651 = arith.constant 128 : i32
        %mul3A_652 = arith.muli %add3A_650, %mul3A_651 : i32
        %add3A_653 = arith.addi %mul3A_525, %mul3A_652 : i32
        %add3A_654 = arith.constant 2 : i32
        %add3A_655 = arith.addi %add3A_607, %add3A_654 : i32
        %rem3A_656 = arith.constant 4 : i32
        %rem3A_657 = arith.remsi %add3A_655, %rem3A_656 : i32
        %dma_start3A_658 = arith.constant 0 : i32
        %dma_start3A_659 = arith.constant 0 : i32
        %dma_start3A_660 = tpu.memref_slice %arg6[%rem3A_657, %dma_start3A_658, %dma_start3A_659] : memref<4x2x128xi32, #tpu.memory_space<vmem>> -> memref<1x2x128xi32, #tpu.memory_space<vmem>>
        %dma_start3A_661 = tpu.memref_squeeze %dma_start3A_660 : memref<1x2x128xi32, #tpu.memory_space<vmem>> -> memref<2x128xi32, #tpu.memory_space<vmem>>
        %dma_start3A_662 = arith.constant 0 : i32
        %dma_start3A_663 = tpu.memref_slice %arg3[%dma_start3A_662, %add3A_653] : memref<2x323584xi32, #tpu.memory_space<hbm>> -> memref<2x128xi32, #tpu.memory_space<hbm>>
        %dma_start3A_664 = arith.constant 0 : i32
        %dma_start3A_665 = arith.constant 0 : i32
        %dma_start3A_666 = tpu.memref_slice %arg6[%rem3A_657, %dma_start3A_664, %dma_start3A_665] : memref<4x2x128xi32, #tpu.memory_space<vmem>> -> memref<1x2x128xi32, #tpu.memory_space<vmem>>
        %dma_start3A_667 = tpu.memref_squeeze %dma_start3A_666 : memref<1x2x128xi32, #tpu.memory_space<vmem>> -> memref<2x128xi32, #tpu.memory_space<vmem>>
        %dma_start3A_668 = arith.constant 0 : i32
        %dma_start3A_669 = tpu.memref_slice %arg3[%dma_start3A_668, %add3A_653] : memref<2x323584xi32, #tpu.memory_space<hbm>> -> memref<2x128xi32, #tpu.memory_space<hbm>>
        tpu.enqueue_dma source(%dma_start3A_669 : memref<2x128xi32, #tpu.memory_space<hbm>>) target(%dma_start3A_667 : memref<2x128xi32, #tpu.memory_space<vmem>>) target_semaphore(%arg10 : memref<!tpu.dma_semaphore, #tpu.memory_space<semaphore_mem>>)
      } else {
      }
      %mul3A_618 = arith.constant 128 : i32
      %mul3A_619 = arith.muli %add3A_607, %mul3A_618 : i32
      %add3A_620 = arith.addi %mul3A_525, %mul3A_619 : i32
      %rem3A_621 = arith.constant 4 : i32
      %rem3A_622 = arith.remsi %add3A_607, %rem3A_621 : i32
      %dma_wait3A_623 = arith.constant 0 : i32
      %dma_wait3A_624 = arith.constant 0 : i32
      %dma_wait3A_625 = tpu.memref_slice %arg6[%rem3A_622, %dma_wait3A_623, %dma_wait3A_624] : memref<4x2x128xi32, #tpu.memory_space<vmem>> -> memref<1x2x128xi32, #tpu.memory_space<vmem>>
      %dma_wait3A_626 = tpu.memref_squeeze %dma_wait3A_625 : memref<1x2x128xi32, #tpu.memory_space<vmem>> -> memref<2x128xi32, #tpu.memory_space<vmem>>
      %dma_wait3A_627 = arith.constant 0 : i32
      %dma_wait3A_628 = tpu.memref_slice %arg3[%dma_wait3A_627, %add3A_620] : memref<2x323584xi32, #tpu.memory_space<hbm>> -> memref<2x128xi32, #tpu.memory_space<hbm>>
      %dma_wait3A_629 = arith.constant 0 : i32
      %dma_wait3A_630 = arith.constant 0 : i32
      %dma_wait3A_631 = tpu.memref_slice %arg6[%rem3A_622, %dma_wait3A_629, %dma_wait3A_630] : memref<4x2x128xi32, #tpu.memory_space<vmem>> -> memref<1x2x128xi32, #tpu.memory_space<vmem>>
      %dma_wait3A_632 = tpu.memref_squeeze %dma_wait3A_631 : memref<1x2x128xi32, #tpu.memory_space<vmem>> -> memref<2x128xi32, #tpu.memory_space<vmem>>
      %dma_wait3A_633 = arith.constant 0 : i32
      %dma_wait3A_634 = tpu.memref_slice %arg3[%dma_wait3A_633, %add3A_620] : memref<2x323584xi32, #tpu.memory_space<hbm>> -> memref<2x128xi32, #tpu.memory_space<hbm>>
      tpu.wait_dma2 semaphore(%arg10 : memref<!tpu.dma_semaphore, #tpu.memory_space<semaphore_mem>>) src(%dma_wait3A_634 : memref<2x128xi32, #tpu.memory_space<hbm>>) dst(%dma_wait3A_632 : memref<2x128xi32, #tpu.memory_space<vmem>>)
      %rem3A_635 = arith.constant 4 : i32
      %rem3A_636 = arith.remsi %add3A_607, %rem3A_635 : i32
      %dma_start3A_637 = arith.constant 1 : i32
      %dma_start3A_638 = arith.constant 1 : i32
      %dma_start3A_639 = arith.constant 0 : i32
      %dma_start3A_640 = arith.constant 0 : i32
      %dma_start3A_641 = tpu.memref_slice %arg7[%dma_start3A_637, %dma_start3A_639, %dma_start3A_640] : memref<2x128x128xf32, #tpu.memory_space<vmem>> -> memref<1x128x128xf32, #tpu.memory_space<vmem>>
      %dma_start3A_642 = tpu.memref_squeeze %dma_start3A_641 : memref<1x128x128xf32, #tpu.memory_space<vmem>> -> memref<128x128xf32, #tpu.memory_space<vmem>>
      %dma_start3A_643 = arith.constant 0 : i32
      %dma_start3A_644 = tpu.memref_slice %arg6[%rem3A_636, %dma_start3A_638, %dma_start3A_643] : memref<4x2x128xi32, #tpu.memory_space<vmem>> -> memref<1x1x128xi32, #tpu.memory_space<vmem>>
      %dma_start3A_645 = tpu.memref_squeeze %dma_start3A_644 : memref<1x1x128xi32, #tpu.memory_space<vmem>> -> memref<128xi32, #tpu.memory_space<vmem>>
      %dma_start3A_646 = arith.constant 0 : i32
      %dma_start3A_647 = arith.constant 0 : i32
      %dma_start3A_648 = tpu.memref_slice %arg9[%dma_start3A_646, %dma_start3A_647] : memref<10240x128xf32, #tpu.memory_space<vmem_shared>> -> memref<10240x128xf32, #tpu.memory_space<vmem_shared>>
      tpu.enqueue_indirect_dma source(%dma_start3A_642 : memref<128x128xf32, #tpu.memory_space<vmem>>) target(%dma_start3A_648 : memref<10240x128xf32, #tpu.memory_space<vmem_shared>>) offsets(%dma_start3A_645 : memref<128xi32, #tpu.memory_space<vmem>>) semaphore(%arg12 : memref<!tpu.dma_semaphore, #tpu.memory_space<semaphore_mem>>) {add = true}
    }
    %scan3A_559 = arith.constant 79 : i32
    %rem3A = arith.constant 77 : i32
    %rem3A_560 = arith.constant 4 : i32
    %rem3A_561 = arith.remsi %rem3A, %rem3A_560 : i32
    %dma_wait3A = arith.constant 1 : i32
    %dma_wait3A_562 = arith.constant 1 : i32
    %dma_wait3A_563 = arith.constant 0 : i32
    %dma_wait3A_564 = arith.constant 0 : i32
    %dma_wait3A_565 = tpu.memref_slice %arg7[%dma_wait3A, %dma_wait3A_563, %dma_wait3A_564] : memref<2x128x128xf32, #tpu.memory_space<vmem>> -> memref<1x128x128xf32, #tpu.memory_space<vmem>>
    %dma_wait3A_566 = tpu.memref_squeeze %dma_wait3A_565 : memref<1x128x128xf32, #tpu.memory_space<vmem>> -> memref<128x128xf32, #tpu.memory_space<vmem>>
    %dma_wait3A_567 = arith.constant 0 : i32
    %dma_wait3A_568 = tpu.memref_slice %arg6[%rem3A_561, %dma_wait3A_562, %dma_wait3A_567] : memref<4x2x128xi32, #tpu.memory_space<vmem>> -> memref<1x1x128xi32, #tpu.memory_space<vmem>>
    %dma_wait3A_569 = tpu.memref_squeeze %dma_wait3A_568 : memref<1x1x128xi32, #tpu.memory_space<vmem>> -> memref<128xi32, #tpu.memory_space<vmem>>
    %dma_wait3A_570 = arith.constant 0 : i32
    %dma_wait3A_571 = arith.constant 0 : i32
    %dma_wait3A_572 = tpu.memref_slice %arg9[%dma_wait3A_570, %dma_wait3A_571] : memref<10240x128xf32, #tpu.memory_space<vmem_shared>> -> memref<10240x128xf32, #tpu.memory_space<vmem_shared>>
    tpu.wait_indirect_dma semaphore(%arg12 : memref<!tpu.dma_semaphore, #tpu.memory_space<semaphore_mem>>) src(%dma_wait3A_566 : memref<128x128xf32, #tpu.memory_space<vmem>>) dst(%dma_wait3A_572 : memref<10240x128xf32, #tpu.memory_space<vmem_shared>>)
    %rem3A_573 = arith.constant 78 : i32
    %rem3A_574 = arith.constant 4 : i32
    %rem3A_575 = arith.remsi %rem3A_573, %rem3A_574 : i32
    %dma_wait3A_576 = arith.constant 1 : i32
    %dma_wait3A_577 = arith.constant 1 : i32
    %dma_wait3A_578 = arith.constant 0 : i32
    %dma_wait3A_579 = arith.constant 0 : i32
    %dma_wait3A_580 = tpu.memref_slice %arg7[%dma_wait3A_576, %dma_wait3A_578, %dma_wait3A_579] : memref<2x128x128xf32, #tpu.memory_space<vmem>> -> memref<1x128x128xf32, #tpu.memory_space<vmem>>
    %dma_wait3A_581 = tpu.memref_squeeze %dma_wait3A_580 : memref<1x128x128xf32, #tpu.memory_space<vmem>> -> memref<128x128xf32, #tpu.memory_space<vmem>>
    %dma_wait3A_582 = arith.constant 0 : i32
    %dma_wait3A_583 = tpu.memref_slice %arg6[%rem3A_575, %dma_wait3A_577, %dma_wait3A_582] : memref<4x2x128xi32, #tpu.memory_space<vmem>> -> memref<1x1x128xi32, #tpu.memory_space<vmem>>
    %dma_wait3A_584 = tpu.memref_squeeze %dma_wait3A_583 : memref<1x1x128xi32, #tpu.memory_space<vmem>> -> memref<128xi32, #tpu.memory_space<vmem>>
    %dma_wait3A_585 = arith.constant 0 : i32
    %dma_wait3A_586 = arith.constant 0 : i32
    %dma_wait3A_587 = tpu.memref_slice %arg9[%dma_wait3A_585, %dma_wait3A_586] : memref<10240x128xf32, #tpu.memory_space<vmem_shared>> -> memref<10240x128xf32, #tpu.memory_space<vmem_shared>>
    tpu.wait_indirect_dma semaphore(%arg12 : memref<!tpu.dma_semaphore, #tpu.memory_space<semaphore_mem>>) src(%dma_wait3A_581 : memref<128x128xf32, #tpu.memory_space<vmem>>) dst(%dma_wait3A_587 : memref<10240x128xf32, #tpu.memory_space<vmem_shared>>)
    %barrier3A_588 = arith.constant 0 : index
    tpu.barrier barrier_id(%barrier3A_588)
    "tpu.region"() ({
      %run_scoped3A = tpu.sem_alloc : memref<!tpu.dma_semaphore, #tpu.memory_space<semaphore_mem>>
      %dma_start3A_603 = arith.constant 0 : i32
      %dma_start3A_604 = tpu.memref_slice %arg5[%arg0, %mul3A_2, %dma_start3A_603] : memref<2x10240x128xf32, #tpu.memory_space<hbm>> -> memref<1x640x128xf32, #tpu.memory_space<hbm>>
      %dma_start3A_605 = tpu.memref_squeeze %dma_start3A_604 : memref<1x640x128xf32, #tpu.memory_space<hbm>> -> memref<640x128xf32, #tpu.memory_space<hbm>>
      %dma_start3A_606 = arith.constant 0 : i32
      %dma_start3A_607 = tpu.memref_slice %arg9[%mul3A_2, %dma_start3A_606] : memref<10240x128xf32, #tpu.memory_space<vmem_shared>> -> memref<640x128xf32, #tpu.memory_space<vmem_shared>>
      tpu.enqueue_dma source(%dma_start3A_607 : memref<640x128xf32, #tpu.memory_space<vmem_shared>>) target(%dma_start3A_605 : memref<640x128xf32, #tpu.memory_space<hbm>>) target_semaphore(%run_scoped3A : memref<!tpu.dma_semaphore, #tpu.memory_space<semaphore_mem>>)
      %dma_wait3A_608 = arith.constant 0 : i32
      %dma_wait3A_609 = tpu.memref_slice %arg5[%arg0, %mul3A_2, %dma_wait3A_608] : memref<2x10240x128xf32, #tpu.memory_space<hbm>> -> memref<1x640x128xf32, #tpu.memory_space<hbm>>
      %dma_wait3A_610 = tpu.memref_squeeze %dma_wait3A_609 : memref<1x640x128xf32, #tpu.memory_space<hbm>> -> memref<640x128xf32, #tpu.memory_space<hbm>>
      %dma_wait3A_611 = arith.constant 0 : i32
      %dma_wait3A_612 = tpu.memref_slice %arg9[%mul3A_2, %dma_wait3A_611] : memref<10240x128xf32, #tpu.memory_space<vmem_shared>> -> memref<640x128xf32, #tpu.memory_space<vmem_shared>>
      tpu.wait_dma2 semaphore(%run_scoped3A : memref<!tpu.dma_semaphore, #tpu.memory_space<semaphore_mem>>) src(%dma_wait3A_612 : memref<640x128xf32, #tpu.memory_space<vmem_shared>>) dst(%dma_wait3A_610 : memref<640x128xf32, #tpu.memory_space<hbm>>)
      tpu.yield
    }) : () -> ()
    %scan3A_589 = arith.constant 0 : i32
    %scan3A_590 = arith.constant 80 : i32
    %scan3A_591 = arith.addi %scan3A_589, %scan3A_590 : i32
    %scan3A_592 = arith.constant 1 : i32
    scf.for %scan3A_603 = %scan3A_589 to %scan3A_591 step %scan3A_592  : i32 {
      %mul3A_604 = arith.constant 1 : i32
      %mul3A_605 = arith.muli %scan3A_603, %mul3A_604 : i32
      %add3A_606 = arith.constant 0 : i32
      %add3A_607 = arith.addi %add3A_606, %mul3A_605 : i32
      %mul3A_608 = arith.constant 8 : i32
      %mul3A_609 = arith.muli %add3A_607, %mul3A_608 : i32
      %add3A_610 = arith.addi %mul3A_2, %mul3A_609 : i32
      "tpu.region"() ({
        %run_scoped3A = tpu.sem_alloc : memref<!tpu.dma_semaphore, #tpu.memory_space<semaphore_mem>>
        %dma_start3A_611 = arith.constant 0 : i32
        %dma_start3A_612 = tpu.memref_slice %arg9[%add3A_610, %dma_start3A_611] : memref<10240x128xf32, #tpu.memory_space<vmem_shared>> -> memref<8x128xf32, #tpu.memory_space<vmem_shared>>
        %dma_start3A_613 = arith.constant 0 : i32
        %dma_start3A_614 = tpu.memref_slice %arg9[%add3A_610, %dma_start3A_613] : memref<10240x128xf32, #tpu.memory_space<vmem_shared>> -> memref<8x128xf32, #tpu.memory_space<vmem_shared>>
        tpu.enqueue_dma source(%arg8 : memref<8x128xf32, #tpu.memory_space<vmem>>) target(%dma_start3A_614 : memref<8x128xf32, #tpu.memory_space<vmem_shared>>) target_semaphore(%run_scoped3A : memref<!tpu.dma_semaphore, #tpu.memory_space<semaphore_mem>>)
        %dma_wait3A_615 = arith.constant 0 : i32
        %dma_wait3A_616 = tpu.memref_slice %arg9[%add3A_610, %dma_wait3A_615] : memref<10240x128xf32, #tpu.memory_space<vmem_shared>> -> memref<8x128xf32, #tpu.memory_space<vmem_shared>>
        %dma_wait3A_617 = arith.constant 0 : i32
        %dma_wait3A_618 = tpu.memref_slice %arg9[%add3A_610, %dma_wait3A_617] : memref<10240x128xf32, #tpu.memory_space<vmem_shared>> -> memref<8x128xf32, #tpu.memory_space<vmem_shared>>
        tpu.wait_dma2 semaphore(%run_scoped3A : memref<!tpu.dma_semaphore, #tpu.memory_space<semaphore_mem>>) src(%arg8 : memref<8x128xf32, #tpu.memory_space<vmem>>) dst(%dma_wait3A_618 : memref<8x128xf32, #tpu.memory_space<vmem_shared>>)
        tpu.yield
      }) : () -> ()
    }
    %scan3A_593 = arith.constant 80 : i32
    %barrier3A_594 = arith.constant 0 : index
    tpu.barrier barrier_id(%barrier3A_594)
    %eq3A = arith.constant 0 : i32
    %eq3A_595 = arith.cmpi eq, %arg0, %eq3A : i32
    %convert_element_type3A = arith.extui %eq3A_595 : i1 to i32
    %cond3A = arith.constant 0 : i32
    %cond3A_596 = arith.cmpi ne, %convert_element_type3A, %cond3A : i32
    scf.if %cond3A_596 {
      %mul3A_603 = arith.constant 17024 : i32
      %mul3A_604 = arith.muli %arg1, %mul3A_603 : i32
      %add3A_605 = arith.constant 0 : i32
      %add3A_606 = arith.addi %mul3A_604, %add3A_605 : i32
      %dma_start3A_607 = arith.constant 0 : i32
      %dma_start3A_608 = arith.constant 0 : i32
      %dma_start3A_609 = arith.constant 0 : i32
      %dma_start3A_610 = tpu.memref_slice %arg6[%dma_start3A_607, %dma_start3A_608, %dma_start3A_609] : memref<4x2x128xi32, #tpu.memory_space<vmem>> -> memref<1x2x128xi32, #tpu.memory_space<vmem>>
      %dma_start3A_611 = tpu.memref_squeeze %dma_start3A_610 : memref<1x2x128xi32, #tpu.memory_space<vmem>> -> memref<2x128xi32, #tpu.memory_space<vmem>>
      %dma_start3A_612 = arith.constant 0 : i32
      %dma_start3A_613 = tpu.memref_slice %arg3[%dma_start3A_612, %add3A_606] : memref<2x323584xi32, #tpu.memory_space<hbm>> -> memref<2x128xi32, #tpu.memory_space<hbm>>
      %dma_start3A_614 = arith.constant 0 : i32
      %dma_start3A_615 = arith.constant 0 : i32
      %dma_start3A_616 = tpu.memref_slice %arg6[%dma_start3A_607, %dma_start3A_614, %dma_start3A_615] : memref<4x2x128xi32, #tpu.memory_space<vmem>> -> memref<1x2x128xi32, #tpu.memory_space<vmem>>
      %dma_start3A_617 = tpu.memref_squeeze %dma_start3A_616 : memref<1x2x128xi32, #tpu.memory_space<vmem>> -> memref<2x128xi32, #tpu.memory_space<vmem>>
      %dma_start3A_618 = arith.constant 0 : i32
      %dma_start3A_619 = tpu.memref_slice %arg3[%dma_start3A_618, %add3A_606] : memref<2x323584xi32, #tpu.memory_space<hbm>> -> memref<2x128xi32, #tpu.memory_space<hbm>>
      tpu.enqueue_dma source(%dma_start3A_619 : memref<2x128xi32, #tpu.memory_space<hbm>>) target(%dma_start3A_617 : memref<2x128xi32, #tpu.memory_space<vmem>>) target_semaphore(%arg10 : memref<!tpu.dma_semaphore, #tpu.memory_space<semaphore_mem>>)
      %add3A_620 = arith.constant 128 : i32
      %add3A_621 = arith.addi %mul3A_604, %add3A_620 : i32
      %dma_start3A_622 = arith.constant 1 : i32
      %dma_start3A_623 = arith.constant 0 : i32
      %dma_start3A_624 = arith.constant 0 : i32
      %dma_start3A_625 = tpu.memref_slice %arg6[%dma_start3A_622, %dma_start3A_623, %dma_start3A_624] : memref<4x2x128xi32, #tpu.memory_space<vmem>> -> memref<1x2x128xi32, #tpu.memory_space<vmem>>
      %dma_start3A_626 = tpu.memref_squeeze %dma_start3A_625 : memref<1x2x128xi32, #tpu.memory_space<vmem>> -> memref<2x128xi32, #tpu.memory_space<vmem>>
      %dma_start3A_627 = arith.constant 0 : i32
      %dma_start3A_628 = tpu.memref_slice %arg3[%dma_start3A_627, %add3A_621] : memref<2x323584xi32, #tpu.memory_space<hbm>> -> memref<2x128xi32, #tpu.memory_space<hbm>>
      %dma_start3A_629 = arith.constant 0 : i32
      %dma_start3A_630 = arith.constant 0 : i32
      %dma_start3A_631 = tpu.memref_slice %arg6[%dma_start3A_622, %dma_start3A_629, %dma_start3A_630] : memref<4x2x128xi32, #tpu.memory_space<vmem>> -> memref<1x2x128xi32, #tpu.memory_space<vmem>>
      %dma_start3A_632 = tpu.memref_squeeze %dma_start3A_631 : memref<1x2x128xi32, #tpu.memory_space<vmem>> -> memref<2x128xi32, #tpu.memory_space<vmem>>
      %dma_start3A_633 = arith.constant 0 : i32
      %dma_start3A_634 = tpu.memref_slice %arg3[%dma_start3A_633, %add3A_621] : memref<2x323584xi32, #tpu.memory_space<hbm>> -> memref<2x128xi32, #tpu.memory_space<hbm>>
      tpu.enqueue_dma source(%dma_start3A_634 : memref<2x128xi32, #tpu.memory_space<hbm>>) target(%dma_start3A_632 : memref<2x128xi32, #tpu.memory_space<vmem>>) target_semaphore(%arg10 : memref<!tpu.dma_semaphore, #tpu.memory_space<semaphore_mem>>)
      %add3A_635 = arith.constant 0 : i32
      %add3A_636 = arith.addi %mul3A_604, %add3A_635 : i32
      %dma_wait3A_637 = arith.constant 0 : i32
      %dma_wait3A_638 = arith.constant 0 : i32
      %dma_wait3A_639 = arith.constant 0 : i32
      %dma_wait3A_640 = tpu.memref_slice %arg6[%dma_wait3A_637, %dma_wait3A_638, %dma_wait3A_639] : memref<4x2x128xi32, #tpu.memory_space<vmem>> -> memref<1x2x128xi32, #tpu.memory_space<vmem>>
      %dma_wait3A_641 = tpu.memref_squeeze %dma_wait3A_640 : memref<1x2x128xi32, #tpu.memory_space<vmem>> -> memref<2x128xi32, #tpu.memory_space<vmem>>
      %dma_wait3A_642 = arith.constant 0 : i32
      %dma_wait3A_643 = tpu.memref_slice %arg3[%dma_wait3A_642, %add3A_636] : memref<2x323584xi32, #tpu.memory_space<hbm>> -> memref<2x128xi32, #tpu.memory_space<hbm>>
      %dma_wait3A_644 = arith.constant 0 : i32
      %dma_wait3A_645 = arith.constant 0 : i32
      %dma_wait3A_646 = tpu.memref_slice %arg6[%dma_wait3A_637, %dma_wait3A_644, %dma_wait3A_645] : memref<4x2x128xi32, #tpu.memory_space<vmem>> -> memref<1x2x128xi32, #tpu.memory_space<vmem>>
      %dma_wait3A_647 = tpu.memref_squeeze %dma_wait3A_646 : memref<1x2x128xi32, #tpu.memory_space<vmem>> -> memref<2x128xi32, #tpu.memory_space<vmem>>
      %dma_wait3A_648 = arith.constant 0 : i32
      %dma_wait3A_649 = tpu.memref_slice %arg3[%dma_wait3A_648, %add3A_636] : memref<2x323584xi32, #tpu.memory_space<hbm>> -> memref<2x128xi32, #tpu.memory_space<hbm>>
      tpu.wait_dma2 semaphore(%arg10 : memref<!tpu.dma_semaphore, #tpu.memory_space<semaphore_mem>>) src(%dma_wait3A_649 : memref<2x128xi32, #tpu.memory_space<hbm>>) dst(%dma_wait3A_647 : memref<2x128xi32, #tpu.memory_space<vmem>>)
      %rem3A_650 = arith.constant 0 : i32
      %rem3A_651 = arith.constant 2 : i32
      %rem3A_652 = arith.remsi %rem3A_650, %rem3A_651 : i32
      %dma_start3A_653 = arith.constant 0 : i32
      %dma_start3A_654 = arith.constant 0 : i32
      %dma_start3A_655 = arith.constant 0 : i32
      %dma_start3A_656 = arith.constant 0 : i32
      %dma_start3A_657 = tpu.memref_slice %arg7[%rem3A_652, %dma_start3A_655, %dma_start3A_656] : memref<2x128x128xf32, #tpu.memory_space<vmem>> -> memref<1x64x128xf32, #tpu.memory_space<vmem>>
      %dma_start3A_658 = tpu.memref_squeeze %dma_start3A_657 : memref<1x64x128xf32, #tpu.memory_space<vmem>> -> memref<64x128xf32, #tpu.memory_space<vmem>>
      %dma_start3A_659 = arith.constant 0 : i32
      %dma_start3A_660 = tpu.memref_slice %arg6[%dma_start3A_653, %dma_start3A_654, %dma_start3A_659] : memref<4x2x128xi32, #tpu.memory_space<vmem>> -> memref<1x1x64xi32, #tpu.memory_space<vmem>>
      %dma_start3A_661 = tpu.memref_squeeze %dma_start3A_660 : memref<1x1x64xi32, #tpu.memory_space<vmem>> -> memref<64xi32, #tpu.memory_space<vmem>>
      %dma_start3A_662 = arith.constant 0 : i32
      %dma_start3A_663 = arith.constant 0 : i32
      %dma_start3A_664 = tpu.memref_slice %arg2[%dma_start3A_662, %dma_start3A_663] : memref<10000x128xf32, #tpu.memory_space<hbm>> -> memref<10000x128xf32, #tpu.memory_space<hbm>>
      tpu.enqueue_indirect_dma source(%dma_start3A_664 : memref<10000x128xf32, #tpu.memory_space<hbm>>) target(%dma_start3A_658 : memref<64x128xf32, #tpu.memory_space<vmem>>) offsets(%dma_start3A_661 : memref<64xi32, #tpu.memory_space<vmem>>) semaphore(%arg11 : memref<!tpu.dma_semaphore, #tpu.memory_space<semaphore_mem>>)
      %rem3A_665 = arith.constant 0 : i32
      %rem3A_666 = arith.constant 2 : i32
      %rem3A_667 = arith.remsi %rem3A_665, %rem3A_666 : i32
      %dma_start3A_668 = arith.constant 0 : i32
      %dma_start3A_669 = arith.constant 0 : i32
      %dma_start3A_670 = arith.constant 64 : i32
      %dma_start3A_671 = arith.constant 0 : i32
      %dma_start3A_672 = tpu.memref_slice %arg7[%rem3A_667, %dma_start3A_670, %dma_start3A_671] : memref<2x128x128xf32, #tpu.memory_space<vmem>> -> memref<1x64x128xf32, #tpu.memory_space<vmem>>
      %dma_start3A_673 = tpu.memref_squeeze %dma_start3A_672 : memref<1x64x128xf32, #tpu.memory_space<vmem>> -> memref<64x128xf32, #tpu.memory_space<vmem>>
      %dma_start3A_674 = arith.constant 64 : i32
      %dma_start3A_675 = tpu.memref_slice %arg6[%dma_start3A_668, %dma_start3A_669, %dma_start3A_674] : memref<4x2x128xi32, #tpu.memory_space<vmem>> -> memref<1x1x64xi32, #tpu.memory_space<vmem>>
      %dma_start3A_676 = tpu.memref_squeeze %dma_start3A_675 : memref<1x1x64xi32, #tpu.memory_space<vmem>> -> memref<64xi32, #tpu.memory_space<vmem>>
      %dma_start3A_677 = arith.constant 0 : i32
      %dma_start3A_678 = arith.constant 0 : i32
      %dma_start3A_679 = tpu.memref_slice %arg2[%dma_start3A_677, %dma_start3A_678] : memref<10000x128xf32, #tpu.memory_space<hbm>> -> memref<10000x128xf32, #tpu.memory_space<hbm>>
      tpu.enqueue_indirect_dma source(%dma_start3A_679 : memref<10000x128xf32, #tpu.memory_space<hbm>>) target(%dma_start3A_673 : memref<64x128xf32, #tpu.memory_space<vmem>>) offsets(%dma_start3A_676 : memref<64xi32, #tpu.memory_space<vmem>>) semaphore(%arg11 : memref<!tpu.dma_semaphore, #tpu.memory_space<semaphore_mem>>)
      %scan3A_680 = arith.constant 0 : i32
      %scan3A_681 = arith.constant 133 : i32
      %scan3A_682 = arith.addi %scan3A_680, %scan3A_681 : i32
      %scan3A_683 = arith.constant 1 : i32
      scf.for %scan3A_700 = %scan3A_680 to %scan3A_682 step %scan3A_683  : i32 {
        %mul3A_701 = arith.constant 1 : i32
        %mul3A_702 = arith.muli %scan3A_700, %mul3A_701 : i32
        %add3A_703 = arith.constant 0 : i32
        %add3A_704 = arith.addi %add3A_703, %mul3A_702 : i32
        %rem3A_705 = arith.constant 4 : i32
        %rem3A_706 = arith.remsi %add3A_704, %rem3A_705 : i32
        %add3A_707 = arith.constant 1 : i32
        %add3A_708 = arith.addi %add3A_704, %add3A_707 : i32
        %rem3A_709 = arith.constant 4 : i32
        %rem3A_710 = arith.remsi %add3A_708, %rem3A_709 : i32
        %add3A_711 = arith.constant 2 : i32
        %add3A_712 = arith.addi %add3A_704, %add3A_711 : i32
        %rem3A_713 = arith.constant 4 : i32
        %rem3A_714 = arith.remsi %add3A_712, %rem3A_713 : i32
        %ge3A = arith.constant 1 : i32
        %ge3A_715 = arith.cmpi sge, %add3A_704, %ge3A : i32
        %convert_element_type3A_716 = arith.extui %ge3A_715 : i1 to i32
        %cond3A_717 = arith.constant 0 : i32
        %cond3A_718 = arith.cmpi ne, %convert_element_type3A_716, %cond3A_717 : i32
        scf.if %cond3A_718 {
          %sub3A = arith.constant 1 : i32
          %sub3A_771 = arith.subi %add3A_704, %sub3A : i32
          %add3A_772 = arith.constant 3 : i32
          %add3A_773 = arith.addi %add3A_704, %add3A_772 : i32
          %rem3A_774 = arith.constant 4 : i32
          %rem3A_775 = arith.remsi %add3A_773, %rem3A_774 : i32
          %rem3A_776 = arith.constant 2 : i32
          %rem3A_777 = arith.remsi %sub3A_771, %rem3A_776 : i32
          %dma_wait3A_778 = arith.constant 1 : i32
          %dma_wait3A_779 = arith.constant 0 : i32
          %dma_wait3A_780 = arith.constant 0 : i32
          %dma_wait3A_781 = tpu.memref_slice %arg7[%rem3A_777, %dma_wait3A_779, %dma_wait3A_780] : memref<2x128x128xf32, #tpu.memory_space<vmem>> -> memref<1x128x128xf32, #tpu.memory_space<vmem>>
          %dma_wait3A_782 = tpu.memref_squeeze %dma_wait3A_781 : memref<1x128x128xf32, #tpu.memory_space<vmem>> -> memref<128x128xf32, #tpu.memory_space<vmem>>
          %dma_wait3A_783 = arith.constant 0 : i32
          %dma_wait3A_784 = tpu.memref_slice %arg6[%rem3A_775, %dma_wait3A_778, %dma_wait3A_783] : memref<4x2x128xi32, #tpu.memory_space<vmem>> -> memref<1x1x128xi32, #tpu.memory_space<vmem>>
          %dma_wait3A_785 = tpu.memref_squeeze %dma_wait3A_784 : memref<1x1x128xi32, #tpu.memory_space<vmem>> -> memref<128xi32, #tpu.memory_space<vmem>>
          %dma_wait3A_786 = arith.constant 0 : i32
          %dma_wait3A_787 = arith.constant 0 : i32
          %dma_wait3A_788 = tpu.memref_slice %arg9[%dma_wait3A_786, %dma_wait3A_787] : memref<10240x128xf32, #tpu.memory_space<vmem_shared>> -> memref<10240x128xf32, #tpu.memory_space<vmem_shared>>
          tpu.wait_indirect_dma semaphore(%arg12 : memref<!tpu.dma_semaphore, #tpu.memory_space<semaphore_mem>>) src(%dma_wait3A_782 : memref<128x128xf32, #tpu.memory_space<vmem>>) dst(%dma_wait3A_788 : memref<10240x128xf32, #tpu.memory_space<vmem_shared>>)
        } else {
        }
        %add3A_719 = arith.constant 2 : i32
        %add3A_720 = arith.addi %add3A_704, %add3A_719 : i32
        %lt3A = arith.constant 133 : i32
        %lt3A_721 = arith.cmpi slt, %add3A_720, %lt3A : i32
        %convert_element_type3A_722 = arith.extui %lt3A_721 : i1 to i32
        %cond3A_723 = arith.constant 0 : i32
        %cond3A_724 = arith.cmpi ne, %convert_element_type3A_722, %cond3A_723 : i32
        scf.if %cond3A_724 {
          %add3A_771 = arith.constant 2 : i32
          %add3A_772 = arith.addi %add3A_704, %add3A_771 : i32
          %mul3A_773 = arith.constant 128 : i32
          %mul3A_774 = arith.muli %add3A_772, %mul3A_773 : i32
          %add3A_775 = arith.addi %mul3A_604, %mul3A_774 : i32
          %dma_start3A_776 = arith.constant 0 : i32
          %dma_start3A_777 = arith.constant 0 : i32
          %dma_start3A_778 = tpu.memref_slice %arg6[%rem3A_714, %dma_start3A_776, %dma_start3A_777] : memref<4x2x128xi32, #tpu.memory_space<vmem>> -> memref<1x2x128xi32, #tpu.memory_space<vmem>>
          %dma_start3A_779 = tpu.memref_squeeze %dma_start3A_778 : memref<1x2x128xi32, #tpu.memory_space<vmem>> -> memref<2x128xi32, #tpu.memory_space<vmem>>
          %dma_start3A_780 = arith.constant 0 : i32
          %dma_start3A_781 = tpu.memref_slice %arg3[%dma_start3A_780, %add3A_775] : memref<2x323584xi32, #tpu.memory_space<hbm>> -> memref<2x128xi32, #tpu.memory_space<hbm>>
          %dma_start3A_782 = arith.constant 0 : i32
          %dma_start3A_783 = arith.constant 0 : i32
          %dma_start3A_784 = tpu.memref_slice %arg6[%rem3A_714, %dma_start3A_782, %dma_start3A_783] : memref<4x2x128xi32, #tpu.memory_space<vmem>> -> memref<1x2x128xi32, #tpu.memory_space<vmem>>
          %dma_start3A_785 = tpu.memref_squeeze %dma_start3A_784 : memref<1x2x128xi32, #tpu.memory_space<vmem>> -> memref<2x128xi32, #tpu.memory_space<vmem>>
          %dma_start3A_786 = arith.constant 0 : i32
          %dma_start3A_787 = tpu.memref_slice %arg3[%dma_start3A_786, %add3A_775] : memref<2x323584xi32, #tpu.memory_space<hbm>> -> memref<2x128xi32, #tpu.memory_space<hbm>>
          tpu.enqueue_dma source(%dma_start3A_787 : memref<2x128xi32, #tpu.memory_space<hbm>>) target(%dma_start3A_785 : memref<2x128xi32, #tpu.memory_space<vmem>>) target_semaphore(%arg10 : memref<!tpu.dma_semaphore, #tpu.memory_space<semaphore_mem>>)
        } else {
        }
        %add3A_725 = arith.constant 1 : i32
        %add3A_726 = arith.addi %add3A_704, %add3A_725 : i32
        %lt3A_727 = arith.constant 133 : i32
        %lt3A_728 = arith.cmpi slt, %add3A_726, %lt3A_727 : i32
        %convert_element_type3A_729 = arith.extui %lt3A_728 : i1 to i32
        %cond3A_730 = arith.constant 0 : i32
        %cond3A_731 = arith.cmpi ne, %convert_element_type3A_729, %cond3A_730 : i32
        scf.if %cond3A_731 {
          %add3A_771 = arith.constant 1 : i32
          %add3A_772 = arith.addi %add3A_704, %add3A_771 : i32
          %mul3A_773 = arith.constant 128 : i32
          %mul3A_774 = arith.muli %add3A_772, %mul3A_773 : i32
          %add3A_775 = arith.addi %mul3A_604, %mul3A_774 : i32
          %dma_wait3A_776 = arith.constant 0 : i32
          %dma_wait3A_777 = arith.constant 0 : i32
          %dma_wait3A_778 = tpu.memref_slice %arg6[%rem3A_710, %dma_wait3A_776, %dma_wait3A_777] : memref<4x2x128xi32, #tpu.memory_space<vmem>> -> memref<1x2x128xi32, #tpu.memory_space<vmem>>
          %dma_wait3A_779 = tpu.memref_squeeze %dma_wait3A_778 : memref<1x2x128xi32, #tpu.memory_space<vmem>> -> memref<2x128xi32, #tpu.memory_space<vmem>>
          %dma_wait3A_780 = arith.constant 0 : i32
          %dma_wait3A_781 = tpu.memref_slice %arg3[%dma_wait3A_780, %add3A_775] : memref<2x323584xi32, #tpu.memory_space<hbm>> -> memref<2x128xi32, #tpu.memory_space<hbm>>
          %dma_wait3A_782 = arith.constant 0 : i32
          %dma_wait3A_783 = arith.constant 0 : i32
          %dma_wait3A_784 = tpu.memref_slice %arg6[%rem3A_710, %dma_wait3A_782, %dma_wait3A_783] : memref<4x2x128xi32, #tpu.memory_space<vmem>> -> memref<1x2x128xi32, #tpu.memory_space<vmem>>
          %dma_wait3A_785 = tpu.memref_squeeze %dma_wait3A_784 : memref<1x2x128xi32, #tpu.memory_space<vmem>> -> memref<2x128xi32, #tpu.memory_space<vmem>>
          %dma_wait3A_786 = arith.constant 0 : i32
          %dma_wait3A_787 = tpu.memref_slice %arg3[%dma_wait3A_786, %add3A_775] : memref<2x323584xi32, #tpu.memory_space<hbm>> -> memref<2x128xi32, #tpu.memory_space<hbm>>
          tpu.wait_dma2 semaphore(%arg10 : memref<!tpu.dma_semaphore, #tpu.memory_space<semaphore_mem>>) src(%dma_wait3A_787 : memref<2x128xi32, #tpu.memory_space<hbm>>) dst(%dma_wait3A_785 : memref<2x128xi32, #tpu.memory_space<vmem>>)
          %add3A_788 = arith.constant 1 : i32
          %add3A_789 = arith.addi %add3A_704, %add3A_788 : i32
          %rem3A_790 = arith.constant 2 : i32
          %rem3A_791 = arith.remsi %add3A_789, %rem3A_790 : i32
          %dma_start3A_792 = arith.constant 0 : i32
          %dma_start3A_793 = arith.constant 0 : i32
          %dma_start3A_794 = arith.constant 0 : i32
          %dma_start3A_795 = tpu.memref_slice %arg7[%rem3A_791, %dma_start3A_793, %dma_start3A_794] : memref<2x128x128xf32, #tpu.memory_space<vmem>> -> memref<1x64x128xf32, #tpu.memory_space<vmem>>
          %dma_start3A_796 = tpu.memref_squeeze %dma_start3A_795 : memref<1x64x128xf32, #tpu.memory_space<vmem>> -> memref<64x128xf32, #tpu.memory_space<vmem>>
          %dma_start3A_797 = arith.constant 0 : i32
          %dma_start3A_798 = tpu.memref_slice %arg6[%rem3A_710, %dma_start3A_792, %dma_start3A_797] : memref<4x2x128xi32, #tpu.memory_space<vmem>> -> memref<1x1x64xi32, #tpu.memory_space<vmem>>
          %dma_start3A_799 = tpu.memref_squeeze %dma_start3A_798 : memref<1x1x64xi32, #tpu.memory_space<vmem>> -> memref<64xi32, #tpu.memory_space<vmem>>
          %dma_start3A_800 = arith.constant 0 : i32
          %dma_start3A_801 = arith.constant 0 : i32
          %dma_start3A_802 = tpu.memref_slice %arg2[%dma_start3A_800, %dma_start3A_801] : memref<10000x128xf32, #tpu.memory_space<hbm>> -> memref<10000x128xf32, #tpu.memory_space<hbm>>
          tpu.enqueue_indirect_dma source(%dma_start3A_802 : memref<10000x128xf32, #tpu.memory_space<hbm>>) target(%dma_start3A_796 : memref<64x128xf32, #tpu.memory_space<vmem>>) offsets(%dma_start3A_799 : memref<64xi32, #tpu.memory_space<vmem>>) semaphore(%arg11 : memref<!tpu.dma_semaphore, #tpu.memory_space<semaphore_mem>>)
          %rem3A_803 = arith.constant 2 : i32
          %rem3A_804 = arith.remsi %add3A_789, %rem3A_803 : i32
          %dma_start3A_805 = arith.constant 0 : i32
          %dma_start3A_806 = arith.constant 64 : i32
          %dma_start3A_807 = arith.constant 0 : i32
          %dma_start3A_808 = tpu.memref_slice %arg7[%rem3A_804, %dma_start3A_806, %dma_start3A_807] : memref<2x128x128xf32, #tpu.memory_space<vmem>> -> memref<1x64x128xf32, #tpu.memory_space<vmem>>
          %dma_start3A_809 = tpu.memref_squeeze %dma_start3A_808 : memref<1x64x128xf32, #tpu.memory_space<vmem>> -> memref<64x128xf32, #tpu.memory_space<vmem>>
          %dma_start3A_810 = arith.constant 64 : i32
          %dma_start3A_811 = tpu.memref_slice %arg6[%rem3A_710, %dma_start3A_805, %dma_start3A_810] : memref<4x2x128xi32, #tpu.memory_space<vmem>> -> memref<1x1x64xi32, #tpu.memory_space<vmem>>
          %dma_start3A_812 = tpu.memref_squeeze %dma_start3A_811 : memref<1x1x64xi32, #tpu.memory_space<vmem>> -> memref<64xi32, #tpu.memory_space<vmem>>
          %dma_start3A_813 = arith.constant 0 : i32
          %dma_start3A_814 = arith.constant 0 : i32
          %dma_start3A_815 = tpu.memref_slice %arg2[%dma_start3A_813, %dma_start3A_814] : memref<10000x128xf32, #tpu.memory_space<hbm>> -> memref<10000x128xf32, #tpu.memory_space<hbm>>
          tpu.enqueue_indirect_dma source(%dma_start3A_815 : memref<10000x128xf32, #tpu.memory_space<hbm>>) target(%dma_start3A_809 : memref<64x128xf32, #tpu.memory_space<vmem>>) offsets(%dma_start3A_812 : memref<64xi32, #tpu.memory_space<vmem>>) semaphore(%arg11 : memref<!tpu.dma_semaphore, #tpu.memory_space<semaphore_mem>>)
        } else {
        }
        %rem3A_732 = arith.constant 2 : i32
        %rem3A_733 = arith.remsi %add3A_704, %rem3A_732 : i32
        %dma_wait3A_734 = arith.constant 0 : i32
        %dma_wait3A_735 = arith.constant 0 : i32
        %dma_wait3A_736 = arith.constant 0 : i32
        %dma_wait3A_737 = tpu.memref_slice %arg7[%rem3A_733, %dma_wait3A_735, %dma_wait3A_736] : memref<2x128x128xf32, #tpu.memory_space<vmem>> -> memref<1x64x128xf32, #tpu.memory_space<vmem>>
        %dma_wait3A_738 = tpu.memref_squeeze %dma_wait3A_737 : memref<1x64x128xf32, #tpu.memory_space<vmem>> -> memref<64x128xf32, #tpu.memory_space<vmem>>
        %dma_wait3A_739 = arith.constant 0 : i32
        %dma_wait3A_740 = tpu.memref_slice %arg6[%rem3A_706, %dma_wait3A_734, %dma_wait3A_739] : memref<4x2x128xi32, #tpu.memory_space<vmem>> -> memref<1x1x64xi32, #tpu.memory_space<vmem>>
        %dma_wait3A_741 = tpu.memref_squeeze %dma_wait3A_740 : memref<1x1x64xi32, #tpu.memory_space<vmem>> -> memref<64xi32, #tpu.memory_space<vmem>>
        %dma_wait3A_742 = arith.constant 0 : i32
        %dma_wait3A_743 = arith.constant 0 : i32
        %dma_wait3A_744 = tpu.memref_slice %arg2[%dma_wait3A_742, %dma_wait3A_743] : memref<10000x128xf32, #tpu.memory_space<hbm>> -> memref<10000x128xf32, #tpu.memory_space<hbm>>
        tpu.wait_indirect_dma semaphore(%arg11 : memref<!tpu.dma_semaphore, #tpu.memory_space<semaphore_mem>>) src(%dma_wait3A_744 : memref<10000x128xf32, #tpu.memory_space<hbm>>) dst(%dma_wait3A_738 : memref<64x128xf32, #tpu.memory_space<vmem>>)
        %rem3A_745 = arith.constant 2 : i32
        %rem3A_746 = arith.remsi %add3A_704, %rem3A_745 : i32
        %dma_wait3A_747 = arith.constant 0 : i32
        %dma_wait3A_748 = arith.constant 64 : i32
        %dma_wait3A_749 = arith.constant 0 : i32
        %dma_wait3A_750 = tpu.memref_slice %arg7[%rem3A_746, %dma_wait3A_748, %dma_wait3A_749] : memref<2x128x128xf32, #tpu.memory_space<vmem>> -> memref<1x64x128xf32, #tpu.memory_space<vmem>>
        %dma_wait3A_751 = tpu.memref_squeeze %dma_wait3A_750 : memref<1x64x128xf32, #tpu.memory_space<vmem>> -> memref<64x128xf32, #tpu.memory_space<vmem>>
        %dma_wait3A_752 = arith.constant 64 : i32
        %dma_wait3A_753 = tpu.memref_slice %arg6[%rem3A_706, %dma_wait3A_747, %dma_wait3A_752] : memref<4x2x128xi32, #tpu.memory_space<vmem>> -> memref<1x1x64xi32, #tpu.memory_space<vmem>>
        %dma_wait3A_754 = tpu.memref_squeeze %dma_wait3A_753 : memref<1x1x64xi32, #tpu.memory_space<vmem>> -> memref<64xi32, #tpu.memory_space<vmem>>
        %dma_wait3A_755 = arith.constant 0 : i32
        %dma_wait3A_756 = arith.constant 0 : i32
        %dma_wait3A_757 = tpu.memref_slice %arg2[%dma_wait3A_755, %dma_wait3A_756] : memref<10000x128xf32, #tpu.memory_space<hbm>> -> memref<10000x128xf32, #tpu.memory_space<hbm>>
        tpu.wait_indirect_dma semaphore(%arg11 : memref<!tpu.dma_semaphore, #tpu.memory_space<semaphore_mem>>) src(%dma_wait3A_757 : memref<10000x128xf32, #tpu.memory_space<hbm>>) dst(%dma_wait3A_751 : memref<64x128xf32, #tpu.memory_space<vmem>>)
        %rem3A_758 = arith.constant 2 : i32
        %rem3A_759 = arith.remsi %add3A_704, %rem3A_758 : i32
        %dma_start3A_760 = arith.constant 1 : i32
        %dma_start3A_761 = arith.constant 0 : i32
        %dma_start3A_762 = arith.constant 0 : i32
        %dma_start3A_763 = tpu.memref_slice %arg7[%rem3A_759, %dma_start3A_761, %dma_start3A_762] : memref<2x128x128xf32, #tpu.memory_space<vmem>> -> memref<1x128x128xf32, #tpu.memory_space<vmem>>
        %dma_start3A_764 = tpu.memref_squeeze %dma_start3A_763 : memref<1x128x128xf32, #tpu.memory_space<vmem>> -> memref<128x128xf32, #tpu.memory_space<vmem>>
        %dma_start3A_765 = arith.constant 0 : i32
        %dma_start3A_766 = tpu.memref_slice %arg6[%rem3A_706, %dma_start3A_760, %dma_start3A_765] : memref<4x2x128xi32, #tpu.memory_space<vmem>> -> memref<1x1x128xi32, #tpu.memory_space<vmem>>
        %dma_start3A_767 = tpu.memref_squeeze %dma_start3A_766 : memref<1x1x128xi32, #tpu.memory_space<vmem>> -> memref<128xi32, #tpu.memory_space<vmem>>
        %dma_start3A_768 = arith.constant 0 : i32
        %dma_start3A_769 = arith.constant 0 : i32
        %dma_start3A_770 = tpu.memref_slice %arg9[%dma_start3A_768, %dma_start3A_769] : memref<10240x128xf32, #tpu.memory_space<vmem_shared>> -> memref<10240x128xf32, #tpu.memory_space<vmem_shared>>
        tpu.enqueue_indirect_dma source(%dma_start3A_764 : memref<128x128xf32, #tpu.memory_space<vmem>>) target(%dma_start3A_770 : memref<10240x128xf32, #tpu.memory_space<vmem_shared>>) offsets(%dma_start3A_767 : memref<128xi32, #tpu.memory_space<vmem>>) semaphore(%arg12 : memref<!tpu.dma_semaphore, #tpu.memory_space<semaphore_mem>>) {add = true}
      }
      %scan3A_684 = arith.constant 133 : i32
      %rem3A_685 = arith.constant 132 : i32
      %rem3A_686 = arith.constant 2 : i32
      %rem3A_687 = arith.remsi %rem3A_685, %rem3A_686 : i32
      %dma_wait3A_688 = arith.constant 0 : i32
      %dma_wait3A_689 = arith.constant 1 : i32
      %dma_wait3A_690 = arith.constant 0 : i32
      %dma_wait3A_691 = arith.constant 0 : i32
      %dma_wait3A_692 = tpu.memref_slice %arg7[%rem3A_687, %dma_wait3A_690, %dma_wait3A_691] : memref<2x128x128xf32, #tpu.memory_space<vmem>> -> memref<1x128x128xf32, #tpu.memory_space<vmem>>
      %dma_wait3A_693 = tpu.memref_squeeze %dma_wait3A_692 : memref<1x128x128xf32, #tpu.memory_space<vmem>> -> memref<128x128xf32, #tpu.memory_space<vmem>>
      %dma_wait3A_694 = arith.constant 0 : i32
      %dma_wait3A_695 = tpu.memref_slice %arg6[%dma_wait3A_688, %dma_wait3A_689, %dma_wait3A_694] : memref<4x2x128xi32, #tpu.memory_space<vmem>> -> memref<1x1x128xi32, #tpu.memory_space<vmem>>
      %dma_wait3A_696 = tpu.memref_squeeze %dma_wait3A_695 : memref<1x1x128xi32, #tpu.memory_space<vmem>> -> memref<128xi32, #tpu.memory_space<vmem>>
      %dma_wait3A_697 = arith.constant 0 : i32
      %dma_wait3A_698 = arith.constant 0 : i32
      %dma_wait3A_699 = tpu.memref_slice %arg9[%dma_wait3A_697, %dma_wait3A_698] : memref<10240x128xf32, #tpu.memory_space<vmem_shared>> -> memref<10240x128xf32, #tpu.memory_space<vmem_shared>>
      tpu.wait_indirect_dma semaphore(%arg12 : memref<!tpu.dma_semaphore, #tpu.memory_space<semaphore_mem>>) src(%dma_wait3A_693 : memref<128x128xf32, #tpu.memory_space<vmem>>) dst(%dma_wait3A_699 : memref<10240x128xf32, #tpu.memory_space<vmem_shared>>)
    } else {
    }
    %eq3A_597 = arith.constant 1 : i32
    %eq3A_598 = arith.cmpi eq, %arg0, %eq3A_597 : i32
    %convert_element_type3A_599 = arith.extui %eq3A_598 : i1 to i32
    %cond3A_600 = arith.constant 0 : i32
    %cond3A_601 = arith.cmpi ne, %convert_element_type3A_599, %cond3A_600 : i32
    scf.if %cond3A_601 {
      %mul3A_603 = arith.constant 3200 : i32
      %mul3A_604 = arith.muli %arg1, %mul3A_603 : i32
      %add3A_605 = arith.constant 272384 : i32
      %add3A_606 = arith.addi %add3A_605, %mul3A_604 : i32
      %add3A_607 = arith.constant 0 : i32
      %add3A_608 = arith.addi %add3A_606, %add3A_607 : i32
      %dma_start3A_609 = arith.constant 0 : i32
      %dma_start3A_610 = arith.constant 0 : i32
      %dma_start3A_611 = arith.constant 0 : i32
      %dma_start3A_612 = tpu.memref_slice %arg6[%dma_start3A_609, %dma_start3A_610, %dma_start3A_611] : memref<4x2x128xi32, #tpu.memory_space<vmem>> -> memref<1x2x128xi32, #tpu.memory_space<vmem>>
      %dma_start3A_613 = tpu.memref_squeeze %dma_start3A_612 : memref<1x2x128xi32, #tpu.memory_space<vmem>> -> memref<2x128xi32, #tpu.memory_space<vmem>>
      %dma_start3A_614 = arith.constant 0 : i32
      %dma_start3A_615 = tpu.memref_slice %arg3[%dma_start3A_614, %add3A_608] : memref<2x323584xi32, #tpu.memory_space<hbm>> -> memref<2x128xi32, #tpu.memory_space<hbm>>
      %dma_start3A_616 = arith.constant 0 : i32
      %dma_start3A_617 = arith.constant 0 : i32
      %dma_start3A_618 = tpu.memref_slice %arg6[%dma_start3A_609, %dma_start3A_616, %dma_start3A_617] : memref<4x2x128xi32, #tpu.memory_space<vmem>> -> memref<1x2x128xi32, #tpu.memory_space<vmem>>
      %dma_start3A_619 = tpu.memref_squeeze %dma_start3A_618 : memref<1x2x128xi32, #tpu.memory_space<vmem>> -> memref<2x128xi32, #tpu.memory_space<vmem>>
      %dma_start3A_620 = arith.constant 0 : i32
      %dma_start3A_621 = tpu.memref_slice %arg3[%dma_start3A_620, %add3A_608] : memref<2x323584xi32, #tpu.memory_space<hbm>> -> memref<2x128xi32, #tpu.memory_space<hbm>>
      tpu.enqueue_dma source(%dma_start3A_621 : memref<2x128xi32, #tpu.memory_space<hbm>>) target(%dma_start3A_619 : memref<2x128xi32, #tpu.memory_space<vmem>>) target_semaphore(%arg10 : memref<!tpu.dma_semaphore, #tpu.memory_space<semaphore_mem>>)
      %add3A_622 = arith.constant 128 : i32
      %add3A_623 = arith.addi %add3A_606, %add3A_622 : i32
      %dma_start3A_624 = arith.constant 1 : i32
      %dma_start3A_625 = arith.constant 0 : i32
      %dma_start3A_626 = arith.constant 0 : i32
      %dma_start3A_627 = tpu.memref_slice %arg6[%dma_start3A_624, %dma_start3A_625, %dma_start3A_626] : memref<4x2x128xi32, #tpu.memory_space<vmem>> -> memref<1x2x128xi32, #tpu.memory_space<vmem>>
      %dma_start3A_628 = tpu.memref_squeeze %dma_start3A_627 : memref<1x2x128xi32, #tpu.memory_space<vmem>> -> memref<2x128xi32, #tpu.memory_space<vmem>>
      %dma_start3A_629 = arith.constant 0 : i32
      %dma_start3A_630 = tpu.memref_slice %arg3[%dma_start3A_629, %add3A_623] : memref<2x323584xi32, #tpu.memory_space<hbm>> -> memref<2x128xi32, #tpu.memory_space<hbm>>
      %dma_start3A_631 = arith.constant 0 : i32
      %dma_start3A_632 = arith.constant 0 : i32
      %dma_start3A_633 = tpu.memref_slice %arg6[%dma_start3A_624, %dma_start3A_631, %dma_start3A_632] : memref<4x2x128xi32, #tpu.memory_space<vmem>> -> memref<1x2x128xi32, #tpu.memory_space<vmem>>
      %dma_start3A_634 = tpu.memref_squeeze %dma_start3A_633 : memref<1x2x128xi32, #tpu.memory_space<vmem>> -> memref<2x128xi32, #tpu.memory_space<vmem>>
      %dma_start3A_635 = arith.constant 0 : i32
      %dma_start3A_636 = tpu.memref_slice %arg3[%dma_start3A_635, %add3A_623] : memref<2x323584xi32, #tpu.memory_space<hbm>> -> memref<2x128xi32, #tpu.memory_space<hbm>>
      tpu.enqueue_dma source(%dma_start3A_636 : memref<2x128xi32, #tpu.memory_space<hbm>>) target(%dma_start3A_634 : memref<2x128xi32, #tpu.memory_space<vmem>>) target_semaphore(%arg10 : memref<!tpu.dma_semaphore, #tpu.memory_space<semaphore_mem>>)
      %add3A_637 = arith.constant 0 : i32
      %add3A_638 = arith.addi %add3A_606, %add3A_637 : i32
      %dma_wait3A_639 = arith.constant 0 : i32
      %dma_wait3A_640 = arith.constant 0 : i32
      %dma_wait3A_641 = arith.constant 0 : i32
      %dma_wait3A_642 = tpu.memref_slice %arg6[%dma_wait3A_639, %dma_wait3A_640, %dma_wait3A_641] : memref<4x2x128xi32, #tpu.memory_space<vmem>> -> memref<1x2x128xi32, #tpu.memory_space<vmem>>
      %dma_wait3A_643 = tpu.memref_squeeze %dma_wait3A_642 : memref<1x2x128xi32, #tpu.memory_space<vmem>> -> memref<2x128xi32, #tpu.memory_space<vmem>>
      %dma_wait3A_644 = arith.constant 0 : i32
      %dma_wait3A_645 = tpu.memref_slice %arg3[%dma_wait3A_644, %add3A_638] : memref<2x323584xi32, #tpu.memory_space<hbm>> -> memref<2x128xi32, #tpu.memory_space<hbm>>
      %dma_wait3A_646 = arith.constant 0 : i32
      %dma_wait3A_647 = arith.constant 0 : i32
      %dma_wait3A_648 = tpu.memref_slice %arg6[%dma_wait3A_639, %dma_wait3A_646, %dma_wait3A_647] : memref<4x2x128xi32, #tpu.memory_space<vmem>> -> memref<1x2x128xi32, #tpu.memory_space<vmem>>
      %dma_wait3A_649 = tpu.memref_squeeze %dma_wait3A_648 : memref<1x2x128xi32, #tpu.memory_space<vmem>> -> memref<2x128xi32, #tpu.memory_space<vmem>>
      %dma_wait3A_650 = arith.constant 0 : i32
      %dma_wait3A_651 = tpu.memref_slice %arg3[%dma_wait3A_650, %add3A_638] : memref<2x323584xi32, #tpu.memory_space<hbm>> -> memref<2x128xi32, #tpu.memory_space<hbm>>
      tpu.wait_dma2 semaphore(%arg10 : memref<!tpu.dma_semaphore, #tpu.memory_space<semaphore_mem>>) src(%dma_wait3A_651 : memref<2x128xi32, #tpu.memory_space<hbm>>) dst(%dma_wait3A_649 : memref<2x128xi32, #tpu.memory_space<vmem>>)
      %rem3A_652 = arith.constant 0 : i32
      %rem3A_653 = arith.constant 2 : i32
      %rem3A_654 = arith.remsi %rem3A_652, %rem3A_653 : i32
      %dma_start3A_655 = arith.constant 0 : i32
      %dma_start3A_656 = arith.constant 0 : i32
      %dma_start3A_657 = arith.constant 0 : i32
      %dma_start3A_658 = arith.constant 0 : i32
      %dma_start3A_659 = tpu.memref_slice %arg7[%rem3A_654, %dma_start3A_657, %dma_start3A_658] : memref<2x128x128xf32, #tpu.memory_space<vmem>> -> memref<1x64x128xf32, #tpu.memory_space<vmem>>
      %dma_start3A_660 = tpu.memref_squeeze %dma_start3A_659 : memref<1x64x128xf32, #tpu.memory_space<vmem>> -> memref<64x128xf32, #tpu.memory_space<vmem>>
      %dma_start3A_661 = arith.constant 0 : i32
      %dma_start3A_662 = tpu.memref_slice %arg6[%dma_start3A_655, %dma_start3A_656, %dma_start3A_661] : memref<4x2x128xi32, #tpu.memory_space<vmem>> -> memref<1x1x64xi32, #tpu.memory_space<vmem>>
      %dma_start3A_663 = tpu.memref_squeeze %dma_start3A_662 : memref<1x1x64xi32, #tpu.memory_space<vmem>> -> memref<64xi32, #tpu.memory_space<vmem>>
      %dma_start3A_664 = arith.constant 0 : i32
      %dma_start3A_665 = arith.constant 0 : i32
      %dma_start3A_666 = tpu.memref_slice %arg2[%dma_start3A_664, %dma_start3A_665] : memref<10000x128xf32, #tpu.memory_space<hbm>> -> memref<10000x128xf32, #tpu.memory_space<hbm>>
      tpu.enqueue_indirect_dma source(%dma_start3A_666 : memref<10000x128xf32, #tpu.memory_space<hbm>>) target(%dma_start3A_660 : memref<64x128xf32, #tpu.memory_space<vmem>>) offsets(%dma_start3A_663 : memref<64xi32, #tpu.memory_space<vmem>>) semaphore(%arg11 : memref<!tpu.dma_semaphore, #tpu.memory_space<semaphore_mem>>)
      %rem3A_667 = arith.constant 0 : i32
      %rem3A_668 = arith.constant 2 : i32
      %rem3A_669 = arith.remsi %rem3A_667, %rem3A_668 : i32
      %dma_start3A_670 = arith.constant 0 : i32
      %dma_start3A_671 = arith.constant 0 : i32
      %dma_start3A_672 = arith.constant 64 : i32
      %dma_start3A_673 = arith.constant 0 : i32
      %dma_start3A_674 = tpu.memref_slice %arg7[%rem3A_669, %dma_start3A_672, %dma_start3A_673] : memref<2x128x128xf32, #tpu.memory_space<vmem>> -> memref<1x64x128xf32, #tpu.memory_space<vmem>>
      %dma_start3A_675 = tpu.memref_squeeze %dma_start3A_674 : memref<1x64x128xf32, #tpu.memory_space<vmem>> -> memref<64x128xf32, #tpu.memory_space<vmem>>
      %dma_start3A_676 = arith.constant 64 : i32
      %dma_start3A_677 = tpu.memref_slice %arg6[%dma_start3A_670, %dma_start3A_671, %dma_start3A_676] : memref<4x2x128xi32, #tpu.memory_space<vmem>> -> memref<1x1x64xi32, #tpu.memory_space<vmem>>
      %dma_start3A_678 = tpu.memref_squeeze %dma_start3A_677 : memref<1x1x64xi32, #tpu.memory_space<vmem>> -> memref<64xi32, #tpu.memory_space<vmem>>
      %dma_start3A_679 = arith.constant 0 : i32
      %dma_start3A_680 = arith.constant 0 : i32
      %dma_start3A_681 = tpu.memref_slice %arg2[%dma_start3A_679, %dma_start3A_680] : memref<10000x128xf32, #tpu.memory_space<hbm>> -> memref<10000x128xf32, #tpu.memory_space<hbm>>
      tpu.enqueue_indirect_dma source(%dma_start3A_681 : memref<10000x128xf32, #tpu.memory_space<hbm>>) target(%dma_start3A_675 : memref<64x128xf32, #tpu.memory_space<vmem>>) offsets(%dma_start3A_678 : memref<64xi32, #tpu.memory_space<vmem>>) semaphore(%arg11 : memref<!tpu.dma_semaphore, #tpu.memory_space<semaphore_mem>>)
      %scan3A_682 = arith.constant 0 : i32
      %scan3A_683 = arith.constant 25 : i32
      %scan3A_684 = arith.addi %scan3A_682, %scan3A_683 : i32
      %scan3A_685 = arith.constant 1 : i32
      scf.for %scan3A_702 = %scan3A_682 to %scan3A_684 step %scan3A_685  : i32 {
        %mul3A_703 = arith.constant 1 : i32
        %mul3A_704 = arith.muli %scan3A_702, %mul3A_703 : i32
        %add3A_705 = arith.constant 0 : i32
        %add3A_706 = arith.addi %add3A_705, %mul3A_704 : i32
        %rem3A_707 = arith.constant 4 : i32
        %rem3A_708 = arith.remsi %add3A_706, %rem3A_707 : i32
        %add3A_709 = arith.constant 1 : i32
        %add3A_710 = arith.addi %add3A_706, %add3A_709 : i32
        %rem3A_711 = arith.constant 4 : i32
        %rem3A_712 = arith.remsi %add3A_710, %rem3A_711 : i32
        %add3A_713 = arith.constant 2 : i32
        %add3A_714 = arith.addi %add3A_706, %add3A_713 : i32
        %rem3A_715 = arith.constant 4 : i32
        %rem3A_716 = arith.remsi %add3A_714, %rem3A_715 : i32
        %ge3A = arith.constant 1 : i32
        %ge3A_717 = arith.cmpi sge, %add3A_706, %ge3A : i32
        %convert_element_type3A_718 = arith.extui %ge3A_717 : i1 to i32
        %cond3A_719 = arith.constant 0 : i32
        %cond3A_720 = arith.cmpi ne, %convert_element_type3A_718, %cond3A_719 : i32
        scf.if %cond3A_720 {
          %sub3A = arith.constant 1 : i32
          %sub3A_773 = arith.subi %add3A_706, %sub3A : i32
          %add3A_774 = arith.constant 3 : i32
          %add3A_775 = arith.addi %add3A_706, %add3A_774 : i32
          %rem3A_776 = arith.constant 4 : i32
          %rem3A_777 = arith.remsi %add3A_775, %rem3A_776 : i32
          %rem3A_778 = arith.constant 2 : i32
          %rem3A_779 = arith.remsi %sub3A_773, %rem3A_778 : i32
          %dma_wait3A_780 = arith.constant 1 : i32
          %dma_wait3A_781 = arith.constant 0 : i32
          %dma_wait3A_782 = arith.constant 0 : i32
          %dma_wait3A_783 = tpu.memref_slice %arg7[%rem3A_779, %dma_wait3A_781, %dma_wait3A_782] : memref<2x128x128xf32, #tpu.memory_space<vmem>> -> memref<1x128x128xf32, #tpu.memory_space<vmem>>
          %dma_wait3A_784 = tpu.memref_squeeze %dma_wait3A_783 : memref<1x128x128xf32, #tpu.memory_space<vmem>> -> memref<128x128xf32, #tpu.memory_space<vmem>>
          %dma_wait3A_785 = arith.constant 0 : i32
          %dma_wait3A_786 = tpu.memref_slice %arg6[%rem3A_777, %dma_wait3A_780, %dma_wait3A_785] : memref<4x2x128xi32, #tpu.memory_space<vmem>> -> memref<1x1x128xi32, #tpu.memory_space<vmem>>
          %dma_wait3A_787 = tpu.memref_squeeze %dma_wait3A_786 : memref<1x1x128xi32, #tpu.memory_space<vmem>> -> memref<128xi32, #tpu.memory_space<vmem>>
          %dma_wait3A_788 = arith.constant 0 : i32
          %dma_wait3A_789 = arith.constant 0 : i32
          %dma_wait3A_790 = tpu.memref_slice %arg9[%dma_wait3A_788, %dma_wait3A_789] : memref<10240x128xf32, #tpu.memory_space<vmem_shared>> -> memref<10240x128xf32, #tpu.memory_space<vmem_shared>>
          tpu.wait_indirect_dma semaphore(%arg12 : memref<!tpu.dma_semaphore, #tpu.memory_space<semaphore_mem>>) src(%dma_wait3A_784 : memref<128x128xf32, #tpu.memory_space<vmem>>) dst(%dma_wait3A_790 : memref<10240x128xf32, #tpu.memory_space<vmem_shared>>)
        } else {
        }
        %add3A_721 = arith.constant 2 : i32
        %add3A_722 = arith.addi %add3A_706, %add3A_721 : i32
        %lt3A = arith.constant 25 : i32
        %lt3A_723 = arith.cmpi slt, %add3A_722, %lt3A : i32
        %convert_element_type3A_724 = arith.extui %lt3A_723 : i1 to i32
        %cond3A_725 = arith.constant 0 : i32
        %cond3A_726 = arith.cmpi ne, %convert_element_type3A_724, %cond3A_725 : i32
        scf.if %cond3A_726 {
          %add3A_773 = arith.constant 2 : i32
          %add3A_774 = arith.addi %add3A_706, %add3A_773 : i32
          %mul3A_775 = arith.constant 128 : i32
          %mul3A_776 = arith.muli %add3A_774, %mul3A_775 : i32
          %add3A_777 = arith.addi %add3A_606, %mul3A_776 : i32
          %dma_start3A_778 = arith.constant 0 : i32
          %dma_start3A_779 = arith.constant 0 : i32
          %dma_start3A_780 = tpu.memref_slice %arg6[%rem3A_716, %dma_start3A_778, %dma_start3A_779] : memref<4x2x128xi32, #tpu.memory_space<vmem>> -> memref<1x2x128xi32, #tpu.memory_space<vmem>>
          %dma_start3A_781 = tpu.memref_squeeze %dma_start3A_780 : memref<1x2x128xi32, #tpu.memory_space<vmem>> -> memref<2x128xi32, #tpu.memory_space<vmem>>
          %dma_start3A_782 = arith.constant 0 : i32
          %dma_start3A_783 = tpu.memref_slice %arg3[%dma_start3A_782, %add3A_777] : memref<2x323584xi32, #tpu.memory_space<hbm>> -> memref<2x128xi32, #tpu.memory_space<hbm>>
          %dma_start3A_784 = arith.constant 0 : i32
          %dma_start3A_785 = arith.constant 0 : i32
          %dma_start3A_786 = tpu.memref_slice %arg6[%rem3A_716, %dma_start3A_784, %dma_start3A_785] : memref<4x2x128xi32, #tpu.memory_space<vmem>> -> memref<1x2x128xi32, #tpu.memory_space<vmem>>
          %dma_start3A_787 = tpu.memref_squeeze %dma_start3A_786 : memref<1x2x128xi32, #tpu.memory_space<vmem>> -> memref<2x128xi32, #tpu.memory_space<vmem>>
          %dma_start3A_788 = arith.constant 0 : i32
          %dma_start3A_789 = tpu.memref_slice %arg3[%dma_start3A_788, %add3A_777] : memref<2x323584xi32, #tpu.memory_space<hbm>> -> memref<2x128xi32, #tpu.memory_space<hbm>>
          tpu.enqueue_dma source(%dma_start3A_789 : memref<2x128xi32, #tpu.memory_space<hbm>>) target(%dma_start3A_787 : memref<2x128xi32, #tpu.memory_space<vmem>>) target_semaphore(%arg10 : memref<!tpu.dma_semaphore, #tpu.memory_space<semaphore_mem>>)
        } else {
        }
        %add3A_727 = arith.constant 1 : i32
        %add3A_728 = arith.addi %add3A_706, %add3A_727 : i32
        %lt3A_729 = arith.constant 25 : i32
        %lt3A_730 = arith.cmpi slt, %add3A_728, %lt3A_729 : i32
        %convert_element_type3A_731 = arith.extui %lt3A_730 : i1 to i32
        %cond3A_732 = arith.constant 0 : i32
        %cond3A_733 = arith.cmpi ne, %convert_element_type3A_731, %cond3A_732 : i32
        scf.if %cond3A_733 {
          %add3A_773 = arith.constant 1 : i32
          %add3A_774 = arith.addi %add3A_706, %add3A_773 : i32
          %mul3A_775 = arith.constant 128 : i32
          %mul3A_776 = arith.muli %add3A_774, %mul3A_775 : i32
          %add3A_777 = arith.addi %add3A_606, %mul3A_776 : i32
          %dma_wait3A_778 = arith.constant 0 : i32
          %dma_wait3A_779 = arith.constant 0 : i32
          %dma_wait3A_780 = tpu.memref_slice %arg6[%rem3A_712, %dma_wait3A_778, %dma_wait3A_779] : memref<4x2x128xi32, #tpu.memory_space<vmem>> -> memref<1x2x128xi32, #tpu.memory_space<vmem>>
          %dma_wait3A_781 = tpu.memref_squeeze %dma_wait3A_780 : memref<1x2x128xi32, #tpu.memory_space<vmem>> -> memref<2x128xi32, #tpu.memory_space<vmem>>
          %dma_wait3A_782 = arith.constant 0 : i32
          %dma_wait3A_783 = tpu.memref_slice %arg3[%dma_wait3A_782, %add3A_777] : memref<2x323584xi32, #tpu.memory_space<hbm>> -> memref<2x128xi32, #tpu.memory_space<hbm>>
          %dma_wait3A_784 = arith.constant 0 : i32
          %dma_wait3A_785 = arith.constant 0 : i32
          %dma_wait3A_786 = tpu.memref_slice %arg6[%rem3A_712, %dma_wait3A_784, %dma_wait3A_785] : memref<4x2x128xi32, #tpu.memory_space<vmem>> -> memref<1x2x128xi32, #tpu.memory_space<vmem>>
          %dma_wait3A_787 = tpu.memref_squeeze %dma_wait3A_786 : memref<1x2x128xi32, #tpu.memory_space<vmem>> -> memref<2x128xi32, #tpu.memory_space<vmem>>
          %dma_wait3A_788 = arith.constant 0 : i32
          %dma_wait3A_789 = tpu.memref_slice %arg3[%dma_wait3A_788, %add3A_777] : memref<2x323584xi32, #tpu.memory_space<hbm>> -> memref<2x128xi32, #tpu.memory_space<hbm>>
          tpu.wait_dma2 semaphore(%arg10 : memref<!tpu.dma_semaphore, #tpu.memory_space<semaphore_mem>>) src(%dma_wait3A_789 : memref<2x128xi32, #tpu.memory_space<hbm>>) dst(%dma_wait3A_787 : memref<2x128xi32, #tpu.memory_space<vmem>>)
          %add3A_790 = arith.constant 1 : i32
          %add3A_791 = arith.addi %add3A_706, %add3A_790 : i32
          %rem3A_792 = arith.constant 2 : i32
          %rem3A_793 = arith.remsi %add3A_791, %rem3A_792 : i32
          %dma_start3A_794 = arith.constant 0 : i32
          %dma_start3A_795 = arith.constant 0 : i32
          %dma_start3A_796 = arith.constant 0 : i32
          %dma_start3A_797 = tpu.memref_slice %arg7[%rem3A_793, %dma_start3A_795, %dma_start3A_796] : memref<2x128x128xf32, #tpu.memory_space<vmem>> -> memref<1x64x128xf32, #tpu.memory_space<vmem>>
          %dma_start3A_798 = tpu.memref_squeeze %dma_start3A_797 : memref<1x64x128xf32, #tpu.memory_space<vmem>> -> memref<64x128xf32, #tpu.memory_space<vmem>>
          %dma_start3A_799 = arith.constant 0 : i32
          %dma_start3A_800 = tpu.memref_slice %arg6[%rem3A_712, %dma_start3A_794, %dma_start3A_799] : memref<4x2x128xi32, #tpu.memory_space<vmem>> -> memref<1x1x64xi32, #tpu.memory_space<vmem>>
          %dma_start3A_801 = tpu.memref_squeeze %dma_start3A_800 : memref<1x1x64xi32, #tpu.memory_space<vmem>> -> memref<64xi32, #tpu.memory_space<vmem>>
          %dma_start3A_802 = arith.constant 0 : i32
          %dma_start3A_803 = arith.constant 0 : i32
          %dma_start3A_804 = tpu.memref_slice %arg2[%dma_start3A_802, %dma_start3A_803] : memref<10000x128xf32, #tpu.memory_space<hbm>> -> memref<10000x128xf32, #tpu.memory_space<hbm>>
          tpu.enqueue_indirect_dma source(%dma_start3A_804 : memref<10000x128xf32, #tpu.memory_space<hbm>>) target(%dma_start3A_798 : memref<64x128xf32, #tpu.memory_space<vmem>>) offsets(%dma_start3A_801 : memref<64xi32, #tpu.memory_space<vmem>>) semaphore(%arg11 : memref<!tpu.dma_semaphore, #tpu.memory_space<semaphore_mem>>)
          %rem3A_805 = arith.constant 2 : i32
          %rem3A_806 = arith.remsi %add3A_791, %rem3A_805 : i32
          %dma_start3A_807 = arith.constant 0 : i32
          %dma_start3A_808 = arith.constant 64 : i32
          %dma_start3A_809 = arith.constant 0 : i32
          %dma_start3A_810 = tpu.memref_slice %arg7[%rem3A_806, %dma_start3A_808, %dma_start3A_809] : memref<2x128x128xf32, #tpu.memory_space<vmem>> -> memref<1x64x128xf32, #tpu.memory_space<vmem>>
          %dma_start3A_811 = tpu.memref_squeeze %dma_start3A_810 : memref<1x64x128xf32, #tpu.memory_space<vmem>> -> memref<64x128xf32, #tpu.memory_space<vmem>>
          %dma_start3A_812 = arith.constant 64 : i32
          %dma_start3A_813 = tpu.memref_slice %arg6[%rem3A_712, %dma_start3A_807, %dma_start3A_812] : memref<4x2x128xi32, #tpu.memory_space<vmem>> -> memref<1x1x64xi32, #tpu.memory_space<vmem>>
          %dma_start3A_814 = tpu.memref_squeeze %dma_start3A_813 : memref<1x1x64xi32, #tpu.memory_space<vmem>> -> memref<64xi32, #tpu.memory_space<vmem>>
          %dma_start3A_815 = arith.constant 0 : i32
          %dma_start3A_816 = arith.constant 0 : i32
          %dma_start3A_817 = tpu.memref_slice %arg2[%dma_start3A_815, %dma_start3A_816] : memref<10000x128xf32, #tpu.memory_space<hbm>> -> memref<10000x128xf32, #tpu.memory_space<hbm>>
          tpu.enqueue_indirect_dma source(%dma_start3A_817 : memref<10000x128xf32, #tpu.memory_space<hbm>>) target(%dma_start3A_811 : memref<64x128xf32, #tpu.memory_space<vmem>>) offsets(%dma_start3A_814 : memref<64xi32, #tpu.memory_space<vmem>>) semaphore(%arg11 : memref<!tpu.dma_semaphore, #tpu.memory_space<semaphore_mem>>)
        } else {
        }
        %rem3A_734 = arith.constant 2 : i32
        %rem3A_735 = arith.remsi %add3A_706, %rem3A_734 : i32
        %dma_wait3A_736 = arith.constant 0 : i32
        %dma_wait3A_737 = arith.constant 0 : i32
        %dma_wait3A_738 = arith.constant 0 : i32
        %dma_wait3A_739 = tpu.memref_slice %arg7[%rem3A_735, %dma_wait3A_737, %dma_wait3A_738] : memref<2x128x128xf32, #tpu.memory_space<vmem>> -> memref<1x64x128xf32, #tpu.memory_space<vmem>>
        %dma_wait3A_740 = tpu.memref_squeeze %dma_wait3A_739 : memref<1x64x128xf32, #tpu.memory_space<vmem>> -> memref<64x128xf32, #tpu.memory_space<vmem>>
        %dma_wait3A_741 = arith.constant 0 : i32
        %dma_wait3A_742 = tpu.memref_slice %arg6[%rem3A_708, %dma_wait3A_736, %dma_wait3A_741] : memref<4x2x128xi32, #tpu.memory_space<vmem>> -> memref<1x1x64xi32, #tpu.memory_space<vmem>>
        %dma_wait3A_743 = tpu.memref_squeeze %dma_wait3A_742 : memref<1x1x64xi32, #tpu.memory_space<vmem>> -> memref<64xi32, #tpu.memory_space<vmem>>
        %dma_wait3A_744 = arith.constant 0 : i32
        %dma_wait3A_745 = arith.constant 0 : i32
        %dma_wait3A_746 = tpu.memref_slice %arg2[%dma_wait3A_744, %dma_wait3A_745] : memref<10000x128xf32, #tpu.memory_space<hbm>> -> memref<10000x128xf32, #tpu.memory_space<hbm>>
        tpu.wait_indirect_dma semaphore(%arg11 : memref<!tpu.dma_semaphore, #tpu.memory_space<semaphore_mem>>) src(%dma_wait3A_746 : memref<10000x128xf32, #tpu.memory_space<hbm>>) dst(%dma_wait3A_740 : memref<64x128xf32, #tpu.memory_space<vmem>>)
        %rem3A_747 = arith.constant 2 : i32
        %rem3A_748 = arith.remsi %add3A_706, %rem3A_747 : i32
        %dma_wait3A_749 = arith.constant 0 : i32
        %dma_wait3A_750 = arith.constant 64 : i32
        %dma_wait3A_751 = arith.constant 0 : i32
        %dma_wait3A_752 = tpu.memref_slice %arg7[%rem3A_748, %dma_wait3A_750, %dma_wait3A_751] : memref<2x128x128xf32, #tpu.memory_space<vmem>> -> memref<1x64x128xf32, #tpu.memory_space<vmem>>
        %dma_wait3A_753 = tpu.memref_squeeze %dma_wait3A_752 : memref<1x64x128xf32, #tpu.memory_space<vmem>> -> memref<64x128xf32, #tpu.memory_space<vmem>>
        %dma_wait3A_754 = arith.constant 64 : i32
        %dma_wait3A_755 = tpu.memref_slice %arg6[%rem3A_708, %dma_wait3A_749, %dma_wait3A_754] : memref<4x2x128xi32, #tpu.memory_space<vmem>> -> memref<1x1x64xi32, #tpu.memory_space<vmem>>
        %dma_wait3A_756 = tpu.memref_squeeze %dma_wait3A_755 : memref<1x1x64xi32, #tpu.memory_space<vmem>> -> memref<64xi32, #tpu.memory_space<vmem>>
        %dma_wait3A_757 = arith.constant 0 : i32
        %dma_wait3A_758 = arith.constant 0 : i32
        %dma_wait3A_759 = tpu.memref_slice %arg2[%dma_wait3A_757, %dma_wait3A_758] : memref<10000x128xf32, #tpu.memory_space<hbm>> -> memref<10000x128xf32, #tpu.memory_space<hbm>>
        tpu.wait_indirect_dma semaphore(%arg11 : memref<!tpu.dma_semaphore, #tpu.memory_space<semaphore_mem>>) src(%dma_wait3A_759 : memref<10000x128xf32, #tpu.memory_space<hbm>>) dst(%dma_wait3A_753 : memref<64x128xf32, #tpu.memory_space<vmem>>)
        %rem3A_760 = arith.constant 2 : i32
        %rem3A_761 = arith.remsi %add3A_706, %rem3A_760 : i32
        %dma_start3A_762 = arith.constant 1 : i32
        %dma_start3A_763 = arith.constant 0 : i32
        %dma_start3A_764 = arith.constant 0 : i32
        %dma_start3A_765 = tpu.memref_slice %arg7[%rem3A_761, %dma_start3A_763, %dma_start3A_764] : memref<2x128x128xf32, #tpu.memory_space<vmem>> -> memref<1x128x128xf32, #tpu.memory_space<vmem>>
        %dma_start3A_766 = tpu.memref_squeeze %dma_start3A_765 : memref<1x128x128xf32, #tpu.memory_space<vmem>> -> memref<128x128xf32, #tpu.memory_space<vmem>>
        %dma_start3A_767 = arith.constant 0 : i32
        %dma_start3A_768 = tpu.memref_slice %arg6[%rem3A_708, %dma_start3A_762, %dma_start3A_767] : memref<4x2x128xi32, #tpu.memory_space<vmem>> -> memref<1x1x128xi32, #tpu.memory_space<vmem>>
        %dma_start3A_769 = tpu.memref_squeeze %dma_start3A_768 : memref<1x1x128xi32, #tpu.memory_space<vmem>> -> memref<128xi32, #tpu.memory_space<vmem>>
        %dma_start3A_770 = arith.constant 0 : i32
        %dma_start3A_771 = arith.constant 0 : i32
        %dma_start3A_772 = tpu.memref_slice %arg9[%dma_start3A_770, %dma_start3A_771] : memref<10240x128xf32, #tpu.memory_space<vmem_shared>> -> memref<10240x128xf32, #tpu.memory_space<vmem_shared>>
        tpu.enqueue_indirect_dma source(%dma_start3A_766 : memref<128x128xf32, #tpu.memory_space<vmem>>) target(%dma_start3A_772 : memref<10240x128xf32, #tpu.memory_space<vmem_shared>>) offsets(%dma_start3A_769 : memref<128xi32, #tpu.memory_space<vmem>>) semaphore(%arg12 : memref<!tpu.dma_semaphore, #tpu.memory_space<semaphore_mem>>) {add = true}
      }
      %scan3A_686 = arith.constant 25 : i32
      %rem3A_687 = arith.constant 24 : i32
      %rem3A_688 = arith.constant 2 : i32
      %rem3A_689 = arith.remsi %rem3A_687, %rem3A_688 : i32
      %dma_wait3A_690 = arith.constant 0 : i32
      %dma_wait3A_691 = arith.constant 1 : i32
      %dma_wait3A_692 = arith.constant 0 : i32
      %dma_wait3A_693 = arith.constant 0 : i32
      %dma_wait3A_694 = tpu.memref_slice %arg7[%rem3A_689, %dma_wait3A_692, %dma_wait3A_693] : memref<2x128x128xf32, #tpu.memory_space<vmem>> -> memref<1x128x128xf32, #tpu.memory_space<vmem>>
      %dma_wait3A_695 = tpu.memref_squeeze %dma_wait3A_694 : memref<1x128x128xf32, #tpu.memory_space<vmem>> -> memref<128x128xf32, #tpu.memory_space<vmem>>
      %dma_wait3A_696 = arith.constant 0 : i32
      %dma_wait3A_697 = tpu.memref_slice %arg6[%dma_wait3A_690, %dma_wait3A_691, %dma_wait3A_696] : memref<4x2x128xi32, #tpu.memory_space<vmem>> -> memref<1x1x128xi32, #tpu.memory_space<vmem>>
      %dma_wait3A_698 = tpu.memref_squeeze %dma_wait3A_697 : memref<1x1x128xi32, #tpu.memory_space<vmem>> -> memref<128xi32, #tpu.memory_space<vmem>>
      %dma_wait3A_699 = arith.constant 0 : i32
      %dma_wait3A_700 = arith.constant 0 : i32
      %dma_wait3A_701 = tpu.memref_slice %arg9[%dma_wait3A_699, %dma_wait3A_700] : memref<10240x128xf32, #tpu.memory_space<vmem_shared>> -> memref<10240x128xf32, #tpu.memory_space<vmem_shared>>
      tpu.wait_indirect_dma semaphore(%arg12 : memref<!tpu.dma_semaphore, #tpu.memory_space<semaphore_mem>>) src(%dma_wait3A_695 : memref<128x128xf32, #tpu.memory_space<vmem>>) dst(%dma_wait3A_701 : memref<10240x128xf32, #tpu.memory_space<vmem_shared>>)
    } else {
    }
    %barrier3A_602 = arith.constant 0 : index
    tpu.barrier barrier_id(%barrier3A_602)
    "tpu.region"() ({
      %run_scoped3A = tpu.sem_alloc : memref<!tpu.dma_semaphore, #tpu.memory_space<semaphore_mem>>
      %dma_start3A_603 = arith.constant 0 : i32
      %dma_start3A_604 = tpu.memref_slice %arg4[%arg0, %mul3A_2, %dma_start3A_603] : memref<2x10240x128xf32, #tpu.memory_space<hbm>> -> memref<1x640x128xf32, #tpu.memory_space<hbm>>
      %dma_start3A_605 = tpu.memref_squeeze %dma_start3A_604 : memref<1x640x128xf32, #tpu.memory_space<hbm>> -> memref<640x128xf32, #tpu.memory_space<hbm>>
      %dma_start3A_606 = arith.constant 0 : i32
      %dma_start3A_607 = tpu.memref_slice %arg9[%mul3A_2, %dma_start3A_606] : memref<10240x128xf32, #tpu.memory_space<vmem_shared>> -> memref<640x128xf32, #tpu.memory_space<vmem_shared>>
      tpu.enqueue_dma source(%dma_start3A_607 : memref<640x128xf32, #tpu.memory_space<vmem_shared>>) target(%dma_start3A_605 : memref<640x128xf32, #tpu.memory_space<hbm>>) target_semaphore(%run_scoped3A : memref<!tpu.dma_semaphore, #tpu.memory_space<semaphore_mem>>)
      %dma_wait3A_608 = arith.constant 0 : i32
      %dma_wait3A_609 = tpu.memref_slice %arg4[%arg0, %mul3A_2, %dma_wait3A_608] : memref<2x10240x128xf32, #tpu.memory_space<hbm>> -> memref<1x640x128xf32, #tpu.memory_space<hbm>>
      %dma_wait3A_610 = tpu.memref_squeeze %dma_wait3A_609 : memref<1x640x128xf32, #tpu.memory_space<hbm>> -> memref<640x128xf32, #tpu.memory_space<hbm>>
      %dma_wait3A_611 = arith.constant 0 : i32
      %dma_wait3A_612 = tpu.memref_slice %arg9[%mul3A_2, %dma_wait3A_611] : memref<10240x128xf32, #tpu.memory_space<vmem_shared>> -> memref<640x128xf32, #tpu.memory_space<vmem_shared>>
      tpu.wait_dma2 semaphore(%run_scoped3A : memref<!tpu.dma_semaphore, #tpu.memory_space<semaphore_mem>>) src(%dma_wait3A_612 : memref<640x128xf32, #tpu.memory_space<vmem_shared>>) dst(%dma_wait3A_610 : memref<640x128xf32, #tpu.memory_space<hbm>>)
      tpu.yield
    }) : () -> ()
    return
  }
}

#map = affine_map<(d0, d1) -> (0, 0)>
#map1 = affine_map<(d0, d1) -> (0, 0, 0)>
module attributes {stable_mosaic.version = 14 : i64} {
  func.func @body(%arg0: i32, %arg1: i32, %arg2: memref<10000x128xf32, #tpu.memory_space<hbm>>, %arg3: memref<2x323584xi32, #tpu.memory_space<hbm>>, %arg4: memref<2x10240x128xf32, #tpu.memory_space<hbm>>, %arg5: memref<4x2x128xi32, #tpu.memory_space<vmem>>, %arg6: memref<2x128x128xf32, #tpu.memory_space<vmem>>, %arg7: memref<8x128xf32, #tpu.memory_space<vmem>>, %arg8: memref<10240x128xf32, #tpu.memory_space<vmem_shared>>, %arg9: memref<!tpu.dma_semaphore, #tpu.memory_space<semaphore_mem>>, %arg10: memref<!tpu.dma_semaphore, #tpu.memory_space<semaphore_mem>>, %arg11: memref<!tpu.dma_semaphore, #tpu.memory_space<semaphore_mem>>) attributes {dimension_semantics = [#tpu.dimension_semantics<core_parallel>, #tpu.dimension_semantics<subcore_parallel>], iteration_bounds = array<i64: 2, 16>, scalar_prefetch = 0 : i64, scratch_operands = 7 : i64, tpu.core_type = #tpu.core_type<sc_vector_subcore>, window_params = [{transform_indices = #map}, {transform_indices = #map}, {transform_indices = #map1}]} {
    %mul3A = arith.constant 2 : i32
    %mul3A_0 = arith.muli %arg1, %mul3A : i32
    %add3A = arith.addi %mul3A_0, %arg0 : i32
    %mul3A_1 = arith.constant 640 : i32
    %mul3A_2 = arith.muli %arg1, %mul3A_1 : i32
    %broadcast_in_dim3A = arith.constant 0.000000e+00 : f32
    %broadcast_in_dim3A_3 = vector.broadcast %broadcast_in_dim3A : f32 to vector<16xf32>
    %swap3A = arith.constant 0 : i32
    %swap3A_4 = arith.index_cast %swap3A : i32 to index
    %swap3A_5 = arith.constant 0 : index
    %swap3A_6 = tpu.vector_load %arg7[%swap3A_4, %swap3A_5] {strides = array<i32>} : memref<8x128xf32, #tpu.memory_space<vmem>>, vector<1x16xf32>,
    %swap3A_7 = vector.shape_cast %swap3A_6 : vector<1x16xf32> to vector<16xf32>
    %swap3A_8 = vector.shape_cast %broadcast_in_dim3A_3 : vector<16xf32> to vector<1x16xf32>
    tpu.vector_store %arg7[%swap3A_4, %swap3A_5], %swap3A_8 {strides = array<i32>} : memref<8x128xf32, #tpu.memory_space<vmem>>, vector<1x16xf32>,
    %broadcast_in_dim3A_9 = arith.constant 0.000000e+00 : f32
    %broadcast_in_dim3A_10 = vector.broadcast %broadcast_in_dim3A_9 : f32 to vector<16xf32>
    %swap3A_11 = arith.constant 0 : i32
    %swap3A_12 = arith.index_cast %swap3A_11 : i32 to index
    %swap3A_13 = arith.constant 16 : index
    %swap3A_14 = tpu.vector_load %arg7[%swap3A_12, %swap3A_13] {strides = array<i32>} : memref<8x128xf32, #tpu.memory_space<vmem>>, vector<1x16xf32>,
    %swap3A_15 = vector.shape_cast %swap3A_14 : vector<1x16xf32> to vector<16xf32>
    %swap3A_16 = vector.shape_cast %broadcast_in_dim3A_10 : vector<16xf32> to vector<1x16xf32>
    tpu.vector_store %arg7[%swap3A_12, %swap3A_13], %swap3A_16 {strides = array<i32>} : memref<8x128xf32, #tpu.memory_space<vmem>>, vector<1x16xf32>,
    %broadcast_in_dim3A_17 = arith.constant 0.000000e+00 : f32
    %broadcast_in_dim3A_18 = vector.broadcast %broadcast_in_dim3A_17 : f32 to vector<16xf32>
    %swap3A_19 = arith.constant 0 : i32
    %swap3A_20 = arith.index_cast %swap3A_19 : i32 to index
    %swap3A_21 = arith.constant 32 : index
    %swap3A_22 = tpu.vector_load %arg7[%swap3A_20, %swap3A_21] {strides = array<i32>} : memref<8x128xf32, #tpu.memory_space<vmem>>, vector<1x16xf32>,
    %swap3A_23 = vector.shape_cast %swap3A_22 : vector<1x16xf32> to vector<16xf32>
    %swap3A_24 = vector.shape_cast %broadcast_in_dim3A_18 : vector<16xf32> to vector<1x16xf32>
    tpu.vector_store %arg7[%swap3A_20, %swap3A_21], %swap3A_24 {strides = array<i32>} : memref<8x128xf32, #tpu.memory_space<vmem>>, vector<1x16xf32>,
    %broadcast_in_dim3A_25 = arith.constant 0.000000e+00 : f32
    %broadcast_in_dim3A_26 = vector.broadcast %broadcast_in_dim3A_25 : f32 to vector<16xf32>
    %swap3A_27 = arith.constant 0 : i32
    %swap3A_28 = arith.index_cast %swap3A_27 : i32 to index
    %swap3A_29 = arith.constant 48 : index
    %swap3A_30 = tpu.vector_load %arg7[%swap3A_28, %swap3A_29] {strides = array<i32>} : memref<8x128xf32, #tpu.memory_space<vmem>>, vector<1x16xf32>,
    %swap3A_31 = vector.shape_cast %swap3A_30 : vector<1x16xf32> to vector<16xf32>
    %swap3A_32 = vector.shape_cast %broadcast_in_dim3A_26 : vector<16xf32> to vector<1x16xf32>
    tpu.vector_store %arg7[%swap3A_28, %swap3A_29], %swap3A_32 {strides = array<i32>} : memref<8x128xf32, #tpu.memory_space<vmem>>, vector<1x16xf32>,
    %broadcast_in_dim3A_33 = arith.constant 0.000000e+00 : f32
    %broadcast_in_dim3A_34 = vector.broadcast %broadcast_in_dim3A_33 : f32 to vector<16xf32>
    %swap3A_35 = arith.constant 0 : i32
    %swap3A_36 = arith.index_cast %swap3A_35 : i32 to index
    %swap3A_37 = arith.constant 64 : index
    %swap3A_38 = tpu.vector_load %arg7[%swap3A_36, %swap3A_37] {strides = array<i32>} : memref<8x128xf32, #tpu.memory_space<vmem>>, vector<1x16xf32>,
    %swap3A_39 = vector.shape_cast %swap3A_38 : vector<1x16xf32> to vector<16xf32>
    %swap3A_40 = vector.shape_cast %broadcast_in_dim3A_34 : vector<16xf32> to vector<1x16xf32>
    tpu.vector_store %arg7[%swap3A_36, %swap3A_37], %swap3A_40 {strides = array<i32>} : memref<8x128xf32, #tpu.memory_space<vmem>>, vector<1x16xf32>,
    %broadcast_in_dim3A_41 = arith.constant 0.000000e+00 : f32
    %broadcast_in_dim3A_42 = vector.broadcast %broadcast_in_dim3A_41 : f32 to vector<16xf32>
    %swap3A_43 = arith.constant 0 : i32
    %swap3A_44 = arith.index_cast %swap3A_43 : i32 to index
    %swap3A_45 = arith.constant 80 : index
    %swap3A_46 = tpu.vector_load %arg7[%swap3A_44, %swap3A_45] {strides = array<i32>} : memref<8x128xf32, #tpu.memory_space<vmem>>, vector<1x16xf32>,
    %swap3A_47 = vector.shape_cast %swap3A_46 : vector<1x16xf32> to vector<16xf32>
    %swap3A_48 = vector.shape_cast %broadcast_in_dim3A_42 : vector<16xf32> to vector<1x16xf32>
    tpu.vector_store %arg7[%swap3A_44, %swap3A_45], %swap3A_48 {strides = array<i32>} : memref<8x128xf32, #tpu.memory_space<vmem>>, vector<1x16xf32>,
    %broadcast_in_dim3A_49 = arith.constant 0.000000e+00 : f32
    %broadcast_in_dim3A_50 = vector.broadcast %broadcast_in_dim3A_49 : f32 to vector<16xf32>
    %swap3A_51 = arith.constant 0 : i32
    %swap3A_52 = arith.index_cast %swap3A_51 : i32 to index
    %swap3A_53 = arith.constant 96 : index
    %swap3A_54 = tpu.vector_load %arg7[%swap3A_52, %swap3A_53] {strides = array<i32>} : memref<8x128xf32, #tpu.memory_space<vmem>>, vector<1x16xf32>,
    %swap3A_55 = vector.shape_cast %swap3A_54 : vector<1x16xf32> to vector<16xf32>
    %swap3A_56 = vector.shape_cast %broadcast_in_dim3A_50 : vector<16xf32> to vector<1x16xf32>
    tpu.vector_store %arg7[%swap3A_52, %swap3A_53], %swap3A_56 {strides = array<i32>} : memref<8x128xf32, #tpu.memory_space<vmem>>, vector<1x16xf32>,
    %broadcast_in_dim3A_57 = arith.constant 0.000000e+00 : f32
    %broadcast_in_dim3A_58 = vector.broadcast %broadcast_in_dim3A_57 : f32 to vector<16xf32>
    %swap3A_59 = arith.constant 0 : i32
    %swap3A_60 = arith.index_cast %swap3A_59 : i32 to index
    %swap3A_61 = arith.constant 112 : index
    %swap3A_62 = tpu.vector_load %arg7[%swap3A_60, %swap3A_61] {strides = array<i32>} : memref<8x128xf32, #tpu.memory_space<vmem>>, vector<1x16xf32>,
    %swap3A_63 = vector.shape_cast %swap3A_62 : vector<1x16xf32> to vector<16xf32>
    %swap3A_64 = vector.shape_cast %broadcast_in_dim3A_58 : vector<16xf32> to vector<1x16xf32>
    tpu.vector_store %arg7[%swap3A_60, %swap3A_61], %swap3A_64 {strides = array<i32>} : memref<8x128xf32, #tpu.memory_space<vmem>>, vector<1x16xf32>,
    %broadcast_in_dim3A_65 = arith.constant 0.000000e+00 : f32
    %broadcast_in_dim3A_66 = vector.broadcast %broadcast_in_dim3A_65 : f32 to vector<16xf32>
    %swap3A_67 = arith.constant 1 : i32
    %swap3A_68 = arith.index_cast %swap3A_67 : i32 to index
    %swap3A_69 = arith.constant 0 : index
    %swap3A_70 = tpu.vector_load %arg7[%swap3A_68, %swap3A_69] {strides = array<i32>} : memref<8x128xf32, #tpu.memory_space<vmem>>, vector<1x16xf32>,
    %swap3A_71 = vector.shape_cast %swap3A_70 : vector<1x16xf32> to vector<16xf32>
    %swap3A_72 = vector.shape_cast %broadcast_in_dim3A_66 : vector<16xf32> to vector<1x16xf32>
    tpu.vector_store %arg7[%swap3A_68, %swap3A_69], %swap3A_72 {strides = array<i32>} : memref<8x128xf32, #tpu.memory_space<vmem>>, vector<1x16xf32>,
    %broadcast_in_dim3A_73 = arith.constant 0.000000e+00 : f32
    %broadcast_in_dim3A_74 = vector.broadcast %broadcast_in_dim3A_73 : f32 to vector<16xf32>
    %swap3A_75 = arith.constant 1 : i32
    %swap3A_76 = arith.index_cast %swap3A_75 : i32 to index
    %swap3A_77 = arith.constant 16 : index
    %swap3A_78 = tpu.vector_load %arg7[%swap3A_76, %swap3A_77] {strides = array<i32>} : memref<8x128xf32, #tpu.memory_space<vmem>>, vector<1x16xf32>,
    %swap3A_79 = vector.shape_cast %swap3A_78 : vector<1x16xf32> to vector<16xf32>
    %swap3A_80 = vector.shape_cast %broadcast_in_dim3A_74 : vector<16xf32> to vector<1x16xf32>
    tpu.vector_store %arg7[%swap3A_76, %swap3A_77], %swap3A_80 {strides = array<i32>} : memref<8x128xf32, #tpu.memory_space<vmem>>, vector<1x16xf32>,
    %broadcast_in_dim3A_81 = arith.constant 0.000000e+00 : f32
    %broadcast_in_dim3A_82 = vector.broadcast %broadcast_in_dim3A_81 : f32 to vector<16xf32>
    %swap3A_83 = arith.constant 1 : i32
    %swap3A_84 = arith.index_cast %swap3A_83 : i32 to index
    %swap3A_85 = arith.constant 32 : index
    %swap3A_86 = tpu.vector_load %arg7[%swap3A_84, %swap3A_85] {strides = array<i32>} : memref<8x128xf32, #tpu.memory_space<vmem>>, vector<1x16xf32>,
    %swap3A_87 = vector.shape_cast %swap3A_86 : vector<1x16xf32> to vector<16xf32>
    %swap3A_88 = vector.shape_cast %broadcast_in_dim3A_82 : vector<16xf32> to vector<1x16xf32>
    tpu.vector_store %arg7[%swap3A_84, %swap3A_85], %swap3A_88 {strides = array<i32>} : memref<8x128xf32, #tpu.memory_space<vmem>>, vector<1x16xf32>,
    %broadcast_in_dim3A_89 = arith.constant 0.000000e+00 : f32
    %broadcast_in_dim3A_90 = vector.broadcast %broadcast_in_dim3A_89 : f32 to vector<16xf32>
    %swap3A_91 = arith.constant 1 : i32
    %swap3A_92 = arith.index_cast %swap3A_91 : i32 to index
    %swap3A_93 = arith.constant 48 : index
    %swap3A_94 = tpu.vector_load %arg7[%swap3A_92, %swap3A_93] {strides = array<i32>} : memref<8x128xf32, #tpu.memory_space<vmem>>, vector<1x16xf32>,
    %swap3A_95 = vector.shape_cast %swap3A_94 : vector<1x16xf32> to vector<16xf32>
    %swap3A_96 = vector.shape_cast %broadcast_in_dim3A_90 : vector<16xf32> to vector<1x16xf32>
    tpu.vector_store %arg7[%swap3A_92, %swap3A_93], %swap3A_96 {strides = array<i32>} : memref<8x128xf32, #tpu.memory_space<vmem>>, vector<1x16xf32>,
    %broadcast_in_dim3A_97 = arith.constant 0.000000e+00 : f32
    %broadcast_in_dim3A_98 = vector.broadcast %broadcast_in_dim3A_97 : f32 to vector<16xf32>
    %swap3A_99 = arith.constant 1 : i32
    %swap3A_100 = arith.index_cast %swap3A_99 : i32 to index
    %swap3A_101 = arith.constant 64 : index
    %swap3A_102 = tpu.vector_load %arg7[%swap3A_100, %swap3A_101] {strides = array<i32>} : memref<8x128xf32, #tpu.memory_space<vmem>>, vector<1x16xf32>,
    %swap3A_103 = vector.shape_cast %swap3A_102 : vector<1x16xf32> to vector<16xf32>
    %swap3A_104 = vector.shape_cast %broadcast_in_dim3A_98 : vector<16xf32> to vector<1x16xf32>
    tpu.vector_store %arg7[%swap3A_100, %swap3A_101], %swap3A_104 {strides = array<i32>} : memref<8x128xf32, #tpu.memory_space<vmem>>, vector<1x16xf32>,
    %broadcast_in_dim3A_105 = arith.constant 0.000000e+00 : f32
    %broadcast_in_dim3A_106 = vector.broadcast %broadcast_in_dim3A_105 : f32 to vector<16xf32>
    %swap3A_107 = arith.constant 1 : i32
    %swap3A_108 = arith.index_cast %swap3A_107 : i32 to index
    %swap3A_109 = arith.constant 80 : index
    %swap3A_110 = tpu.vector_load %arg7[%swap3A_108, %swap3A_109] {strides = array<i32>} : memref<8x128xf32, #tpu.memory_space<vmem>>, vector<1x16xf32>,
    %swap3A_111 = vector.shape_cast %swap3A_110 : vector<1x16xf32> to vector<16xf32>
    %swap3A_112 = vector.shape_cast %broadcast_in_dim3A_106 : vector<16xf32> to vector<1x16xf32>
    tpu.vector_store %arg7[%swap3A_108, %swap3A_109], %swap3A_112 {strides = array<i32>} : memref<8x128xf32, #tpu.memory_space<vmem>>, vector<1x16xf32>,
    %broadcast_in_dim3A_113 = arith.constant 0.000000e+00 : f32
    %broadcast_in_dim3A_114 = vector.broadcast %broadcast_in_dim3A_113 : f32 to vector<16xf32>
    %swap3A_115 = arith.constant 1 : i32
    %swap3A_116 = arith.index_cast %swap3A_115 : i32 to index
    %swap3A_117 = arith.constant 96 : index
    %swap3A_118 = tpu.vector_load %arg7[%swap3A_116, %swap3A_117] {strides = array<i32>} : memref<8x128xf32, #tpu.memory_space<vmem>>, vector<1x16xf32>,
    %swap3A_119 = vector.shape_cast %swap3A_118 : vector<1x16xf32> to vector<16xf32>
    %swap3A_120 = vector.shape_cast %broadcast_in_dim3A_114 : vector<16xf32> to vector<1x16xf32>
    tpu.vector_store %arg7[%swap3A_116, %swap3A_117], %swap3A_120 {strides = array<i32>} : memref<8x128xf32, #tpu.memory_space<vmem>>, vector<1x16xf32>,
    %broadcast_in_dim3A_121 = arith.constant 0.000000e+00 : f32
    %broadcast_in_dim3A_122 = vector.broadcast %broadcast_in_dim3A_121 : f32 to vector<16xf32>
    %swap3A_123 = arith.constant 1 : i32
    %swap3A_124 = arith.index_cast %swap3A_123 : i32 to index
    %swap3A_125 = arith.constant 112 : index
    %swap3A_126 = tpu.vector_load %arg7[%swap3A_124, %swap3A_125] {strides = array<i32>} : memref<8x128xf32, #tpu.memory_space<vmem>>, vector<1x16xf32>,
    %swap3A_127 = vector.shape_cast %swap3A_126 : vector<1x16xf32> to vector<16xf32>
    %swap3A_128 = vector.shape_cast %broadcast_in_dim3A_122 : vector<16xf32> to vector<1x16xf32>
    tpu.vector_store %arg7[%swap3A_124, %swap3A_125], %swap3A_128 {strides = array<i32>} : memref<8x128xf32, #tpu.memory_space<vmem>>, vector<1x16xf32>,
    %broadcast_in_dim3A_129 = arith.constant 0.000000e+00 : f32
    %broadcast_in_dim3A_130 = vector.broadcast %broadcast_in_dim3A_129 : f32 to vector<16xf32>
    %swap3A_131 = arith.constant 2 : i32
    %swap3A_132 = arith.index_cast %swap3A_131 : i32 to index
    %swap3A_133 = arith.constant 0 : index
    %swap3A_134 = tpu.vector_load %arg7[%swap3A_132, %swap3A_133] {strides = array<i32>} : memref<8x128xf32, #tpu.memory_space<vmem>>, vector<1x16xf32>,
    %swap3A_135 = vector.shape_cast %swap3A_134 : vector<1x16xf32> to vector<16xf32>
    %swap3A_136 = vector.shape_cast %broadcast_in_dim3A_130 : vector<16xf32> to vector<1x16xf32>
    tpu.vector_store %arg7[%swap3A_132, %swap3A_133], %swap3A_136 {strides = array<i32>} : memref<8x128xf32, #tpu.memory_space<vmem>>, vector<1x16xf32>,
    %broadcast_in_dim3A_137 = arith.constant 0.000000e+00 : f32
    %broadcast_in_dim3A_138 = vector.broadcast %broadcast_in_dim3A_137 : f32 to vector<16xf32>
    %swap3A_139 = arith.constant 2 : i32
    %swap3A_140 = arith.index_cast %swap3A_139 : i32 to index
    %swap3A_141 = arith.constant 16 : index
    %swap3A_142 = tpu.vector_load %arg7[%swap3A_140, %swap3A_141] {strides = array<i32>} : memref<8x128xf32, #tpu.memory_space<vmem>>, vector<1x16xf32>,
    %swap3A_143 = vector.shape_cast %swap3A_142 : vector<1x16xf32> to vector<16xf32>
    %swap3A_144 = vector.shape_cast %broadcast_in_dim3A_138 : vector<16xf32> to vector<1x16xf32>
    tpu.vector_store %arg7[%swap3A_140, %swap3A_141], %swap3A_144 {strides = array<i32>} : memref<8x128xf32, #tpu.memory_space<vmem>>, vector<1x16xf32>,
    %broadcast_in_dim3A_145 = arith.constant 0.000000e+00 : f32
    %broadcast_in_dim3A_146 = vector.broadcast %broadcast_in_dim3A_145 : f32 to vector<16xf32>
    %swap3A_147 = arith.constant 2 : i32
    %swap3A_148 = arith.index_cast %swap3A_147 : i32 to index
    %swap3A_149 = arith.constant 32 : index
    %swap3A_150 = tpu.vector_load %arg7[%swap3A_148, %swap3A_149] {strides = array<i32>} : memref<8x128xf32, #tpu.memory_space<vmem>>, vector<1x16xf32>,
    %swap3A_151 = vector.shape_cast %swap3A_150 : vector<1x16xf32> to vector<16xf32>
    %swap3A_152 = vector.shape_cast %broadcast_in_dim3A_146 : vector<16xf32> to vector<1x16xf32>
    tpu.vector_store %arg7[%swap3A_148, %swap3A_149], %swap3A_152 {strides = array<i32>} : memref<8x128xf32, #tpu.memory_space<vmem>>, vector<1x16xf32>,
    %broadcast_in_dim3A_153 = arith.constant 0.000000e+00 : f32
    %broadcast_in_dim3A_154 = vector.broadcast %broadcast_in_dim3A_153 : f32 to vector<16xf32>
    %swap3A_155 = arith.constant 2 : i32
    %swap3A_156 = arith.index_cast %swap3A_155 : i32 to index
    %swap3A_157 = arith.constant 48 : index
    %swap3A_158 = tpu.vector_load %arg7[%swap3A_156, %swap3A_157] {strides = array<i32>} : memref<8x128xf32, #tpu.memory_space<vmem>>, vector<1x16xf32>,
    %swap3A_159 = vector.shape_cast %swap3A_158 : vector<1x16xf32> to vector<16xf32>
    %swap3A_160 = vector.shape_cast %broadcast_in_dim3A_154 : vector<16xf32> to vector<1x16xf32>
    tpu.vector_store %arg7[%swap3A_156, %swap3A_157], %swap3A_160 {strides = array<i32>} : memref<8x128xf32, #tpu.memory_space<vmem>>, vector<1x16xf32>,
    %broadcast_in_dim3A_161 = arith.constant 0.000000e+00 : f32
    %broadcast_in_dim3A_162 = vector.broadcast %broadcast_in_dim3A_161 : f32 to vector<16xf32>
    %swap3A_163 = arith.constant 2 : i32
    %swap3A_164 = arith.index_cast %swap3A_163 : i32 to index
    %swap3A_165 = arith.constant 64 : index
    %swap3A_166 = tpu.vector_load %arg7[%swap3A_164, %swap3A_165] {strides = array<i32>} : memref<8x128xf32, #tpu.memory_space<vmem>>, vector<1x16xf32>,
    %swap3A_167 = vector.shape_cast %swap3A_166 : vector<1x16xf32> to vector<16xf32>
    %swap3A_168 = vector.shape_cast %broadcast_in_dim3A_162 : vector<16xf32> to vector<1x16xf32>
    tpu.vector_store %arg7[%swap3A_164, %swap3A_165], %swap3A_168 {strides = array<i32>} : memref<8x128xf32, #tpu.memory_space<vmem>>, vector<1x16xf32>,
    %broadcast_in_dim3A_169 = arith.constant 0.000000e+00 : f32
    %broadcast_in_dim3A_170 = vector.broadcast %broadcast_in_dim3A_169 : f32 to vector<16xf32>
    %swap3A_171 = arith.constant 2 : i32
    %swap3A_172 = arith.index_cast %swap3A_171 : i32 to index
    %swap3A_173 = arith.constant 80 : index
    %swap3A_174 = tpu.vector_load %arg7[%swap3A_172, %swap3A_173] {strides = array<i32>} : memref<8x128xf32, #tpu.memory_space<vmem>>, vector<1x16xf32>,
    %swap3A_175 = vector.shape_cast %swap3A_174 : vector<1x16xf32> to vector<16xf32>
    %swap3A_176 = vector.shape_cast %broadcast_in_dim3A_170 : vector<16xf32> to vector<1x16xf32>
    tpu.vector_store %arg7[%swap3A_172, %swap3A_173], %swap3A_176 {strides = array<i32>} : memref<8x128xf32, #tpu.memory_space<vmem>>, vector<1x16xf32>,
    %broadcast_in_dim3A_177 = arith.constant 0.000000e+00 : f32
    %broadcast_in_dim3A_178 = vector.broadcast %broadcast_in_dim3A_177 : f32 to vector<16xf32>
    %swap3A_179 = arith.constant 2 : i32
    %swap3A_180 = arith.index_cast %swap3A_179 : i32 to index
    %swap3A_181 = arith.constant 96 : index
    %swap3A_182 = tpu.vector_load %arg7[%swap3A_180, %swap3A_181] {strides = array<i32>} : memref<8x128xf32, #tpu.memory_space<vmem>>, vector<1x16xf32>,
    %swap3A_183 = vector.shape_cast %swap3A_182 : vector<1x16xf32> to vector<16xf32>
    %swap3A_184 = vector.shape_cast %broadcast_in_dim3A_178 : vector<16xf32> to vector<1x16xf32>
    tpu.vector_store %arg7[%swap3A_180, %swap3A_181], %swap3A_184 {strides = array<i32>} : memref<8x128xf32, #tpu.memory_space<vmem>>, vector<1x16xf32>,
    %broadcast_in_dim3A_185 = arith.constant 0.000000e+00 : f32
    %broadcast_in_dim3A_186 = vector.broadcast %broadcast_in_dim3A_185 : f32 to vector<16xf32>
    %swap3A_187 = arith.constant 2 : i32
    %swap3A_188 = arith.index_cast %swap3A_187 : i32 to index
    %swap3A_189 = arith.constant 112 : index
    %swap3A_190 = tpu.vector_load %arg7[%swap3A_188, %swap3A_189] {strides = array<i32>} : memref<8x128xf32, #tpu.memory_space<vmem>>, vector<1x16xf32>,
    %swap3A_191 = vector.shape_cast %swap3A_190 : vector<1x16xf32> to vector<16xf32>
    %swap3A_192 = vector.shape_cast %broadcast_in_dim3A_186 : vector<16xf32> to vector<1x16xf32>
    tpu.vector_store %arg7[%swap3A_188, %swap3A_189], %swap3A_192 {strides = array<i32>} : memref<8x128xf32, #tpu.memory_space<vmem>>, vector<1x16xf32>,
    %broadcast_in_dim3A_193 = arith.constant 0.000000e+00 : f32
    %broadcast_in_dim3A_194 = vector.broadcast %broadcast_in_dim3A_193 : f32 to vector<16xf32>
    %swap3A_195 = arith.constant 3 : i32
    %swap3A_196 = arith.index_cast %swap3A_195 : i32 to index
    %swap3A_197 = arith.constant 0 : index
    %swap3A_198 = tpu.vector_load %arg7[%swap3A_196, %swap3A_197] {strides = array<i32>} : memref<8x128xf32, #tpu.memory_space<vmem>>, vector<1x16xf32>,
    %swap3A_199 = vector.shape_cast %swap3A_198 : vector<1x16xf32> to vector<16xf32>
    %swap3A_200 = vector.shape_cast %broadcast_in_dim3A_194 : vector<16xf32> to vector<1x16xf32>
    tpu.vector_store %arg7[%swap3A_196, %swap3A_197], %swap3A_200 {strides = array<i32>} : memref<8x128xf32, #tpu.memory_space<vmem>>, vector<1x16xf32>,
    %broadcast_in_dim3A_201 = arith.constant 0.000000e+00 : f32
    %broadcast_in_dim3A_202 = vector.broadcast %broadcast_in_dim3A_201 : f32 to vector<16xf32>
    %swap3A_203 = arith.constant 3 : i32
    %swap3A_204 = arith.index_cast %swap3A_203 : i32 to index
    %swap3A_205 = arith.constant 16 : index
    %swap3A_206 = tpu.vector_load %arg7[%swap3A_204, %swap3A_205] {strides = array<i32>} : memref<8x128xf32, #tpu.memory_space<vmem>>, vector<1x16xf32>,
    %swap3A_207 = vector.shape_cast %swap3A_206 : vector<1x16xf32> to vector<16xf32>
    %swap3A_208 = vector.shape_cast %broadcast_in_dim3A_202 : vector<16xf32> to vector<1x16xf32>
    tpu.vector_store %arg7[%swap3A_204, %swap3A_205], %swap3A_208 {strides = array<i32>} : memref<8x128xf32, #tpu.memory_space<vmem>>, vector<1x16xf32>,
    %broadcast_in_dim3A_209 = arith.constant 0.000000e+00 : f32
    %broadcast_in_dim3A_210 = vector.broadcast %broadcast_in_dim3A_209 : f32 to vector<16xf32>
    %swap3A_211 = arith.constant 3 : i32
    %swap3A_212 = arith.index_cast %swap3A_211 : i32 to index
    %swap3A_213 = arith.constant 32 : index
    %swap3A_214 = tpu.vector_load %arg7[%swap3A_212, %swap3A_213] {strides = array<i32>} : memref<8x128xf32, #tpu.memory_space<vmem>>, vector<1x16xf32>,
    %swap3A_215 = vector.shape_cast %swap3A_214 : vector<1x16xf32> to vector<16xf32>
    %swap3A_216 = vector.shape_cast %broadcast_in_dim3A_210 : vector<16xf32> to vector<1x16xf32>
    tpu.vector_store %arg7[%swap3A_212, %swap3A_213], %swap3A_216 {strides = array<i32>} : memref<8x128xf32, #tpu.memory_space<vmem>>, vector<1x16xf32>,
    %broadcast_in_dim3A_217 = arith.constant 0.000000e+00 : f32
    %broadcast_in_dim3A_218 = vector.broadcast %broadcast_in_dim3A_217 : f32 to vector<16xf32>
    %swap3A_219 = arith.constant 3 : i32
    %swap3A_220 = arith.index_cast %swap3A_219 : i32 to index
    %swap3A_221 = arith.constant 48 : index
    %swap3A_222 = tpu.vector_load %arg7[%swap3A_220, %swap3A_221] {strides = array<i32>} : memref<8x128xf32, #tpu.memory_space<vmem>>, vector<1x16xf32>,
    %swap3A_223 = vector.shape_cast %swap3A_222 : vector<1x16xf32> to vector<16xf32>
    %swap3A_224 = vector.shape_cast %broadcast_in_dim3A_218 : vector<16xf32> to vector<1x16xf32>
    tpu.vector_store %arg7[%swap3A_220, %swap3A_221], %swap3A_224 {strides = array<i32>} : memref<8x128xf32, #tpu.memory_space<vmem>>, vector<1x16xf32>,
    %broadcast_in_dim3A_225 = arith.constant 0.000000e+00 : f32
    %broadcast_in_dim3A_226 = vector.broadcast %broadcast_in_dim3A_225 : f32 to vector<16xf32>
    %swap3A_227 = arith.constant 3 : i32
    %swap3A_228 = arith.index_cast %swap3A_227 : i32 to index
    %swap3A_229 = arith.constant 64 : index
    %swap3A_230 = tpu.vector_load %arg7[%swap3A_228, %swap3A_229] {strides = array<i32>} : memref<8x128xf32, #tpu.memory_space<vmem>>, vector<1x16xf32>,
    %swap3A_231 = vector.shape_cast %swap3A_230 : vector<1x16xf32> to vector<16xf32>
    %swap3A_232 = vector.shape_cast %broadcast_in_dim3A_226 : vector<16xf32> to vector<1x16xf32>
    tpu.vector_store %arg7[%swap3A_228, %swap3A_229], %swap3A_232 {strides = array<i32>} : memref<8x128xf32, #tpu.memory_space<vmem>>, vector<1x16xf32>,
    %broadcast_in_dim3A_233 = arith.constant 0.000000e+00 : f32
    %broadcast_in_dim3A_234 = vector.broadcast %broadcast_in_dim3A_233 : f32 to vector<16xf32>
    %swap3A_235 = arith.constant 3 : i32
    %swap3A_236 = arith.index_cast %swap3A_235 : i32 to index
    %swap3A_237 = arith.constant 80 : index
    %swap3A_238 = tpu.vector_load %arg7[%swap3A_236, %swap3A_237] {strides = array<i32>} : memref<8x128xf32, #tpu.memory_space<vmem>>, vector<1x16xf32>,
    %swap3A_239 = vector.shape_cast %swap3A_238 : vector<1x16xf32> to vector<16xf32>
    %swap3A_240 = vector.shape_cast %broadcast_in_dim3A_234 : vector<16xf32> to vector<1x16xf32>
    tpu.vector_store %arg7[%swap3A_236, %swap3A_237], %swap3A_240 {strides = array<i32>} : memref<8x128xf32, #tpu.memory_space<vmem>>, vector<1x16xf32>,
    %broadcast_in_dim3A_241 = arith.constant 0.000000e+00 : f32
    %broadcast_in_dim3A_242 = vector.broadcast %broadcast_in_dim3A_241 : f32 to vector<16xf32>
    %swap3A_243 = arith.constant 3 : i32
    %swap3A_244 = arith.index_cast %swap3A_243 : i32 to index
    %swap3A_245 = arith.constant 96 : index
    %swap3A_246 = tpu.vector_load %arg7[%swap3A_244, %swap3A_245] {strides = array<i32>} : memref<8x128xf32, #tpu.memory_space<vmem>>, vector<1x16xf32>,
    %swap3A_247 = vector.shape_cast %swap3A_246 : vector<1x16xf32> to vector<16xf32>
    %swap3A_248 = vector.shape_cast %broadcast_in_dim3A_242 : vector<16xf32> to vector<1x16xf32>
    tpu.vector_store %arg7[%swap3A_244, %swap3A_245], %swap3A_248 {strides = array<i32>} : memref<8x128xf32, #tpu.memory_space<vmem>>, vector<1x16xf32>,
    %broadcast_in_dim3A_249 = arith.constant 0.000000e+00 : f32
    %broadcast_in_dim3A_250 = vector.broadcast %broadcast_in_dim3A_249 : f32 to vector<16xf32>
    %swap3A_251 = arith.constant 3 : i32
    %swap3A_252 = arith.index_cast %swap3A_251 : i32 to index
    %swap3A_253 = arith.constant 112 : index
    %swap3A_254 = tpu.vector_load %arg7[%swap3A_252, %swap3A_253] {strides = array<i32>} : memref<8x128xf32, #tpu.memory_space<vmem>>, vector<1x16xf32>,
    %swap3A_255 = vector.shape_cast %swap3A_254 : vector<1x16xf32> to vector<16xf32>
    %swap3A_256 = vector.shape_cast %broadcast_in_dim3A_250 : vector<16xf32> to vector<1x16xf32>
    tpu.vector_store %arg7[%swap3A_252, %swap3A_253], %swap3A_256 {strides = array<i32>} : memref<8x128xf32, #tpu.memory_space<vmem>>, vector<1x16xf32>,
    %broadcast_in_dim3A_257 = arith.constant 0.000000e+00 : f32
    %broadcast_in_dim3A_258 = vector.broadcast %broadcast_in_dim3A_257 : f32 to vector<16xf32>
    %swap3A_259 = arith.constant 4 : i32
    %swap3A_260 = arith.index_cast %swap3A_259 : i32 to index
    %swap3A_261 = arith.constant 0 : index
    %swap3A_262 = tpu.vector_load %arg7[%swap3A_260, %swap3A_261] {strides = array<i32>} : memref<8x128xf32, #tpu.memory_space<vmem>>, vector<1x16xf32>,
    %swap3A_263 = vector.shape_cast %swap3A_262 : vector<1x16xf32> to vector<16xf32>
    %swap3A_264 = vector.shape_cast %broadcast_in_dim3A_258 : vector<16xf32> to vector<1x16xf32>
    tpu.vector_store %arg7[%swap3A_260, %swap3A_261], %swap3A_264 {strides = array<i32>} : memref<8x128xf32, #tpu.memory_space<vmem>>, vector<1x16xf32>,
    %broadcast_in_dim3A_265 = arith.constant 0.000000e+00 : f32
    %broadcast_in_dim3A_266 = vector.broadcast %broadcast_in_dim3A_265 : f32 to vector<16xf32>
    %swap3A_267 = arith.constant 4 : i32
    %swap3A_268 = arith.index_cast %swap3A_267 : i32 to index
    %swap3A_269 = arith.constant 16 : index
    %swap3A_270 = tpu.vector_load %arg7[%swap3A_268, %swap3A_269] {strides = array<i32>} : memref<8x128xf32, #tpu.memory_space<vmem>>, vector<1x16xf32>,
    %swap3A_271 = vector.shape_cast %swap3A_270 : vector<1x16xf32> to vector<16xf32>
    %swap3A_272 = vector.shape_cast %broadcast_in_dim3A_266 : vector<16xf32> to vector<1x16xf32>
    tpu.vector_store %arg7[%swap3A_268, %swap3A_269], %swap3A_272 {strides = array<i32>} : memref<8x128xf32, #tpu.memory_space<vmem>>, vector<1x16xf32>,
    %broadcast_in_dim3A_273 = arith.constant 0.000000e+00 : f32
    %broadcast_in_dim3A_274 = vector.broadcast %broadcast_in_dim3A_273 : f32 to vector<16xf32>
    %swap3A_275 = arith.constant 4 : i32
    %swap3A_276 = arith.index_cast %swap3A_275 : i32 to index
    %swap3A_277 = arith.constant 32 : index
    %swap3A_278 = tpu.vector_load %arg7[%swap3A_276, %swap3A_277] {strides = array<i32>} : memref<8x128xf32, #tpu.memory_space<vmem>>, vector<1x16xf32>,
    %swap3A_279 = vector.shape_cast %swap3A_278 : vector<1x16xf32> to vector<16xf32>
    %swap3A_280 = vector.shape_cast %broadcast_in_dim3A_274 : vector<16xf32> to vector<1x16xf32>
    tpu.vector_store %arg7[%swap3A_276, %swap3A_277], %swap3A_280 {strides = array<i32>} : memref<8x128xf32, #tpu.memory_space<vmem>>, vector<1x16xf32>,
    %broadcast_in_dim3A_281 = arith.constant 0.000000e+00 : f32
    %broadcast_in_dim3A_282 = vector.broadcast %broadcast_in_dim3A_281 : f32 to vector<16xf32>
    %swap3A_283 = arith.constant 4 : i32
    %swap3A_284 = arith.index_cast %swap3A_283 : i32 to index
    %swap3A_285 = arith.constant 48 : index
    %swap3A_286 = tpu.vector_load %arg7[%swap3A_284, %swap3A_285] {strides = array<i32>} : memref<8x128xf32, #tpu.memory_space<vmem>>, vector<1x16xf32>,
    %swap3A_287 = vector.shape_cast %swap3A_286 : vector<1x16xf32> to vector<16xf32>
    %swap3A_288 = vector.shape_cast %broadcast_in_dim3A_282 : vector<16xf32> to vector<1x16xf32>
    tpu.vector_store %arg7[%swap3A_284, %swap3A_285], %swap3A_288 {strides = array<i32>} : memref<8x128xf32, #tpu.memory_space<vmem>>, vector<1x16xf32>,
    %broadcast_in_dim3A_289 = arith.constant 0.000000e+00 : f32
    %broadcast_in_dim3A_290 = vector.broadcast %broadcast_in_dim3A_289 : f32 to vector<16xf32>
    %swap3A_291 = arith.constant 4 : i32
    %swap3A_292 = arith.index_cast %swap3A_291 : i32 to index
    %swap3A_293 = arith.constant 64 : index
    %swap3A_294 = tpu.vector_load %arg7[%swap3A_292, %swap3A_293] {strides = array<i32>} : memref<8x128xf32, #tpu.memory_space<vmem>>, vector<1x16xf32>,
    %swap3A_295 = vector.shape_cast %swap3A_294 : vector<1x16xf32> to vector<16xf32>
    %swap3A_296 = vector.shape_cast %broadcast_in_dim3A_290 : vector<16xf32> to vector<1x16xf32>
    tpu.vector_store %arg7[%swap3A_292, %swap3A_293], %swap3A_296 {strides = array<i32>} : memref<8x128xf32, #tpu.memory_space<vmem>>, vector<1x16xf32>,
    %broadcast_in_dim3A_297 = arith.constant 0.000000e+00 : f32
    %broadcast_in_dim3A_298 = vector.broadcast %broadcast_in_dim3A_297 : f32 to vector<16xf32>
    %swap3A_299 = arith.constant 4 : i32
    %swap3A_300 = arith.index_cast %swap3A_299 : i32 to index
    %swap3A_301 = arith.constant 80 : index
    %swap3A_302 = tpu.vector_load %arg7[%swap3A_300, %swap3A_301] {strides = array<i32>} : memref<8x128xf32, #tpu.memory_space<vmem>>, vector<1x16xf32>,
    %swap3A_303 = vector.shape_cast %swap3A_302 : vector<1x16xf32> to vector<16xf32>
    %swap3A_304 = vector.shape_cast %broadcast_in_dim3A_298 : vector<16xf32> to vector<1x16xf32>
    tpu.vector_store %arg7[%swap3A_300, %swap3A_301], %swap3A_304 {strides = array<i32>} : memref<8x128xf32, #tpu.memory_space<vmem>>, vector<1x16xf32>,
    %broadcast_in_dim3A_305 = arith.constant 0.000000e+00 : f32
    %broadcast_in_dim3A_306 = vector.broadcast %broadcast_in_dim3A_305 : f32 to vector<16xf32>
    %swap3A_307 = arith.constant 4 : i32
    %swap3A_308 = arith.index_cast %swap3A_307 : i32 to index
    %swap3A_309 = arith.constant 96 : index
    %swap3A_310 = tpu.vector_load %arg7[%swap3A_308, %swap3A_309] {strides = array<i32>} : memref<8x128xf32, #tpu.memory_space<vmem>>, vector<1x16xf32>,
    %swap3A_311 = vector.shape_cast %swap3A_310 : vector<1x16xf32> to vector<16xf32>
    %swap3A_312 = vector.shape_cast %broadcast_in_dim3A_306 : vector<16xf32> to vector<1x16xf32>
    tpu.vector_store %arg7[%swap3A_308, %swap3A_309], %swap3A_312 {strides = array<i32>} : memref<8x128xf32, #tpu.memory_space<vmem>>, vector<1x16xf32>,
    %broadcast_in_dim3A_313 = arith.constant 0.000000e+00 : f32
    %broadcast_in_dim3A_314 = vector.broadcast %broadcast_in_dim3A_313 : f32 to vector<16xf32>
    %swap3A_315 = arith.constant 4 : i32
    %swap3A_316 = arith.index_cast %swap3A_315 : i32 to index
    %swap3A_317 = arith.constant 112 : index
    %swap3A_318 = tpu.vector_load %arg7[%swap3A_316, %swap3A_317] {strides = array<i32>} : memref<8x128xf32, #tpu.memory_space<vmem>>, vector<1x16xf32>,
    %swap3A_319 = vector.shape_cast %swap3A_318 : vector<1x16xf32> to vector<16xf32>
    %swap3A_320 = vector.shape_cast %broadcast_in_dim3A_314 : vector<16xf32> to vector<1x16xf32>
    tpu.vector_store %arg7[%swap3A_316, %swap3A_317], %swap3A_320 {strides = array<i32>} : memref<8x128xf32, #tpu.memory_space<vmem>>, vector<1x16xf32>,
    %broadcast_in_dim3A_321 = arith.constant 0.000000e+00 : f32
    %broadcast_in_dim3A_322 = vector.broadcast %broadcast_in_dim3A_321 : f32 to vector<16xf32>
    %swap3A_323 = arith.constant 5 : i32
    %swap3A_324 = arith.index_cast %swap3A_323 : i32 to index
    %swap3A_325 = arith.constant 0 : index
    %swap3A_326 = tpu.vector_load %arg7[%swap3A_324, %swap3A_325] {strides = array<i32>} : memref<8x128xf32, #tpu.memory_space<vmem>>, vector<1x16xf32>,
    %swap3A_327 = vector.shape_cast %swap3A_326 : vector<1x16xf32> to vector<16xf32>
    %swap3A_328 = vector.shape_cast %broadcast_in_dim3A_322 : vector<16xf32> to vector<1x16xf32>
    tpu.vector_store %arg7[%swap3A_324, %swap3A_325], %swap3A_328 {strides = array<i32>} : memref<8x128xf32, #tpu.memory_space<vmem>>, vector<1x16xf32>,
    %broadcast_in_dim3A_329 = arith.constant 0.000000e+00 : f32
    %broadcast_in_dim3A_330 = vector.broadcast %broadcast_in_dim3A_329 : f32 to vector<16xf32>
    %swap3A_331 = arith.constant 5 : i32
    %swap3A_332 = arith.index_cast %swap3A_331 : i32 to index
    %swap3A_333 = arith.constant 16 : index
    %swap3A_334 = tpu.vector_load %arg7[%swap3A_332, %swap3A_333] {strides = array<i32>} : memref<8x128xf32, #tpu.memory_space<vmem>>, vector<1x16xf32>,
    %swap3A_335 = vector.shape_cast %swap3A_334 : vector<1x16xf32> to vector<16xf32>
    %swap3A_336 = vector.shape_cast %broadcast_in_dim3A_330 : vector<16xf32> to vector<1x16xf32>
    tpu.vector_store %arg7[%swap3A_332, %swap3A_333], %swap3A_336 {strides = array<i32>} : memref<8x128xf32, #tpu.memory_space<vmem>>, vector<1x16xf32>,
    %broadcast_in_dim3A_337 = arith.constant 0.000000e+00 : f32
    %broadcast_in_dim3A_338 = vector.broadcast %broadcast_in_dim3A_337 : f32 to vector<16xf32>
    %swap3A_339 = arith.constant 5 : i32
    %swap3A_340 = arith.index_cast %swap3A_339 : i32 to index
    %swap3A_341 = arith.constant 32 : index
    %swap3A_342 = tpu.vector_load %arg7[%swap3A_340, %swap3A_341] {strides = array<i32>} : memref<8x128xf32, #tpu.memory_space<vmem>>, vector<1x16xf32>,
    %swap3A_343 = vector.shape_cast %swap3A_342 : vector<1x16xf32> to vector<16xf32>
    %swap3A_344 = vector.shape_cast %broadcast_in_dim3A_338 : vector<16xf32> to vector<1x16xf32>
    tpu.vector_store %arg7[%swap3A_340, %swap3A_341], %swap3A_344 {strides = array<i32>} : memref<8x128xf32, #tpu.memory_space<vmem>>, vector<1x16xf32>,
    %broadcast_in_dim3A_345 = arith.constant 0.000000e+00 : f32
    %broadcast_in_dim3A_346 = vector.broadcast %broadcast_in_dim3A_345 : f32 to vector<16xf32>
    %swap3A_347 = arith.constant 5 : i32
    %swap3A_348 = arith.index_cast %swap3A_347 : i32 to index
    %swap3A_349 = arith.constant 48 : index
    %swap3A_350 = tpu.vector_load %arg7[%swap3A_348, %swap3A_349] {strides = array<i32>} : memref<8x128xf32, #tpu.memory_space<vmem>>, vector<1x16xf32>,
    %swap3A_351 = vector.shape_cast %swap3A_350 : vector<1x16xf32> to vector<16xf32>
    %swap3A_352 = vector.shape_cast %broadcast_in_dim3A_346 : vector<16xf32> to vector<1x16xf32>
    tpu.vector_store %arg7[%swap3A_348, %swap3A_349], %swap3A_352 {strides = array<i32>} : memref<8x128xf32, #tpu.memory_space<vmem>>, vector<1x16xf32>,
    %broadcast_in_dim3A_353 = arith.constant 0.000000e+00 : f32
    %broadcast_in_dim3A_354 = vector.broadcast %broadcast_in_dim3A_353 : f32 to vector<16xf32>
    %swap3A_355 = arith.constant 5 : i32
    %swap3A_356 = arith.index_cast %swap3A_355 : i32 to index
    %swap3A_357 = arith.constant 64 : index
    %swap3A_358 = tpu.vector_load %arg7[%swap3A_356, %swap3A_357] {strides = array<i32>} : memref<8x128xf32, #tpu.memory_space<vmem>>, vector<1x16xf32>,
    %swap3A_359 = vector.shape_cast %swap3A_358 : vector<1x16xf32> to vector<16xf32>
    %swap3A_360 = vector.shape_cast %broadcast_in_dim3A_354 : vector<16xf32> to vector<1x16xf32>
    tpu.vector_store %arg7[%swap3A_356, %swap3A_357], %swap3A_360 {strides = array<i32>} : memref<8x128xf32, #tpu.memory_space<vmem>>, vector<1x16xf32>,
    %broadcast_in_dim3A_361 = arith.constant 0.000000e+00 : f32
    %broadcast_in_dim3A_362 = vector.broadcast %broadcast_in_dim3A_361 : f32 to vector<16xf32>
    %swap3A_363 = arith.constant 5 : i32
    %swap3A_364 = arith.index_cast %swap3A_363 : i32 to index
    %swap3A_365 = arith.constant 80 : index
    %swap3A_366 = tpu.vector_load %arg7[%swap3A_364, %swap3A_365] {strides = array<i32>} : memref<8x128xf32, #tpu.memory_space<vmem>>, vector<1x16xf32>,
    %swap3A_367 = vector.shape_cast %swap3A_366 : vector<1x16xf32> to vector<16xf32>
    %swap3A_368 = vector.shape_cast %broadcast_in_dim3A_362 : vector<16xf32> to vector<1x16xf32>
    tpu.vector_store %arg7[%swap3A_364, %swap3A_365], %swap3A_368 {strides = array<i32>} : memref<8x128xf32, #tpu.memory_space<vmem>>, vector<1x16xf32>,
    %broadcast_in_dim3A_369 = arith.constant 0.000000e+00 : f32
    %broadcast_in_dim3A_370 = vector.broadcast %broadcast_in_dim3A_369 : f32 to vector<16xf32>
    %swap3A_371 = arith.constant 5 : i32
    %swap3A_372 = arith.index_cast %swap3A_371 : i32 to index
    %swap3A_373 = arith.constant 96 : index
    %swap3A_374 = tpu.vector_load %arg7[%swap3A_372, %swap3A_373] {strides = array<i32>} : memref<8x128xf32, #tpu.memory_space<vmem>>, vector<1x16xf32>,
    %swap3A_375 = vector.shape_cast %swap3A_374 : vector<1x16xf32> to vector<16xf32>
    %swap3A_376 = vector.shape_cast %broadcast_in_dim3A_370 : vector<16xf32> to vector<1x16xf32>
    tpu.vector_store %arg7[%swap3A_372, %swap3A_373], %swap3A_376 {strides = array<i32>} : memref<8x128xf32, #tpu.memory_space<vmem>>, vector<1x16xf32>,
    %broadcast_in_dim3A_377 = arith.constant 0.000000e+00 : f32
    %broadcast_in_dim3A_378 = vector.broadcast %broadcast_in_dim3A_377 : f32 to vector<16xf32>
    %swap3A_379 = arith.constant 5 : i32
    %swap3A_380 = arith.index_cast %swap3A_379 : i32 to index
    %swap3A_381 = arith.constant 112 : index
    %swap3A_382 = tpu.vector_load %arg7[%swap3A_380, %swap3A_381] {strides = array<i32>} : memref<8x128xf32, #tpu.memory_space<vmem>>, vector<1x16xf32>,
    %swap3A_383 = vector.shape_cast %swap3A_382 : vector<1x16xf32> to vector<16xf32>
    %swap3A_384 = vector.shape_cast %broadcast_in_dim3A_378 : vector<16xf32> to vector<1x16xf32>
    tpu.vector_store %arg7[%swap3A_380, %swap3A_381], %swap3A_384 {strides = array<i32>} : memref<8x128xf32, #tpu.memory_space<vmem>>, vector<1x16xf32>,
    %broadcast_in_dim3A_385 = arith.constant 0.000000e+00 : f32
    %broadcast_in_dim3A_386 = vector.broadcast %broadcast_in_dim3A_385 : f32 to vector<16xf32>
    %swap3A_387 = arith.constant 6 : i32
    %swap3A_388 = arith.index_cast %swap3A_387 : i32 to index
    %swap3A_389 = arith.constant 0 : index
    %swap3A_390 = tpu.vector_load %arg7[%swap3A_388, %swap3A_389] {strides = array<i32>} : memref<8x128xf32, #tpu.memory_space<vmem>>, vector<1x16xf32>,
    %swap3A_391 = vector.shape_cast %swap3A_390 : vector<1x16xf32> to vector<16xf32>
    %swap3A_392 = vector.shape_cast %broadcast_in_dim3A_386 : vector<16xf32> to vector<1x16xf32>
    tpu.vector_store %arg7[%swap3A_388, %swap3A_389], %swap3A_392 {strides = array<i32>} : memref<8x128xf32, #tpu.memory_space<vmem>>, vector<1x16xf32>,
    %broadcast_in_dim3A_393 = arith.constant 0.000000e+00 : f32
    %broadcast_in_dim3A_394 = vector.broadcast %broadcast_in_dim3A_393 : f32 to vector<16xf32>
    %swap3A_395 = arith.constant 6 : i32
    %swap3A_396 = arith.index_cast %swap3A_395 : i32 to index
    %swap3A_397 = arith.constant 16 : index
    %swap3A_398 = tpu.vector_load %arg7[%swap3A_396, %swap3A_397] {strides = array<i32>} : memref<8x128xf32, #tpu.memory_space<vmem>>, vector<1x16xf32>,
    %swap3A_399 = vector.shape_cast %swap3A_398 : vector<1x16xf32> to vector<16xf32>
    %swap3A_400 = vector.shape_cast %broadcast_in_dim3A_394 : vector<16xf32> to vector<1x16xf32>
    tpu.vector_store %arg7[%swap3A_396, %swap3A_397], %swap3A_400 {strides = array<i32>} : memref<8x128xf32, #tpu.memory_space<vmem>>, vector<1x16xf32>,
    %broadcast_in_dim3A_401 = arith.constant 0.000000e+00 : f32
    %broadcast_in_dim3A_402 = vector.broadcast %broadcast_in_dim3A_401 : f32 to vector<16xf32>
    %swap3A_403 = arith.constant 6 : i32
    %swap3A_404 = arith.index_cast %swap3A_403 : i32 to index
    %swap3A_405 = arith.constant 32 : index
    %swap3A_406 = tpu.vector_load %arg7[%swap3A_404, %swap3A_405] {strides = array<i32>} : memref<8x128xf32, #tpu.memory_space<vmem>>, vector<1x16xf32>,
    %swap3A_407 = vector.shape_cast %swap3A_406 : vector<1x16xf32> to vector<16xf32>
    %swap3A_408 = vector.shape_cast %broadcast_in_dim3A_402 : vector<16xf32> to vector<1x16xf32>
    tpu.vector_store %arg7[%swap3A_404, %swap3A_405], %swap3A_408 {strides = array<i32>} : memref<8x128xf32, #tpu.memory_space<vmem>>, vector<1x16xf32>,
    %broadcast_in_dim3A_409 = arith.constant 0.000000e+00 : f32
    %broadcast_in_dim3A_410 = vector.broadcast %broadcast_in_dim3A_409 : f32 to vector<16xf32>
    %swap3A_411 = arith.constant 6 : i32
    %swap3A_412 = arith.index_cast %swap3A_411 : i32 to index
    %swap3A_413 = arith.constant 48 : index
    %swap3A_414 = tpu.vector_load %arg7[%swap3A_412, %swap3A_413] {strides = array<i32>} : memref<8x128xf32, #tpu.memory_space<vmem>>, vector<1x16xf32>,
    %swap3A_415 = vector.shape_cast %swap3A_414 : vector<1x16xf32> to vector<16xf32>
    %swap3A_416 = vector.shape_cast %broadcast_in_dim3A_410 : vector<16xf32> to vector<1x16xf32>
    tpu.vector_store %arg7[%swap3A_412, %swap3A_413], %swap3A_416 {strides = array<i32>} : memref<8x128xf32, #tpu.memory_space<vmem>>, vector<1x16xf32>,
    %broadcast_in_dim3A_417 = arith.constant 0.000000e+00 : f32
    %broadcast_in_dim3A_418 = vector.broadcast %broadcast_in_dim3A_417 : f32 to vector<16xf32>
    %swap3A_419 = arith.constant 6 : i32
    %swap3A_420 = arith.index_cast %swap3A_419 : i32 to index
    %swap3A_421 = arith.constant 64 : index
    %swap3A_422 = tpu.vector_load %arg7[%swap3A_420, %swap3A_421] {strides = array<i32>} : memref<8x128xf32, #tpu.memory_space<vmem>>, vector<1x16xf32>,
    %swap3A_423 = vector.shape_cast %swap3A_422 : vector<1x16xf32> to vector<16xf32>
    %swap3A_424 = vector.shape_cast %broadcast_in_dim3A_418 : vector<16xf32> to vector<1x16xf32>
    tpu.vector_store %arg7[%swap3A_420, %swap3A_421], %swap3A_424 {strides = array<i32>} : memref<8x128xf32, #tpu.memory_space<vmem>>, vector<1x16xf32>,
    %broadcast_in_dim3A_425 = arith.constant 0.000000e+00 : f32
    %broadcast_in_dim3A_426 = vector.broadcast %broadcast_in_dim3A_425 : f32 to vector<16xf32>
    %swap3A_427 = arith.constant 6 : i32
    %swap3A_428 = arith.index_cast %swap3A_427 : i32 to index
    %swap3A_429 = arith.constant 80 : index
    %swap3A_430 = tpu.vector_load %arg7[%swap3A_428, %swap3A_429] {strides = array<i32>} : memref<8x128xf32, #tpu.memory_space<vmem>>, vector<1x16xf32>,
    %swap3A_431 = vector.shape_cast %swap3A_430 : vector<1x16xf32> to vector<16xf32>
    %swap3A_432 = vector.shape_cast %broadcast_in_dim3A_426 : vector<16xf32> to vector<1x16xf32>
    tpu.vector_store %arg7[%swap3A_428, %swap3A_429], %swap3A_432 {strides = array<i32>} : memref<8x128xf32, #tpu.memory_space<vmem>>, vector<1x16xf32>,
    %broadcast_in_dim3A_433 = arith.constant 0.000000e+00 : f32
    %broadcast_in_dim3A_434 = vector.broadcast %broadcast_in_dim3A_433 : f32 to vector<16xf32>
    %swap3A_435 = arith.constant 6 : i32
    %swap3A_436 = arith.index_cast %swap3A_435 : i32 to index
    %swap3A_437 = arith.constant 96 : index
    %swap3A_438 = tpu.vector_load %arg7[%swap3A_436, %swap3A_437] {strides = array<i32>} : memref<8x128xf32, #tpu.memory_space<vmem>>, vector<1x16xf32>,
    %swap3A_439 = vector.shape_cast %swap3A_438 : vector<1x16xf32> to vector<16xf32>
    %swap3A_440 = vector.shape_cast %broadcast_in_dim3A_434 : vector<16xf32> to vector<1x16xf32>
    tpu.vector_store %arg7[%swap3A_436, %swap3A_437], %swap3A_440 {strides = array<i32>} : memref<8x128xf32, #tpu.memory_space<vmem>>, vector<1x16xf32>,
    %broadcast_in_dim3A_441 = arith.constant 0.000000e+00 : f32
    %broadcast_in_dim3A_442 = vector.broadcast %broadcast_in_dim3A_441 : f32 to vector<16xf32>
    %swap3A_443 = arith.constant 6 : i32
    %swap3A_444 = arith.index_cast %swap3A_443 : i32 to index
    %swap3A_445 = arith.constant 112 : index
    %swap3A_446 = tpu.vector_load %arg7[%swap3A_444, %swap3A_445] {strides = array<i32>} : memref<8x128xf32, #tpu.memory_space<vmem>>, vector<1x16xf32>,
    %swap3A_447 = vector.shape_cast %swap3A_446 : vector<1x16xf32> to vector<16xf32>
    %swap3A_448 = vector.shape_cast %broadcast_in_dim3A_442 : vector<16xf32> to vector<1x16xf32>
    tpu.vector_store %arg7[%swap3A_444, %swap3A_445], %swap3A_448 {strides = array<i32>} : memref<8x128xf32, #tpu.memory_space<vmem>>, vector<1x16xf32>,
    %broadcast_in_dim3A_449 = arith.constant 0.000000e+00 : f32
    %broadcast_in_dim3A_450 = vector.broadcast %broadcast_in_dim3A_449 : f32 to vector<16xf32>
    %swap3A_451 = arith.constant 7 : i32
    %swap3A_452 = arith.index_cast %swap3A_451 : i32 to index
    %swap3A_453 = arith.constant 0 : index
    %swap3A_454 = tpu.vector_load %arg7[%swap3A_452, %swap3A_453] {strides = array<i32>} : memref<8x128xf32, #tpu.memory_space<vmem>>, vector<1x16xf32>,
    %swap3A_455 = vector.shape_cast %swap3A_454 : vector<1x16xf32> to vector<16xf32>
    %swap3A_456 = vector.shape_cast %broadcast_in_dim3A_450 : vector<16xf32> to vector<1x16xf32>
    tpu.vector_store %arg7[%swap3A_452, %swap3A_453], %swap3A_456 {strides = array<i32>} : memref<8x128xf32, #tpu.memory_space<vmem>>, vector<1x16xf32>,
    %broadcast_in_dim3A_457 = arith.constant 0.000000e+00 : f32
    %broadcast_in_dim3A_458 = vector.broadcast %broadcast_in_dim3A_457 : f32 to vector<16xf32>
    %swap3A_459 = arith.constant 7 : i32
    %swap3A_460 = arith.index_cast %swap3A_459 : i32 to index
    %swap3A_461 = arith.constant 16 : index
    %swap3A_462 = tpu.vector_load %arg7[%swap3A_460, %swap3A_461] {strides = array<i32>} : memref<8x128xf32, #tpu.memory_space<vmem>>, vector<1x16xf32>,
    %swap3A_463 = vector.shape_cast %swap3A_462 : vector<1x16xf32> to vector<16xf32>
    %swap3A_464 = vector.shape_cast %broadcast_in_dim3A_458 : vector<16xf32> to vector<1x16xf32>
    tpu.vector_store %arg7[%swap3A_460, %swap3A_461], %swap3A_464 {strides = array<i32>} : memref<8x128xf32, #tpu.memory_space<vmem>>, vector<1x16xf32>,
    %broadcast_in_dim3A_465 = arith.constant 0.000000e+00 : f32
    %broadcast_in_dim3A_466 = vector.broadcast %broadcast_in_dim3A_465 : f32 to vector<16xf32>
    %swap3A_467 = arith.constant 7 : i32
    %swap3A_468 = arith.index_cast %swap3A_467 : i32 to index
    %swap3A_469 = arith.constant 32 : index
    %swap3A_470 = tpu.vector_load %arg7[%swap3A_468, %swap3A_469] {strides = array<i32>} : memref<8x128xf32, #tpu.memory_space<vmem>>, vector<1x16xf32>,
    %swap3A_471 = vector.shape_cast %swap3A_470 : vector<1x16xf32> to vector<16xf32>
    %swap3A_472 = vector.shape_cast %broadcast_in_dim3A_466 : vector<16xf32> to vector<1x16xf32>
    tpu.vector_store %arg7[%swap3A_468, %swap3A_469], %swap3A_472 {strides = array<i32>} : memref<8x128xf32, #tpu.memory_space<vmem>>, vector<1x16xf32>,
    %broadcast_in_dim3A_473 = arith.constant 0.000000e+00 : f32
    %broadcast_in_dim3A_474 = vector.broadcast %broadcast_in_dim3A_473 : f32 to vector<16xf32>
    %swap3A_475 = arith.constant 7 : i32
    %swap3A_476 = arith.index_cast %swap3A_475 : i32 to index
    %swap3A_477 = arith.constant 48 : index
    %swap3A_478 = tpu.vector_load %arg7[%swap3A_476, %swap3A_477] {strides = array<i32>} : memref<8x128xf32, #tpu.memory_space<vmem>>, vector<1x16xf32>,
    %swap3A_479 = vector.shape_cast %swap3A_478 : vector<1x16xf32> to vector<16xf32>
    %swap3A_480 = vector.shape_cast %broadcast_in_dim3A_474 : vector<16xf32> to vector<1x16xf32>
    tpu.vector_store %arg7[%swap3A_476, %swap3A_477], %swap3A_480 {strides = array<i32>} : memref<8x128xf32, #tpu.memory_space<vmem>>, vector<1x16xf32>,
    %broadcast_in_dim3A_481 = arith.constant 0.000000e+00 : f32
    %broadcast_in_dim3A_482 = vector.broadcast %broadcast_in_dim3A_481 : f32 to vector<16xf32>
    %swap3A_483 = arith.constant 7 : i32
    %swap3A_484 = arith.index_cast %swap3A_483 : i32 to index
    %swap3A_485 = arith.constant 64 : index
    %swap3A_486 = tpu.vector_load %arg7[%swap3A_484, %swap3A_485] {strides = array<i32>} : memref<8x128xf32, #tpu.memory_space<vmem>>, vector<1x16xf32>,
    %swap3A_487 = vector.shape_cast %swap3A_486 : vector<1x16xf32> to vector<16xf32>
    %swap3A_488 = vector.shape_cast %broadcast_in_dim3A_482 : vector<16xf32> to vector<1x16xf32>
    tpu.vector_store %arg7[%swap3A_484, %swap3A_485], %swap3A_488 {strides = array<i32>} : memref<8x128xf32, #tpu.memory_space<vmem>>, vector<1x16xf32>,
    %broadcast_in_dim3A_489 = arith.constant 0.000000e+00 : f32
    %broadcast_in_dim3A_490 = vector.broadcast %broadcast_in_dim3A_489 : f32 to vector<16xf32>
    %swap3A_491 = arith.constant 7 : i32
    %swap3A_492 = arith.index_cast %swap3A_491 : i32 to index
    %swap3A_493 = arith.constant 80 : index
    %swap3A_494 = tpu.vector_load %arg7[%swap3A_492, %swap3A_493] {strides = array<i32>} : memref<8x128xf32, #tpu.memory_space<vmem>>, vector<1x16xf32>,
    %swap3A_495 = vector.shape_cast %swap3A_494 : vector<1x16xf32> to vector<16xf32>
    %swap3A_496 = vector.shape_cast %broadcast_in_dim3A_490 : vector<16xf32> to vector<1x16xf32>
    tpu.vector_store %arg7[%swap3A_492, %swap3A_493], %swap3A_496 {strides = array<i32>} : memref<8x128xf32, #tpu.memory_space<vmem>>, vector<1x16xf32>,
    %broadcast_in_dim3A_497 = arith.constant 0.000000e+00 : f32
    %broadcast_in_dim3A_498 = vector.broadcast %broadcast_in_dim3A_497 : f32 to vector<16xf32>
    %swap3A_499 = arith.constant 7 : i32
    %swap3A_500 = arith.index_cast %swap3A_499 : i32 to index
    %swap3A_501 = arith.constant 96 : index
    %swap3A_502 = tpu.vector_load %arg7[%swap3A_500, %swap3A_501] {strides = array<i32>} : memref<8x128xf32, #tpu.memory_space<vmem>>, vector<1x16xf32>,
    %swap3A_503 = vector.shape_cast %swap3A_502 : vector<1x16xf32> to vector<16xf32>
    %swap3A_504 = vector.shape_cast %broadcast_in_dim3A_498 : vector<16xf32> to vector<1x16xf32>
    tpu.vector_store %arg7[%swap3A_500, %swap3A_501], %swap3A_504 {strides = array<i32>} : memref<8x128xf32, #tpu.memory_space<vmem>>, vector<1x16xf32>,
    %broadcast_in_dim3A_505 = arith.constant 0.000000e+00 : f32
    %broadcast_in_dim3A_506 = vector.broadcast %broadcast_in_dim3A_505 : f32 to vector<16xf32>
    %swap3A_507 = arith.constant 7 : i32
    %swap3A_508 = arith.index_cast %swap3A_507 : i32 to index
    %swap3A_509 = arith.constant 112 : index
    %swap3A_510 = tpu.vector_load %arg7[%swap3A_508, %swap3A_509] {strides = array<i32>} : memref<8x128xf32, #tpu.memory_space<vmem>>, vector<1x16xf32>,
    %swap3A_511 = vector.shape_cast %swap3A_510 : vector<1x16xf32> to vector<16xf32>
    %swap3A_512 = vector.shape_cast %broadcast_in_dim3A_506 : vector<16xf32> to vector<1x16xf32>
    tpu.vector_store %arg7[%swap3A_508, %swap3A_509], %swap3A_512 {strides = array<i32>} : memref<8x128xf32, #tpu.memory_space<vmem>>, vector<1x16xf32>,
    %scan3A = arith.constant 0 : i32
    %scan3A_513 = arith.constant 80 : i32
    %scan3A_514 = arith.addi %scan3A, %scan3A_513 : i32
    %scan3A_515 = arith.constant 1 : i32
    scf.for %scan3A_525 = %scan3A to %scan3A_514 step %scan3A_515  : i32 {
      %mul3A_526 = arith.constant 1 : i32
      %mul3A_527 = arith.muli %scan3A_525, %mul3A_526 : i32
      %add3A_528 = arith.constant 0 : i32
      %add3A_529 = arith.addi %add3A_528, %mul3A_527 : i32
      %mul3A_530 = arith.constant 8 : i32
      %mul3A_531 = arith.muli %add3A_529, %mul3A_530 : i32
      %add3A_532 = arith.addi %mul3A_2, %mul3A_531 : i32
      "tpu.region"() ({
        %run_scoped3A = tpu.sem_alloc : memref<!tpu.dma_semaphore, #tpu.memory_space<semaphore_mem>>
        %dma_start3A = arith.constant 0 : i32
        %dma_start3A_533 = tpu.memref_slice %arg8[%add3A_532, %dma_start3A] : memref<10240x128xf32, #tpu.memory_space<vmem_shared>> -> memref<8x128xf32, #tpu.memory_space<vmem_shared>>
        %dma_start3A_534 = arith.constant 0 : i32
        %dma_start3A_535 = tpu.memref_slice %arg8[%add3A_532, %dma_start3A_534] : memref<10240x128xf32, #tpu.memory_space<vmem_shared>> -> memref<8x128xf32, #tpu.memory_space<vmem_shared>>
        tpu.enqueue_dma source(%arg7 : memref<8x128xf32, #tpu.memory_space<vmem>>) target(%dma_start3A_535 : memref<8x128xf32, #tpu.memory_space<vmem_shared>>) target_semaphore(%run_scoped3A : memref<!tpu.dma_semaphore, #tpu.memory_space<semaphore_mem>>)
        %dma_wait3A = arith.constant 0 : i32
        %dma_wait3A_536 = tpu.memref_slice %arg8[%add3A_532, %dma_wait3A] : memref<10240x128xf32, #tpu.memory_space<vmem_shared>> -> memref<8x128xf32, #tpu.memory_space<vmem_shared>>
        %dma_wait3A_537 = arith.constant 0 : i32
        %dma_wait3A_538 = tpu.memref_slice %arg8[%add3A_532, %dma_wait3A_537] : memref<10240x128xf32, #tpu.memory_space<vmem_shared>> -> memref<8x128xf32, #tpu.memory_space<vmem_shared>>
        tpu.wait_dma2 semaphore(%run_scoped3A : memref<!tpu.dma_semaphore, #tpu.memory_space<semaphore_mem>>) src(%arg7 : memref<8x128xf32, #tpu.memory_space<vmem>>) dst(%dma_wait3A_538 : memref<8x128xf32, #tpu.memory_space<vmem_shared>>)
        tpu.yield
      }) : () -> ()
    }
    %scan3A_516 = arith.constant 80 : i32
    %barrier3A = arith.constant 0 : index
    tpu.barrier barrier_id(%barrier3A)
    %eq3A = arith.constant 0 : i32
    %eq3A_517 = arith.cmpi eq, %arg0, %eq3A : i32
    %convert_element_type3A = arith.extui %eq3A_517 : i1 to i32
    %cond3A = arith.constant 0 : i32
    %cond3A_518 = arith.cmpi ne, %convert_element_type3A, %cond3A : i32
    scf.if %cond3A_518 {
      %mul3A_525 = arith.constant 17024 : i32
      %mul3A_526 = arith.muli %arg1, %mul3A_525 : i32
      %add3A_527 = arith.constant 0 : i32
      %add3A_528 = arith.addi %mul3A_526, %add3A_527 : i32
      %dma_start3A = arith.constant 0 : i32
      %dma_start3A_529 = arith.constant 0 : i32
      %dma_start3A_530 = arith.constant 0 : i32
      %dma_start3A_531 = tpu.memref_slice %arg5[%dma_start3A, %dma_start3A_529, %dma_start3A_530] : memref<4x2x128xi32, #tpu.memory_space<vmem>> -> memref<1x2x128xi32, #tpu.memory_space<vmem>>
      %dma_start3A_532 = tpu.memref_squeeze %dma_start3A_531 : memref<1x2x128xi32, #tpu.memory_space<vmem>> -> memref<2x128xi32, #tpu.memory_space<vmem>>
      %dma_start3A_533 = arith.constant 0 : i32
      %dma_start3A_534 = tpu.memref_slice %arg3[%dma_start3A_533, %add3A_528] : memref<2x323584xi32, #tpu.memory_space<hbm>> -> memref<2x128xi32, #tpu.memory_space<hbm>>
      %dma_start3A_535 = arith.constant 0 : i32
      %dma_start3A_536 = arith.constant 0 : i32
      %dma_start3A_537 = tpu.memref_slice %arg5[%dma_start3A, %dma_start3A_535, %dma_start3A_536] : memref<4x2x128xi32, #tpu.memory_space<vmem>> -> memref<1x2x128xi32, #tpu.memory_space<vmem>>
      %dma_start3A_538 = tpu.memref_squeeze %dma_start3A_537 : memref<1x2x128xi32, #tpu.memory_space<vmem>> -> memref<2x128xi32, #tpu.memory_space<vmem>>
      %dma_start3A_539 = arith.constant 0 : i32
      %dma_start3A_540 = tpu.memref_slice %arg3[%dma_start3A_539, %add3A_528] : memref<2x323584xi32, #tpu.memory_space<hbm>> -> memref<2x128xi32, #tpu.memory_space<hbm>>
      tpu.enqueue_dma source(%dma_start3A_540 : memref<2x128xi32, #tpu.memory_space<hbm>>) target(%dma_start3A_538 : memref<2x128xi32, #tpu.memory_space<vmem>>) target_semaphore(%arg9 : memref<!tpu.dma_semaphore, #tpu.memory_space<semaphore_mem>>)
      %add3A_541 = arith.constant 128 : i32
      %add3A_542 = arith.addi %mul3A_526, %add3A_541 : i32
      %dma_start3A_543 = arith.constant 1 : i32
      %dma_start3A_544 = arith.constant 0 : i32
      %dma_start3A_545 = arith.constant 0 : i32
      %dma_start3A_546 = tpu.memref_slice %arg5[%dma_start3A_543, %dma_start3A_544, %dma_start3A_545] : memref<4x2x128xi32, #tpu.memory_space<vmem>> -> memref<1x2x128xi32, #tpu.memory_space<vmem>>
      %dma_start3A_547 = tpu.memref_squeeze %dma_start3A_546 : memref<1x2x128xi32, #tpu.memory_space<vmem>> -> memref<2x128xi32, #tpu.memory_space<vmem>>
      %dma_start3A_548 = arith.constant 0 : i32
      %dma_start3A_549 = tpu.memref_slice %arg3[%dma_start3A_548, %add3A_542] : memref<2x323584xi32, #tpu.memory_space<hbm>> -> memref<2x128xi32, #tpu.memory_space<hbm>>
      %dma_start3A_550 = arith.constant 0 : i32
      %dma_start3A_551 = arith.constant 0 : i32
      %dma_start3A_552 = tpu.memref_slice %arg5[%dma_start3A_543, %dma_start3A_550, %dma_start3A_551] : memref<4x2x128xi32, #tpu.memory_space<vmem>> -> memref<1x2x128xi32, #tpu.memory_space<vmem>>
      %dma_start3A_553 = tpu.memref_squeeze %dma_start3A_552 : memref<1x2x128xi32, #tpu.memory_space<vmem>> -> memref<2x128xi32, #tpu.memory_space<vmem>>
      %dma_start3A_554 = arith.constant 0 : i32
      %dma_start3A_555 = tpu.memref_slice %arg3[%dma_start3A_554, %add3A_542] : memref<2x323584xi32, #tpu.memory_space<hbm>> -> memref<2x128xi32, #tpu.memory_space<hbm>>
      tpu.enqueue_dma source(%dma_start3A_555 : memref<2x128xi32, #tpu.memory_space<hbm>>) target(%dma_start3A_553 : memref<2x128xi32, #tpu.memory_space<vmem>>) target_semaphore(%arg9 : memref<!tpu.dma_semaphore, #tpu.memory_space<semaphore_mem>>)
      %add3A_556 = arith.constant 0 : i32
      %add3A_557 = arith.addi %mul3A_526, %add3A_556 : i32
      %dma_wait3A = arith.constant 0 : i32
      %dma_wait3A_558 = arith.constant 0 : i32
      %dma_wait3A_559 = arith.constant 0 : i32
      %dma_wait3A_560 = tpu.memref_slice %arg5[%dma_wait3A, %dma_wait3A_558, %dma_wait3A_559] : memref<4x2x128xi32, #tpu.memory_space<vmem>> -> memref<1x2x128xi32, #tpu.memory_space<vmem>>
      %dma_wait3A_561 = tpu.memref_squeeze %dma_wait3A_560 : memref<1x2x128xi32, #tpu.memory_space<vmem>> -> memref<2x128xi32, #tpu.memory_space<vmem>>
      %dma_wait3A_562 = arith.constant 0 : i32
      %dma_wait3A_563 = tpu.memref_slice %arg3[%dma_wait3A_562, %add3A_557] : memref<2x323584xi32, #tpu.memory_space<hbm>> -> memref<2x128xi32, #tpu.memory_space<hbm>>
      %dma_wait3A_564 = arith.constant 0 : i32
      %dma_wait3A_565 = arith.constant 0 : i32
      %dma_wait3A_566 = tpu.memref_slice %arg5[%dma_wait3A, %dma_wait3A_564, %dma_wait3A_565] : memref<4x2x128xi32, #tpu.memory_space<vmem>> -> memref<1x2x128xi32, #tpu.memory_space<vmem>>
      %dma_wait3A_567 = tpu.memref_squeeze %dma_wait3A_566 : memref<1x2x128xi32, #tpu.memory_space<vmem>> -> memref<2x128xi32, #tpu.memory_space<vmem>>
      %dma_wait3A_568 = arith.constant 0 : i32
      %dma_wait3A_569 = tpu.memref_slice %arg3[%dma_wait3A_568, %add3A_557] : memref<2x323584xi32, #tpu.memory_space<hbm>> -> memref<2x128xi32, #tpu.memory_space<hbm>>
      tpu.wait_dma2 semaphore(%arg9 : memref<!tpu.dma_semaphore, #tpu.memory_space<semaphore_mem>>) src(%dma_wait3A_569 : memref<2x128xi32, #tpu.memory_space<hbm>>) dst(%dma_wait3A_567 : memref<2x128xi32, #tpu.memory_space<vmem>>)
      %rem3A = arith.constant 0 : i32
      %rem3A_570 = arith.constant 2 : i32
      %rem3A_571 = arith.remsi %rem3A, %rem3A_570 : i32
      %dma_start3A_572 = arith.constant 0 : i32
      %dma_start3A_573 = arith.constant 0 : i32
      %dma_start3A_574 = arith.constant 0 : i32
      %dma_start3A_575 = arith.constant 0 : i32
      %dma_start3A_576 = tpu.memref_slice %arg6[%rem3A_571, %dma_start3A_574, %dma_start3A_575] : memref<2x128x128xf32, #tpu.memory_space<vmem>> -> memref<1x64x128xf32, #tpu.memory_space<vmem>>
      %dma_start3A_577 = tpu.memref_squeeze %dma_start3A_576 : memref<1x64x128xf32, #tpu.memory_space<vmem>> -> memref<64x128xf32, #tpu.memory_space<vmem>>
      %dma_start3A_578 = arith.constant 0 : i32
      %dma_start3A_579 = tpu.memref_slice %arg5[%dma_start3A_572, %dma_start3A_573, %dma_start3A_578] : memref<4x2x128xi32, #tpu.memory_space<vmem>> -> memref<1x1x64xi32, #tpu.memory_space<vmem>>
      %dma_start3A_580 = tpu.memref_squeeze %dma_start3A_579 : memref<1x1x64xi32, #tpu.memory_space<vmem>> -> memref<64xi32, #tpu.memory_space<vmem>>
      %dma_start3A_581 = arith.constant 0 : i32
      %dma_start3A_582 = arith.constant 0 : i32
      %dma_start3A_583 = tpu.memref_slice %arg2[%dma_start3A_581, %dma_start3A_582] : memref<10000x128xf32, #tpu.memory_space<hbm>> -> memref<10000x128xf32, #tpu.memory_space<hbm>>
      tpu.enqueue_indirect_dma source(%dma_start3A_583 : memref<10000x128xf32, #tpu.memory_space<hbm>>) target(%dma_start3A_577 : memref<64x128xf32, #tpu.memory_space<vmem>>) offsets(%dma_start3A_580 : memref<64xi32, #tpu.memory_space<vmem>>) semaphore(%arg10 : memref<!tpu.dma_semaphore, #tpu.memory_space<semaphore_mem>>)
      %rem3A_584 = arith.constant 0 : i32
      %rem3A_585 = arith.constant 2 : i32
      %rem3A_586 = arith.remsi %rem3A_584, %rem3A_585 : i32
      %dma_start3A_587 = arith.constant 0 : i32
      %dma_start3A_588 = arith.constant 0 : i32
      %dma_start3A_589 = arith.constant 64 : i32
      %dma_start3A_590 = arith.constant 0 : i32
      %dma_start3A_591 = tpu.memref_slice %arg6[%rem3A_586, %dma_start3A_589, %dma_start3A_590] : memref<2x128x128xf32, #tpu.memory_space<vmem>> -> memref<1x64x128xf32, #tpu.memory_space<vmem>>
      %dma_start3A_592 = tpu.memref_squeeze %dma_start3A_591 : memref<1x64x128xf32, #tpu.memory_space<vmem>> -> memref<64x128xf32, #tpu.memory_space<vmem>>
      %dma_start3A_593 = arith.constant 64 : i32
      %dma_start3A_594 = tpu.memref_slice %arg5[%dma_start3A_587, %dma_start3A_588, %dma_start3A_593] : memref<4x2x128xi32, #tpu.memory_space<vmem>> -> memref<1x1x64xi32, #tpu.memory_space<vmem>>
      %dma_start3A_595 = tpu.memref_squeeze %dma_start3A_594 : memref<1x1x64xi32, #tpu.memory_space<vmem>> -> memref<64xi32, #tpu.memory_space<vmem>>
      %dma_start3A_596 = arith.constant 0 : i32
      %dma_start3A_597 = arith.constant 0 : i32
      %dma_start3A_598 = tpu.memref_slice %arg2[%dma_start3A_596, %dma_start3A_597] : memref<10000x128xf32, #tpu.memory_space<hbm>> -> memref<10000x128xf32, #tpu.memory_space<hbm>>
      tpu.enqueue_indirect_dma source(%dma_start3A_598 : memref<10000x128xf32, #tpu.memory_space<hbm>>) target(%dma_start3A_592 : memref<64x128xf32, #tpu.memory_space<vmem>>) offsets(%dma_start3A_595 : memref<64xi32, #tpu.memory_space<vmem>>) semaphore(%arg10 : memref<!tpu.dma_semaphore, #tpu.memory_space<semaphore_mem>>)
      %scan3A_599 = arith.constant 0 : i32
      %scan3A_600 = arith.constant 133 : i32
      %scan3A_601 = arith.addi %scan3A_599, %scan3A_600 : i32
      %scan3A_602 = arith.constant 1 : i32
      scf.for %scan3A_619 = %scan3A_599 to %scan3A_601 step %scan3A_602  : i32 {
        %mul3A_620 = arith.constant 1 : i32
        %mul3A_621 = arith.muli %scan3A_619, %mul3A_620 : i32
        %add3A_622 = arith.constant 0 : i32
        %add3A_623 = arith.addi %add3A_622, %mul3A_621 : i32
        %rem3A_624 = arith.constant 4 : i32
        %rem3A_625 = arith.remsi %add3A_623, %rem3A_624 : i32
        %add3A_626 = arith.constant 1 : i32
        %add3A_627 = arith.addi %add3A_623, %add3A_626 : i32
        %rem3A_628 = arith.constant 4 : i32
        %rem3A_629 = arith.remsi %add3A_627, %rem3A_628 : i32
        %add3A_630 = arith.constant 2 : i32
        %add3A_631 = arith.addi %add3A_623, %add3A_630 : i32
        %rem3A_632 = arith.constant 4 : i32
        %rem3A_633 = arith.remsi %add3A_631, %rem3A_632 : i32
        %ge3A = arith.constant 1 : i32
        %ge3A_634 = arith.cmpi sge, %add3A_623, %ge3A : i32
        %convert_element_type3A_635 = arith.extui %ge3A_634 : i1 to i32
        %cond3A_636 = arith.constant 0 : i32
        %cond3A_637 = arith.cmpi ne, %convert_element_type3A_635, %cond3A_636 : i32
        scf.if %cond3A_637 {
          %sub3A = arith.constant 1 : i32
          %sub3A_690 = arith.subi %add3A_623, %sub3A : i32
          %add3A_691 = arith.constant 3 : i32
          %add3A_692 = arith.addi %add3A_623, %add3A_691 : i32
          %rem3A_693 = arith.constant 4 : i32
          %rem3A_694 = arith.remsi %add3A_692, %rem3A_693 : i32
          %rem3A_695 = arith.constant 2 : i32
          %rem3A_696 = arith.remsi %sub3A_690, %rem3A_695 : i32
          %dma_wait3A_697 = arith.constant 1 : i32
          %dma_wait3A_698 = arith.constant 0 : i32
          %dma_wait3A_699 = arith.constant 0 : i32
          %dma_wait3A_700 = tpu.memref_slice %arg6[%rem3A_696, %dma_wait3A_698, %dma_wait3A_699] : memref<2x128x128xf32, #tpu.memory_space<vmem>> -> memref<1x128x128xf32, #tpu.memory_space<vmem>>
          %dma_wait3A_701 = tpu.memref_squeeze %dma_wait3A_700 : memref<1x128x128xf32, #tpu.memory_space<vmem>> -> memref<128x128xf32, #tpu.memory_space<vmem>>
          %dma_wait3A_702 = arith.constant 0 : i32
          %dma_wait3A_703 = tpu.memref_slice %arg5[%rem3A_694, %dma_wait3A_697, %dma_wait3A_702] : memref<4x2x128xi32, #tpu.memory_space<vmem>> -> memref<1x1x128xi32, #tpu.memory_space<vmem>>
          %dma_wait3A_704 = tpu.memref_squeeze %dma_wait3A_703 : memref<1x1x128xi32, #tpu.memory_space<vmem>> -> memref<128xi32, #tpu.memory_space<vmem>>
          %dma_wait3A_705 = arith.constant 0 : i32
          %dma_wait3A_706 = arith.constant 0 : i32
          %dma_wait3A_707 = tpu.memref_slice %arg8[%dma_wait3A_705, %dma_wait3A_706] : memref<10240x128xf32, #tpu.memory_space<vmem_shared>> -> memref<10240x128xf32, #tpu.memory_space<vmem_shared>>
          tpu.wait_indirect_dma semaphore(%arg11 : memref<!tpu.dma_semaphore, #tpu.memory_space<semaphore_mem>>) src(%dma_wait3A_701 : memref<128x128xf32, #tpu.memory_space<vmem>>) dst(%dma_wait3A_707 : memref<10240x128xf32, #tpu.memory_space<vmem_shared>>)
        } else {
        }
        %add3A_638 = arith.constant 2 : i32
        %add3A_639 = arith.addi %add3A_623, %add3A_638 : i32
        %lt3A = arith.constant 133 : i32
        %lt3A_640 = arith.cmpi slt, %add3A_639, %lt3A : i32
        %convert_element_type3A_641 = arith.extui %lt3A_640 : i1 to i32
        %cond3A_642 = arith.constant 0 : i32
        %cond3A_643 = arith.cmpi ne, %convert_element_type3A_641, %cond3A_642 : i32
        scf.if %cond3A_643 {
          %add3A_690 = arith.constant 2 : i32
          %add3A_691 = arith.addi %add3A_623, %add3A_690 : i32
          %mul3A_692 = arith.constant 128 : i32
          %mul3A_693 = arith.muli %add3A_691, %mul3A_692 : i32
          %add3A_694 = arith.addi %mul3A_526, %mul3A_693 : i32
          %dma_start3A_695 = arith.constant 0 : i32
          %dma_start3A_696 = arith.constant 0 : i32
          %dma_start3A_697 = tpu.memref_slice %arg5[%rem3A_633, %dma_start3A_695, %dma_start3A_696] : memref<4x2x128xi32, #tpu.memory_space<vmem>> -> memref<1x2x128xi32, #tpu.memory_space<vmem>>
          %dma_start3A_698 = tpu.memref_squeeze %dma_start3A_697 : memref<1x2x128xi32, #tpu.memory_space<vmem>> -> memref<2x128xi32, #tpu.memory_space<vmem>>
          %dma_start3A_699 = arith.constant 0 : i32
          %dma_start3A_700 = tpu.memref_slice %arg3[%dma_start3A_699, %add3A_694] : memref<2x323584xi32, #tpu.memory_space<hbm>> -> memref<2x128xi32, #tpu.memory_space<hbm>>
          %dma_start3A_701 = arith.constant 0 : i32
          %dma_start3A_702 = arith.constant 0 : i32
          %dma_start3A_703 = tpu.memref_slice %arg5[%rem3A_633, %dma_start3A_701, %dma_start3A_702] : memref<4x2x128xi32, #tpu.memory_space<vmem>> -> memref<1x2x128xi32, #tpu.memory_space<vmem>>
          %dma_start3A_704 = tpu.memref_squeeze %dma_start3A_703 : memref<1x2x128xi32, #tpu.memory_space<vmem>> -> memref<2x128xi32, #tpu.memory_space<vmem>>
          %dma_start3A_705 = arith.constant 0 : i32
          %dma_start3A_706 = tpu.memref_slice %arg3[%dma_start3A_705, %add3A_694] : memref<2x323584xi32, #tpu.memory_space<hbm>> -> memref<2x128xi32, #tpu.memory_space<hbm>>
          tpu.enqueue_dma source(%dma_start3A_706 : memref<2x128xi32, #tpu.memory_space<hbm>>) target(%dma_start3A_704 : memref<2x128xi32, #tpu.memory_space<vmem>>) target_semaphore(%arg9 : memref<!tpu.dma_semaphore, #tpu.memory_space<semaphore_mem>>)
        } else {
        }
        %add3A_644 = arith.constant 1 : i32
        %add3A_645 = arith.addi %add3A_623, %add3A_644 : i32
        %lt3A_646 = arith.constant 133 : i32
        %lt3A_647 = arith.cmpi slt, %add3A_645, %lt3A_646 : i32
        %convert_element_type3A_648 = arith.extui %lt3A_647 : i1 to i32
        %cond3A_649 = arith.constant 0 : i32
        %cond3A_650 = arith.cmpi ne, %convert_element_type3A_648, %cond3A_649 : i32
        scf.if %cond3A_650 {
          %add3A_690 = arith.constant 1 : i32
          %add3A_691 = arith.addi %add3A_623, %add3A_690 : i32
          %mul3A_692 = arith.constant 128 : i32
          %mul3A_693 = arith.muli %add3A_691, %mul3A_692 : i32
          %add3A_694 = arith.addi %mul3A_526, %mul3A_693 : i32
          %dma_wait3A_695 = arith.constant 0 : i32
          %dma_wait3A_696 = arith.constant 0 : i32
          %dma_wait3A_697 = tpu.memref_slice %arg5[%rem3A_629, %dma_wait3A_695, %dma_wait3A_696] : memref<4x2x128xi32, #tpu.memory_space<vmem>> -> memref<1x2x128xi32, #tpu.memory_space<vmem>>
          %dma_wait3A_698 = tpu.memref_squeeze %dma_wait3A_697 : memref<1x2x128xi32, #tpu.memory_space<vmem>> -> memref<2x128xi32, #tpu.memory_space<vmem>>
          %dma_wait3A_699 = arith.constant 0 : i32
          %dma_wait3A_700 = tpu.memref_slice %arg3[%dma_wait3A_699, %add3A_694] : memref<2x323584xi32, #tpu.memory_space<hbm>> -> memref<2x128xi32, #tpu.memory_space<hbm>>
          %dma_wait3A_701 = arith.constant 0 : i32
          %dma_wait3A_702 = arith.constant 0 : i32
          %dma_wait3A_703 = tpu.memref_slice %arg5[%rem3A_629, %dma_wait3A_701, %dma_wait3A_702] : memref<4x2x128xi32, #tpu.memory_space<vmem>> -> memref<1x2x128xi32, #tpu.memory_space<vmem>>
          %dma_wait3A_704 = tpu.memref_squeeze %dma_wait3A_703 : memref<1x2x128xi32, #tpu.memory_space<vmem>> -> memref<2x128xi32, #tpu.memory_space<vmem>>
          %dma_wait3A_705 = arith.constant 0 : i32
          %dma_wait3A_706 = tpu.memref_slice %arg3[%dma_wait3A_705, %add3A_694] : memref<2x323584xi32, #tpu.memory_space<hbm>> -> memref<2x128xi32, #tpu.memory_space<hbm>>
          tpu.wait_dma2 semaphore(%arg9 : memref<!tpu.dma_semaphore, #tpu.memory_space<semaphore_mem>>) src(%dma_wait3A_706 : memref<2x128xi32, #tpu.memory_space<hbm>>) dst(%dma_wait3A_704 : memref<2x128xi32, #tpu.memory_space<vmem>>)
          %add3A_707 = arith.constant 1 : i32
          %add3A_708 = arith.addi %add3A_623, %add3A_707 : i32
          %rem3A_709 = arith.constant 2 : i32
          %rem3A_710 = arith.remsi %add3A_708, %rem3A_709 : i32
          %dma_start3A_711 = arith.constant 0 : i32
          %dma_start3A_712 = arith.constant 0 : i32
          %dma_start3A_713 = arith.constant 0 : i32
          %dma_start3A_714 = tpu.memref_slice %arg6[%rem3A_710, %dma_start3A_712, %dma_start3A_713] : memref<2x128x128xf32, #tpu.memory_space<vmem>> -> memref<1x64x128xf32, #tpu.memory_space<vmem>>
          %dma_start3A_715 = tpu.memref_squeeze %dma_start3A_714 : memref<1x64x128xf32, #tpu.memory_space<vmem>> -> memref<64x128xf32, #tpu.memory_space<vmem>>
          %dma_start3A_716 = arith.constant 0 : i32
          %dma_start3A_717 = tpu.memref_slice %arg5[%rem3A_629, %dma_start3A_711, %dma_start3A_716] : memref<4x2x128xi32, #tpu.memory_space<vmem>> -> memref<1x1x64xi32, #tpu.memory_space<vmem>>
          %dma_start3A_718 = tpu.memref_squeeze %dma_start3A_717 : memref<1x1x64xi32, #tpu.memory_space<vmem>> -> memref<64xi32, #tpu.memory_space<vmem>>
          %dma_start3A_719 = arith.constant 0 : i32
          %dma_start3A_720 = arith.constant 0 : i32
          %dma_start3A_721 = tpu.memref_slice %arg2[%dma_start3A_719, %dma_start3A_720] : memref<10000x128xf32, #tpu.memory_space<hbm>> -> memref<10000x128xf32, #tpu.memory_space<hbm>>
          tpu.enqueue_indirect_dma source(%dma_start3A_721 : memref<10000x128xf32, #tpu.memory_space<hbm>>) target(%dma_start3A_715 : memref<64x128xf32, #tpu.memory_space<vmem>>) offsets(%dma_start3A_718 : memref<64xi32, #tpu.memory_space<vmem>>) semaphore(%arg10 : memref<!tpu.dma_semaphore, #tpu.memory_space<semaphore_mem>>)
          %rem3A_722 = arith.constant 2 : i32
          %rem3A_723 = arith.remsi %add3A_708, %rem3A_722 : i32
          %dma_start3A_724 = arith.constant 0 : i32
          %dma_start3A_725 = arith.constant 64 : i32
          %dma_start3A_726 = arith.constant 0 : i32
          %dma_start3A_727 = tpu.memref_slice %arg6[%rem3A_723, %dma_start3A_725, %dma_start3A_726] : memref<2x128x128xf32, #tpu.memory_space<vmem>> -> memref<1x64x128xf32, #tpu.memory_space<vmem>>
          %dma_start3A_728 = tpu.memref_squeeze %dma_start3A_727 : memref<1x64x128xf32, #tpu.memory_space<vmem>> -> memref<64x128xf32, #tpu.memory_space<vmem>>
          %dma_start3A_729 = arith.constant 64 : i32
          %dma_start3A_730 = tpu.memref_slice %arg5[%rem3A_629, %dma_start3A_724, %dma_start3A_729] : memref<4x2x128xi32, #tpu.memory_space<vmem>> -> memref<1x1x64xi32, #tpu.memory_space<vmem>>
          %dma_start3A_731 = tpu.memref_squeeze %dma_start3A_730 : memref<1x1x64xi32, #tpu.memory_space<vmem>> -> memref<64xi32, #tpu.memory_space<vmem>>
          %dma_start3A_732 = arith.constant 0 : i32
          %dma_start3A_733 = arith.constant 0 : i32
          %dma_start3A_734 = tpu.memref_slice %arg2[%dma_start3A_732, %dma_start3A_733] : memref<10000x128xf32, #tpu.memory_space<hbm>> -> memref<10000x128xf32, #tpu.memory_space<hbm>>
          tpu.enqueue_indirect_dma source(%dma_start3A_734 : memref<10000x128xf32, #tpu.memory_space<hbm>>) target(%dma_start3A_728 : memref<64x128xf32, #tpu.memory_space<vmem>>) offsets(%dma_start3A_731 : memref<64xi32, #tpu.memory_space<vmem>>) semaphore(%arg10 : memref<!tpu.dma_semaphore, #tpu.memory_space<semaphore_mem>>)
        } else {
        }
        %rem3A_651 = arith.constant 2 : i32
        %rem3A_652 = arith.remsi %add3A_623, %rem3A_651 : i32
        %dma_wait3A_653 = arith.constant 0 : i32
        %dma_wait3A_654 = arith.constant 0 : i32
        %dma_wait3A_655 = arith.constant 0 : i32
        %dma_wait3A_656 = tpu.memref_slice %arg6[%rem3A_652, %dma_wait3A_654, %dma_wait3A_655] : memref<2x128x128xf32, #tpu.memory_space<vmem>> -> memref<1x64x128xf32, #tpu.memory_space<vmem>>
        %dma_wait3A_657 = tpu.memref_squeeze %dma_wait3A_656 : memref<1x64x128xf32, #tpu.memory_space<vmem>> -> memref<64x128xf32, #tpu.memory_space<vmem>>
        %dma_wait3A_658 = arith.constant 0 : i32
        %dma_wait3A_659 = tpu.memref_slice %arg5[%rem3A_625, %dma_wait3A_653, %dma_wait3A_658] : memref<4x2x128xi32, #tpu.memory_space<vmem>> -> memref<1x1x64xi32, #tpu.memory_space<vmem>>
        %dma_wait3A_660 = tpu.memref_squeeze %dma_wait3A_659 : memref<1x1x64xi32, #tpu.memory_space<vmem>> -> memref<64xi32, #tpu.memory_space<vmem>>
        %dma_wait3A_661 = arith.constant 0 : i32
        %dma_wait3A_662 = arith.constant 0 : i32
        %dma_wait3A_663 = tpu.memref_slice %arg2[%dma_wait3A_661, %dma_wait3A_662] : memref<10000x128xf32, #tpu.memory_space<hbm>> -> memref<10000x128xf32, #tpu.memory_space<hbm>>
        tpu.wait_indirect_dma semaphore(%arg10 : memref<!tpu.dma_semaphore, #tpu.memory_space<semaphore_mem>>) src(%dma_wait3A_663 : memref<10000x128xf32, #tpu.memory_space<hbm>>) dst(%dma_wait3A_657 : memref<64x128xf32, #tpu.memory_space<vmem>>)
        %rem3A_664 = arith.constant 2 : i32
        %rem3A_665 = arith.remsi %add3A_623, %rem3A_664 : i32
        %dma_wait3A_666 = arith.constant 0 : i32
        %dma_wait3A_667 = arith.constant 64 : i32
        %dma_wait3A_668 = arith.constant 0 : i32
        %dma_wait3A_669 = tpu.memref_slice %arg6[%rem3A_665, %dma_wait3A_667, %dma_wait3A_668] : memref<2x128x128xf32, #tpu.memory_space<vmem>> -> memref<1x64x128xf32, #tpu.memory_space<vmem>>
        %dma_wait3A_670 = tpu.memref_squeeze %dma_wait3A_669 : memref<1x64x128xf32, #tpu.memory_space<vmem>> -> memref<64x128xf32, #tpu.memory_space<vmem>>
        %dma_wait3A_671 = arith.constant 64 : i32
        %dma_wait3A_672 = tpu.memref_slice %arg5[%rem3A_625, %dma_wait3A_666, %dma_wait3A_671] : memref<4x2x128xi32, #tpu.memory_space<vmem>> -> memref<1x1x64xi32, #tpu.memory_space<vmem>>
        %dma_wait3A_673 = tpu.memref_squeeze %dma_wait3A_672 : memref<1x1x64xi32, #tpu.memory_space<vmem>> -> memref<64xi32, #tpu.memory_space<vmem>>
        %dma_wait3A_674 = arith.constant 0 : i32
        %dma_wait3A_675 = arith.constant 0 : i32
        %dma_wait3A_676 = tpu.memref_slice %arg2[%dma_wait3A_674, %dma_wait3A_675] : memref<10000x128xf32, #tpu.memory_space<hbm>> -> memref<10000x128xf32, #tpu.memory_space<hbm>>
        tpu.wait_indirect_dma semaphore(%arg10 : memref<!tpu.dma_semaphore, #tpu.memory_space<semaphore_mem>>) src(%dma_wait3A_676 : memref<10000x128xf32, #tpu.memory_space<hbm>>) dst(%dma_wait3A_670 : memref<64x128xf32, #tpu.memory_space<vmem>>)
        %rem3A_677 = arith.constant 2 : i32
        %rem3A_678 = arith.remsi %add3A_623, %rem3A_677 : i32
        %dma_start3A_679 = arith.constant 1 : i32
        %dma_start3A_680 = arith.constant 0 : i32
        %dma_start3A_681 = arith.constant 0 : i32
        %dma_start3A_682 = tpu.memref_slice %arg6[%rem3A_678, %dma_start3A_680, %dma_start3A_681] : memref<2x128x128xf32, #tpu.memory_space<vmem>> -> memref<1x128x128xf32, #tpu.memory_space<vmem>>
        %dma_start3A_683 = tpu.memref_squeeze %dma_start3A_682 : memref<1x128x128xf32, #tpu.memory_space<vmem>> -> memref<128x128xf32, #tpu.memory_space<vmem>>
        %dma_start3A_684 = arith.constant 0 : i32
        %dma_start3A_685 = tpu.memref_slice %arg5[%rem3A_625, %dma_start3A_679, %dma_start3A_684] : memref<4x2x128xi32, #tpu.memory_space<vmem>> -> memref<1x1x128xi32, #tpu.memory_space<vmem>>
        %dma_start3A_686 = tpu.memref_squeeze %dma_start3A_685 : memref<1x1x128xi32, #tpu.memory_space<vmem>> -> memref<128xi32, #tpu.memory_space<vmem>>
        %dma_start3A_687 = arith.constant 0 : i32
        %dma_start3A_688 = arith.constant 0 : i32
        %dma_start3A_689 = tpu.memref_slice %arg8[%dma_start3A_687, %dma_start3A_688] : memref<10240x128xf32, #tpu.memory_space<vmem_shared>> -> memref<10240x128xf32, #tpu.memory_space<vmem_shared>>
        tpu.enqueue_indirect_dma source(%dma_start3A_683 : memref<128x128xf32, #tpu.memory_space<vmem>>) target(%dma_start3A_689 : memref<10240x128xf32, #tpu.memory_space<vmem_shared>>) offsets(%dma_start3A_686 : memref<128xi32, #tpu.memory_space<vmem>>) semaphore(%arg11 : memref<!tpu.dma_semaphore, #tpu.memory_space<semaphore_mem>>) {add = true}
      }
      %scan3A_603 = arith.constant 133 : i32
      %rem3A_604 = arith.constant 132 : i32
      %rem3A_605 = arith.constant 2 : i32
      %rem3A_606 = arith.remsi %rem3A_604, %rem3A_605 : i32
      %dma_wait3A_607 = arith.constant 0 : i32
      %dma_wait3A_608 = arith.constant 1 : i32
      %dma_wait3A_609 = arith.constant 0 : i32
      %dma_wait3A_610 = arith.constant 0 : i32
      %dma_wait3A_611 = tpu.memref_slice %arg6[%rem3A_606, %dma_wait3A_609, %dma_wait3A_610] : memref<2x128x128xf32, #tpu.memory_space<vmem>> -> memref<1x128x128xf32, #tpu.memory_space<vmem>>
      %dma_wait3A_612 = tpu.memref_squeeze %dma_wait3A_611 : memref<1x128x128xf32, #tpu.memory_space<vmem>> -> memref<128x128xf32, #tpu.memory_space<vmem>>
      %dma_wait3A_613 = arith.constant 0 : i32
      %dma_wait3A_614 = tpu.memref_slice %arg5[%dma_wait3A_607, %dma_wait3A_608, %dma_wait3A_613] : memref<4x2x128xi32, #tpu.memory_space<vmem>> -> memref<1x1x128xi32, #tpu.memory_space<vmem>>
      %dma_wait3A_615 = tpu.memref_squeeze %dma_wait3A_614 : memref<1x1x128xi32, #tpu.memory_space<vmem>> -> memref<128xi32, #tpu.memory_space<vmem>>
      %dma_wait3A_616 = arith.constant 0 : i32
      %dma_wait3A_617 = arith.constant 0 : i32
      %dma_wait3A_618 = tpu.memref_slice %arg8[%dma_wait3A_616, %dma_wait3A_617] : memref<10240x128xf32, #tpu.memory_space<vmem_shared>> -> memref<10240x128xf32, #tpu.memory_space<vmem_shared>>
      tpu.wait_indirect_dma semaphore(%arg11 : memref<!tpu.dma_semaphore, #tpu.memory_space<semaphore_mem>>) src(%dma_wait3A_612 : memref<128x128xf32, #tpu.memory_space<vmem>>) dst(%dma_wait3A_618 : memref<10240x128xf32, #tpu.memory_space<vmem_shared>>)
    } else {
    }
    %eq3A_519 = arith.constant 1 : i32
    %eq3A_520 = arith.cmpi eq, %arg0, %eq3A_519 : i32
    %convert_element_type3A_521 = arith.extui %eq3A_520 : i1 to i32
    %cond3A_522 = arith.constant 0 : i32
    %cond3A_523 = arith.cmpi ne, %convert_element_type3A_521, %cond3A_522 : i32
    scf.if %cond3A_523 {
      %mul3A_525 = arith.constant 3200 : i32
      %mul3A_526 = arith.muli %arg1, %mul3A_525 : i32
      %add3A_527 = arith.constant 272384 : i32
      %add3A_528 = arith.addi %add3A_527, %mul3A_526 : i32
      %add3A_529 = arith.constant 0 : i32
      %add3A_530 = arith.addi %add3A_528, %add3A_529 : i32
      %dma_start3A = arith.constant 0 : i32
      %dma_start3A_531 = arith.constant 0 : i32
      %dma_start3A_532 = arith.constant 0 : i32
      %dma_start3A_533 = tpu.memref_slice %arg5[%dma_start3A, %dma_start3A_531, %dma_start3A_532] : memref<4x2x128xi32, #tpu.memory_space<vmem>> -> memref<1x2x128xi32, #tpu.memory_space<vmem>>
      %dma_start3A_534 = tpu.memref_squeeze %dma_start3A_533 : memref<1x2x128xi32, #tpu.memory_space<vmem>> -> memref<2x128xi32, #tpu.memory_space<vmem>>
      %dma_start3A_535 = arith.constant 0 : i32
      %dma_start3A_536 = tpu.memref_slice %arg3[%dma_start3A_535, %add3A_530] : memref<2x323584xi32, #tpu.memory_space<hbm>> -> memref<2x128xi32, #tpu.memory_space<hbm>>
      %dma_start3A_537 = arith.constant 0 : i32
      %dma_start3A_538 = arith.constant 0 : i32
      %dma_start3A_539 = tpu.memref_slice %arg5[%dma_start3A, %dma_start3A_537, %dma_start3A_538] : memref<4x2x128xi32, #tpu.memory_space<vmem>> -> memref<1x2x128xi32, #tpu.memory_space<vmem>>
      %dma_start3A_540 = tpu.memref_squeeze %dma_start3A_539 : memref<1x2x128xi32, #tpu.memory_space<vmem>> -> memref<2x128xi32, #tpu.memory_space<vmem>>
      %dma_start3A_541 = arith.constant 0 : i32
      %dma_start3A_542 = tpu.memref_slice %arg3[%dma_start3A_541, %add3A_530] : memref<2x323584xi32, #tpu.memory_space<hbm>> -> memref<2x128xi32, #tpu.memory_space<hbm>>
      tpu.enqueue_dma source(%dma_start3A_542 : memref<2x128xi32, #tpu.memory_space<hbm>>) target(%dma_start3A_540 : memref<2x128xi32, #tpu.memory_space<vmem>>) target_semaphore(%arg9 : memref<!tpu.dma_semaphore, #tpu.memory_space<semaphore_mem>>)
      %add3A_543 = arith.constant 128 : i32
      %add3A_544 = arith.addi %add3A_528, %add3A_543 : i32
      %dma_start3A_545 = arith.constant 1 : i32
      %dma_start3A_546 = arith.constant 0 : i32
      %dma_start3A_547 = arith.constant 0 : i32
      %dma_start3A_548 = tpu.memref_slice %arg5[%dma_start3A_545, %dma_start3A_546, %dma_start3A_547] : memref<4x2x128xi32, #tpu.memory_space<vmem>> -> memref<1x2x128xi32, #tpu.memory_space<vmem>>
      %dma_start3A_549 = tpu.memref_squeeze %dma_start3A_548 : memref<1x2x128xi32, #tpu.memory_space<vmem>> -> memref<2x128xi32, #tpu.memory_space<vmem>>
      %dma_start3A_550 = arith.constant 0 : i32
      %dma_start3A_551 = tpu.memref_slice %arg3[%dma_start3A_550, %add3A_544] : memref<2x323584xi32, #tpu.memory_space<hbm>> -> memref<2x128xi32, #tpu.memory_space<hbm>>
      %dma_start3A_552 = arith.constant 0 : i32
      %dma_start3A_553 = arith.constant 0 : i32
      %dma_start3A_554 = tpu.memref_slice %arg5[%dma_start3A_545, %dma_start3A_552, %dma_start3A_553] : memref<4x2x128xi32, #tpu.memory_space<vmem>> -> memref<1x2x128xi32, #tpu.memory_space<vmem>>
      %dma_start3A_555 = tpu.memref_squeeze %dma_start3A_554 : memref<1x2x128xi32, #tpu.memory_space<vmem>> -> memref<2x128xi32, #tpu.memory_space<vmem>>
      %dma_start3A_556 = arith.constant 0 : i32
      %dma_start3A_557 = tpu.memref_slice %arg3[%dma_start3A_556, %add3A_544] : memref<2x323584xi32, #tpu.memory_space<hbm>> -> memref<2x128xi32, #tpu.memory_space<hbm>>
      tpu.enqueue_dma source(%dma_start3A_557 : memref<2x128xi32, #tpu.memory_space<hbm>>) target(%dma_start3A_555 : memref<2x128xi32, #tpu.memory_space<vmem>>) target_semaphore(%arg9 : memref<!tpu.dma_semaphore, #tpu.memory_space<semaphore_mem>>)
      %add3A_558 = arith.constant 0 : i32
      %add3A_559 = arith.addi %add3A_528, %add3A_558 : i32
      %dma_wait3A = arith.constant 0 : i32
      %dma_wait3A_560 = arith.constant 0 : i32
      %dma_wait3A_561 = arith.constant 0 : i32
      %dma_wait3A_562 = tpu.memref_slice %arg5[%dma_wait3A, %dma_wait3A_560, %dma_wait3A_561] : memref<4x2x128xi32, #tpu.memory_space<vmem>> -> memref<1x2x128xi32, #tpu.memory_space<vmem>>
      %dma_wait3A_563 = tpu.memref_squeeze %dma_wait3A_562 : memref<1x2x128xi32, #tpu.memory_space<vmem>> -> memref<2x128xi32, #tpu.memory_space<vmem>>
      %dma_wait3A_564 = arith.constant 0 : i32
      %dma_wait3A_565 = tpu.memref_slice %arg3[%dma_wait3A_564, %add3A_559] : memref<2x323584xi32, #tpu.memory_space<hbm>> -> memref<2x128xi32, #tpu.memory_space<hbm>>
      %dma_wait3A_566 = arith.constant 0 : i32
      %dma_wait3A_567 = arith.constant 0 : i32
      %dma_wait3A_568 = tpu.memref_slice %arg5[%dma_wait3A, %dma_wait3A_566, %dma_wait3A_567] : memref<4x2x128xi32, #tpu.memory_space<vmem>> -> memref<1x2x128xi32, #tpu.memory_space<vmem>>
      %dma_wait3A_569 = tpu.memref_squeeze %dma_wait3A_568 : memref<1x2x128xi32, #tpu.memory_space<vmem>> -> memref<2x128xi32, #tpu.memory_space<vmem>>
      %dma_wait3A_570 = arith.constant 0 : i32
      %dma_wait3A_571 = tpu.memref_slice %arg3[%dma_wait3A_570, %add3A_559] : memref<2x323584xi32, #tpu.memory_space<hbm>> -> memref<2x128xi32, #tpu.memory_space<hbm>>
      tpu.wait_dma2 semaphore(%arg9 : memref<!tpu.dma_semaphore, #tpu.memory_space<semaphore_mem>>) src(%dma_wait3A_571 : memref<2x128xi32, #tpu.memory_space<hbm>>) dst(%dma_wait3A_569 : memref<2x128xi32, #tpu.memory_space<vmem>>)
      %rem3A = arith.constant 0 : i32
      %rem3A_572 = arith.constant 2 : i32
      %rem3A_573 = arith.remsi %rem3A, %rem3A_572 : i32
      %dma_start3A_574 = arith.constant 0 : i32
      %dma_start3A_575 = arith.constant 0 : i32
      %dma_start3A_576 = arith.constant 0 : i32
      %dma_start3A_577 = arith.constant 0 : i32
      %dma_start3A_578 = tpu.memref_slice %arg6[%rem3A_573, %dma_start3A_576, %dma_start3A_577] : memref<2x128x128xf32, #tpu.memory_space<vmem>> -> memref<1x64x128xf32, #tpu.memory_space<vmem>>
      %dma_start3A_579 = tpu.memref_squeeze %dma_start3A_578 : memref<1x64x128xf32, #tpu.memory_space<vmem>> -> memref<64x128xf32, #tpu.memory_space<vmem>>
      %dma_start3A_580 = arith.constant 0 : i32
      %dma_start3A_581 = tpu.memref_slice %arg5[%dma_start3A_574, %dma_start3A_575, %dma_start3A_580] : memref<4x2x128xi32, #tpu.memory_space<vmem>> -> memref<1x1x64xi32, #tpu.memory_space<vmem>>
      %dma_start3A_582 = tpu.memref_squeeze %dma_start3A_581 : memref<1x1x64xi32, #tpu.memory_space<vmem>> -> memref<64xi32, #tpu.memory_space<vmem>>
      %dma_start3A_583 = arith.constant 0 : i32
      %dma_start3A_584 = arith.constant 0 : i32
      %dma_start3A_585 = tpu.memref_slice %arg2[%dma_start3A_583, %dma_start3A_584] : memref<10000x128xf32, #tpu.memory_space<hbm>> -> memref<10000x128xf32, #tpu.memory_space<hbm>>
      tpu.enqueue_indirect_dma source(%dma_start3A_585 : memref<10000x128xf32, #tpu.memory_space<hbm>>) target(%dma_start3A_579 : memref<64x128xf32, #tpu.memory_space<vmem>>) offsets(%dma_start3A_582 : memref<64xi32, #tpu.memory_space<vmem>>) semaphore(%arg10 : memref<!tpu.dma_semaphore, #tpu.memory_space<semaphore_mem>>)
      %rem3A_586 = arith.constant 0 : i32
      %rem3A_587 = arith.constant 2 : i32
      %rem3A_588 = arith.remsi %rem3A_586, %rem3A_587 : i32
      %dma_start3A_589 = arith.constant 0 : i32
      %dma_start3A_590 = arith.constant 0 : i32
      %dma_start3A_591 = arith.constant 64 : i32
      %dma_start3A_592 = arith.constant 0 : i32
      %dma_start3A_593 = tpu.memref_slice %arg6[%rem3A_588, %dma_start3A_591, %dma_start3A_592] : memref<2x128x128xf32, #tpu.memory_space<vmem>> -> memref<1x64x128xf32, #tpu.memory_space<vmem>>
      %dma_start3A_594 = tpu.memref_squeeze %dma_start3A_593 : memref<1x64x128xf32, #tpu.memory_space<vmem>> -> memref<64x128xf32, #tpu.memory_space<vmem>>
      %dma_start3A_595 = arith.constant 64 : i32
      %dma_start3A_596 = tpu.memref_slice %arg5[%dma_start3A_589, %dma_start3A_590, %dma_start3A_595] : memref<4x2x128xi32, #tpu.memory_space<vmem>> -> memref<1x1x64xi32, #tpu.memory_space<vmem>>
      %dma_start3A_597 = tpu.memref_squeeze %dma_start3A_596 : memref<1x1x64xi32, #tpu.memory_space<vmem>> -> memref<64xi32, #tpu.memory_space<vmem>>
      %dma_start3A_598 = arith.constant 0 : i32
      %dma_start3A_599 = arith.constant 0 : i32
      %dma_start3A_600 = tpu.memref_slice %arg2[%dma_start3A_598, %dma_start3A_599] : memref<10000x128xf32, #tpu.memory_space<hbm>> -> memref<10000x128xf32, #tpu.memory_space<hbm>>
      tpu.enqueue_indirect_dma source(%dma_start3A_600 : memref<10000x128xf32, #tpu.memory_space<hbm>>) target(%dma_start3A_594 : memref<64x128xf32, #tpu.memory_space<vmem>>) offsets(%dma_start3A_597 : memref<64xi32, #tpu.memory_space<vmem>>) semaphore(%arg10 : memref<!tpu.dma_semaphore, #tpu.memory_space<semaphore_mem>>)
      %scan3A_601 = arith.constant 0 : i32
      %scan3A_602 = arith.constant 25 : i32
      %scan3A_603 = arith.addi %scan3A_601, %scan3A_602 : i32
      %scan3A_604 = arith.constant 1 : i32
      scf.for %scan3A_621 = %scan3A_601 to %scan3A_603 step %scan3A_604  : i32 {
        %mul3A_622 = arith.constant 1 : i32
        %mul3A_623 = arith.muli %scan3A_621, %mul3A_622 : i32
        %add3A_624 = arith.constant 0 : i32
        %add3A_625 = arith.addi %add3A_624, %mul3A_623 : i32
        %rem3A_626 = arith.constant 4 : i32
        %rem3A_627 = arith.remsi %add3A_625, %rem3A_626 : i32
        %add3A_628 = arith.constant 1 : i32
        %add3A_629 = arith.addi %add3A_625, %add3A_628 : i32
        %rem3A_630 = arith.constant 4 : i32
        %rem3A_631 = arith.remsi %add3A_629, %rem3A_630 : i32
        %add3A_632 = arith.constant 2 : i32
        %add3A_633 = arith.addi %add3A_625, %add3A_632 : i32
        %rem3A_634 = arith.constant 4 : i32
        %rem3A_635 = arith.remsi %add3A_633, %rem3A_634 : i32
        %ge3A = arith.constant 1 : i32
        %ge3A_636 = arith.cmpi sge, %add3A_625, %ge3A : i32
        %convert_element_type3A_637 = arith.extui %ge3A_636 : i1 to i32
        %cond3A_638 = arith.constant 0 : i32
        %cond3A_639 = arith.cmpi ne, %convert_element_type3A_637, %cond3A_638 : i32
        scf.if %cond3A_639 {
          %sub3A = arith.constant 1 : i32
          %sub3A_692 = arith.subi %add3A_625, %sub3A : i32
          %add3A_693 = arith.constant 3 : i32
          %add3A_694 = arith.addi %add3A_625, %add3A_693 : i32
          %rem3A_695 = arith.constant 4 : i32
          %rem3A_696 = arith.remsi %add3A_694, %rem3A_695 : i32
          %rem3A_697 = arith.constant 2 : i32
          %rem3A_698 = arith.remsi %sub3A_692, %rem3A_697 : i32
          %dma_wait3A_699 = arith.constant 1 : i32
          %dma_wait3A_700 = arith.constant 0 : i32
          %dma_wait3A_701 = arith.constant 0 : i32
          %dma_wait3A_702 = tpu.memref_slice %arg6[%rem3A_698, %dma_wait3A_700, %dma_wait3A_701] : memref<2x128x128xf32, #tpu.memory_space<vmem>> -> memref<1x128x128xf32, #tpu.memory_space<vmem>>
          %dma_wait3A_703 = tpu.memref_squeeze %dma_wait3A_702 : memref<1x128x128xf32, #tpu.memory_space<vmem>> -> memref<128x128xf32, #tpu.memory_space<vmem>>
          %dma_wait3A_704 = arith.constant 0 : i32
          %dma_wait3A_705 = tpu.memref_slice %arg5[%rem3A_696, %dma_wait3A_699, %dma_wait3A_704] : memref<4x2x128xi32, #tpu.memory_space<vmem>> -> memref<1x1x128xi32, #tpu.memory_space<vmem>>
          %dma_wait3A_706 = tpu.memref_squeeze %dma_wait3A_705 : memref<1x1x128xi32, #tpu.memory_space<vmem>> -> memref<128xi32, #tpu.memory_space<vmem>>
          %dma_wait3A_707 = arith.constant 0 : i32
          %dma_wait3A_708 = arith.constant 0 : i32
          %dma_wait3A_709 = tpu.memref_slice %arg8[%dma_wait3A_707, %dma_wait3A_708] : memref<10240x128xf32, #tpu.memory_space<vmem_shared>> -> memref<10240x128xf32, #tpu.memory_space<vmem_shared>>
          tpu.wait_indirect_dma semaphore(%arg11 : memref<!tpu.dma_semaphore, #tpu.memory_space<semaphore_mem>>) src(%dma_wait3A_703 : memref<128x128xf32, #tpu.memory_space<vmem>>) dst(%dma_wait3A_709 : memref<10240x128xf32, #tpu.memory_space<vmem_shared>>)
        } else {
        }
        %add3A_640 = arith.constant 2 : i32
        %add3A_641 = arith.addi %add3A_625, %add3A_640 : i32
        %lt3A = arith.constant 25 : i32
        %lt3A_642 = arith.cmpi slt, %add3A_641, %lt3A : i32
        %convert_element_type3A_643 = arith.extui %lt3A_642 : i1 to i32
        %cond3A_644 = arith.constant 0 : i32
        %cond3A_645 = arith.cmpi ne, %convert_element_type3A_643, %cond3A_644 : i32
        scf.if %cond3A_645 {
          %add3A_692 = arith.constant 2 : i32
          %add3A_693 = arith.addi %add3A_625, %add3A_692 : i32
          %mul3A_694 = arith.constant 128 : i32
          %mul3A_695 = arith.muli %add3A_693, %mul3A_694 : i32
          %add3A_696 = arith.addi %add3A_528, %mul3A_695 : i32
          %dma_start3A_697 = arith.constant 0 : i32
          %dma_start3A_698 = arith.constant 0 : i32
          %dma_start3A_699 = tpu.memref_slice %arg5[%rem3A_635, %dma_start3A_697, %dma_start3A_698] : memref<4x2x128xi32, #tpu.memory_space<vmem>> -> memref<1x2x128xi32, #tpu.memory_space<vmem>>
          %dma_start3A_700 = tpu.memref_squeeze %dma_start3A_699 : memref<1x2x128xi32, #tpu.memory_space<vmem>> -> memref<2x128xi32, #tpu.memory_space<vmem>>
          %dma_start3A_701 = arith.constant 0 : i32
          %dma_start3A_702 = tpu.memref_slice %arg3[%dma_start3A_701, %add3A_696] : memref<2x323584xi32, #tpu.memory_space<hbm>> -> memref<2x128xi32, #tpu.memory_space<hbm>>
          %dma_start3A_703 = arith.constant 0 : i32
          %dma_start3A_704 = arith.constant 0 : i32
          %dma_start3A_705 = tpu.memref_slice %arg5[%rem3A_635, %dma_start3A_703, %dma_start3A_704] : memref<4x2x128xi32, #tpu.memory_space<vmem>> -> memref<1x2x128xi32, #tpu.memory_space<vmem>>
          %dma_start3A_706 = tpu.memref_squeeze %dma_start3A_705 : memref<1x2x128xi32, #tpu.memory_space<vmem>> -> memref<2x128xi32, #tpu.memory_space<vmem>>
          %dma_start3A_707 = arith.constant 0 : i32
          %dma_start3A_708 = tpu.memref_slice %arg3[%dma_start3A_707, %add3A_696] : memref<2x323584xi32, #tpu.memory_space<hbm>> -> memref<2x128xi32, #tpu.memory_space<hbm>>
          tpu.enqueue_dma source(%dma_start3A_708 : memref<2x128xi32, #tpu.memory_space<hbm>>) target(%dma_start3A_706 : memref<2x128xi32, #tpu.memory_space<vmem>>) target_semaphore(%arg9 : memref<!tpu.dma_semaphore, #tpu.memory_space<semaphore_mem>>)
        } else {
        }
        %add3A_646 = arith.constant 1 : i32
        %add3A_647 = arith.addi %add3A_625, %add3A_646 : i32
        %lt3A_648 = arith.constant 25 : i32
        %lt3A_649 = arith.cmpi slt, %add3A_647, %lt3A_648 : i32
        %convert_element_type3A_650 = arith.extui %lt3A_649 : i1 to i32
        %cond3A_651 = arith.constant 0 : i32
        %cond3A_652 = arith.cmpi ne, %convert_element_type3A_650, %cond3A_651 : i32
        scf.if %cond3A_652 {
          %add3A_692 = arith.constant 1 : i32
          %add3A_693 = arith.addi %add3A_625, %add3A_692 : i32
          %mul3A_694 = arith.constant 128 : i32
          %mul3A_695 = arith.muli %add3A_693, %mul3A_694 : i32
          %add3A_696 = arith.addi %add3A_528, %mul3A_695 : i32
          %dma_wait3A_697 = arith.constant 0 : i32
          %dma_wait3A_698 = arith.constant 0 : i32
          %dma_wait3A_699 = tpu.memref_slice %arg5[%rem3A_631, %dma_wait3A_697, %dma_wait3A_698] : memref<4x2x128xi32, #tpu.memory_space<vmem>> -> memref<1x2x128xi32, #tpu.memory_space<vmem>>
          %dma_wait3A_700 = tpu.memref_squeeze %dma_wait3A_699 : memref<1x2x128xi32, #tpu.memory_space<vmem>> -> memref<2x128xi32, #tpu.memory_space<vmem>>
          %dma_wait3A_701 = arith.constant 0 : i32
          %dma_wait3A_702 = tpu.memref_slice %arg3[%dma_wait3A_701, %add3A_696] : memref<2x323584xi32, #tpu.memory_space<hbm>> -> memref<2x128xi32, #tpu.memory_space<hbm>>
          %dma_wait3A_703 = arith.constant 0 : i32
          %dma_wait3A_704 = arith.constant 0 : i32
          %dma_wait3A_705 = tpu.memref_slice %arg5[%rem3A_631, %dma_wait3A_703, %dma_wait3A_704] : memref<4x2x128xi32, #tpu.memory_space<vmem>> -> memref<1x2x128xi32, #tpu.memory_space<vmem>>
          %dma_wait3A_706 = tpu.memref_squeeze %dma_wait3A_705 : memref<1x2x128xi32, #tpu.memory_space<vmem>> -> memref<2x128xi32, #tpu.memory_space<vmem>>
          %dma_wait3A_707 = arith.constant 0 : i32
          %dma_wait3A_708 = tpu.memref_slice %arg3[%dma_wait3A_707, %add3A_696] : memref<2x323584xi32, #tpu.memory_space<hbm>> -> memref<2x128xi32, #tpu.memory_space<hbm>>
          tpu.wait_dma2 semaphore(%arg9 : memref<!tpu.dma_semaphore, #tpu.memory_space<semaphore_mem>>) src(%dma_wait3A_708 : memref<2x128xi32, #tpu.memory_space<hbm>>) dst(%dma_wait3A_706 : memref<2x128xi32, #tpu.memory_space<vmem>>)
          %add3A_709 = arith.constant 1 : i32
          %add3A_710 = arith.addi %add3A_625, %add3A_709 : i32
          %rem3A_711 = arith.constant 2 : i32
          %rem3A_712 = arith.remsi %add3A_710, %rem3A_711 : i32
          %dma_start3A_713 = arith.constant 0 : i32
          %dma_start3A_714 = arith.constant 0 : i32
          %dma_start3A_715 = arith.constant 0 : i32
          %dma_start3A_716 = tpu.memref_slice %arg6[%rem3A_712, %dma_start3A_714, %dma_start3A_715] : memref<2x128x128xf32, #tpu.memory_space<vmem>> -> memref<1x64x128xf32, #tpu.memory_space<vmem>>
          %dma_start3A_717 = tpu.memref_squeeze %dma_start3A_716 : memref<1x64x128xf32, #tpu.memory_space<vmem>> -> memref<64x128xf32, #tpu.memory_space<vmem>>
          %dma_start3A_718 = arith.constant 0 : i32
          %dma_start3A_719 = tpu.memref_slice %arg5[%rem3A_631, %dma_start3A_713, %dma_start3A_718] : memref<4x2x128xi32, #tpu.memory_space<vmem>> -> memref<1x1x64xi32, #tpu.memory_space<vmem>>
          %dma_start3A_720 = tpu.memref_squeeze %dma_start3A_719 : memref<1x1x64xi32, #tpu.memory_space<vmem>> -> memref<64xi32, #tpu.memory_space<vmem>>
          %dma_start3A_721 = arith.constant 0 : i32
          %dma_start3A_722 = arith.constant 0 : i32
          %dma_start3A_723 = tpu.memref_slice %arg2[%dma_start3A_721, %dma_start3A_722] : memref<10000x128xf32, #tpu.memory_space<hbm>> -> memref<10000x128xf32, #tpu.memory_space<hbm>>
          tpu.enqueue_indirect_dma source(%dma_start3A_723 : memref<10000x128xf32, #tpu.memory_space<hbm>>) target(%dma_start3A_717 : memref<64x128xf32, #tpu.memory_space<vmem>>) offsets(%dma_start3A_720 : memref<64xi32, #tpu.memory_space<vmem>>) semaphore(%arg10 : memref<!tpu.dma_semaphore, #tpu.memory_space<semaphore_mem>>)
          %rem3A_724 = arith.constant 2 : i32
          %rem3A_725 = arith.remsi %add3A_710, %rem3A_724 : i32
          %dma_start3A_726 = arith.constant 0 : i32
          %dma_start3A_727 = arith.constant 64 : i32
          %dma_start3A_728 = arith.constant 0 : i32
          %dma_start3A_729 = tpu.memref_slice %arg6[%rem3A_725, %dma_start3A_727, %dma_start3A_728] : memref<2x128x128xf32, #tpu.memory_space<vmem>> -> memref<1x64x128xf32, #tpu.memory_space<vmem>>
          %dma_start3A_730 = tpu.memref_squeeze %dma_start3A_729 : memref<1x64x128xf32, #tpu.memory_space<vmem>> -> memref<64x128xf32, #tpu.memory_space<vmem>>
          %dma_start3A_731 = arith.constant 64 : i32
          %dma_start3A_732 = tpu.memref_slice %arg5[%rem3A_631, %dma_start3A_726, %dma_start3A_731] : memref<4x2x128xi32, #tpu.memory_space<vmem>> -> memref<1x1x64xi32, #tpu.memory_space<vmem>>
          %dma_start3A_733 = tpu.memref_squeeze %dma_start3A_732 : memref<1x1x64xi32, #tpu.memory_space<vmem>> -> memref<64xi32, #tpu.memory_space<vmem>>
          %dma_start3A_734 = arith.constant 0 : i32
          %dma_start3A_735 = arith.constant 0 : i32
          %dma_start3A_736 = tpu.memref_slice %arg2[%dma_start3A_734, %dma_start3A_735] : memref<10000x128xf32, #tpu.memory_space<hbm>> -> memref<10000x128xf32, #tpu.memory_space<hbm>>
          tpu.enqueue_indirect_dma source(%dma_start3A_736 : memref<10000x128xf32, #tpu.memory_space<hbm>>) target(%dma_start3A_730 : memref<64x128xf32, #tpu.memory_space<vmem>>) offsets(%dma_start3A_733 : memref<64xi32, #tpu.memory_space<vmem>>) semaphore(%arg10 : memref<!tpu.dma_semaphore, #tpu.memory_space<semaphore_mem>>)
        } else {
        }
        %rem3A_653 = arith.constant 2 : i32
        %rem3A_654 = arith.remsi %add3A_625, %rem3A_653 : i32
        %dma_wait3A_655 = arith.constant 0 : i32
        %dma_wait3A_656 = arith.constant 0 : i32
        %dma_wait3A_657 = arith.constant 0 : i32
        %dma_wait3A_658 = tpu.memref_slice %arg6[%rem3A_654, %dma_wait3A_656, %dma_wait3A_657] : memref<2x128x128xf32, #tpu.memory_space<vmem>> -> memref<1x64x128xf32, #tpu.memory_space<vmem>>
        %dma_wait3A_659 = tpu.memref_squeeze %dma_wait3A_658 : memref<1x64x128xf32, #tpu.memory_space<vmem>> -> memref<64x128xf32, #tpu.memory_space<vmem>>
        %dma_wait3A_660 = arith.constant 0 : i32
        %dma_wait3A_661 = tpu.memref_slice %arg5[%rem3A_627, %dma_wait3A_655, %dma_wait3A_660] : memref<4x2x128xi32, #tpu.memory_space<vmem>> -> memref<1x1x64xi32, #tpu.memory_space<vmem>>
        %dma_wait3A_662 = tpu.memref_squeeze %dma_wait3A_661 : memref<1x1x64xi32, #tpu.memory_space<vmem>> -> memref<64xi32, #tpu.memory_space<vmem>>
        %dma_wait3A_663 = arith.constant 0 : i32
        %dma_wait3A_664 = arith.constant 0 : i32
        %dma_wait3A_665 = tpu.memref_slice %arg2[%dma_wait3A_663, %dma_wait3A_664] : memref<10000x128xf32, #tpu.memory_space<hbm>> -> memref<10000x128xf32, #tpu.memory_space<hbm>>
        tpu.wait_indirect_dma semaphore(%arg10 : memref<!tpu.dma_semaphore, #tpu.memory_space<semaphore_mem>>) src(%dma_wait3A_665 : memref<10000x128xf32, #tpu.memory_space<hbm>>) dst(%dma_wait3A_659 : memref<64x128xf32, #tpu.memory_space<vmem>>)
        %rem3A_666 = arith.constant 2 : i32
        %rem3A_667 = arith.remsi %add3A_625, %rem3A_666 : i32
        %dma_wait3A_668 = arith.constant 0 : i32
        %dma_wait3A_669 = arith.constant 64 : i32
        %dma_wait3A_670 = arith.constant 0 : i32
        %dma_wait3A_671 = tpu.memref_slice %arg6[%rem3A_667, %dma_wait3A_669, %dma_wait3A_670] : memref<2x128x128xf32, #tpu.memory_space<vmem>> -> memref<1x64x128xf32, #tpu.memory_space<vmem>>
        %dma_wait3A_672 = tpu.memref_squeeze %dma_wait3A_671 : memref<1x64x128xf32, #tpu.memory_space<vmem>> -> memref<64x128xf32, #tpu.memory_space<vmem>>
        %dma_wait3A_673 = arith.constant 64 : i32
        %dma_wait3A_674 = tpu.memref_slice %arg5[%rem3A_627, %dma_wait3A_668, %dma_wait3A_673] : memref<4x2x128xi32, #tpu.memory_space<vmem>> -> memref<1x1x64xi32, #tpu.memory_space<vmem>>
        %dma_wait3A_675 = tpu.memref_squeeze %dma_wait3A_674 : memref<1x1x64xi32, #tpu.memory_space<vmem>> -> memref<64xi32, #tpu.memory_space<vmem>>
        %dma_wait3A_676 = arith.constant 0 : i32
        %dma_wait3A_677 = arith.constant 0 : i32
        %dma_wait3A_678 = tpu.memref_slice %arg2[%dma_wait3A_676, %dma_wait3A_677] : memref<10000x128xf32, #tpu.memory_space<hbm>> -> memref<10000x128xf32, #tpu.memory_space<hbm>>
        tpu.wait_indirect_dma semaphore(%arg10 : memref<!tpu.dma_semaphore, #tpu.memory_space<semaphore_mem>>) src(%dma_wait3A_678 : memref<10000x128xf32, #tpu.memory_space<hbm>>) dst(%dma_wait3A_672 : memref<64x128xf32, #tpu.memory_space<vmem>>)
        %rem3A_679 = arith.constant 2 : i32
        %rem3A_680 = arith.remsi %add3A_625, %rem3A_679 : i32
        %dma_start3A_681 = arith.constant 1 : i32
        %dma_start3A_682 = arith.constant 0 : i32
        %dma_start3A_683 = arith.constant 0 : i32
        %dma_start3A_684 = tpu.memref_slice %arg6[%rem3A_680, %dma_start3A_682, %dma_start3A_683] : memref<2x128x128xf32, #tpu.memory_space<vmem>> -> memref<1x128x128xf32, #tpu.memory_space<vmem>>
        %dma_start3A_685 = tpu.memref_squeeze %dma_start3A_684 : memref<1x128x128xf32, #tpu.memory_space<vmem>> -> memref<128x128xf32, #tpu.memory_space<vmem>>
        %dma_start3A_686 = arith.constant 0 : i32
        %dma_start3A_687 = tpu.memref_slice %arg5[%rem3A_627, %dma_start3A_681, %dma_start3A_686] : memref<4x2x128xi32, #tpu.memory_space<vmem>> -> memref<1x1x128xi32, #tpu.memory_space<vmem>>
        %dma_start3A_688 = tpu.memref_squeeze %dma_start3A_687 : memref<1x1x128xi32, #tpu.memory_space<vmem>> -> memref<128xi32, #tpu.memory_space<vmem>>
        %dma_start3A_689 = arith.constant 0 : i32
        %dma_start3A_690 = arith.constant 0 : i32
        %dma_start3A_691 = tpu.memref_slice %arg8[%dma_start3A_689, %dma_start3A_690] : memref<10240x128xf32, #tpu.memory_space<vmem_shared>> -> memref<10240x128xf32, #tpu.memory_space<vmem_shared>>
        tpu.enqueue_indirect_dma source(%dma_start3A_685 : memref<128x128xf32, #tpu.memory_space<vmem>>) target(%dma_start3A_691 : memref<10240x128xf32, #tpu.memory_space<vmem_shared>>) offsets(%dma_start3A_688 : memref<128xi32, #tpu.memory_space<vmem>>) semaphore(%arg11 : memref<!tpu.dma_semaphore, #tpu.memory_space<semaphore_mem>>) {add = true}
      }
      %scan3A_605 = arith.constant 25 : i32
      %rem3A_606 = arith.constant 24 : i32
      %rem3A_607 = arith.constant 2 : i32
      %rem3A_608 = arith.remsi %rem3A_606, %rem3A_607 : i32
      %dma_wait3A_609 = arith.constant 0 : i32
      %dma_wait3A_610 = arith.constant 1 : i32
      %dma_wait3A_611 = arith.constant 0 : i32
      %dma_wait3A_612 = arith.constant 0 : i32
      %dma_wait3A_613 = tpu.memref_slice %arg6[%rem3A_608, %dma_wait3A_611, %dma_wait3A_612] : memref<2x128x128xf32, #tpu.memory_space<vmem>> -> memref<1x128x128xf32, #tpu.memory_space<vmem>>
      %dma_wait3A_614 = tpu.memref_squeeze %dma_wait3A_613 : memref<1x128x128xf32, #tpu.memory_space<vmem>> -> memref<128x128xf32, #tpu.memory_space<vmem>>
      %dma_wait3A_615 = arith.constant 0 : i32
      %dma_wait3A_616 = tpu.memref_slice %arg5[%dma_wait3A_609, %dma_wait3A_610, %dma_wait3A_615] : memref<4x2x128xi32, #tpu.memory_space<vmem>> -> memref<1x1x128xi32, #tpu.memory_space<vmem>>
      %dma_wait3A_617 = tpu.memref_squeeze %dma_wait3A_616 : memref<1x1x128xi32, #tpu.memory_space<vmem>> -> memref<128xi32, #tpu.memory_space<vmem>>
      %dma_wait3A_618 = arith.constant 0 : i32
      %dma_wait3A_619 = arith.constant 0 : i32
      %dma_wait3A_620 = tpu.memref_slice %arg8[%dma_wait3A_618, %dma_wait3A_619] : memref<10240x128xf32, #tpu.memory_space<vmem_shared>> -> memref<10240x128xf32, #tpu.memory_space<vmem_shared>>
      tpu.wait_indirect_dma semaphore(%arg11 : memref<!tpu.dma_semaphore, #tpu.memory_space<semaphore_mem>>) src(%dma_wait3A_614 : memref<128x128xf32, #tpu.memory_space<vmem>>) dst(%dma_wait3A_620 : memref<10240x128xf32, #tpu.memory_space<vmem_shared>>)
    } else {
    }
    %barrier3A_524 = arith.constant 0 : index
    tpu.barrier barrier_id(%barrier3A_524)
    "tpu.region"() ({
      %run_scoped3A = tpu.sem_alloc : memref<!tpu.dma_semaphore, #tpu.memory_space<semaphore_mem>>
      %dma_start3A = arith.constant 0 : i32
      %dma_start3A_525 = tpu.memref_slice %arg4[%arg0, %mul3A_2, %dma_start3A] : memref<2x10240x128xf32, #tpu.memory_space<hbm>> -> memref<1x640x128xf32, #tpu.memory_space<hbm>>
      %dma_start3A_526 = tpu.memref_squeeze %dma_start3A_525 : memref<1x640x128xf32, #tpu.memory_space<hbm>> -> memref<640x128xf32, #tpu.memory_space<hbm>>
      %dma_start3A_527 = arith.constant 0 : i32
      %dma_start3A_528 = tpu.memref_slice %arg8[%mul3A_2, %dma_start3A_527] : memref<10240x128xf32, #tpu.memory_space<vmem_shared>> -> memref<640x128xf32, #tpu.memory_space<vmem_shared>>
      tpu.enqueue_dma source(%dma_start3A_528 : memref<640x128xf32, #tpu.memory_space<vmem_shared>>) target(%dma_start3A_526 : memref<640x128xf32, #tpu.memory_space<hbm>>) target_semaphore(%run_scoped3A : memref<!tpu.dma_semaphore, #tpu.memory_space<semaphore_mem>>)
      %dma_wait3A = arith.constant 0 : i32
      %dma_wait3A_529 = tpu.memref_slice %arg4[%arg0, %mul3A_2, %dma_wait3A] : memref<2x10240x128xf32, #tpu.memory_space<hbm>> -> memref<1x640x128xf32, #tpu.memory_space<hbm>>
      %dma_wait3A_530 = tpu.memref_squeeze %dma_wait3A_529 : memref<1x640x128xf32, #tpu.memory_space<hbm>> -> memref<640x128xf32, #tpu.memory_space<hbm>>
      %dma_wait3A_531 = arith.constant 0 : i32
      %dma_wait3A_532 = tpu.memref_slice %arg8[%mul3A_2, %dma_wait3A_531] : memref<10240x128xf32, #tpu.memory_space<vmem_shared>> -> memref<640x128xf32, #tpu.memory_space<vmem_shared>>
      tpu.wait_dma2 semaphore(%run_scoped3A : memref<!tpu.dma_semaphore, #tpu.memory_space<semaphore_mem>>) src(%dma_wait3A_532 : memref<640x128xf32, #tpu.memory_space<vmem_shared>>) dst(%dma_wait3A_530 : memref<640x128xf32, #tpu.memory_space<hbm>>)
      tpu.yield
    }) : () -> ()
    return
  }
}

module attributes {stable_mosaic.version = 14 : i64} {
  func.func @body(%arg0: i32, %arg1: memref<512x128xf32, #tpu.memory_space<vmem>>, %arg2: memref<2x512x128xf32, #tpu.memory_space<vmem>>, %arg3: memref<2x512x128xf32, #tpu.memory_space<vmem>>, %arg4: memref<128x128xf32, #tpu.memory_space<vmem>>, %arg5: memref<1x128xf32, #tpu.memory_space<vmem>>, %arg6: memref<128x128xf32, #tpu.memory_space<vmem>>, %arg7: memref<512x128xf32, #tpu.memory_space<vmem>>) attributes {dimension_semantics = [#tpu.dimension_semantics<arbitrary>], iteration_bounds = array<i64: 20>, scalar_prefetch = 0 : i64, scratch_operands = 0 : i64, tpu.core_type = #tpu.core_type<tc>, window_params = [{transform_indices = @transform_0, window_bounds = array<i64: 512, 128>}, {transform_indices = @transform_1, window_bounds = array<i64: 2, 512, 128>}, {transform_indices = @transform_2, window_bounds = array<i64: 2, 512, 128>}, {pipeline_mode = #tpu.pipeline_mode<synchronous>, transform_indices = @transform_3, window_bounds = array<i64: 128, 128>}, {pipeline_mode = #tpu.pipeline_mode<synchronous>, transform_indices = @transform_4, window_bounds = array<i64: 1, 128>}, {pipeline_mode = #tpu.pipeline_mode<synchronous>, transform_indices = @transform_5, window_bounds = array<i64: 128, 128>}, {transform_indices = @transform_6, window_bounds = array<i64: 512, 128>}]} {
    %get3A = arith.constant 0 : index
    %get3A_0 = arith.constant 0 : index
    %get3A_1 = arith.constant 0 : index
    %get3A_2 = vector.load %arg2[%get3A, %get3A_0, %get3A_1] : memref<2x512x128xf32, #tpu.memory_space<vmem>>, vector<1x512x128xf32>
    %get3A_3 = vector.shape_cast %get3A_2 : vector<1x512x128xf32> to vector<512x128xf32>
    %get3A_4 = arith.constant 1 : index
    %get3A_5 = arith.constant 0 : index
    %get3A_6 = arith.constant 0 : index
    %get3A_7 = vector.load %arg2[%get3A_4, %get3A_5, %get3A_6] : memref<2x512x128xf32, #tpu.memory_space<vmem>>, vector<1x512x128xf32>
    %get3A_8 = vector.shape_cast %get3A_7 : vector<1x512x128xf32> to vector<512x128xf32>
    %add3A = arith.addf %get3A_3, %get3A_8 : vector<512x128xf32>
    %get3A_9 = arith.constant 0 : index
    %get3A_10 = arith.constant 0 : index
    %get3A_11 = arith.constant 0 : index
    %get3A_12 = vector.load %arg3[%get3A_9, %get3A_10, %get3A_11] : memref<2x512x128xf32, #tpu.memory_space<vmem>>, vector<1x512x1xf32>
    %get3A_13 = vector.shape_cast %get3A_12 : vector<1x512x1xf32> to vector<512x1xf32>
    %get3A_14 = arith.constant 1 : index
    %get3A_15 = arith.constant 0 : index
    %get3A_16 = arith.constant 0 : index
    %get3A_17 = vector.load %arg3[%get3A_14, %get3A_15, %get3A_16] : memref<2x512x128xf32, #tpu.memory_space<vmem>>, vector<1x512x1xf32>
    %get3A_18 = vector.shape_cast %get3A_17 : vector<1x512x1xf32> to vector<512x1xf32>
    %add3A_19 = arith.addf %get3A_13, %get3A_18 : vector<512x1xf32>
    %max3A = arith.constant 1.000000e+00 : f32
    %max3A_20 = vector.broadcast %max3A : f32 to vector<512x1xf32>
    %max3A_21 = arith.maximumf %add3A_19, %max3A_20 : vector<512x1xf32>
    %div3A = vector.broadcast %max3A_21 : vector<512x1xf32> to vector<512x128xf32>
    %div3A_22 = arith.divf %add3A, %div3A : vector<512x128xf32>
    %get3A_23 = arith.constant 0 : index
    %get3A_24 = arith.constant 0 : index
    %get3A_25 = vector.load %arg1[%get3A_23, %get3A_24] : memref<512x128xf32, #tpu.memory_space<vmem>>, vector<512x128xf32>
    %get3A_26 = arith.constant 0 : index
    %get3A_27 = arith.constant 0 : index
    %get3A_28 = vector.load %arg4[%get3A_26, %get3A_27] : memref<128x128xf32, #tpu.memory_space<vmem>>, vector<128x128xf32>
    %dot_general3A = arith.constant dense<0.000000e+00> : vector<512x128xf32>
    %dot_general3A_29 = tpu.matmul %get3A_25, %get3A_28, %dot_general3A {dimension_numbers = #tpu.dot_dimension_numbers<[1], [0], [0], [1], [0, 0, 1, 1], [], []>, transpose_lhs_hint = false} : vector<512x128xf32>, vector<128x128xf32>, vector<512x128xf32> -> vector<512x128xf32>
    %get3A_30 = arith.constant 0 : index
    %get3A_31 = arith.constant 0 : index
    %get3A_32 = vector.load %arg5[%get3A_30, %get3A_31] : memref<1x128xf32, #tpu.memory_space<vmem>>, vector<1x128xf32>
    %add3A_33 = vector.broadcast %get3A_32 : vector<1x128xf32> to vector<512x128xf32>
    %add3A_34 = arith.addf %dot_general3A_29, %add3A_33 : vector<512x128xf32>
    %get3A_35 = arith.constant 0 : index
    %get3A_36 = arith.constant 0 : index
    %get3A_37 = vector.load %arg6[%get3A_35, %get3A_36] : memref<128x128xf32, #tpu.memory_space<vmem>>, vector<128x128xf32>
    %dot_general3A_38 = arith.constant dense<0.000000e+00> : vector<512x128xf32>
    %dot_general3A_39 = tpu.matmul %div3A_22, %get3A_37, %dot_general3A_38 {dimension_numbers = #tpu.dot_dimension_numbers<[1], [0], [0], [1], [0, 0, 1, 1], [], []>, transpose_lhs_hint = false} : vector<512x128xf32>, vector<128x128xf32>, vector<512x128xf32> -> vector<512x128xf32>
    %add3A_40 = arith.addf %add3A_34, %dot_general3A_39 : vector<512x128xf32>
    %max3A_41 = arith.constant 0.000000e+00 : f32
    %max3A_42 = vector.broadcast %max3A_41 : f32 to vector<512x128xf32>
    %max3A_43 = arith.maximumf %add3A_40, %max3A_42 : vector<512x128xf32>
    %swap3A = arith.constant 0 : index
    %swap3A_44 = arith.constant 0 : index
    %swap3A_45 = vector.load %arg7[%swap3A, %swap3A_44] : memref<512x128xf32, #tpu.memory_space<vmem>>, vector<512x128xf32>
    tpu.vector_store %arg7[%swap3A, %swap3A_44], %max3A_43 {strides = array<i32>} : memref<512x128xf32, #tpu.memory_space<vmem>>, vector<512x128xf32>,
    return
  }
  func.func @transform_0(%arg0: i32) -> (i32, i32) {
    %c0_i32 = arith.constant 0 : i32
    %c0_i32_0 = arith.constant 0 : i32
    return %arg0, %c0_i32 : i32, i32
  }
  func.func @transform_1(%arg0: i32) -> (i32, i32, i32) {
    %c0_i32 = arith.constant 0 : i32
    %c0_i32_0 = arith.constant 0 : i32
    %c0_i32_1 = arith.constant 0 : i32
    return %c0_i32, %arg0, %c0_i32_0 : i32, i32, i32
  }
  func.func @transform_2(%arg0: i32) -> (i32, i32, i32) {
    %c0_i32 = arith.constant 0 : i32
    %c0_i32_0 = arith.constant 0 : i32
    %c0_i32_1 = arith.constant 0 : i32
    return %c0_i32, %arg0, %c0_i32_0 : i32, i32, i32
  }
  func.func @transform_3(%arg0: i32) -> (i32, i32) {
    %c0_i32 = arith.constant 0 : i32
    %c0_i32_0 = arith.constant 0 : i32
    %c0_i32_1 = arith.constant 0 : i32
    return %c0_i32, %c0_i32_0 : i32, i32
  }
  func.func @transform_4(%arg0: i32) -> (i32, i32) {
    %c0_i32 = arith.constant 0 : i32
    %c0_i32_0 = arith.constant 0 : i32
    %c0_i32_1 = arith.constant 0 : i32
    return %c0_i32, %c0_i32_0 : i32, i32
  }
  func.func @transform_5(%arg0: i32) -> (i32, i32) {
    %c0_i32 = arith.constant 0 : i32
    %c0_i32_0 = arith.constant 0 : i32
    %c0_i32_1 = arith.constant 0 : i32
    return %c0_i32, %c0_i32_0 : i32, i32
  }
  func.func @transform_6(%arg0: i32) -> (i32, i32) {
    %c0_i32 = arith.constant 0 : i32
    %c0_i32_0 = arith.constant 0 : i32
    return %arg0, %c0_i32 : i32, i32
  }
}

module attributes {stable_mosaic.version = 14 : i64} {
  func.func @body(%arg0: i32, %arg1: memref<512x128xf32, #tpu.memory_space<vmem>>, %arg2: memref<2x512x128xf32, #tpu.memory_space<vmem>>, %arg3: memref<2x512x128xf32, #tpu.memory_space<vmem>>, %arg4: memref<128x128xf32, #tpu.memory_space<vmem>>, %arg5: memref<1x128xf32, #tpu.memory_space<vmem>>, %arg6: memref<128x128xf32, #tpu.memory_space<vmem>>, %arg7: memref<1x128xf32, #tpu.memory_space<vmem>>, %arg8: memref<128x349xf32, #tpu.memory_space<vmem>>, %arg9: memref<1x349xf32, #tpu.memory_space<vmem>>, %arg10: memref<512x349xf32, #tpu.memory_space<vmem>>, %arg11: memref<512x2xf32, #tpu.memory_space<vmem>>) attributes {dimension_semantics = [#tpu.dimension_semantics<arbitrary>], iteration_bounds = array<i64: 20>, scalar_prefetch = 0 : i64, scratch_operands = 0 : i64, tpu.core_type = #tpu.core_type<tc>, window_params = [{transform_indices = @transform_0, window_bounds = array<i64: 512, 128>}, {transform_indices = @transform_1, window_bounds = array<i64: 2, 512, 128>}, {transform_indices = @transform_2, window_bounds = array<i64: 2, 512, 128>}, {pipeline_mode = #tpu.pipeline_mode<synchronous>, transform_indices = @transform_3, window_bounds = array<i64: 128, 128>}, {pipeline_mode = #tpu.pipeline_mode<synchronous>, transform_indices = @transform_4, window_bounds = array<i64: 1, 128>}, {pipeline_mode = #tpu.pipeline_mode<synchronous>, transform_indices = @transform_5, window_bounds = array<i64: 128, 128>}, {pipeline_mode = #tpu.pipeline_mode<synchronous>, transform_indices = @transform_6, window_bounds = array<i64: 1, 128>}, {pipeline_mode = #tpu.pipeline_mode<synchronous>, transform_indices = @transform_7, window_bounds = array<i64: 128, 349>}, {pipeline_mode = #tpu.pipeline_mode<synchronous>, transform_indices = @transform_8, window_bounds = array<i64: 1, 349>}, {transform_indices = @transform_9, window_bounds = array<i64: 512, 349>}, {transform_indices = @transform_10, window_bounds = array<i64: 512, 2>}]} {
    %get3A = arith.constant 0 : index
    %get3A_0 = arith.constant 0 : index
    %get3A_1 = vector.load %arg1[%get3A, %get3A_0] : memref<512x128xf32, #tpu.memory_space<vmem>>, vector<512x128xf32>
    %get3A_2 = arith.constant 0 : index
    %get3A_3 = arith.constant 0 : index
    %get3A_4 = arith.constant 0 : index
    %get3A_5 = vector.load %arg2[%get3A_2, %get3A_3, %get3A_4] : memref<2x512x128xf32, #tpu.memory_space<vmem>>, vector<1x512x128xf32>
    %get3A_6 = vector.shape_cast %get3A_5 : vector<1x512x128xf32> to vector<512x128xf32>
    %get3A_7 = arith.constant 1 : index
    %get3A_8 = arith.constant 0 : index
    %get3A_9 = arith.constant 0 : index
    %get3A_10 = vector.load %arg2[%get3A_7, %get3A_8, %get3A_9] : memref<2x512x128xf32, #tpu.memory_space<vmem>>, vector<1x512x128xf32>
    %get3A_11 = vector.shape_cast %get3A_10 : vector<1x512x128xf32> to vector<512x128xf32>
    %add3A = arith.addf %get3A_6, %get3A_11 : vector<512x128xf32>
    %get3A_12 = arith.constant 0 : index
    %get3A_13 = arith.constant 0 : index
    %get3A_14 = arith.constant 0 : index
    %get3A_15 = vector.load %arg3[%get3A_12, %get3A_13, %get3A_14] : memref<2x512x128xf32, #tpu.memory_space<vmem>>, vector<1x512x1xf32>
    %get3A_16 = vector.shape_cast %get3A_15 : vector<1x512x1xf32> to vector<512x1xf32>
    %get3A_17 = arith.constant 1 : index
    %get3A_18 = arith.constant 0 : index
    %get3A_19 = arith.constant 0 : index
    %get3A_20 = vector.load %arg3[%get3A_17, %get3A_18, %get3A_19] : memref<2x512x128xf32, #tpu.memory_space<vmem>>, vector<1x512x1xf32>
    %get3A_21 = vector.shape_cast %get3A_20 : vector<1x512x1xf32> to vector<512x1xf32>
    %add3A_22 = arith.addf %get3A_16, %get3A_21 : vector<512x1xf32>
    %max3A = arith.constant 1.000000e+00 : f32
    %max3A_23 = vector.broadcast %max3A : f32 to vector<512x1xf32>
    %max3A_24 = arith.maximumf %add3A_22, %max3A_23 : vector<512x1xf32>
    %div3A = vector.broadcast %max3A_24 : vector<512x1xf32> to vector<512x128xf32>
    %div3A_25 = arith.divf %add3A, %div3A : vector<512x128xf32>
    %get3A_26 = arith.constant 0 : index
    %get3A_27 = arith.constant 0 : index
    %get3A_28 = vector.load %arg4[%get3A_26, %get3A_27] : memref<128x128xf32, #tpu.memory_space<vmem>>, vector<128x128xf32>
    %dot_general3A = arith.constant dense<0.000000e+00> : vector<512x128xf32>
    %dot_general3A_29 = tpu.matmul %get3A_1, %get3A_28, %dot_general3A {dimension_numbers = #tpu.dot_dimension_numbers<[1], [0], [0], [1], [0, 0, 1, 1], [], []>, transpose_lhs_hint = false} : vector<512x128xf32>, vector<128x128xf32>, vector<512x128xf32> -> vector<512x128xf32>
    %get3A_30 = arith.constant 0 : index
    %get3A_31 = arith.constant 0 : index
    %get3A_32 = vector.load %arg5[%get3A_30, %get3A_31] : memref<1x128xf32, #tpu.memory_space<vmem>>, vector<1x128xf32>
    %add3A_33 = vector.broadcast %get3A_32 : vector<1x128xf32> to vector<512x128xf32>
    %add3A_34 = arith.addf %dot_general3A_29, %add3A_33 : vector<512x128xf32>
    %get3A_35 = arith.constant 0 : index
    %get3A_36 = arith.constant 0 : index
    %get3A_37 = vector.load %arg6[%get3A_35, %get3A_36] : memref<128x128xf32, #tpu.memory_space<vmem>>, vector<128x128xf32>
    %dot_general3A_38 = arith.constant dense<0.000000e+00> : vector<512x128xf32>
    %dot_general3A_39 = tpu.matmul %div3A_25, %get3A_37, %dot_general3A_38 {dimension_numbers = #tpu.dot_dimension_numbers<[1], [0], [0], [1], [0, 0, 1, 1], [], []>, transpose_lhs_hint = false} : vector<512x128xf32>, vector<128x128xf32>, vector<512x128xf32> -> vector<512x128xf32>
    %add3A_40 = arith.addf %add3A_34, %dot_general3A_39 : vector<512x128xf32>
    %max3A_41 = arith.constant 0.000000e+00 : f32
    %max3A_42 = vector.broadcast %max3A_41 : f32 to vector<512x128xf32>
    %max3A_43 = arith.maximumf %add3A_40, %max3A_42 : vector<512x128xf32>
    %get3A_44 = arith.constant 0 : index
    %get3A_45 = arith.constant 0 : index
    %get3A_46 = vector.load %arg7[%get3A_44, %get3A_45] : memref<1x128xf32, #tpu.memory_space<vmem>>, vector<1x128xf32>
    %mul3A = vector.broadcast %get3A_46 : vector<1x128xf32> to vector<512x128xf32>
    %mul3A_47 = arith.mulf %get3A_1, %mul3A : vector<512x128xf32>
    %reduce_sum3A = arith.constant dense<0.000000e+00> : vector<512xf32>
    %reduce_sum3A_48 = vector.multi_reduction <add>, %mul3A_47, %reduce_sum3A [1] : vector<512x128xf32> to vector<512xf32>
    %broadcast_in_dim3A = vector.shape_cast %reduce_sum3A_48 : vector<512xf32> to vector<512x1xf32>
    %mul3A_49 = vector.broadcast %get3A_46 : vector<1x128xf32> to vector<512x128xf32>
    %mul3A_50 = arith.mulf %max3A_43, %mul3A_49 : vector<512x128xf32>
    %reduce_sum3A_51 = arith.constant dense<0.000000e+00> : vector<512xf32>
    %reduce_sum3A_52 = vector.multi_reduction <add>, %mul3A_50, %reduce_sum3A_51 [1] : vector<512x128xf32> to vector<512xf32>
    %broadcast_in_dim3A_53 = vector.shape_cast %reduce_sum3A_52 : vector<512xf32> to vector<512x1xf32>
    %max3A_54 = arith.maximumf %broadcast_in_dim3A, %broadcast_in_dim3A_53 : vector<512x1xf32>
    %sub3A = arith.subf %broadcast_in_dim3A, %max3A_54 : vector<512x1xf32>
    %exp3A = math.exp %sub3A : vector<512x1xf32>
    %sub3A_55 = arith.subf %broadcast_in_dim3A_53, %max3A_54 : vector<512x1xf32>
    %exp3A_56 = math.exp %sub3A_55 : vector<512x1xf32>
    %add3A_57 = arith.addf %exp3A, %exp3A_56 : vector<512x1xf32>
    %div3A_58 = arith.divf %exp3A, %add3A_57 : vector<512x1xf32>
    %div3A_59 = arith.divf %exp3A_56, %add3A_57 : vector<512x1xf32>
    %mul3A_60 = vector.broadcast %div3A_58 : vector<512x1xf32> to vector<512x128xf32>
    %mul3A_61 = arith.mulf %mul3A_60, %get3A_1 : vector<512x128xf32>
    %mul3A_62 = vector.broadcast %div3A_59 : vector<512x1xf32> to vector<512x128xf32>
    %mul3A_63 = arith.mulf %mul3A_62, %max3A_43 : vector<512x128xf32>
    %add3A_64 = arith.addf %mul3A_61, %mul3A_63 : vector<512x128xf32>
    %get3A_65 = arith.constant 0 : index
    %get3A_66 = arith.constant 0 : index
    %get3A_67 = vector.load %arg8[%get3A_65, %get3A_66] : memref<128x349xf32, #tpu.memory_space<vmem>>, vector<128x349xf32>
    %dot_general3A_68 = arith.constant dense<0.000000e+00> : vector<512x349xf32>
    %dot_general3A_69 = tpu.matmul %add3A_64, %get3A_67, %dot_general3A_68 {dimension_numbers = #tpu.dot_dimension_numbers<[1], [0], [0], [1], [0, 0, 1, 1], [], []>, transpose_lhs_hint = false} : vector<512x128xf32>, vector<128x349xf32>, vector<512x349xf32> -> vector<512x349xf32>
    %get3A_70 = arith.constant 0 : index
    %get3A_71 = arith.constant 0 : index
    %get3A_72 = vector.load %arg9[%get3A_70, %get3A_71] : memref<1x349xf32, #tpu.memory_space<vmem>>, vector<1x349xf32>
    %add3A_73 = vector.broadcast %get3A_72 : vector<1x349xf32> to vector<512x349xf32>
    %add3A_74 = arith.addf %dot_general3A_69, %add3A_73 : vector<512x349xf32>
    %swap3A = arith.constant 0 : index
    %swap3A_75 = arith.constant 0 : index
    %swap3A_76 = vector.load %arg10[%swap3A, %swap3A_75] : memref<512x349xf32, #tpu.memory_space<vmem>>, vector<512x349xf32>
    tpu.vector_store %arg10[%swap3A, %swap3A_75], %add3A_74 {strides = array<i32>} : memref<512x349xf32, #tpu.memory_space<vmem>>, vector<512x349xf32>,
    %concatenate3A = tpu.concatenate %div3A_58, %div3A_59 in 1 : vector<512x1xf32>, vector<512x1xf32> -> vector<512x2xf32>
    %swap3A_77 = arith.constant 0 : index
    %swap3A_78 = arith.constant 0 : index
    %swap3A_79 = vector.load %arg11[%swap3A_77, %swap3A_78] : memref<512x2xf32, #tpu.memory_space<vmem>>, vector<512x2xf32>
    tpu.vector_store %arg11[%swap3A_77, %swap3A_78], %concatenate3A {strides = array<i32>} : memref<512x2xf32, #tpu.memory_space<vmem>>, vector<512x2xf32>,
    return
  }
  func.func @transform_0(%arg0: i32) -> (i32, i32) {
    %c0_i32 = arith.constant 0 : i32
    %c0_i32_0 = arith.constant 0 : i32
    return %arg0, %c0_i32 : i32, i32
  }
  func.func @transform_1(%arg0: i32) -> (i32, i32, i32) {
    %c0_i32 = arith.constant 0 : i32
    %c0_i32_0 = arith.constant 0 : i32
    %c0_i32_1 = arith.constant 0 : i32
    return %c0_i32, %arg0, %c0_i32_0 : i32, i32, i32
  }
  func.func @transform_2(%arg0: i32) -> (i32, i32, i32) {
    %c0_i32 = arith.constant 0 : i32
    %c0_i32_0 = arith.constant 0 : i32
    %c0_i32_1 = arith.constant 0 : i32
    return %c0_i32, %arg0, %c0_i32_0 : i32, i32, i32
  }
  func.func @transform_3(%arg0: i32) -> (i32, i32) {
    %c0_i32 = arith.constant 0 : i32
    %c0_i32_0 = arith.constant 0 : i32
    %c0_i32_1 = arith.constant 0 : i32
    return %c0_i32, %c0_i32_0 : i32, i32
  }
  func.func @transform_4(%arg0: i32) -> (i32, i32) {
    %c0_i32 = arith.constant 0 : i32
    %c0_i32_0 = arith.constant 0 : i32
    %c0_i32_1 = arith.constant 0 : i32
    return %c0_i32, %c0_i32_0 : i32, i32
  }
  func.func @transform_5(%arg0: i32) -> (i32, i32) {
    %c0_i32 = arith.constant 0 : i32
    %c0_i32_0 = arith.constant 0 : i32
    %c0_i32_1 = arith.constant 0 : i32
    return %c0_i32, %c0_i32_0 : i32, i32
  }
  func.func @transform_6(%arg0: i32) -> (i32, i32) {
    %c0_i32 = arith.constant 0 : i32
    %c0_i32_0 = arith.constant 0 : i32
    %c0_i32_1 = arith.constant 0 : i32
    return %c0_i32, %c0_i32_0 : i32, i32
  }
  func.func @transform_7(%arg0: i32) -> (i32, i32) {
    %c0_i32 = arith.constant 0 : i32
    %c0_i32_0 = arith.constant 0 : i32
    %c0_i32_1 = arith.constant 0 : i32
    return %c0_i32, %c0_i32_0 : i32, i32
  }
  func.func @transform_8(%arg0: i32) -> (i32, i32) {
    %c0_i32 = arith.constant 0 : i32
    %c0_i32_0 = arith.constant 0 : i32
    %c0_i32_1 = arith.constant 0 : i32
    return %c0_i32, %c0_i32_0 : i32, i32
  }
  func.func @transform_9(%arg0: i32) -> (i32, i32) {
    %c0_i32 = arith.constant 0 : i32
    %c0_i32_0 = arith.constant 0 : i32
    return %arg0, %c0_i32 : i32, i32
  }
  func.func @transform_10(%arg0: i32) -> (i32, i32) {
    %c0_i32 = arith.constant 0 : i32
    %c0_i32_0 = arith.constant 0 : i32
    return %arg0, %c0_i32 : i32, i32
  }
}

</mosaic_0001>

<sc_bundles>
// kernel: kernel.6.cloned.1.call-start
scs
__scs_entry_jumppad:
0x0: {  	(pc) =	sbr.rel $0x88, $3  }
0x1: {  	(tag) =	ssettag $0x0;
	lr =	simm.s32 $0x1  }
0x2: {  	[smem:$0x3F96] =	sst lr;
	_ =	strace $0xD0000000  }
0x3: {  	_ = 	snop  }
0x4: {  	_ = 	snop  }
0x5: {  	_ = 	snop  }
0x6: {  	_ = 	snop  }
0x7: {  	_ = 	snop  }
__scs_overlays_trampoline_lowered:
0x8: {  	[smem:$0x3FA5] =	sst s0  }
0x9: {  	[smem:$0x3FA6] =	sst s1  }
0xa: {  	[smem:$0x3FA7] =	sst s2  }
0xb: {  	[smem:$0x3FA8] =	sst s3  }
0xc: {  	[smem:$0x3FA9] =	sst s4  }
0xd: {  	[smem:$0x3FAA] =	sst s5  }
0xe: {  	[smem:$0x3FAB] =	sst s6  }
0xf: {  	[smem:$0x3FAC] =	sst s7  }
0x10: {  	[smem:$0x3FAD] =	sst s8  }
0x11: {  	[smem:$0x3FAE] =	sst s9;
	s0 =	simm.s32 @!p0 $0x0  }
0x12: {  	s1 =	sld [smem:$0x3F94];
	s0 =	simm.s32 @p0 $0x1  }
0x13: {  	[smem:$0x3FAF] =	sst s0;
	s0 =	simm.s32 @!p1 $0x0  }
0x14: {  	s2 =	sld [smem:$0x3F93];
	s0 =	simm.s32 @p1 $0x1  }
0x15: {  	[smem:$0x3FB0] =	sst s0;
	s0 =	simm.s32 @!p2 $0x0  }
0x16: {  	s3 =	sld [smem:$0x3FDB];
	s0 =	simm.s32 @p2 $0x1  }
0x17: {  	s4 =	simm.s32 $0x1BF5;
	[smem:$0x3FB2] =	sst s0  }
0x18: {  	s0 =	sld [smem:$0x3F95];
	_ =	swait.ge [sflag:s4], $0x0  }
0x19: {  	s7 =	sld [smem:$0x3F96]  }
0x1a: {  	s8 =	sadd.s32 $0xFFFFE003, lr  }
0x1b: {  	s9 =	sadd.s32 $0xFFFFFEF7, lr;
	s5 =	simm.s32 $0xFFFFFFFF;
	p2 =	slt.u32 s8, $0xFFFFF086  }
0x1c: {  	p1 =	slt.u32 s9, $0xF7A;
	s5 =	simm.s32 @!p2 $0x0  }
0x1d: {  	s5 =	simm.s32 @p1 $0x1;
	p0 =	seq.s32 s7, s2  }
0x1e: {  	s7 =	smul.u32 @!p0 $0xF7A, s2;
	p2 =	seq.s32 @!p0 s5, $0x0  }
0x1f: {  	s9 =	smul.u32 $0xF7A, s1;
	s8 =	simm.s32 @!p0 $0x1BF5;
	p2 =	por !p2, p0  }
0x20: {  	[sflag:s8] =	ssyncset.s32 @!p0 $0xFFFFF086;
	s6 =	sadd.s32 @!p0 s3, s7;
	s7 =	simm.s32 @!p0 $0x108  }
0x21: {  	s3 =	sadd.s32 s3, s9;
	s6 =	sadd.s32 @!p0 $0x88, s6;
	s7 =	simm.s32 @p2 $0x1082  }
0x22: {  	[simem:s7], [sflag:s8] =	dma.local @!p0 [hbm:s6], $0xF7A  }
0x23: {  	s9 =	sor.u32 $0xD0000000, s2;
	s6 =	simm.s32 $0x108;
	_ =	swait.ge @!p0 [sflag:s8], $0x0  }
0x24: {  	s3 =	sadd.s32 $0x88, s3;
	s6 =	simm.s32 @!p1 $0x1082;
	[sflag:s4] =	ssyncset.s32 $0xFFFFF086  }
0x25: {  	[simem:s6], [sflag:s4] =	dma.local [hbm:s3], $0xF7A  }
0x26: {  	[smem:$0x3F96] =	sst s1;
	(tag) =	ssettag s2;
	_ =	strace s9  }
0x27: {  	s1 =	sld [smem:$0x3FA6]  }
0x28: {  	s2 =	sld [smem:$0x3FA7]  }
0x29: {  	s4 =	sld [smem:$0x3FA9]  }
0x2a: {  	p0 =	seq.s32 s5, $0x0;
	s5 =	sld [smem:$0x3FAA]  }
0x2b: {  	s6 =	sld [smem:$0x3FAB]  }
0x2c: {  	s7 =	sld [smem:$0x3FAC]  }
0x2d: {  	s3 =	simm.s32 $0x108;
	s8 =	sld [smem:$0x3FAD]  }
0x2e: {  	s3 =	simm.s32 @!p0 $0x1082;
	s9 =	sld [smem:$0x3FAE]  }
0x2f: {  	lr =	sadd.s32 s0, s3;
	s0 =	sld [smem:$0x3FA5]  }
0x30: {  	s3 =	sld [smem:$0x3FA8]  }
0x31: {  	[smem:$0x3FB1] =	sst s10  }
0x32: {  	s10 =	sld [smem:$0x3FAF];
	_ =	sdelay $0x3  }
0x33: {  	p0 =	seq.s32 s10, $0x1;
	s10 =	sld [smem:$0x3FB1];
	_ =	sdelay $0x3  }
0x34: {  	[smem:$0x3FB1] =	sst s10  }
0x35: {  	s10 =	sld [smem:$0x3FB0];
	_ =	sdelay $0x3  }
0x36: {  	p1 =	seq.s32 s10, $0x1;
	s10 =	sld [smem:$0x3FB1];
	_ =	sdelay $0x3  }
0x37: {  	[smem:$0x3FB1] =	sst s10  }
0x38: {  	s10 =	sld [smem:$0x3FB2]  }
0x39: {  	_ = 	snop;
	(pc) =	sbr.ind lr, $3  }
0x3a: {  	_ = 	snop  }
0x3b: {  	_ = 	snop  }
0x3c: {  	p2 =	seq.s32 s10, $0x1;
	s10 =	sld [smem:$0x3FB1]  }
0x3d: {  	_ =	shalt  }
0x3e: {  	_ =	shalt  }
0x3f: {  	_ =	shalt  }
0x40: {  	_ =	shalt  }
0x41: {  	_ =	shalt  }
0x42: {  	_ =	shalt  }
0x43: {  	_ =	shalt  }
0x44: {  	_ =	shalt  }
0x45: {  	_ =	shalt  }
0x46: {  	_ =	shalt  }
0x47: {  	_ =	shalt  }
0x48: {  	_ =	shalt  }
0x49: {  	_ =	shalt  }
0x4a: {  	_ =	shalt  }
0x4b: {  	_ =	shalt  }
0x4c: {  	_ =	shalt  }
0x4d: {  	_ =	shalt  }
0x4e: {  	_ =	shalt  }
0x4f: {  	_ =	shalt  }
0x50: {  	_ =	shalt  }
0x51: {  	_ =	shalt  }
0x52: {  	_ =	shalt  }
0x53: {  	_ =	shalt  }
0x54: {  	_ =	shalt  }
0x55: {  	_ =	shalt  }
0x56: {  	_ =	shalt  }
0x57: {  	_ =	shalt  }
0x58: {  	_ =	shalt  }
0x59: {  	_ =	shalt  }
0x5a: {  	_ =	shalt  }
0x5b: {  	_ =	shalt  }
0x5c: {  	_ =	shalt  }
0x5d: {  	_ =	shalt  }
0x5e: {  	_ =	shalt  }
0x5f: {  	_ =	shalt  }
0x60: {  	_ =	shalt  }
0x61: {  	_ =	shalt  }
0x62: {  	_ =	shalt  }
0x63: {  	_ =	shalt  }
0x64: {  	_ =	shalt  }
0x65: {  	_ =	shalt  }
0x66: {  	_ =	shalt  }
0x67: {  	_ =	shalt  }
0x68: {  	_ =	shalt  }
0x69: {  	_ =	shalt  }
0x6a: {  	_ =	shalt  }
0x6b: {  	_ =	shalt  }
0x6c: {  	_ =	shalt  }
0x6d: {  	_ =	shalt  }
0x6e: {  	_ =	shalt  }
0x6f: {  	_ =	shalt  }
0x70: {  	_ =	shalt  }
0x71: {  	_ =	shalt  }
0x72: {  	_ =	shalt  }
0x73: {  	_ =	shalt  }
0x74: {  	_ =	shalt  }
0x75: {  	_ =	shalt  }
0x76: {  	_ =	shalt  }
0x77: {  	_ =	shalt  }
0x78: {  	_ =	shalt  }
0x79: {  	_ =	shalt  }
0x7a: {  	_ =	shalt  }
0x7b: {  	_ =	shalt  }
0x7c: {  	_ =	shalt  }
0x7d: {  	_ =	shalt  }
0x7e: {  	_ =	shalt  }
0x7f: {  	_ =	shalt  }
0x80: {  	_ =	shalt  }
0x81: {  	_ =	shalt  }
0x82: {  	_ =	shalt  }
0x83: {  	_ =	shalt  }
0x84: {  	_ =	shalt  }
0x85: {  	_ =	shalt  }
0x86: {  	_ =	shalt  }
0x87: {  	_ =	shalt  }
.Lfunc_end0:
.L_simem_size_0:
called_computation_lowered:
.L_overlay_start_0:
0x88: {  	s2 =	sld [smem:$0x3FD9]  }
0x89: {  	s3 =	sld [smem:$0x3FFE];
	_ =	sdelay $0x1  }
0x8a: {  	s1 =	srdreg.scid  }
0x8b: {  	s0 =	sand.u32 $0x1, s1  }
0x8c: {  	s14 =	sshll.u32 s0, $0xA;
	s2 =	sadd.s32 s3, s2  }
0x8d: {  	s2 =	sadd.s32 s2, s14  }
0x8e: {  	[smem:$0x3FBD] =	sst s2  }
0x8f: {  	_ = 	snop  }
0x90: {  	s2 =	sld [smem:$0x3FD0];
	_ =	sdelay $0x2  }
0x91: {  	s4 =	simm.s32 $0xA;
	s5 =	simm.s32 $0x10;
	s15 =	sld [smem:$0x3FC9]  }
0x92: {  	[smem:s5], [sflag:s4] =	dma.local [hbm:s2], $0x1  }
0x93: {  	_ =	swait.eq [sflag:s4], $0x1  }
0x94: {  	[sflag:s4] =	ssyncset.done $0x0  }
0x95: {  	[sflag:s4] =	ssyncadd.s32 $0xFFFFFFFF  }
0x96: {  	s16 =	sld [smem:$0x10];
	(tm) =	ssettm $0x1  }
0x97: {  	s17 =	sld [smem:$0x3FFB];
	_ =	sdelay $0x3  }
0x98: {  	_ =	strace s17  }
0x99: {  	s4 =	sld [smem:$0x3FFC];
	_ =	sdelay $0x3  }
0x9a: {  	_ =	strace s4  }
0x9b: {  	s4 =	sld [smem:$0x3FFD];
	_ =	sdelay $0x3  }
0x9c: {  	_ =	strace s4  }
0x9d: {  	_ =	strace $0x8FFFFFFF  }
0x9e: {  	s18 =	sld [smem:$0x3FDB];
	_ =	sdelay $0x1  }
0x9f: {  	s19 =	simm.s32 $_scs_section_size  }
0xa0: {  	s6 =	simm.s32 $_size__tile_overlayer_lowered;
	s7 =	simm.s32 $_tile_overlayer_lowered  }
0xa1: {  	s22 =	simm.s32 $0x1BFF;
	s21 =	sshll.u32 s7, $0x1;
	s4 =	sadd.s32 s19, s18  }
0xa2: {  	s8 =	simm.s32 $0x0;
	s20 =	sshll.u32 s6, $0x1;
	s6 =	sadd.s32 s21, s4  }
0xa3: {  	[timem:s8], [sflag:s22] =	dma.local [hbm:s6], s20  }
0xa4: {  	_ =	swait.ge [sflag:s22], s20  }
0xa5: {  	s5 =	ssub.s32 $0x0, s20;
	[sflag:s22] =	ssyncset.done $0x0  }
0xa6: {  	[sflag:s22] =	ssyncadd.s32 s5;
	_ =	sdelay $0x1  }
0xa7: {  	s23 =	simm.s32 $0x1B8B  }
0xa8: {  	_ =	swait.ge [sflag:s23], $0x1  }
0xa9: {  	[sflag:s23] =	ssyncset.done $0x0  }
0xaa: {  	s25 =	simm.s32 $0x1B8E;
	s24 =	sld [smem:$0x3FFE];
	[sflag:s23] =	ssyncadd.s32 $0xFFFFFFFF  }
0xab: {  	s26 =	simm.s32 $execute0_lowered;
	[smem:$0x3FD2] =	sst s25  }
0xac: {  	s6 =	sshll.u32 s26, $0x1;
	_ =	strace $0x80000046;
	[dreg:$0x1] =	wrdreg $0xFFFFFFFF  }
0xad: {  	s28 =	simm.s32 $_size_execute0_lowered;
	s4 =	sadd.s32 s4, s6;
	[dreg:$0x0] =	wrdreg $0x0  }
0xae: {  	s6 =	sshll.u32 s28, $0x1;
	[dreg:$0x2] =	wrdreg s4  }
0xaf: {  	[dreg:$0x3] =	wrdreg s6  }
0xb0: {  	[dreg:$0x4] =	wrdreg $0xC0  }
0xb1: {  	_ =	task [dreg:s8], $0x5FFFF  }
0xb2: {  	[dreg:$0x1] =	wrdreg $0xFFFFFFFF  }
0xb3: {  	[dreg:$0x0] =	wrdreg $0x60  }
0xb4: {  	[dreg:$0x2] =	wrdreg s15  }
0xb5: {  	[dreg:$0x3] =	wrdreg s24  }
0xb6: {  	[dreg:$0x4] =	wrdreg s16  }
0xb7: {  	[dreg:$0x5] =	wrdreg $0x88000  }
0xb8: {  	[dreg:$0x6] =	wrdreg $0x9  }
0xb9: {  	_ =	task.clear_ibuf [dreg:s8], $0x7FFFF;
	_ =	strace $0x90000046  }
0xba: {  	s29 =	simm.s32 $0x9;
	_ =	strace $0x80000048  }
0xbb: {  	_ =	swait.ge [sflag:s29], $0x1  }
0xbc: {  	[sflag:s29] =	ssyncadd.s32 $0xFFFFFFFF  }
0xbd: {  	_ =	strace $0x90000048  }
0xbe: {  	_ =	sfence  }
0xbf: {  	s30 =	sld [smem:$0x0];
	_ =	sdelay $0x2  }
0xc0: {  	s31 =	sshll.u32 s1, $0xD;
	s1 =	sshrl.u32 s1, $0x2  }
0xc1: {  	s3 =	sand.u32 $0x4000, s31;
	s1 =	sadd.s32 s1, s30  }
0xc2: {  	s0 =	sor.u32 s3, s0;
	s1 =	sshll.u32 s1, $0x11  }
0xc3: {  	s0 =	sor.u32 s1, s0  }
0xc4: {  	s0 =	sadd.s32 $0x8F2B, s0  }
0xc5: {  	[sflag:s0] =	ssyncadd.remote.s32 $0x1  }
0xc6: {  	_ =	sfence.sel $0xFFFF  }
0xc7: {  	[dreg:$0x0] =	wrdreg $0xFFFFFFFF;
	(pc) =	sbr.abs _section_cstart, $3  }
0xc8: {  	[dreg:$0x1] =	wrdreg $0xFFFFFFFF  }
0xc9: {  	_ =	task.clear_ibuf [dreg:s8], $0x2FFFF;
	_ =	strace $0x9FFFFFFF  }
0xca: {  	(tm) =	ssettm $0x7FFFFFFF  }
0xcb: {  	_ =	shalt  }
tec
execute0_lowered:
.L_overlay_start_1:
0x0: {  	(tag) =	ssettag $0x1  }
0x1: {  	s14 =	stileid.u32  }
0x2: {  	s0 =	rddreg [dreg:$0x0];
	s6 =	smul.u32 $0x14000, s14  }
0x3: {  	s1 =	rddreg [dreg:$0x1];
	s10 =	smul.u32 $0x50000, s14  }
0x4: {  	s2 =	rddreg [dreg:$0x2];
	s13 =	smul.u32 $0x8500, s14  }
0x5: {  	s4 =	srdreg.scid;
	s23 =	smul.u32 $0x10A0, s14  }
0x6: {  	s3 =	rddreg [dreg:$0x3];
	s28 =	simm.s32 $0x80;
	s25 =	smul.u32 $0xC80, s14  }
0x7: {  	s29 =	simm.s32 $0x4400;
	s31 =	simm.s32 $0x2;
	s30 =	smul.u32 $0x1900, s14  }
0x8: {  	s7 =	sand.u32 $0x1, s4;
	s4 =	simm.s32 $0x0;
	s17 =	smul.u32 $0x9E, s14  }
0x9: {  	s8 =	sadd.s32 $0x2800, s1;
	s18 =	sshll.u32 s14, $0x1;
	s5 =	smul.u32 $0x140000, s7  }
0xa: {  	[smem:$0x7FF] =	sst s4;
	s19 =	ssub.s32 $0x2, s7;
	p0 =	seq.s32 s7, $0x1  }
0xb: {  	_ =	strace $0x80000047;
	s11 =	sshrl.u32 s19, $0x1;
	s20 =	sshrl.u32 s10, $0x2  }
0xc: {  	s24 =	sshrl.u32 s13, $0x3;
	s15 =	sadd.s32 s8, s23;
	s16 =	sshrl.u32 s25, $0x2  }
0xd: {  	s23 =	smul.u32 $0x320, s14;
	s5 =	sadd.s32 s6, s5;
	s11 =	ssub.s32 s19, s11  }
0xe: {  	s26 =	sadd.s32 s8, s24;
	s24 =	sadd.s32 $0x40, s15;
	[dreg:$0x7] =	wrdreg s15  }
0xf: {  	s9 =	sshrl.u32 s5, $0x3;
	s5 =	sor.u32 s7, s18;
	s7 =	smul.u32 $0x4F, s7  }
0x10: {  	s19 =	smax.u32 s11, $0x1;
	[dreg:$0xf] =	wrdreg s24;
	s24 =	simm.s32 $0x100  }
0x11: {  	s11 =	simm.s32 $0x400;
	s1 =	sadd.s32 s9, s1;
	s12 =	smul.u32 $0x4F00, s5  }
0x12: {  	s21 =	smul.u32 $0x9E0, s5;
	s2 =	sadd.s32 s2, s9;
	[dreg:$0xc] =	wrdreg s19  }
0x13: {  	s5 =	sadd.s32 s20, s3;
	s1 =	sadd.s32 $0x16400, s1;
	[dreg:$0xb] =	wrdreg s2  }
0x14: {  	s12 =	sshrl.u32 s12, $0x3;
	s6 =	sadd.s32 s8, s21;
	[dreg:$0x6] =	wrdreg s1  }
0x15: {  	s1 =	sadd.s32 $0x20, s26;
	s21 =	sadd.s32 s7, s17;
	s26 =	sadd.s32 $0x60, s15  }
0x16: {  	s17 =	simm.s32 $0x0;
	s22 =	sadd.s32 s8, s12;
	[dreg:$0x8] =	wrdreg s1  }
0x17: {  	s1 =	sadd.s32 s8, s16;
	s20 =	sadd.s32 $0x40, s6;
	[dreg:$0x11] =	wrdreg s26  }
0x18: {  	s2 =	sshll.u32 s21, $0x5;
	s10 =	sadd.s32 $0x20, s22;
	[dreg:$0xd] =	wrdreg s20  }
0x19: {  	s26 =	simm.s32 $0x1;
	s18 =	sadd.s32 $0x10A00, s1;
	[dreg:$0x5] =	wrdreg s10  }
0x1a: {  	s22 =	sadd.s32 $0x60, s6;
	s1 =	sadd.s32 $0x10A40, s1;
	[dreg:$0x9] =	wrdreg s18  }
.Ltmp0:
0x1b: {  	s25 =	sadd.s32 s8, s2;
	[dreg:$0xe] =	wrdreg s22;
	(pc) =	sbr.rel .LBB2_1-.Ltmp0, $4  }
0x1c: {  	s10 =	sshrl.u32 s30, $0x3;
	[dreg:$0x10] =	wrdreg s1;
	s19 =	sadd.s32 $0x80, s25  }
0x1d: {  	s30 =	sadd.s32 s23, s8;
	s22 =	simm.s32 $0x8400;
	s10 =	sadd.s32 s8, s10  }
0x1e: {  	s23 =	simm.s32 $0x4;
	s1 =	simm.s32 $0x3;
	s10 =	sadd.s32 $0x10A20, s10  }
0x1f: {  	v0 =	vimm.f32 $0.0e+00;
	v1 =	vimm.f32 $1.000000000e+00;
	s21 =	sadd.s32 $0x10A60, s30;
	[dreg:$0xa] =	wrdreg s10;
	s10 =	simm.s32 $0x40  }
.LBB2_12:
0x20: {  	[spmem:s3] =	stream.indirect.scatter.add.f32 [tilespmem:s13], [sflag:$0x3], $0x80, s14, s28, $0xb8;
	[tilespmem:$0x1C800] =	vst v63  }
0x21: {  	_ =	swait.ge [sflag:s1], $0x4000  }
0x22: {  	[sflag:s1] =	ssyncset.done $0x0  }
0x23: {  	[sflag:s1] =	ssyncadd.s32 $0xFFFFC000  }
0x24: {  	_ =	swait.ge [sflag:s31], $0x2000  }
0x25: {  	[sflag:s31] =	ssyncset.done $0x0  }
0x26: {  	[sflag:s31] =	ssyncadd.s32 $0xFFFFE000  }
0x27: {  	_ =	swait.ge [sflag:s31], $0x2000  }
0x28: {  	[sflag:s31] =	ssyncset.done $0x0  }
0x29: {  	[sflag:s31] =	ssyncadd.s32 $0xFFFFE000  }
0x2a: {  	[spmem:s3] =	stream.indirect.scatter.add.f32 [tilespmem:s11], [sflag:$0x3], $0x80, s28, s28, $0xb8;
	[tilespmem:$0x1C800] =	vst v63  }
.LBB2_16:
0x2b: {  	_ =	swait.ge [sflag:s1], $0x4000  }
0x2c: {  	[sflag:s1] =	ssyncset.done $0x0  }
0x2d: {  	[sflag:s1] =	ssyncadd.s32 $0xFFFFC000  }
0x2e: {  	[bflag:$0x0] =	sbarrier.arrive $0xFFFF  }
0x2f: {  	s2 =	rddreg [dreg:$0xb]  }
0x30: {  	[hbm:s2], [sflag:s18] =	dma.local [spmem:s12], $0x2800  }
0x31: {  	_ =	swait.ge [sflag:s23], $0x2800  }
0x32: {  	s17 =	sadd.s32 $0x1, s17;
	s30 =	rddreg [dreg:$0xc]  }
0x33: {  	p1 =	sne.s32 s17, s30  }
.Ltmp1:
0x34: {  	_ = 	snop;
	(pc) =	sbr.rel @!p1 .LBB2_17-.Ltmp1, $3  }
0x35: {  	_ =	sdelay $0x1  }
0x36: {  	[sflag:s23] =	ssyncset.done $0x0  }
0x37: {  	[sflag:s23] =	ssyncadd.s32 $0xFFFFD800  }
.LBB2_1:
0x38: {  	[tilespmem:$0x8400] =	vst v0  }
0x39: {  	[tilespmem:$0x8410] =	vst v0  }
0x3a: {  	[tilespmem:$0x8420] =	vst v0  }
0x3b: {  	[tilespmem:$0x8430] =	vst v0  }
0x3c: {  	[tilespmem:$0x8440] =	vst v0  }
0x3d: {  	[tilespmem:$0x8450] =	vst v0  }
0x3e: {  	[tilespmem:$0x8460] =	vst v0  }
0x3f: {  	[tilespmem:$0x8470] =	vst v0  }
0x40: {  	[tilespmem:$0x8480] =	vst v0  }
0x41: {  	[tilespmem:$0x8490] =	vst v0  }
0x42: {  	[tilespmem:$0x84A0] =	vst v0  }
0x43: {  	[tilespmem:$0x84B0] =	vst v0  }
0x44: {  	[tilespmem:$0x84C0] =	vst v0  }
0x45: {  	[tilespmem:$0x84D0] =	vst v0  }
0x46: {  	[tilespmem:$0x84E0] =	vst v0  }
0x47: {  	[tilespmem:$0x84F0] =	vst v0  }
0x48: {  	[tilespmem:$0x8500] =	vst v0  }
0x49: {  	[tilespmem:$0x8510] =	vst v0  }
0x4a: {  	[tilespmem:$0x8520] =	vst v0  }
0x4b: {  	[tilespmem:$0x8530] =	vst v0  }
0x4c: {  	[tilespmem:$0x8540] =	vst v0  }
0x4d: {  	[tilespmem:$0x8550] =	vst v0  }
0x4e: {  	[tilespmem:$0x8560] =	vst v0  }
0x4f: {  	[tilespmem:$0x8570] =	vst v0  }
0x50: {  	[tilespmem:$0x8580] =	vst v0  }
0x51: {  	[tilespmem:$0x8590] =	vst v0  }
0x52: {  	[tilespmem:$0x85A0] =	vst v0  }
0x53: {  	[tilespmem:$0x85B0] =	vst v0  }
0x54: {  	[tilespmem:$0x85C0] =	vst v0  }
0x55: {  	[tilespmem:$0x85D0] =	vst v0  }
0x56: {  	[tilespmem:$0x85E0] =	vst v0  }
0x57: {  	[tilespmem:$0x85F0] =	vst v0  }
0x58: {  	[tilespmem:$0x8600] =	vst v0  }
0x59: {  	[tilespmem:$0x8610] =	vst v0  }
0x5a: {  	[tilespmem:$0x8620] =	vst v0  }
0x5b: {  	[tilespmem:$0x8630] =	vst v0  }
0x5c: {  	[tilespmem:$0x8640] =	vst v0  }
0x5d: {  	[tilespmem:$0x8650] =	vst v0  }
0x5e: {  	[tilespmem:$0x8660] =	vst v0  }
0x5f: {  	[tilespmem:$0x8670] =	vst v0  }
0x60: {  	[tilespmem:$0x8680] =	vst v0  }
0x61: {  	[tilespmem:$0x8690] =	vst v0  }
0x62: {  	[tilespmem:$0x86A0] =	vst v0  }
0x63: {  	[tilespmem:$0x86B0] =	vst v0  }
0x64: {  	[tilespmem:$0x86C0] =	vst v0  }
0x65: {  	[tilespmem:$0x86D0] =	vst v0  }
0x66: {  	[tilespmem:$0x86E0] =	vst v0  }
0x67: {  	[tilespmem:$0x86F0] =	vst v0  }
0x68: {  	[tilespmem:$0x8700] =	vst v0  }
0x69: {  	[tilespmem:$0x8710] =	vst v0  }
0x6a: {  	[tilespmem:$0x8720] =	vst v0  }
0x6b: {  	[tilespmem:$0x8730] =	vst v0  }
0x6c: {  	[tilespmem:$0x8740] =	vst v0  }
0x6d: {  	[tilespmem:$0x8750] =	vst v0  }
0x6e: {  	[tilespmem:$0x8760] =	vst v0  }
0x6f: {  	[tilespmem:$0x8770] =	vst v0  }
0x70: {  	[tilespmem:$0x8780] =	vst v0  }
0x71: {  	[tilespmem:$0x8790] =	vst v0  }
0x72: {  	[tilespmem:$0x87A0] =	vst v0  }
0x73: {  	[tilespmem:$0x87B0] =	vst v0  }
0x74: {  	[tilespmem:$0x87C0] =	vst v0  }
0x75: {  	[tilespmem:$0x87D0] =	vst v0  }
0x76: {  	[tilespmem:$0x87E0] =	vst v0  }
0x77: {  	[tilespmem:$0x87F0] =	vst v0;
	s2 =	sadd.s32 $0x0, s5  }
0x78: {  	[spmem:s2] =	stream.linear.scatter [tilespmem:s22], [sflag:$0x4], $0x400, $0x38;
	[tilespmem:$0x1C800] =	vst v63  }
0x79: {  	s2 =	simm.s32 $0x1000;
	_ =	swait.ge [sflag:s23], $0x400  }
.LBB2_2:
0x7a: {  	s7 =	sshra.s32 s2, $0x2;
	[sflag:s23] =	ssyncset.done $0x0;
	p1 =	sne.s32 s2, $0x4F000  }
.Ltmp2:
0x7b: {  	s7 =	sadd.s32 s7, s5;
	[sflag:s23] =	ssyncadd.s32 $0xFFFFFC00;
	(pc) =	sbr.rel @p1 .LBB2_2-.Ltmp2, $3  }
0x7c: {  	[spmem:s7] =	stream.linear.scatter [tilespmem:s22], [sflag:$0x4], $0x400, $0x38;
	[tilespmem:$0x1C800] =	vst v63  }
0x7d: {  	s2 =	sadd.s32 $0x1000, s2;
	_ =	sdelay $0x1  }
0x7e: {  	_ =	swait.ge [sflag:s23], $0x400  }
0x7f: {  	[sflag:s23] =	ssyncset.done $0x0  }
0x80: {  	s2 =	simm.s32 $0x0;
	s7 =	simm.s32 $0x200;
	[sflag:s23] =	ssyncadd.s32 $0xFFFFFC00  }
.LBB2_4:
0x81: {  	p1 =	sne.s32 s7, $0xFE00;
	[tilespmem:s2+$0x4470] =	vst v1  }
0x82: {  	[tilespmem:s2+$0x4400] =	vst v1  }
0x83: {  	[tilespmem:s2+$0x4410] =	vst v1  }
.Ltmp3:
0x84: {  	[tilespmem:s2+$0x4420] =	vst v1;
	(pc) =	sbr.rel @p1 .LBB2_4-.Ltmp3, $4  }
0x85: {  	[tilespmem:s2+$0x4430] =	vst v1  }
0x86: {  	[tilespmem:s2+$0x4440] =	vst v1  }
0x87: {  	[tilespmem:s2+$0x4450] =	vst v1  }
0x88: {  	[tilespmem:s2+$0x4460] =	vst v1;
	s2 =	sshra.s32 s7, $0x2;
	s7 =	sadd.s32 $0x200, s7  }
0x89: {  	[tilespmem:s2+$0x4470] =	vst v1  }
0x8a: {  	[tilespmem:s2+$0x4400] =	vst v1  }
0x8b: {  	[tilespmem:s2+$0x4410] =	vst v1  }
0x8c: {  	[tilespmem:s2+$0x4420] =	vst v1  }
0x8d: {  	[tilespmem:s2+$0x4430] =	vst v1  }
0x8e: {  	[tilespmem:s2+$0x4440] =	vst v1  }
0x8f: {  	[tilespmem:s2+$0x4450] =	vst v1  }
0x90: {  	[tilespmem:s2+$0x4460] =	vst v1  }
0x91: {  	[bflag:$0x0] =	sbarrier.arrive $0xFFFF  }
0x92: {  	[tilespmem:s4], [sflag:$0x1] =	stream.linear.gather [hbm4b:s6+s4], $0x100, $0x38;
	[tilespmem:$0x1C800] =	vst v63  }
0x93: {  	s14 =	rddreg [dreg:$0x5]  }
0x94: {  	[tilespmem:s24], [sflag:$0x1] =	stream.linear.gather [hbm4b:s14+s4], $0x100, $0x38;
	[tilespmem:$0x1C800] =	vst v63  }
0x95: {  	s7 =	simm.s32 $0x200;
	s15 =	rddreg [dreg:$0xd]  }
0x96: {  	[tilespmem:s7], [sflag:$0x1] =	stream.linear.gather [hbm4b:s15+s4], $0x100, $0x38;
	[tilespmem:$0x1C800] =	vst v63  }
0x97: {  	_ =	swait.ge [sflag:s26], $0x100  }
0x98: {  	[sflag:s26] =	ssyncset.done $0x0  }
0x99: {  	[sflag:s26] =	ssyncadd.s32 $0xFFFFFF00  }
0x9a: {  	[spmem:s3] =	stream.indirect.scatter.add.f32 [tilespmem:s29], [sflag:$0x3], $0x80, s28, s28, $0xb8;
	[tilespmem:$0x1C800] =	vst v63  }
0x9b: {  	s18 =	simm.s32 $0x300;
	s16 =	rddreg [dreg:$0xe]  }
0x9c: {  	[tilespmem:s18], [sflag:$0x1] =	stream.linear.gather [hbm4b:s16+s4], $0x100, $0x38;
	[tilespmem:$0x1C800] =	vst v63  }
0x9d: {  	_ =	swait.ge [sflag:s26], $0x100  }
0x9e: {  	[sflag:s26] =	ssyncset.done $0x0  }
0x9f: {  	s20 =	simm.s32 $0x180;
	s2 =	simm.s32 $0x1000;
	[sflag:s26] =	ssyncadd.s32 $0xFFFFFF00  }
0xa0: {  	[spmem:s3] =	stream.indirect.scatter.add.f32 [tilespmem:s29], [sflag:$0x3], $0x80, s20, s28, $0xb8;
	[tilespmem:$0x1C800] =	vst v63  }
0xa1: {  	p1 =	por $0x0, $0x0;
	s25 =	simm.s32 $0x800;
	_ =	swait.ge [sflag:s1], $0x4000  }
0xa2: {  	s2 =	sand.u32 @!p1 $0xC00, s2;
	s8 =	simm.s32 @!p1 $0x0;
	[sflag:s1] =	ssyncset.done $0x0  }
0xa3: {  	s2 =	sshrl.u32 @!p1 s2, $0x2;
	s7 =	sand.u32 $0xC00, s25;
	[sflag:s1] =	ssyncadd.s32 $0xFFFFC000  }
0xa4: {  	[tilespmem:s2], [sflag:$0x1] =	stream.linear.gather @!p1 [hbm4b:s19+s8], $0x100, $0x38;
	[tilespmem:$0x1C800] =	vst v63  }
0xa5: {  	s30 =	sshrl.u32 s7, $0x2;
	_ =	swait.ge [sflag:s26], $0x100  }
0xa6: {  	s7 =	sadd.s32 $0x20, s19;
	s9 =	sor.u32 $0x80, s30;
	[sflag:s26] =	ssyncset.done $0x0  }
0xa7: {  	s2 =	simm.s32 $0x3;
	s8 =	simm.s32 $0x1400;
	[sflag:s26] =	ssyncadd.s32 $0xFFFFFF00  }
.LBB2_6:
0xa8: {  	[spmem:s3] =	stream.indirect.scatter.add.f32 [tilespmem:s29], [sflag:$0x3], $0x80, s9, s28, $0xb8;
	[tilespmem:$0x1C800] =	vst v63  }
0xa9: {  	s9 =	smov.u32 s2;
	s2 =	sadd.s32 $0x1, s2  }
0xaa: {  	p1 =	sgt.u32 s9, $0x4C;
	s9 =	sadd.s32 $0xFFFFF800, s8;
	_ =	swait.ge [sflag:s1], $0x4000  }
0xab: {  	s12 =	sand.u32 @!p1 $0xC00, s8;
	s13 =	simm.s32 @!p1 $0x0;
	[sflag:s1] =	ssyncset.done $0x0  }
0xac: {  	s12 =	sshrl.u32 @!p1 s12, $0x2;
	[sflag:s1] =	ssyncadd.s32 $0xFFFFC000  }
0xad: {  	[tilespmem:s12], [sflag:$0x1] =	stream.linear.gather @!p1 [hbm4b:s7+s13], $0x100, $0x38;
	[tilespmem:$0x1C800] =	vst v63  }
0xae: {  	p1 =	sne.s32 s2, $0x4F  }
.Ltmp4:
0xaf: {  	_ = 	snop;
	(pc) =	sbr.rel @p1 .LBB2_6-.Ltmp4, $4  }
0xb0: {  	_ = 	snop  }
0xb1: {  	s9 =	sand.u32 $0xC00, s9;
	_ =	swait.ge [sflag:s26], $0x100  }
0xb2: {  	s9 =	sshrl.u32 s9, $0x2;
	s7 =	sadd.s32 $0x20, s7;
	[sflag:s26] =	ssyncset.done $0x0  }
0xb3: {  	s8 =	sadd.s32 $0x400, s8;
	s9 =	sor.u32 $0x80, s9;
	[sflag:s26] =	ssyncadd.s32 $0xFFFFFF00  }
0xb4: {  	[spmem:s3] =	stream.indirect.scatter.add.f32 [tilespmem:s29], [sflag:$0x3], $0x80, s9, s28, $0xb8;
	[tilespmem:$0x1C800] =	vst v63  }
0xb5: {  	_ =	swait.ge [sflag:s1], $0x4000  }
0xb6: {  	[sflag:s1] =	ssyncset.done $0x0  }
0xb7: {  	[sflag:s1] =	ssyncadd.s32 $0xFFFFC000  }
0xb8: {  	_ =	swait.ge [sflag:s1], $0x4000  }
0xb9: {  	[sflag:s1] =	ssyncset.done $0x0  }
0xba: {  	s2 =	stileid.u32;
	[sflag:s1] =	ssyncadd.s32 $0xFFFFC000  }
0xbb: {  	s2 =	sshll.u32 s2, $0x6;
	[bflag:$0x0] =	sbarrier.arrive $0xFFFF  }
0xbc: {  	s12 =	sshrl.u32 s5, $0x3;
	s18 =	sor.u32 $0x1C04, s2;
	s25 =	rddreg [dreg:$0x6]  }
0xbd: {  	[hbm:s25], [sflag:s18] =	dma.local [spmem:s12], $0x2800  }
0xbe: {  	_ =	swait.ge [sflag:s23], $0x2800  }
0xbf: {  	[sflag:s23] =	ssyncset.done $0x0  }
0xc0: {  	s30 =	sadd.s32 $0x0, s5;
	[sflag:s23] =	ssyncadd.s32 $0xFFFFD800  }
0xc1: {  	[spmem:s30] =	stream.linear.scatter [tilespmem:s22], [sflag:$0x4], $0x400, $0x38;
	[tilespmem:$0x1C800] =	vst v63  }
0xc2: {  	s2 =	simm.s32 $0x1000;
	_ =	swait.ge [sflag:s23], $0x400  }
.LBB2_8:
0xc3: {  	s7 =	sshra.s32 s2, $0x2;
	[sflag:s23] =	ssyncset.done $0x0;
	p1 =	sne.s32 s2, $0x4F000  }
.Ltmp5:
0xc4: {  	s7 =	sadd.s32 s7, s5;
	[sflag:s23] =	ssyncadd.s32 $0xFFFFFC00;
	(pc) =	sbr.rel @p1 .LBB2_8-.Ltmp5, $3  }
0xc5: {  	[spmem:s7] =	stream.linear.scatter [tilespmem:s22], [sflag:$0x4], $0x400, $0x38;
	[tilespmem:$0x1C800] =	vst v63  }
0xc6: {  	s2 =	sadd.s32 $0x1000, s2;
	_ =	sdelay $0x1  }
0xc7: {  	_ =	swait.ge [sflag:s23], $0x400  }
.Ltmp6:
0xc8: {  	(pc) =	sbr.rel @!p0 .LBB2_10-.Ltmp6, $3  }
0xc9: {  	[sflag:s23] =	ssyncset.done $0x0  }
0xca: {  	[sflag:s23] =	ssyncadd.s32 $0xFFFFFC00  }
0xcb: {  	[bflag:$0x0] =	sbarrier.arrive $0xFFFF;
	_ =	sdelay $0x1  }
0xcc: {  	s2 =	rddreg [dreg:$0x9]  }
0xcd: {  	[tilespmem:s4], [sflag:$0x1] =	stream.linear.gather [hbm4b:s2+s4], $0x100, $0x38;
	[tilespmem:$0x1C800] =	vst v63  }
0xce: {  	s9 =	rddreg [dreg:$0xa];
	s13 =	simm.s32 $0x1  }
0xcf: {  	[tilespmem:s24], [sflag:$0x1] =	stream.linear.gather [hbm4b:s9+s4], $0x100, $0x38;
	[tilespmem:$0x1C800] =	vst v63  }
0xd0: {  	_ =	swait.ge [sflag:s13], $0x100  }
0xd1: {  	[sflag:s13] =	ssyncset.done $0x0  }
0xd2: {  	[sflag:s13] =	ssyncadd.s32 $0xFFFFFF00  }
0xd3: {  	[tilespmem:s11], [sflag:$0x2] =	stream.indirect.gather [hbm4b:s0+s10], $0x80, s4, s10, $0xb8;
	[tilespmem:$0x1C800] =	vst v63  }
0xd4: {  	s7 =	simm.s32 $0x2400  }
0xd5: {  	[tilespmem:s7], [sflag:$0x2] =	stream.indirect.gather [hbm4b:s0+s10], $0x80, s10, s10, $0xb8;
	[tilespmem:$0x1C800] =	vst v63  }
0xd6: {  	s14 =	simm.s32 $0x200;
	s8 =	rddreg [dreg:$0x10]  }
0xd7: {  	[tilespmem:s14], [sflag:$0x1] =	stream.linear.gather [hbm4b:s8+s4], $0x100, $0x38;
	[tilespmem:$0x1C800] =	vst v63  }
0xd8: {  	_ =	swait.ge [sflag:s13], $0x100  }
0xd9: {  	[sflag:s13] =	ssyncset.done $0x0  }
0xda: {  	[sflag:s13] =	ssyncadd.s32 $0xFFFFFF00  }
0xdb: {  	[tilespmem:s29], [sflag:$0x2] =	stream.indirect.gather [hbm4b:s0+s10], $0x80, s24, s10, $0xb8;
	[tilespmem:$0x1C800] =	vst v63  }
0xdc: {  	s15 =	simm.s32 $0x140;
	s16 =	simm.s32 $0x6400  }
0xdd: {  	[tilespmem:s16], [sflag:$0x2] =	stream.indirect.gather [hbm4b:s0+s10], $0x80, s15, s10, $0xb8;
	[tilespmem:$0x1C800] =	vst v63  }
0xde: {  	_ =	swait.ge [sflag:s31], $0x2000  }
0xdf: {  	[sflag:s31] =	ssyncset.done $0x0  }
0xe0: {  	[sflag:s31] =	ssyncadd.s32 $0xFFFFE000  }
0xe1: {  	_ =	swait.ge [sflag:s31], $0x2000  }
0xe2: {  	[sflag:s31] =	ssyncset.done $0x0  }
0xe3: {  	[sflag:s31] =	ssyncadd.s32 $0xFFFFE000  }
0xe4: {  	[spmem:s3] =	stream.indirect.scatter.add.f32 [tilespmem:s11], [sflag:$0x3], $0x80, s28, s28, $0xb8;
	[tilespmem:$0x1C800] =	vst v63  }
0xe5: {  	p1 =	por $0x0, $0x0;
	s2 =	simm.s32 $0xC00;
	_ =	swait.ge [sflag:s1], $0x4000  }
0xe6: {  	s2 =	sand.u32 @!p1 $0xC00, s2;
	[sflag:s1] =	ssyncset.done $0x0  }
0xe7: {  	s2 =	sshrl.u32 @!p1 s2, $0x2;
	s8 =	simm.s32 @!p1 $0x0;
	[sflag:s1] =	ssyncadd.s32 $0xFFFFC000  }
0xe8: {  	[tilespmem:s2], [sflag:$0x1] =	stream.linear.gather @!p1 [hbm4b:s21+s8], $0x100, $0x38;
	[tilespmem:$0x1C800] =	vst v63  }
0xe9: {  	s20 =	simm.s32 $0x8000;
	_ =	swait.ge [sflag:s26], $0x100  }
0xea: {  	s30 =	simm.s32 $0x2;
	s2 =	sand.u32 $0x4000, s20;
	[sflag:s26] =	ssyncset.done $0x0  }
0xeb: {  	s7 =	sand.u32 $0x300, s14;
	s25 =	sor.u32 $0x400, s2;
	[sflag:s26] =	ssyncadd.s32 $0xFFFFFF00  }
0xec: {  	[tilespmem:s25], [sflag:$0x2] =	stream.indirect.gather [hbm4b:s0+s10], $0x80, s7, s10, $0xb8;
	[tilespmem:$0x1C800] =	vst v63  }
0xed: {  	s9 =	simm.s32 $0xC000;
	s2 =	sor.u32 $0x2400, s2;
	s7 =	sor.u32 $0x40, s7  }
0xee: {  	[tilespmem:s2], [sflag:$0x2] =	stream.indirect.gather [hbm4b:s0+s10], $0x80, s7, s10, $0xb8;
	[tilespmem:$0x1C800] =	vst v63  }
0xef: {  	s14 =	simm.s32 $0x400;
	s13 =	simm.s32 $0x10000;
	_ =	swait.ge [sflag:s31], $0x2000  }
0xf0: {  	s14 =	sand.u32 $0xC00, s14;
	s13 =	sand.u32 $0x10000, s13;
	[sflag:s31] =	ssyncset.done $0x0  }
0xf1: {  	s14 =	sshrl.u32 s14, $0x2;
	s13 =	sshrl.u32 s13, $0x2;
	[sflag:s31] =	ssyncadd.s32 $0xFFFFE000  }
0xf2: {  	s14 =	sor.u32 $0x80, s14;
	s13 =	sor.u32 $0x400, s13;
	_ =	swait.ge [sflag:s31], $0x2000  }
0xf3: {  	s8 =	sadd.s32 $0x20, s21;
	s25 =	simm.s32 $0x1000;
	[sflag:s31] =	ssyncset.done $0x0  }
0xf4: {  	s2 =	simm.s32 $0x20000;
	s7 =	simm.s32 $0x300;
	[sflag:s31] =	ssyncadd.s32 $0xFFFFE000  }
.LBB2_14:
0xf5: {  	[spmem:s3] =	stream.indirect.scatter.add.f32 [tilespmem:s13], [sflag:$0x3], $0x80, s14, s28, $0xb8;
	[tilespmem:$0x1C800] =	vst v63  }
0xf6: {  	s13 =	smov.u32 s25;
	s14 =	smov.u32 s2  }
0xf7: {  	p2 =	sgt.u32 s30, $0x16;
	s25 =	sadd.s32 $0x400, s25;
	_ =	swait.ge [sflag:s1], $0x4000  }
0xf8: {  	s15 =	sand.u32 @!p2 $0xC00, s13;
	p1 =	sne.s32 s25, $0x6800;
	[sflag:s1] =	ssyncset.done $0x0  }
0xf9: {  	s16 =	simm.s32 @!p2 $0x0;
	s15 =	sshrl.u32 @!p2 s15, $0x2;
	[sflag:s1] =	ssyncadd.s32 $0xFFFFC000  }
0xfa: {  	[tilespmem:s15], [sflag:$0x1] =	stream.linear.gather @!p2 [hbm4b:s8+s16], $0x100, $0x38;
	[tilespmem:$0x1C800] =	vst v63  }
0xfb: {  	_ =	swait.ge [sflag:s26], $0x100  }
0xfc: {  	s15 =	sand.u32 $0x4000, s9;
	[sflag:s26] =	ssyncset.done $0x0  }
0xfd: {  	s20 =	sand.u32 $0x300, s7;
	s16 =	sor.u32 $0x400, s15;
	[sflag:s26] =	ssyncadd.s32 $0xFFFFFF00  }
0xfe: {  	[tilespmem:s16], [sflag:$0x2] =	stream.indirect.gather [hbm4b:s0+s10], $0x80, s20, s10, $0xb8;
	[tilespmem:$0x1C800] =	vst v63  }
0xff: {  	s30 =	sadd.s32 $0x1, s30;
	s15 =	sor.u32 $0x2400, s15;
	s16 =	sor.u32 $0x40, s20  }
0x100: {  	[tilespmem:s15], [sflag:$0x2] =	stream.indirect.gather [hbm4b:s0+s10], $0x80, s16, s10, $0xb8;
	[tilespmem:$0x1C800] =	vst v63  }
0x101: {  	s2 =	sadd.s32 $0x10000, s2;
	s9 =	sadd.s32 $0x4000, s9;
	_ =	swait.ge [sflag:s31], $0x2000  }
.Ltmp7:
0x102: {  	s7 =	sadd.s32 $0x100, s7;
	[sflag:s31] =	ssyncset.done $0x0;
	(pc) =	sbr.rel @p1 .LBB2_14-.Ltmp7, $4  }
0x103: {  	s13 =	sadd.s32 $0xFFFFF800, s13;
	s8 =	sadd.s32 $0x20, s8;
	[sflag:s31] =	ssyncadd.s32 $0xFFFFE000  }
0x104: {  	s14 =	sand.u32 $0x10000, s14;
	s13 =	sand.u32 $0xC00, s13;
	_ =	swait.ge [sflag:s31], $0x2000  }
0x105: {  	s14 =	sshrl.u32 s14, $0x2;
	s15 =	sshrl.u32 s13, $0x2;
	[sflag:s31] =	ssyncset.done $0x0  }
0x106: {  	s13 =	sor.u32 $0x400, s14;
	s14 =	sor.u32 $0x80, s15;
	[sflag:s31] =	ssyncadd.s32 $0xFFFFE000  }
0x107: {  	[spmem:s3] =	stream.indirect.scatter.add.f32 [tilespmem:s13], [sflag:$0x3], $0x80, s14, s28, $0xb8;
	[tilespmem:$0x1C800] =	vst v63  }
0x108: {  	_ =	swait.ge [sflag:s1], $0x4000  }
0x109: {  	[sflag:s1] =	ssyncset.done $0x0  }
0x10a: {  	[sflag:s1] =	ssyncadd.s32 $0xFFFFC000  }
0x10b: {  	_ =	swait.ge [sflag:s31], $0x2000  }
0x10c: {  	[sflag:s31] =	ssyncset.done $0x0  }
.Ltmp8:
0x10d: {  	[sflag:s31] =	ssyncadd.s32 $0xFFFFE000;
	(pc) =	sbr.rel .LBB2_16-.Ltmp8, $4  }
0x10e: {  	_ =	swait.ge [sflag:s31], $0x2000  }
0x10f: {  	[sflag:s31] =	ssyncset.done $0x0  }
0x110: {  	[sflag:s31] =	ssyncadd.s32 $0xFFFFE000  }
0x111: {  	[spmem:s3] =	stream.indirect.scatter.add.f32 [tilespmem:s11], [sflag:$0x3], $0x80, s28, s28, $0xb8;
	[tilespmem:$0x1C800] =	vst v63  }
.LBB2_10:
0x112: {  	s2 =	rddreg [dreg:$0x7]  }
0x113: {  	[tilespmem:s4], [sflag:$0x1] =	stream.linear.gather [hbm4b:s2+s4], $0x100, $0x38;
	[tilespmem:$0x1C800] =	vst v63  }
0x114: {  	s9 =	rddreg [dreg:$0x8];
	s13 =	simm.s32 $0x1  }
0x115: {  	[tilespmem:s24], [sflag:$0x1] =	stream.linear.gather [hbm4b:s9+s4], $0x100, $0x38;
	[tilespmem:$0x1C800] =	vst v63  }
0x116: {  	_ =	swait.ge [sflag:s13], $0x100  }
0x117: {  	[sflag:s13] =	ssyncset.done $0x0  }
0x118: {  	[sflag:s13] =	ssyncadd.s32 $0xFFFFFF00  }
0x119: {  	[tilespmem:s11], [sflag:$0x2] =	stream.indirect.gather [hbm4b:s0+s10], $0x80, s4, s10, $0xb8;
	[tilespmem:$0x1C800] =	vst v63  }
0x11a: {  	s7 =	simm.s32 $0x2400  }
0x11b: {  	[tilespmem:s7], [sflag:$0x2] =	stream.indirect.gather [hbm4b:s0+s10], $0x80, s10, s10, $0xb8;
	[tilespmem:$0x1C800] =	vst v63  }
0x11c: {  	s14 =	simm.s32 $0x200;
	s8 =	rddreg [dreg:$0xf]  }
0x11d: {  	[tilespmem:s14], [sflag:$0x1] =	stream.linear.gather [hbm4b:s8+s4], $0x100, $0x38;
	[tilespmem:$0x1C800] =	vst v63  }
0x11e: {  	_ =	swait.ge [sflag:s13], $0x100  }
0x11f: {  	[sflag:s13] =	ssyncset.done $0x0  }
0x120: {  	[sflag:s13] =	ssyncadd.s32 $0xFFFFFF00  }
0x121: {  	[tilespmem:s29], [sflag:$0x2] =	stream.indirect.gather [hbm4b:s0+s10], $0x80, s24, s10, $0xb8;
	[tilespmem:$0x1C800] =	vst v63  }
0x122: {  	s15 =	simm.s32 $0x140;
	s16 =	simm.s32 $0x6400  }
0x123: {  	[tilespmem:s16], [sflag:$0x2] =	stream.indirect.gather [hbm4b:s0+s10], $0x80, s15, s10, $0xb8;
	[tilespmem:$0x1C800] =	vst v63  }
0x124: {  	_ =	swait.ge [sflag:s31], $0x2000  }
0x125: {  	[sflag:s31] =	ssyncset.done $0x0  }
0x126: {  	[sflag:s31] =	ssyncadd.s32 $0xFFFFE000  }
0x127: {  	_ =	swait.ge [sflag:s31], $0x2000  }
0x128: {  	[sflag:s31] =	ssyncset.done $0x0  }
0x129: {  	p1 =	por $0x0, $0x0;
	s2 =	simm.s32 $0xC00;
	[sflag:s31] =	ssyncadd.s32 $0xFFFFE000  }
0x12a: {  	[spmem:s3] =	stream.indirect.scatter.add.f32 [tilespmem:s11], [sflag:$0x3], $0x80, s28, s28, $0xb8;
	[tilespmem:$0x1C800] =	vst v63  }
0x12b: {  	s2 =	sand.u32 @!p1 $0xC00, s2;
	_ =	swait.ge [sflag:s1], $0x4000  }
0x12c: {  	s2 =	sshrl.u32 @!p1 s2, $0x2;
	[sflag:s1] =	ssyncset.done $0x0  }
0x12d: {  	s8 =	simm.s32 @!p1 $0x0;
	s15 =	rddreg [dreg:$0x11];
	[sflag:s1] =	ssyncadd.s32 $0xFFFFC000  }
0x12e: {  	[tilespmem:s2], [sflag:$0x1] =	stream.linear.gather @!p1 [hbm4b:s15+s8], $0x100, $0x38;
	[tilespmem:$0x1C800] =	vst v63  }
0x12f: {  	s20 =	simm.s32 $0x8000;
	_ =	swait.ge [sflag:s26], $0x100  }
0x130: {  	s30 =	simm.s32 $0x2;
	s2 =	sand.u32 $0x4000, s20;
	[sflag:s26] =	ssyncset.done $0x0  }
0x131: {  	s7 =	sand.u32 $0x300, s14;
	s25 =	sor.u32 $0x400, s2;
	[sflag:s26] =	ssyncadd.s32 $0xFFFFFF00  }
0x132: {  	[tilespmem:s25], [sflag:$0x2] =	stream.indirect.gather [hbm4b:s0+s10], $0x80, s7, s10, $0xb8;
	[tilespmem:$0x1C800] =	vst v63  }
0x133: {  	s9 =	simm.s32 $0xC000;
	s2 =	sor.u32 $0x2400, s2;
	s7 =	sor.u32 $0x40, s7  }
0x134: {  	[tilespmem:s2], [sflag:$0x2] =	stream.indirect.gather [hbm4b:s0+s10], $0x80, s7, s10, $0xb8;
	[tilespmem:$0x1C800] =	vst v63  }
0x135: {  	s14 =	simm.s32 $0x400;
	s13 =	simm.s32 $0x10000;
	_ =	swait.ge [sflag:s31], $0x2000  }
0x136: {  	s14 =	sand.u32 $0xC00, s14;
	s13 =	sand.u32 $0x10000, s13;
	[sflag:s31] =	ssyncset.done $0x0  }
0x137: {  	s14 =	sshrl.u32 s14, $0x2;
	s13 =	sshrl.u32 s13, $0x2;
	[sflag:s31] =	ssyncadd.s32 $0xFFFFE000  }
0x138: {  	s14 =	sor.u32 $0x80, s14;
	s13 =	sor.u32 $0x400, s13;
	_ =	swait.ge [sflag:s31], $0x2000  }
0x139: {  	s8 =	sadd.s32 $0x20, s15;
	s25 =	simm.s32 $0x1000;
	[sflag:s31] =	ssyncset.done $0x0  }
0x13a: {  	s2 =	simm.s32 $0x20000;
	s7 =	simm.s32 $0x300;
	[sflag:s31] =	ssyncadd.s32 $0xFFFFE000  }
.LBB2_11:
0x13b: {  	[spmem:s3] =	stream.indirect.scatter.add.f32 [tilespmem:s13], [sflag:$0x3], $0x80, s14, s28, $0xb8;
	[tilespmem:$0x1C800] =	vst v63  }
0x13c: {  	s13 =	smov.u32 s25;
	s14 =	smov.u32 s2  }
0x13d: {  	p2 =	sgt.u32 s30, $0x82;
	s25 =	sadd.s32 $0x400, s25;
	_ =	swait.ge [sflag:s1], $0x4000  }
0x13e: {  	s15 =	sand.u32 @!p2 $0xC00, s13;
	p1 =	seq.s32 s25, $0x21800;
	[sflag:s1] =	ssyncset.done $0x0  }
0x13f: {  	s16 =	simm.s32 @!p2 $0x0;
	s15 =	sshrl.u32 @!p2 s15, $0x2;
	[sflag:s1] =	ssyncadd.s32 $0xFFFFC000  }
0x140: {  	[tilespmem:s15], [sflag:$0x1] =	stream.linear.gather @!p2 [hbm4b:s8+s16], $0x100, $0x38;
	[tilespmem:$0x1C800] =	vst v63  }
0x141: {  	_ =	swait.ge [sflag:s26], $0x100  }
0x142: {  	s15 =	sand.u32 $0x4000, s9;
	[sflag:s26] =	ssyncset.done $0x0  }
0x143: {  	s20 =	sand.u32 $0x300, s7;
	s16 =	sor.u32 $0x400, s15;
	[sflag:s26] =	ssyncadd.s32 $0xFFFFFF00  }
0x144: {  	[tilespmem:s16], [sflag:$0x2] =	stream.indirect.gather [hbm4b:s0+s10], $0x80, s20, s10, $0xb8;
	[tilespmem:$0x1C800] =	vst v63  }
0x145: {  	s30 =	sadd.s32 $0x1, s30;
	s15 =	sor.u32 $0x2400, s15;
	s16 =	sor.u32 $0x40, s20  }
0x146: {  	[tilespmem:s15], [sflag:$0x2] =	stream.indirect.gather [hbm4b:s0+s10], $0x80, s16, s10, $0xb8;
	[tilespmem:$0x1C800] =	vst v63  }
0x147: {  	s2 =	sadd.s32 $0x10000, s2;
	s9 =	sadd.s32 $0x4000, s9;
	_ =	swait.ge [sflag:s31], $0x2000  }
.Ltmp9:
0x148: {  	s7 =	sadd.s32 $0x100, s7;
	[sflag:s31] =	ssyncset.done $0x0;
	(pc) =	sbr.rel @!p1 .LBB2_11-.Ltmp9, $4  }
0x149: {  	s13 =	sadd.s32 $0xFFFFF800, s13;
	s8 =	sadd.s32 $0x20, s8;
	[sflag:s31] =	ssyncadd.s32 $0xFFFFE000  }
0x14a: {  	s14 =	sand.u32 $0x10000, s14;
	s13 =	sand.u32 $0xC00, s13;
	_ =	swait.ge [sflag:s31], $0x2000  }
0x14b: {  	s14 =	sshrl.u32 s14, $0x2;
	s15 =	sshrl.u32 s13, $0x2;
	[sflag:s31] =	ssyncset.done $0x0  }
0x14c: {  	s13 =	sor.u32 $0x400, s14;
	s14 =	sor.u32 $0x80, s15;
	[sflag:s31] =	ssyncadd.s32 $0xFFFFE000  }
.Ltmp10:
0x14d: {  	_ = 	snop;
	(pc) =	sbr.rel .LBB2_12-.Ltmp10, $1  }
0x14e: {  	_ =	sdelay $0x3  }
.LBB2_17:
0x14f: {  	_ =	sfence.sel $0x180000  }
0x150: {  	[bflag:$0x0] =	sbarrier.arrive $0xFFFF  }
0x151: {  	_ =	strace $0x90000047  }
0x152: {  	s0 =	stileid.u32;
	[bflag:$0x2] =	sbarrier.arrive $0xFFFF  }
0x153: {  	p0 =	sne.s32 s0, $0x0;
	s0 =	rddreg [dreg:$0x4]  }
0x154: {  	s0 =	sadd.s32 @!p0 $0x100000, s0  }
0x155: {  	[sflag:s0] =	ssyncadd.tile.s32 @!p0 $0x1;
	_ =	shalt  }
.Lfunc_end2:
_tile_overlayer_lowered:
.L_overlay_start_2:
0x156: {  	(tag) =	ssettag $0x2  }
0x157: {  	s0 =	rddreg [dreg:$0x0];
	s2 =	stileid.u32  }
0x158: {  	s1 =	rddreg [dreg:$0x1];
	p0 =	sne.s32 s2, $0x0  }
0x159: {  	s3 =	rddreg [dreg:$0x2];
	[bflag:$0x3] =	sbarrier.arrive $0xFFFF;
	s2 =	simm.s32 @!p0 $0x1C04  }
0x15a: {  	[timem:s3], [sflag:s2] =	dma.local @!p0 [hbm:s0], s1  }
0x15b: {  	s0 =	simm.s32 @!p0 $0x4  }
0x15c: {  	_ =	swait.ge @!p0 [sflag:s0], s1  }
0x15d: {  	s1 =	ssub.s32 @!p0 $0x0, s1;
	[sflag:s0] =	ssyncset.done @!p0 $0x0  }
0x15e: {  	[sflag:s0] =	ssyncadd.s32 @!p0 s1  }
0x15f: {  	[bflag:$0x3] =	sbarrier.arrive $0xFFFF  }
0x160: {  	_ =	shalt  }

// kernel: kernel.9.cloned.1.call-start
scs
__scs_entry_jumppad:
0x0: {  	(pc) =	sbr.rel $0x88, $3  }
0x1: {  	(tag) =	ssettag $0x0;
	lr =	simm.s32 $0x1  }
0x2: {  	[smem:$0x3F96] =	sst lr;
	_ =	strace $0xD0000000  }
0x3: {  	_ = 	snop  }
0x4: {  	_ = 	snop  }
0x5: {  	_ = 	snop  }
0x6: {  	_ = 	snop  }
0x7: {  	_ = 	snop  }
__scs_overlays_trampoline_lowered:
0x8: {  	[smem:$0x3FA5] =	sst s0  }
0x9: {  	[smem:$0x3FA6] =	sst s1  }
0xa: {  	[smem:$0x3FA7] =	sst s2  }
0xb: {  	[smem:$0x3FA8] =	sst s3  }
0xc: {  	[smem:$0x3FA9] =	sst s4  }
0xd: {  	[smem:$0x3FAA] =	sst s5  }
0xe: {  	[smem:$0x3FAB] =	sst s6  }
0xf: {  	[smem:$0x3FAC] =	sst s7  }
0x10: {  	[smem:$0x3FAD] =	sst s8  }
0x11: {  	[smem:$0x3FAE] =	sst s9;
	s0 =	simm.s32 @!p0 $0x0  }
0x12: {  	s1 =	sld [smem:$0x3F94];
	s0 =	simm.s32 @p0 $0x1  }
0x13: {  	[smem:$0x3FAF] =	sst s0;
	s0 =	simm.s32 @!p1 $0x0  }
0x14: {  	s2 =	sld [smem:$0x3F93];
	s0 =	simm.s32 @p1 $0x1  }
0x15: {  	[smem:$0x3FB0] =	sst s0;
	s0 =	simm.s32 @!p2 $0x0  }
0x16: {  	s3 =	sld [smem:$0x3FDB];
	s0 =	simm.s32 @p2 $0x1  }
0x17: {  	s4 =	simm.s32 $0x1BF5;
	[smem:$0x3FB2] =	sst s0  }
0x18: {  	s0 =	sld [smem:$0x3F95];
	_ =	swait.ge [sflag:s4], $0x0  }
0x19: {  	s7 =	sld [smem:$0x3F96]  }
0x1a: {  	s8 =	sadd.s32 $0xFFFFE003, lr  }
0x1b: {  	s9 =	sadd.s32 $0xFFFFFEF7, lr;
	s5 =	simm.s32 $0xFFFFFFFF;
	p2 =	slt.u32 s8, $0xFFFFF086  }
0x1c: {  	p1 =	slt.u32 s9, $0xF7A;
	s5 =	simm.s32 @!p2 $0x0  }
0x1d: {  	s5 =	simm.s32 @p1 $0x1;
	p0 =	seq.s32 s7, s2  }
0x1e: {  	s7 =	smul.u32 @!p0 $0xF7A, s2;
	p2 =	seq.s32 @!p0 s5, $0x0  }
0x1f: {  	s9 =	smul.u32 $0xF7A, s1;
	s8 =	simm.s32 @!p0 $0x1BF5;
	p2 =	por !p2, p0  }
0x20: {  	[sflag:s8] =	ssyncset.s32 @!p0 $0xFFFFF086;
	s6 =	sadd.s32 @!p0 s3, s7;
	s7 =	simm.s32 @!p0 $0x108  }
0x21: {  	s3 =	sadd.s32 s3, s9;
	s6 =	sadd.s32 @!p0 $0x88, s6;
	s7 =	simm.s32 @p2 $0x1082  }
0x22: {  	[simem:s7], [sflag:s8] =	dma.local @!p0 [hbm:s6], $0xF7A  }
0x23: {  	s9 =	sor.u32 $0xD0000000, s2;
	s6 =	simm.s32 $0x108;
	_ =	swait.ge @!p0 [sflag:s8], $0x0  }
0x24: {  	s3 =	sadd.s32 $0x88, s3;
	s6 =	simm.s32 @!p1 $0x1082;
	[sflag:s4] =	ssyncset.s32 $0xFFFFF086  }
0x25: {  	[simem:s6], [sflag:s4] =	dma.local [hbm:s3], $0xF7A  }
0x26: {  	[smem:$0x3F96] =	sst s1;
	(tag) =	ssettag s2;
	_ =	strace s9  }
0x27: {  	s1 =	sld [smem:$0x3FA6]  }
0x28: {  	s2 =	sld [smem:$0x3FA7]  }
0x29: {  	s4 =	sld [smem:$0x3FA9]  }
0x2a: {  	p0 =	seq.s32 s5, $0x0;
	s5 =	sld [smem:$0x3FAA]  }
0x2b: {  	s6 =	sld [smem:$0x3FAB]  }
0x2c: {  	s7 =	sld [smem:$0x3FAC]  }
0x2d: {  	s3 =	simm.s32 $0x108;
	s8 =	sld [smem:$0x3FAD]  }
0x2e: {  	s3 =	simm.s32 @!p0 $0x1082;
	s9 =	sld [smem:$0x3FAE]  }
0x2f: {  	lr =	sadd.s32 s0, s3;
	s0 =	sld [smem:$0x3FA5]  }
0x30: {  	s3 =	sld [smem:$0x3FA8]  }
0x31: {  	[smem:$0x3FB1] =	sst s10  }
0x32: {  	s10 =	sld [smem:$0x3FAF];
	_ =	sdelay $0x3  }
0x33: {  	p0 =	seq.s32 s10, $0x1;
	s10 =	sld [smem:$0x3FB1];
	_ =	sdelay $0x3  }
0x34: {  	[smem:$0x3FB1] =	sst s10  }
0x35: {  	s10 =	sld [smem:$0x3FB0];
	_ =	sdelay $0x3  }
0x36: {  	p1 =	seq.s32 s10, $0x1;
	s10 =	sld [smem:$0x3FB1];
	_ =	sdelay $0x3  }
0x37: {  	[smem:$0x3FB1] =	sst s10  }
0x38: {  	s10 =	sld [smem:$0x3FB2]  }
0x39: {  	_ = 	snop;
	(pc) =	sbr.ind lr, $3  }
0x3a: {  	_ = 	snop  }
0x3b: {  	_ = 	snop  }
0x3c: {  	p2 =	seq.s32 s10, $0x1;
	s10 =	sld [smem:$0x3FB1]  }
0x3d: {  	_ =	shalt  }
0x3e: {  	_ =	shalt  }
0x3f: {  	_ =	shalt  }
0x40: {  	_ =	shalt  }
0x41: {  	_ =	shalt  }
0x42: {  	_ =	shalt  }
0x43: {  	_ =	shalt  }
0x44: {  	_ =	shalt  }
0x45: {  	_ =	shalt  }
0x46: {  	_ =	shalt  }
0x47: {  	_ =	shalt  }
0x48: {  	_ =	shalt  }
0x49: {  	_ =	shalt  }
0x4a: {  	_ =	shalt  }
0x4b: {  	_ =	shalt  }
0x4c: {  	_ =	shalt  }
0x4d: {  	_ =	shalt  }
0x4e: {  	_ =	shalt  }
0x4f: {  	_ =	shalt  }
0x50: {  	_ =	shalt  }
0x51: {  	_ =	shalt  }
0x52: {  	_ =	shalt  }
0x53: {  	_ =	shalt  }
0x54: {  	_ =	shalt  }
0x55: {  	_ =	shalt  }
0x56: {  	_ =	shalt  }
0x57: {  	_ =	shalt  }
0x58: {  	_ =	shalt  }
0x59: {  	_ =	shalt  }
0x5a: {  	_ =	shalt  }
0x5b: {  	_ =	shalt  }
0x5c: {  	_ =	shalt  }
0x5d: {  	_ =	shalt  }
0x5e: {  	_ =	shalt  }
0x5f: {  	_ =	shalt  }
0x60: {  	_ =	shalt  }
0x61: {  	_ =	shalt  }
0x62: {  	_ =	shalt  }
0x63: {  	_ =	shalt  }
0x64: {  	_ =	shalt  }
0x65: {  	_ =	shalt  }
0x66: {  	_ =	shalt  }
0x67: {  	_ =	shalt  }
0x68: {  	_ =	shalt  }
0x69: {  	_ =	shalt  }
0x6a: {  	_ =	shalt  }
0x6b: {  	_ =	shalt  }
0x6c: {  	_ =	shalt  }
0x6d: {  	_ =	shalt  }
0x6e: {  	_ =	shalt  }
0x6f: {  	_ =	shalt  }
0x70: {  	_ =	shalt  }
0x71: {  	_ =	shalt  }
0x72: {  	_ =	shalt  }
0x73: {  	_ =	shalt  }
0x74: {  	_ =	shalt  }
0x75: {  	_ =	shalt  }
0x76: {  	_ =	shalt  }
0x77: {  	_ =	shalt  }
0x78: {  	_ =	shalt  }
0x79: {  	_ =	shalt  }
0x7a: {  	_ =	shalt  }
0x7b: {  	_ =	shalt  }
0x7c: {  	_ =	shalt  }
0x7d: {  	_ =	shalt  }
0x7e: {  	_ =	shalt  }
0x7f: {  	_ =	shalt  }
0x80: {  	_ =	shalt  }
0x81: {  	_ =	shalt  }
0x82: {  	_ =	shalt  }
0x83: {  	_ =	shalt  }
0x84: {  	_ =	shalt  }
0x85: {  	_ =	shalt  }
0x86: {  	_ =	shalt  }
0x87: {  	_ =	shalt  }
.Lfunc_end0:
.L_simem_size_0:
called_computation.1_lowered:
.L_overlay_start_0:
0x88: {  	s2 =	sld [smem:$0x3FD9]  }
0x89: {  	s3 =	sld [smem:$0x3FFE];
	_ =	sdelay $0x1  }
0x8a: {  	s1 =	srdreg.scid  }
0x8b: {  	s0 =	sand.u32 $0x1, s1  }
0x8c: {  	s14 =	sshll.u32 s0, $0xA;
	s2 =	sadd.s32 s3, s2  }
0x8d: {  	s2 =	sadd.s32 s2, s14  }
0x8e: {  	[smem:$0x3FBD] =	sst s2  }
0x8f: {  	_ = 	snop  }
0x90: {  	s2 =	sld [smem:$0x3FD0];
	_ =	sdelay $0x2  }
0x91: {  	s15 =	simm.s32 $0xA;
	s4 =	simm.s32 $0x10  }
0x92: {  	[smem:s4], [sflag:s15] =	dma.local [hbm:s2], $0x1  }
0x93: {  	_ =	swait.eq [sflag:s15], $0x1  }
0x94: {  	[sflag:s15] =	ssyncset.done $0x0  }
0x95: {  	[sflag:s15] =	ssyncadd.s32 $0xFFFFFFFF  }
0x96: {  	s16 =	sld [smem:$0x10];
	(tm) =	ssettm $0x1  }
0x97: {  	s17 =	sld [smem:$0x3FFB];
	_ =	sdelay $0x3  }
0x98: {  	_ =	strace s17  }
0x99: {  	s3 =	sld [smem:$0x3FFC];
	_ =	sdelay $0x3  }
0x9a: {  	_ =	strace s3  }
0x9b: {  	s3 =	sld [smem:$0x3FFD];
	_ =	sdelay $0x3  }
0x9c: {  	_ =	strace s3  }
0x9d: {  	_ =	strace $0x8FFFFFFF  }
0x9e: {  	s18 =	sld [smem:$0x3FDB];
	_ =	sdelay $0x1  }
0x9f: {  	s19 =	simm.s32 $_scs_section_size  }
0xa0: {  	s5 =	simm.s32 $_size__tile_overlayer_lowered;
	s6 =	simm.s32 $_tile_overlayer_lowered  }
0xa1: {  	s22 =	simm.s32 $0x1BFF;
	s21 =	sshll.u32 s6, $0x1;
	s3 =	sadd.s32 s19, s18  }
0xa2: {  	s7 =	simm.s32 $0x0;
	s20 =	sshll.u32 s5, $0x1;
	s5 =	sadd.s32 s21, s3  }
0xa3: {  	[timem:s7], [sflag:s22] =	dma.local [hbm:s5], s20  }
0xa4: {  	_ =	swait.ge [sflag:s22], s20  }
0xa5: {  	s4 =	ssub.s32 $0x0, s20;
	[sflag:s22] =	ssyncset.done $0x0  }
0xa6: {  	[sflag:s22] =	ssyncadd.s32 s4;
	_ =	sdelay $0x1  }
0xa7: {  	s23 =	simm.s32 $0x1B8B  }
0xa8: {  	_ =	swait.ge [sflag:s23], $0x1  }
0xa9: {  	[sflag:s23] =	ssyncset.done $0x0  }
0xaa: {  	s25 =	simm.s32 $0x1B8E;
	s24 =	sld [smem:$0x3FFE];
	[sflag:s23] =	ssyncadd.s32 $0xFFFFFFFF  }
0xab: {  	s26 =	simm.s32 $execute0_lowered;
	[smem:$0x3FD2] =	sst s25  }
0xac: {  	s5 =	sshll.u32 s26, $0x1;
	_ =	strace $0x80000049;
	[dreg:$0x1] =	wrdreg $0xFFFFFFFF  }
0xad: {  	s28 =	simm.s32 $_size_execute0_lowered;
	s3 =	sadd.s32 s3, s5;
	[dreg:$0x0] =	wrdreg $0x0  }
0xae: {  	s5 =	sshll.u32 s28, $0x1;
	[dreg:$0x2] =	wrdreg s3  }
0xaf: {  	[dreg:$0x3] =	wrdreg s5  }
0xb0: {  	[dreg:$0x4] =	wrdreg $0xC0  }
0xb1: {  	_ =	task [dreg:s7], $0x5FFFF  }
0xb2: {  	[dreg:$0x1] =	wrdreg $0xFFFFFFFF  }
0xb3: {  	[dreg:$0x0] =	wrdreg $0x60  }
0xb4: {  	[dreg:$0x2] =	wrdreg s24  }
0xb5: {  	[dreg:$0x3] =	wrdreg s16  }
0xb6: {  	[dreg:$0x4] =	wrdreg $0x88000  }
0xb7: {  	[dreg:$0x5] =	wrdreg $0x9  }
0xb8: {  	_ =	task.clear_ibuf [dreg:s7], $0x6FFFF;
	_ =	strace $0x90000049  }
0xb9: {  	s29 =	simm.s32 $0x9;
	_ =	strace $0x8000004B  }
0xba: {  	_ =	swait.ge [sflag:s29], $0x1  }
0xbb: {  	[sflag:s29] =	ssyncadd.s32 $0xFFFFFFFF  }
0xbc: {  	_ =	strace $0x9000004B  }
0xbd: {  	_ =	sfence  }
0xbe: {  	s30 =	sld [smem:$0x0];
	_ =	sdelay $0x2  }
0xbf: {  	s31 =	sshll.u32 s1, $0xD;
	s1 =	sshrl.u32 s1, $0x2  }
0xc0: {  	s3 =	sand.u32 $0x4000, s31;
	s1 =	sadd.s32 s1, s30  }
0xc1: {  	s0 =	sor.u32 s3, s0;
	s1 =	sshll.u32 s1, $0x11  }
0xc2: {  	s0 =	sor.u32 s1, s0  }
0xc3: {  	s0 =	sadd.s32 $0x8F2B, s0  }
0xc4: {  	[sflag:s0] =	ssyncadd.remote.s32 $0x1  }
0xc5: {  	_ =	sfence.sel $0xFFFF  }
0xc6: {  	[dreg:$0x0] =	wrdreg $0xFFFFFFFF;
	(pc) =	sbr.abs _section_cstart, $3  }
0xc7: {  	[dreg:$0x1] =	wrdreg $0xFFFFFFFF  }
0xc8: {  	_ =	task.clear_ibuf [dreg:s7], $0x2FFFF;
	_ =	strace $0x9FFFFFFF  }
0xc9: {  	(tm) =	ssettm $0x7FFFFFFF  }
tec
execute0_lowered:
.L_overlay_start_1:
0x0: {  	(tag) =	ssettag $0x1  }
0x1: {  	s0 =	rddreg [dreg:$0x0]  }
0x2: {  	s7 =	rddreg [dreg:$0x1];
	s2 =	stileid.u32  }
0x3: {  	s1 =	rddreg [dreg:$0x2];
	s3 =	simm.s32 $0x0;
	s5 =	smul.u32 $0x50000, s2  }
0x4: {  	s4 =	srdreg.scid;
	s16 =	simm.s32 $0x8400;
	s9 =	smul.u32 $0x10A0, s2  }
0x5: {  	s17 =	simm.s32 $0x4;
	s18 =	simm.s32 $0x100;
	s11 =	smul.u32 $0x8500, s2  }
0x6: {  	s19 =	simm.s32 $0x40;
	s28 =	simm.s32 $0x3;
	s20 =	smul.u32 $0xC80, s2  }
0x7: {  	s29 =	simm.s32 $0x1;
	s30 =	simm.s32 $0x0;
	s13 =	smul.u32 $0x1900, s2  }
0x8: {  	[smem:$0x7FF] =	sst s3;
	s8 =	sand.u32 $0x1, s4;
	s22 =	smul.u32 $0x14000, s2  }
0x9: {  	s4 =	sadd.s32 $0x66400, s0;
	s0 =	sadd.s32 $0x2800, s0;
	s15 =	smul.u32 $0x320, s2  }
0xa: {  	_ =	strace $0x8000004A;
	s6 =	ssub.s32 $0x2, s8;
	p0 =	seq.s32 s8, $0x1  }
0xb: {  	s8 =	smul.u32 $0x140000, s8;
	s10 =	sshrl.u32 s6, $0x1;
	s5 =	sshrl.u32 s5, $0x2  }
0xc: {  	s21 =	sshrl.u32 s11, $0x3;
	s24 =	sshrl.u32 s13, $0x3;
	s12 =	ssub.s32 s6, s10  }
0xd: {  	s5 =	sadd.s32 s5, s1;
	s6 =	sadd.s32 s0, s9;
	s9 =	sadd.s32 s0, s21  }
0xe: {  	s10 =	sshrl.u32 s20, $0x2;
	s8 =	sadd.s32 s22, s8;
	s20 =	simm.s32 $0x400  }
0xf: {  	s9 =	sadd.s32 $0x20, s9;
	s23 =	sadd.s32 s0, s10;
	s10 =	sadd.s32 s0, s24  }
0x10: {  	s8 =	sshrl.u32 s8, $0x3;
	s11 =	smax.u32 s12, $0x1;
	s26 =	sadd.s32 $0x40, s6  }
.Ltmp0:
0x11: {  	s14 =	sadd.s32 $0x60, s6;
	[dreg:$0x4] =	wrdreg s9;
	(pc) =	sbr.rel .LBB2_1-.Ltmp0, $4  }
0x12: {  	s0 =	sadd.s32 s15, s0;
	s25 =	sadd.s32 $0x10A00, s23;
	[dreg:$0x7] =	wrdreg s26  }
0x13: {  	s10 =	sadd.s32 $0x10A20, s10;
	s31 =	sadd.s32 $0x10A40, s23;
	[dreg:$0x5] =	wrdreg s25  }
0x14: {  	s15 =	sadd.s32 $0x10A60, s0;
	s26 =	simm.s32 $0x80;
	[dreg:$0x6] =	wrdreg s10  }
0x15: {  	v0 =	vimm.f32 $0.0e+00;
	s10 =	sadd.s32 s7, s8;
	[dreg:$0x8] =	wrdreg s31;
	s25 =	simm.s32 $0x2  }
.LBB2_6:
0x16: {  	[spmem:s1] =	stream.indirect.scatter.add.f32 [tilespmem:s22], [sflag:$0x3], $0x80, s23, s26, $0xb8;
	[tilespmem:$0x1C800] =	vst v63  }
0x17: {  	_ =	swait.ge [sflag:s28], $0x4000  }
0x18: {  	[sflag:s28] =	ssyncset.done $0x0  }
0x19: {  	[sflag:s28] =	ssyncadd.s32 $0xFFFFC000  }
0x1a: {  	_ =	swait.ge [sflag:s25], $0x2000  }
0x1b: {  	[sflag:s25] =	ssyncset.done $0x0  }
0x1c: {  	[sflag:s25] =	ssyncadd.s32 $0xFFFFE000  }
0x1d: {  	_ =	swait.ge [sflag:s25], $0x2000  }
0x1e: {  	[sflag:s25] =	ssyncset.done $0x0  }
0x1f: {  	[sflag:s25] =	ssyncadd.s32 $0xFFFFE000  }
0x20: {  	[spmem:s1] =	stream.indirect.scatter.add.f32 [tilespmem:s20], [sflag:$0x3], $0x80, s26, s26, $0xb8;
	[tilespmem:$0x1C800] =	vst v63  }
.LBB2_10:
0x21: {  	_ =	swait.ge [sflag:s28], $0x4000  }
0x22: {  	s0 =	sshll.u32 s2, $0x6;
	s30 =	sadd.s32 $0x1, s30;
	[sflag:s28] =	ssyncset.done $0x0  }
0x23: {  	s7 =	sshrl.u32 s5, $0x3;
	p1 =	sne.s32 s30, s11;
	[sflag:s28] =	ssyncadd.s32 $0xFFFFC000  }
.Ltmp1:
0x24: {  	s0 =	sor.u32 $0x1C04, s0;
	[bflag:$0x0] =	sbarrier.arrive $0xFFFF;
	(pc) =	sbr.rel @!p1 .LBB2_11-.Ltmp1, $4  }
0x25: {  	[hbm:s10], [sflag:s0] =	dma.local [spmem:s7], $0x2800  }
0x26: {  	_ =	swait.ge [sflag:s17], $0x2800  }
0x27: {  	[sflag:s17] =	ssyncset.done $0x0  }
0x28: {  	[sflag:s17] =	ssyncadd.s32 $0xFFFFD800  }
.LBB2_1:
0x29: {  	[tilespmem:$0x8400] =	vst v0  }
0x2a: {  	[tilespmem:$0x8410] =	vst v0  }
0x2b: {  	[tilespmem:$0x8420] =	vst v0  }
0x2c: {  	[tilespmem:$0x8430] =	vst v0  }
0x2d: {  	[tilespmem:$0x8440] =	vst v0  }
0x2e: {  	[tilespmem:$0x8450] =	vst v0  }
0x2f: {  	[tilespmem:$0x8460] =	vst v0  }
0x30: {  	[tilespmem:$0x8470] =	vst v0  }
0x31: {  	[tilespmem:$0x8480] =	vst v0  }
0x32: {  	[tilespmem:$0x8490] =	vst v0  }
0x33: {  	[tilespmem:$0x84A0] =	vst v0  }
0x34: {  	[tilespmem:$0x84B0] =	vst v0  }
0x35: {  	[tilespmem:$0x84C0] =	vst v0  }
0x36: {  	[tilespmem:$0x84D0] =	vst v0  }
0x37: {  	[tilespmem:$0x84E0] =	vst v0  }
0x38: {  	[tilespmem:$0x84F0] =	vst v0  }
0x39: {  	[tilespmem:$0x8500] =	vst v0  }
0x3a: {  	[tilespmem:$0x8510] =	vst v0  }
0x3b: {  	[tilespmem:$0x8520] =	vst v0  }
0x3c: {  	[tilespmem:$0x8530] =	vst v0  }
0x3d: {  	[tilespmem:$0x8540] =	vst v0  }
0x3e: {  	[tilespmem:$0x8550] =	vst v0  }
0x3f: {  	[tilespmem:$0x8560] =	vst v0  }
0x40: {  	[tilespmem:$0x8570] =	vst v0  }
0x41: {  	[tilespmem:$0x8580] =	vst v0  }
0x42: {  	[tilespmem:$0x8590] =	vst v0  }
0x43: {  	[tilespmem:$0x85A0] =	vst v0  }
0x44: {  	[tilespmem:$0x85B0] =	vst v0  }
0x45: {  	[tilespmem:$0x85C0] =	vst v0  }
0x46: {  	[tilespmem:$0x85D0] =	vst v0  }
0x47: {  	[tilespmem:$0x85E0] =	vst v0  }
0x48: {  	[tilespmem:$0x85F0] =	vst v0  }
0x49: {  	[tilespmem:$0x8600] =	vst v0  }
0x4a: {  	[tilespmem:$0x8610] =	vst v0  }
0x4b: {  	[tilespmem:$0x8620] =	vst v0  }
0x4c: {  	[tilespmem:$0x8630] =	vst v0  }
0x4d: {  	[tilespmem:$0x8640] =	vst v0  }
0x4e: {  	[tilespmem:$0x8650] =	vst v0  }
0x4f: {  	[tilespmem:$0x8660] =	vst v0  }
0x50: {  	[tilespmem:$0x8670] =	vst v0  }
0x51: {  	[tilespmem:$0x8680] =	vst v0  }
0x52: {  	[tilespmem:$0x8690] =	vst v0  }
0x53: {  	[tilespmem:$0x86A0] =	vst v0  }
0x54: {  	[tilespmem:$0x86B0] =	vst v0  }
0x55: {  	[tilespmem:$0x86C0] =	vst v0  }
0x56: {  	[tilespmem:$0x86D0] =	vst v0  }
0x57: {  	[tilespmem:$0x86E0] =	vst v0  }
0x58: {  	[tilespmem:$0x86F0] =	vst v0  }
0x59: {  	[tilespmem:$0x8700] =	vst v0  }
0x5a: {  	[tilespmem:$0x8710] =	vst v0  }
0x5b: {  	[tilespmem:$0x8720] =	vst v0  }
0x5c: {  	[tilespmem:$0x8730] =	vst v0  }
0x5d: {  	[tilespmem:$0x8740] =	vst v0  }
0x5e: {  	[tilespmem:$0x8750] =	vst v0  }
0x5f: {  	[tilespmem:$0x8760] =	vst v0  }
0x60: {  	[tilespmem:$0x8770] =	vst v0  }
0x61: {  	[tilespmem:$0x8780] =	vst v0  }
0x62: {  	[tilespmem:$0x8790] =	vst v0  }
0x63: {  	[tilespmem:$0x87A0] =	vst v0  }
0x64: {  	[tilespmem:$0x87B0] =	vst v0  }
0x65: {  	[tilespmem:$0x87C0] =	vst v0  }
0x66: {  	[tilespmem:$0x87D0] =	vst v0  }
0x67: {  	[tilespmem:$0x87E0] =	vst v0  }
0x68: {  	[tilespmem:$0x87F0] =	vst v0;
	s0 =	sadd.s32 $0x0, s5  }
0x69: {  	[spmem:s0] =	stream.linear.scatter [tilespmem:s16], [sflag:$0x4], $0x400, $0x38;
	[tilespmem:$0x1C800] =	vst v63  }
0x6a: {  	s0 =	simm.s32 $0x1000;
	_ =	swait.ge [sflag:s17], $0x400  }
.LBB2_2:
0x6b: {  	s7 =	sshra.s32 s0, $0x2;
	[sflag:s17] =	ssyncset.done $0x0;
	p1 =	sne.s32 s0, $0x4F000  }
.Ltmp2:
0x6c: {  	s7 =	sadd.s32 s7, s5;
	[sflag:s17] =	ssyncadd.s32 $0xFFFFFC00;
	(pc) =	sbr.rel @p1 .LBB2_2-.Ltmp2, $3  }
0x6d: {  	[spmem:s7] =	stream.linear.scatter [tilespmem:s16], [sflag:$0x4], $0x400, $0x38;
	[tilespmem:$0x1C800] =	vst v63  }
0x6e: {  	s0 =	sadd.s32 $0x1000, s0;
	_ =	sdelay $0x1  }
0x6f: {  	_ =	swait.ge [sflag:s17], $0x400  }
.Ltmp3:
0x70: {  	(pc) =	sbr.rel @!p0 .LBB2_4-.Ltmp3, $3  }
0x71: {  	[sflag:s17] =	ssyncset.done $0x0  }
0x72: {  	[sflag:s17] =	ssyncadd.s32 $0xFFFFFC00  }
0x73: {  	[bflag:$0x0] =	sbarrier.arrive $0xFFFF;
	_ =	sdelay $0x1  }
0x74: {  	s0 =	rddreg [dreg:$0x5]  }
0x75: {  	[tilespmem:s3], [sflag:$0x1] =	stream.linear.gather [hbm4b:s0+s3], $0x100, $0x38;
	[tilespmem:$0x1C800] =	vst v63  }
0x76: {  	s23 =	rddreg [dreg:$0x6];
	s24 =	simm.s32 $0x1  }
0x77: {  	[tilespmem:s18], [sflag:$0x1] =	stream.linear.gather [hbm4b:s23+s3], $0x100, $0x38;
	[tilespmem:$0x1C800] =	vst v63  }
0x78: {  	_ =	swait.ge [sflag:s24], $0x100  }
0x79: {  	[sflag:s24] =	ssyncset.done $0x0  }
0x7a: {  	[sflag:s24] =	ssyncadd.s32 $0xFFFFFF00  }
0x7b: {  	[tilespmem:s20], [sflag:$0x2] =	stream.indirect.gather [hbm4b:s4+s19], $0x80, s3, s19, $0xb8;
	[tilespmem:$0x1C800] =	vst v63  }
0x7c: {  	s7 =	simm.s32 $0x2400  }
0x7d: {  	[tilespmem:s7], [sflag:$0x2] =	stream.indirect.gather [hbm4b:s4+s19], $0x80, s19, s19, $0xb8;
	[tilespmem:$0x1C800] =	vst v63  }
0x7e: {  	s9 =	simm.s32 $0x200;
	s8 =	rddreg [dreg:$0x8]  }
0x7f: {  	[tilespmem:s9], [sflag:$0x1] =	stream.linear.gather [hbm4b:s8+s3], $0x100, $0x38;
	[tilespmem:$0x1C800] =	vst v63  }
0x80: {  	_ =	swait.ge [sflag:s24], $0x100  }
0x81: {  	[sflag:s24] =	ssyncset.done $0x0  }
0x82: {  	s13 =	simm.s32 $0x4400;
	[sflag:s24] =	ssyncadd.s32 $0xFFFFFF00  }
0x83: {  	[tilespmem:s13], [sflag:$0x2] =	stream.indirect.gather [hbm4b:s4+s19], $0x80, s18, s19, $0xb8;
	[tilespmem:$0x1C800] =	vst v63  }
0x84: {  	s21 =	simm.s32 $0x140;
	s22 =	simm.s32 $0x6400  }
0x85: {  	[tilespmem:s22], [sflag:$0x2] =	stream.indirect.gather [hbm4b:s4+s19], $0x80, s21, s19, $0xb8;
	[tilespmem:$0x1C800] =	vst v63  }
0x86: {  	_ =	swait.ge [sflag:s25], $0x2000  }
0x87: {  	[sflag:s25] =	ssyncset.done $0x0  }
0x88: {  	[sflag:s25] =	ssyncadd.s32 $0xFFFFE000  }
0x89: {  	_ =	swait.ge [sflag:s25], $0x2000  }
0x8a: {  	[sflag:s25] =	ssyncset.done $0x0  }
0x8b: {  	[sflag:s25] =	ssyncadd.s32 $0xFFFFE000  }
0x8c: {  	[spmem:s1] =	stream.indirect.scatter.add.f32 [tilespmem:s20], [sflag:$0x3], $0x80, s26, s26, $0xb8;
	[tilespmem:$0x1C800] =	vst v63  }
0x8d: {  	p1 =	por $0x0, $0x0;
	s0 =	simm.s32 $0xC00;
	_ =	swait.ge [sflag:s28], $0x4000  }
0x8e: {  	s0 =	sand.u32 @!p1 $0xC00, s0;
	[sflag:s28] =	ssyncset.done $0x0  }
0x8f: {  	s0 =	sshrl.u32 @!p1 s0, $0x2;
	s8 =	simm.s32 @!p1 $0x0;
	[sflag:s28] =	ssyncadd.s32 $0xFFFFC000  }
0x90: {  	[tilespmem:s0], [sflag:$0x1] =	stream.linear.gather @!p1 [hbm4b:s15+s8], $0x100, $0x38;
	[tilespmem:$0x1C800] =	vst v63  }
0x91: {  	s23 =	simm.s32 $0x8000;
	_ =	swait.ge [sflag:s29], $0x100  }
0x92: {  	s12 =	simm.s32 $0x10000;
	s0 =	sand.u32 $0x4000, s23;
	[sflag:s29] =	ssyncset.done $0x0  }
0x93: {  	s7 =	sand.u32 $0x300, s9;
	s24 =	sor.u32 $0x400, s0;
	[sflag:s29] =	ssyncadd.s32 $0xFFFFFF00  }
0x94: {  	[tilespmem:s24], [sflag:$0x2] =	stream.indirect.gather [hbm4b:s4+s19], $0x80, s7, s19, $0xb8;
	[tilespmem:$0x1C800] =	vst v63  }
0x95: {  	s12 =	sand.u32 $0x10000, s12;
	s0 =	sor.u32 $0x2400, s0;
	s7 =	sor.u32 $0x40, s7  }
0x96: {  	[tilespmem:s0], [sflag:$0x2] =	stream.indirect.gather [hbm4b:s4+s19], $0x80, s7, s19, $0xb8;
	[tilespmem:$0x1C800] =	vst v63  }
0x97: {  	s31 =	simm.s32 $0x1000;
	s12 =	sshrl.u32 s12, $0x2;
	_ =	swait.ge [sflag:s25], $0x2000  }
0x98: {  	s9 =	simm.s32 $0x300;
	s13 =	simm.s32 $0x400;
	[sflag:s25] =	ssyncset.done $0x0  }
0x99: {  	s13 =	sand.u32 $0xC00, s13;
	s21 =	sadd.s32 $0x20, s15;
	[sflag:s25] =	ssyncadd.s32 $0xFFFFE000  }
0x9a: {  	s13 =	sshrl.u32 s13, $0x2;
	s22 =	sor.u32 $0x400, s12;
	_ =	swait.ge [sflag:s25], $0x2000  }
0x9b: {  	s8 =	simm.s32 $0x20000;
	s23 =	sor.u32 $0x80, s13;
	[sflag:s25] =	ssyncset.done $0x0  }
0x9c: {  	s0 =	simm.s32 $0x2;
	s7 =	simm.s32 $0xC000;
	[sflag:s25] =	ssyncadd.s32 $0xFFFFE000  }
.LBB2_8:
0x9d: {  	[spmem:s1] =	stream.indirect.scatter.add.f32 [tilespmem:s22], [sflag:$0x3], $0x80, s23, s26, $0xb8;
	[tilespmem:$0x1C800] =	vst v63  }
0x9e: {  	s12 =	smov.u32 s31;
	s13 =	smov.u32 s8  }
0x9f: {  	p2 =	sgt.u32 s0, $0x16;
	s31 =	sadd.s32 $0x400, s31;
	_ =	swait.ge [sflag:s28], $0x4000  }
0xa0: {  	s22 =	sand.u32 @!p2 $0xC00, s12;
	p1 =	sne.s32 s31, $0x6800;
	[sflag:s28] =	ssyncset.done $0x0  }
0xa1: {  	s23 =	simm.s32 @!p2 $0x0;
	s22 =	sshrl.u32 @!p2 s22, $0x2;
	[sflag:s28] =	ssyncadd.s32 $0xFFFFC000  }
0xa2: {  	[tilespmem:s22], [sflag:$0x1] =	stream.linear.gather @!p2 [hbm4b:s21+s23], $0x100, $0x38;
	[tilespmem:$0x1C800] =	vst v63  }
0xa3: {  	_ =	swait.ge [sflag:s29], $0x100  }
0xa4: {  	s22 =	sand.u32 $0x4000, s7;
	[sflag:s29] =	ssyncset.done $0x0  }
0xa5: {  	s24 =	sand.u32 $0x300, s9;
	s23 =	sor.u32 $0x400, s22;
	[sflag:s29] =	ssyncadd.s32 $0xFFFFFF00  }
0xa6: {  	[tilespmem:s23], [sflag:$0x2] =	stream.indirect.gather [hbm4b:s4+s19], $0x80, s24, s19, $0xb8;
	[tilespmem:$0x1C800] =	vst v63  }
0xa7: {  	s0 =	sadd.s32 $0x1, s0;
	s22 =	sor.u32 $0x2400, s22;
	s23 =	sor.u32 $0x40, s24  }
0xa8: {  	[tilespmem:s22], [sflag:$0x2] =	stream.indirect.gather [hbm4b:s4+s19], $0x80, s23, s19, $0xb8;
	[tilespmem:$0x1C800] =	vst v63  }
0xa9: {  	s8 =	sadd.s32 $0x10000, s8;
	s7 =	sadd.s32 $0x4000, s7;
	_ =	swait.ge [sflag:s25], $0x2000  }
.Ltmp4:
0xaa: {  	s9 =	sadd.s32 $0x100, s9;
	[sflag:s25] =	ssyncset.done $0x0;
	(pc) =	sbr.rel @p1 .LBB2_8-.Ltmp4, $4  }
0xab: {  	s12 =	sadd.s32 $0xFFFFF800, s12;
	s21 =	sadd.s32 $0x20, s21;
	[sflag:s25] =	ssyncadd.s32 $0xFFFFE000  }
0xac: {  	s13 =	sand.u32 $0x10000, s13;
	s12 =	sand.u32 $0xC00, s12;
	_ =	swait.ge [sflag:s25], $0x2000  }
0xad: {  	s13 =	sshrl.u32 s13, $0x2;
	s12 =	sshrl.u32 s12, $0x2;
	[sflag:s25] =	ssyncset.done $0x0  }
0xae: {  	s22 =	sor.u32 $0x400, s13;
	s23 =	sor.u32 $0x80, s12;
	[sflag:s25] =	ssyncadd.s32 $0xFFFFE000  }
0xaf: {  	[spmem:s1] =	stream.indirect.scatter.add.f32 [tilespmem:s22], [sflag:$0x3], $0x80, s23, s26, $0xb8;
	[tilespmem:$0x1C800] =	vst v63  }
0xb0: {  	_ =	swait.ge [sflag:s28], $0x4000  }
0xb1: {  	[sflag:s28] =	ssyncset.done $0x0  }
0xb2: {  	[sflag:s28] =	ssyncadd.s32 $0xFFFFC000  }
0xb3: {  	_ =	swait.ge [sflag:s25], $0x2000  }
0xb4: {  	[sflag:s25] =	ssyncset.done $0x0  }
.Ltmp5:
0xb5: {  	[sflag:s25] =	ssyncadd.s32 $0xFFFFE000;
	(pc) =	sbr.rel .LBB2_10-.Ltmp5, $4  }
0xb6: {  	_ =	swait.ge [sflag:s25], $0x2000  }
0xb7: {  	[sflag:s25] =	ssyncset.done $0x0  }
0xb8: {  	[sflag:s25] =	ssyncadd.s32 $0xFFFFE000  }
0xb9: {  	[spmem:s1] =	stream.indirect.scatter.add.f32 [tilespmem:s20], [sflag:$0x3], $0x80, s26, s26, $0xb8;
	[tilespmem:$0x1C800] =	vst v63  }
.LBB2_4:
0xba: {  	[tilespmem:s3], [sflag:$0x1] =	stream.linear.gather [hbm4b:s6+s3], $0x100, $0x38;
	[tilespmem:$0x1C800] =	vst v63  }
0xbb: {  	s0 =	rddreg [dreg:$0x4];
	s9 =	simm.s32 $0x1  }
0xbc: {  	[tilespmem:s18], [sflag:$0x1] =	stream.linear.gather [hbm4b:s0+s3], $0x100, $0x38;
	[tilespmem:$0x1C800] =	vst v63  }
0xbd: {  	_ =	swait.ge [sflag:s9], $0x100  }
0xbe: {  	[sflag:s9] =	ssyncset.done $0x0  }
0xbf: {  	[sflag:s9] =	ssyncadd.s32 $0xFFFFFF00  }
0xc0: {  	[tilespmem:s20], [sflag:$0x2] =	stream.indirect.gather [hbm4b:s4+s19], $0x80, s3, s19, $0xb8;
	[tilespmem:$0x1C800] =	vst v63  }
0xc1: {  	s7 =	simm.s32 $0x2400  }
0xc2: {  	[tilespmem:s7], [sflag:$0x2] =	stream.indirect.gather [hbm4b:s4+s19], $0x80, s19, s19, $0xb8;
	[tilespmem:$0x1C800] =	vst v63  }
0xc3: {  	s12 =	simm.s32 $0x200;
	s8 =	rddreg [dreg:$0x7]  }
0xc4: {  	[tilespmem:s12], [sflag:$0x1] =	stream.linear.gather [hbm4b:s8+s3], $0x100, $0x38;
	[tilespmem:$0x1C800] =	vst v63  }
0xc5: {  	_ =	swait.ge [sflag:s9], $0x100  }
0xc6: {  	[sflag:s9] =	ssyncset.done $0x0  }
0xc7: {  	s13 =	simm.s32 $0x4400;
	[sflag:s9] =	ssyncadd.s32 $0xFFFFFF00  }
0xc8: {  	[tilespmem:s13], [sflag:$0x2] =	stream.indirect.gather [hbm4b:s4+s19], $0x80, s18, s19, $0xb8;
	[tilespmem:$0x1C800] =	vst v63  }
0xc9: {  	s21 =	simm.s32 $0x140;
	s22 =	simm.s32 $0x6400  }
0xca: {  	[tilespmem:s22], [sflag:$0x2] =	stream.indirect.gather [hbm4b:s4+s19], $0x80, s21, s19, $0xb8;
	[tilespmem:$0x1C800] =	vst v63  }
0xcb: {  	_ =	swait.ge [sflag:s25], $0x2000  }
0xcc: {  	[sflag:s25] =	ssyncset.done $0x0  }
0xcd: {  	[sflag:s25] =	ssyncadd.s32 $0xFFFFE000  }
0xce: {  	_ =	swait.ge [sflag:s25], $0x2000  }
0xcf: {  	[sflag:s25] =	ssyncset.done $0x0  }
0xd0: {  	[sflag:s25] =	ssyncadd.s32 $0xFFFFE000  }
0xd1: {  	[spmem:s1] =	stream.indirect.scatter.add.f32 [tilespmem:s20], [sflag:$0x3], $0x80, s26, s26, $0xb8;
	[tilespmem:$0x1C800] =	vst v63  }
0xd2: {  	p1 =	por $0x0, $0x0;
	s0 =	simm.s32 $0xC00;
	_ =	swait.ge [sflag:s28], $0x4000  }
0xd3: {  	s0 =	sand.u32 @!p1 $0xC00, s0;
	[sflag:s28] =	ssyncset.done $0x0  }
0xd4: {  	s0 =	sshrl.u32 @!p1 s0, $0x2;
	s8 =	simm.s32 @!p1 $0x0;
	[sflag:s28] =	ssyncadd.s32 $0xFFFFC000  }
0xd5: {  	[tilespmem:s0], [sflag:$0x1] =	stream.linear.gather @!p1 [hbm4b:s14+s8], $0x100, $0x38;
	[tilespmem:$0x1C800] =	vst v63  }
0xd6: {  	s23 =	simm.s32 $0x8000;
	_ =	swait.ge [sflag:s29], $0x100  }
0xd7: {  	s31 =	simm.s32 $0x1000;
	s0 =	sand.u32 $0x4000, s23;
	[sflag:s29] =	ssyncset.done $0x0  }
0xd8: {  	s7 =	sand.u32 $0x300, s12;
	s24 =	sor.u32 $0x400, s0;
	[sflag:s29] =	ssyncadd.s32 $0xFFFFFF00  }
0xd9: {  	[tilespmem:s24], [sflag:$0x2] =	stream.indirect.gather [hbm4b:s4+s19], $0x80, s7, s19, $0xb8;
	[tilespmem:$0x1C800] =	vst v63  }
0xda: {  	s9 =	simm.s32 $0x300;
	s0 =	sor.u32 $0x2400, s0;
	s7 =	sor.u32 $0x40, s7  }
0xdb: {  	[tilespmem:s0], [sflag:$0x2] =	stream.indirect.gather [hbm4b:s4+s19], $0x80, s7, s19, $0xb8;
	[tilespmem:$0x1C800] =	vst v63  }
0xdc: {  	s22 =	simm.s32 $0x10000;
	s21 =	sadd.s32 $0x20, s14;
	_ =	swait.ge [sflag:s25], $0x2000  }
0xdd: {  	s22 =	sand.u32 $0x10000, s22;
	s23 =	simm.s32 $0x400;
	[sflag:s25] =	ssyncset.done $0x0  }
0xde: {  	s22 =	sshrl.u32 s22, $0x2;
	s23 =	sand.u32 $0xC00, s23;
	[sflag:s25] =	ssyncadd.s32 $0xFFFFE000  }
0xdf: {  	s22 =	sor.u32 $0x400, s22;
	s23 =	sshrl.u32 s23, $0x2;
	_ =	swait.ge [sflag:s25], $0x2000  }
0xe0: {  	s8 =	simm.s32 $0x20000;
	s23 =	sor.u32 $0x80, s23;
	[sflag:s25] =	ssyncset.done $0x0  }
0xe1: {  	s0 =	simm.s32 $0x2;
	s7 =	simm.s32 $0xC000;
	[sflag:s25] =	ssyncadd.s32 $0xFFFFE000  }
.LBB2_5:
0xe2: {  	[spmem:s1] =	stream.indirect.scatter.add.f32 [tilespmem:s22], [sflag:$0x3], $0x80, s23, s26, $0xb8;
	[tilespmem:$0x1C800] =	vst v63  }
0xe3: {  	s22 =	smov.u32 s31;
	s23 =	smov.u32 s8  }
0xe4: {  	p2 =	sgt.u32 s0, $0x82;
	s31 =	sadd.s32 $0x400, s31;
	_ =	swait.ge [sflag:s28], $0x4000  }
0xe5: {  	s12 =	sand.u32 @!p2 $0xC00, s22;
	p1 =	seq.s32 s31, $0x21800;
	[sflag:s28] =	ssyncset.done $0x0  }
0xe6: {  	s24 =	simm.s32 @!p2 $0x0;
	s12 =	sshrl.u32 @!p2 s12, $0x2;
	[sflag:s28] =	ssyncadd.s32 $0xFFFFC000  }
0xe7: {  	[tilespmem:s12], [sflag:$0x1] =	stream.linear.gather @!p2 [hbm4b:s21+s24], $0x100, $0x38;
	[tilespmem:$0x1C800] =	vst v63  }
0xe8: {  	_ =	swait.ge [sflag:s29], $0x100  }
0xe9: {  	s12 =	sand.u32 $0x4000, s7;
	[sflag:s29] =	ssyncset.done $0x0  }
0xea: {  	s13 =	sand.u32 $0x300, s9;
	s24 =	sor.u32 $0x400, s12;
	[sflag:s29] =	ssyncadd.s32 $0xFFFFFF00  }
0xeb: {  	[tilespmem:s24], [sflag:$0x2] =	stream.indirect.gather [hbm4b:s4+s19], $0x80, s13, s19, $0xb8;
	[tilespmem:$0x1C800] =	vst v63  }
0xec: {  	s0 =	sadd.s32 $0x1, s0;
	s12 =	sor.u32 $0x2400, s12;
	s13 =	sor.u32 $0x40, s13  }
0xed: {  	[tilespmem:s12], [sflag:$0x2] =	stream.indirect.gather [hbm4b:s4+s19], $0x80, s13, s19, $0xb8;
	[tilespmem:$0x1C800] =	vst v63  }
0xee: {  	s8 =	sadd.s32 $0x10000, s8;
	s7 =	sadd.s32 $0x4000, s7;
	_ =	swait.ge [sflag:s25], $0x2000  }
.Ltmp6:
0xef: {  	s9 =	sadd.s32 $0x100, s9;
	[sflag:s25] =	ssyncset.done $0x0;
	(pc) =	sbr.rel @!p1 .LBB2_5-.Ltmp6, $4  }
0xf0: {  	s21 =	sadd.s32 $0x20, s21;
	s12 =	sadd.s32 $0xFFFFF800, s22;
	[sflag:s25] =	ssyncadd.s32 $0xFFFFE000  }
0xf1: {  	s13 =	sand.u32 $0x10000, s23;
	s12 =	sand.u32 $0xC00, s12;
	_ =	swait.ge [sflag:s25], $0x2000  }
0xf2: {  	s13 =	sshrl.u32 s13, $0x2;
	s12 =	sshrl.u32 s12, $0x2;
	[sflag:s25] =	ssyncset.done $0x0  }
0xf3: {  	s22 =	sor.u32 $0x400, s13;
	s23 =	sor.u32 $0x80, s12;
	[sflag:s25] =	ssyncadd.s32 $0xFFFFE000  }
.Ltmp7:
0xf4: {  	_ = 	snop;
	(pc) =	sbr.rel .LBB2_6-.Ltmp7, $1  }
0xf5: {  	_ =	sdelay $0x3  }
.LBB2_11:
0xf6: {  	_ =	sfence.sel $0x180000  }
0xf7: {  	[bflag:$0x0] =	sbarrier.arrive $0xFFFF  }
0xf8: {  	_ =	strace $0x9000004A  }
0xf9: {  	[bflag:$0x2] =	sbarrier.arrive $0xFFFF  }
0xfa: {  	p0 =	sne.s32 s2, $0x0;
	s0 =	rddreg [dreg:$0x3]  }
0xfb: {  	s0 =	sadd.s32 @!p0 $0x100000, s0  }
0xfc: {  	[sflag:s0] =	ssyncadd.tile.s32 @!p0 $0x1;
	_ =	shalt  }
.Lfunc_end2:
_tile_overlayer_lowered:
.L_overlay_start_2:
0xfd: {  	(tag) =	ssettag $0x2  }
0xfe: {  	s0 =	rddreg [dreg:$0x0];
	s2 =	stileid.u32  }
0xff: {  	s1 =	rddreg [dreg:$0x1];
	p0 =	sne.s32 s2, $0x0  }
0x100: {  	s3 =	rddreg [dreg:$0x2];
	[bflag:$0x3] =	sbarrier.arrive $0xFFFF;
	s2 =	simm.s32 @!p0 $0x1C04  }
0x101: {  	[timem:s3], [sflag:s2] =	dma.local @!p0 [hbm:s0], s1  }
0x102: {  	s0 =	simm.s32 @!p0 $0x4  }
0x103: {  	_ =	swait.ge @!p0 [sflag:s0], s1  }
0x104: {  	s1 =	ssub.s32 @!p0 $0x0, s1;
	[sflag:s0] =	ssyncset.done @!p0 $0x0  }
0x105: {  	[sflag:s0] =	ssyncadd.s32 @!p0 s1  }
0x106: {  	[bflag:$0x3] =	sbarrier.arrive $0xFFFF  }
0x107: {  	_ =	shalt  }

</sc_bundles>
